<compile_context>
chip_gen: v7x
topology: tpu7x:2x2x1
jax: 0.10.2.dev20260603
libtpu: 0.0.44.dev20260713+nightly
codegen_flags: <defaults>
</compile_context>

<pallas_src>
import functools

import jax
import jax.numpy as jnp
from jax import lax
from jax.experimental import pallas as pl
from jax.experimental.pallas import tpu as pltpu
from jax.experimental.pallas import tpu_sc as plsc

CH = 128
N = 10000
E = 320000
N_SEED = 1024
HALF = CH // 2

NC = 2
NS = 16
CHUNK = 128
CHUNKS_PER_TILE = (E + NS * CHUNK - 1) // (NS * CHUNK)
EDGES_PER_TILE = CHUNKS_PER_TILE * CHUNK
E_PAD = NS * EDGES_PER_TILE
ACC_ROWS = 10240
ROWS_PER_TILE = ACC_ROWS // NS



def _sc_agg_body(with_counts, *refs):
    if with_counts:
        (src_hbm, dst_hbm, h_hbm, out_sums, out_cnt,
         src_buf, dst_buf, r0, r1, r2, r3, ones_v, accum, cntacc,
         sg0, sg1, sg2, sg3, ss0, ss1, ss2, ss3, csem) = refs
    else:
        (src_hbm, dst_hbm, h_hbm, out_sums,
         src_buf, dst_buf, r0, r1, r2, r3, accum,
         sg0, sg1, sg2, sg3, ss0, ss1, ss2, ss3, csem) = refs
    rows_v = r0
    bufs = (r0, r1, r2, r3)
    gsems = (sg0, sg1, sg2, sg3)
    ssems = (ss0, ss1, ss2, ss3)

    c = lax.axis_index("c")
    s = lax.axis_index("s")

    pltpu.sync_copy(src_hbm.at[c, s], src_buf)
    pltpu.sync_copy(dst_hbm.at[c, s], dst_buf)

    z16 = jnp.zeros((16,), jnp.float32)
    one16 = jnp.ones((16,), jnp.float32)
    base = s * ROWS_PER_TILE

    def _zrow(i, carry):
        for j in range(HALF // 16):
            rows_v[i, pl.ds(j * 16, 16)] = z16
        return carry

    def _fones(v):
        def body(i, carry):
            ones_v[i, pl.ds(0, 16)] = v
            return carry
        lax.fori_loop(0, CHUNK, body, 0)

    for half in (0, 1):
        counts = with_counts and half == 0
        if half == 1:
            def _incr(i, carry):
                for j in range(CHUNK // 16):
                    sl = pl.ds(j * 16, 16)
                    src_buf[i, sl] = src_buf[i, sl] + 1
                return carry
            lax.fori_loop(0, CHUNKS_PER_TILE, _incr, 0)

        lax.fori_loop(0, CHUNK, _zrow, 0)
        for k in range(ROWS_PER_TILE // CHUNK):
            pltpu.sync_copy(rows_v, accum.at[pl.ds(base + k * CHUNK, CHUNK)])
        if counts:
            _fones(z16)
            for k in range(ROWS_PER_TILE // CHUNK):
                pltpu.sync_copy(ones_v,
                                cntacc.at[pl.ds(base + k * CHUNK, CHUNK)])
            _fones(one16)

        plsc.subcore_barrier()

        ngroups = CHUNKS_PER_TILE // 4
        last = CHUNKS_PER_TILE - 1

        for j in range(4):
            pltpu.async_copy(h_hbm.at[src_buf.at[j]], bufs[j], gsems[j])

        def _group(k, carry):
            a = 4 * k
            for j in range(4):
                pltpu.make_async_copy(h_hbm.at[src_buf.at[a + j]], bufs[j],
                                      gsems[j]).wait()
                pltpu.async_copy(bufs[j], accum.at[dst_buf.at[a + j]],
                                 ssems[j], add=True)
                if counts:
                    pltpu.sync_copy(ones_v, cntacc.at[dst_buf.at[a + j]],
                                    add=True)
            for j in range(4):
                pltpu.make_async_copy(bufs[j], accum.at[dst_buf.at[a + j]],
                                      ssems[j]).wait()
                nxt = a + 4 + j

                @pl.when(nxt <= last)
                def _():
                    pltpu.async_copy(h_hbm.at[src_buf.at[nxt]], bufs[j],
                                     gsems[j])

            return carry

        lax.fori_loop(0, ngroups, _group, 0)

        pltpu.make_async_copy(h_hbm.at[src_buf.at[last]], bufs[0],
                              gsems[0]).wait()
        pltpu.sync_copy(bufs[0], accum.at[dst_buf.at[last]], add=True)
        if counts:
            pltpu.sync_copy(ones_v, cntacc.at[dst_buf.at[last]], add=True)
        plsc.subcore_barrier()

        for k in range(ROWS_PER_TILE // CHUNK):
            pltpu.sync_copy(accum.at[pl.ds(base + k * CHUNK, CHUNK)], bufs[0])
            pltpu.sync_copy(bufs[0],
                            out_sums.at[c, pl.ds(base + k * CHUNK, CHUNK),
                                        pl.ds(half * HALF, HALF)])
        if counts:
            pltpu.sync_copy(cntacc.at[pl.ds(base, ROWS_PER_TILE)],
                            out_cnt.at[c, pl.ds(base, ROWS_PER_TILE)])


def _make_sc_agg(with_counts):
    out_type = [jax.ShapeDtypeStruct((NC, ACC_ROWS, CH), jnp.float32)]
    scratch = [
        pltpu.VMEM((CHUNKS_PER_TILE, CHUNK), jnp.int32),
        pltpu.VMEM((CHUNKS_PER_TILE, CHUNK), jnp.int32),
        pltpu.VMEM((CHUNK, HALF), jnp.float32),
        pltpu.VMEM((CHUNK, HALF), jnp.float32),
        pltpu.VMEM((CHUNK, HALF), jnp.float32),
        pltpu.VMEM((CHUNK, HALF), jnp.float32),
    ]
    if with_counts:
        out_type.append(jax.ShapeDtypeStruct((NC, ACC_ROWS, 16), jnp.float32))
        scratch.append(pltpu.VMEM((CHUNK, 16), jnp.float32))
    scratch.append(pltpu.VMEM_SHARED((ACC_ROWS, HALF), jnp.float32))
    if with_counts:
        scratch.append(pltpu.VMEM_SHARED((ACC_ROWS, 16), jnp.float32))
    scratch += [pltpu.SemaphoreType.DMA] * 9

    return pl.kernel(
        functools.partial(_sc_agg_body, with_counts),
        out_type=tuple(out_type),
        mesh=plsc.VectorSubcoreMesh(core_axis_name="c", subcore_axis_name="s"),
        scratch_types=tuple(scratch),
        compiler_params=pltpu.CompilerParams(use_tc_tiling_on_sc=False),
        name="sc_segment_sum" + ("_cnt" if with_counts else ""),
    )



_R = 2000
_NB = N // _R


def _encode_body(x_ref, t_ref, b_ref, seed_ref, div_ref, m_ref, bias_ref,
                 o_ref):
    b = b_ref[0]
    seed = seed_ref[...].reshape(1, N_SEED)
    ids = lax.broadcasted_iota(jnp.int32, (1, N_SEED), 1)
    onehot = (b == ids).astype(jnp.float32)
    st = jnp.sum(onehot * seed, axis=1, keepdims=True)
    rel = st - t_ref[0]
    ang = rel * div_ref[...]
    pe = jnp.concatenate([jnp.sin(ang), jnp.cos(ang)], axis=1)
    enc = jnp.dot(pe, m_ref[0], preferred_element_type=jnp.float32)
    o_ref[0] = x_ref[0] + enc + bias_ref[0]


def _encode(x_st, t_st, b_st, seed2d, div, m_st, bias_st):
    return pl.pallas_call(
        _encode_body,
        grid=(2, _NB),
        in_specs=[
            pl.BlockSpec((1, _R, CH), lambda t, i: (t, i, 0)),
            pl.BlockSpec((1, _R, 1), lambda t, i: (t, i, 0)),
            pl.BlockSpec((1, _R, 1), lambda t, i: (t, i, 0)),
            pl.BlockSpec((8, CH), lambda t, i: (0, 0)),
            pl.BlockSpec((1, 64), lambda t, i: (0, 0)),
            pl.BlockSpec((1, CH, CH), lambda t, i: (t, 0, 0)),
            pl.BlockSpec((1, 1, CH), lambda t, i: (t, 0, 0)),
        ],
        out_specs=pl.BlockSpec((1, _R, CH), lambda t, i: (t, i, 0)),
        out_shape=jax.ShapeDtypeStruct((2, N, CH), jnp.float32),
    )(x_st, t_st, b_st, seed2d, div, m_st, bias_st)


def _sage_body(relu, s_ref, c_ref, h_ref, wl_ref, wr_ref, b_ref, o_ref):
    recip = 1.0 / jnp.maximum(c_ref[0, :, 0:1], 1.0)
    mean = s_ref[0] * recip
    o = (jnp.dot(mean, wl_ref[0], preferred_element_type=jnp.float32)
         + jnp.dot(h_ref[0], wr_ref[0], preferred_element_type=jnp.float32)
         + b_ref[0])
    if relu:
        o = jnp.maximum(o, 0.0)
    o_ref[0] = o


def _sage_update(sums, cnt, h, wl_st, wr_st, b_st, relu):
    return pl.pallas_call(
        functools.partial(_sage_body, relu),
        grid=(2, _NB),
        in_specs=[
            pl.BlockSpec((1, _R, CH), lambda t, i: (t, i, 0)),
            pl.BlockSpec((1, _R, 16), lambda t, i: (t, i, 0)),
            pl.BlockSpec((1, _R, CH), lambda t, i: (1 - t, i, 0)),
            pl.BlockSpec((1, CH, CH), lambda t, i: (t, 0, 0)),
            pl.BlockSpec((1, CH, CH), lambda t, i: (t, 0, 0)),
            pl.BlockSpec((1, 1, CH), lambda t, i: (t, 0, 0)),
        ],
        out_specs=pl.BlockSpec((1, _R, CH), lambda t, i: (1 - t, i, 0)),
        out_shape=jax.ShapeDtypeStruct((2, N, CH), jnp.float32),
    )(sums, cnt, h, wl_st, wr_st, b_st)



def _prep_edges(edge_index_u2i, edge_index_i2u):
    def pad(v, fill):
        v = v.astype(jnp.int32)
        return jnp.concatenate(
            [v, jnp.full((E_PAD - E,), fill, jnp.int32)])

    base = jnp.stack([2 * pad(edge_index_u2i[0], 0),
                      2 * pad(edge_index_i2u[0], 0) + 2 * N])
    dst = jnp.stack([pad(edge_index_u2i[1], ACC_ROWS - 1),
                     pad(edge_index_i2u[1], ACC_ROWS - 1)])
    tile = (NS, CHUNKS_PER_TILE, CHUNK)
    shape = (NC,) + tile
    return base.reshape(shape), dst.reshape(shape)


def _shuffle_wt(Wt):
    return jnp.concatenate([Wt[:, 0::2], Wt[:, 1::2]], axis=1).T


def kernel(x_user, x_item, time_user, time_item, seed_time,
           edge_index_u2i, edge_index_i2u, batch_user, batch_item,
           Wt_user, bt_user, Wt_item, bt_item,
           Wl0_u2i, Wr0_u2i, b0_u2i, Wl0_i2u, Wr0_i2u, b0_i2u,
           Wl1_u2i, Wr1_u2i, b1_u2i, Wl1_i2u, Wr1_i2u, b1_i2u):
    src, dst = _prep_edges(edge_index_u2i, edge_index_i2u)

    i64 = jnp.arange(64)
    div = jnp.exp(-jnp.log(10000.0) * (2.0 * i64) / CH).astype(jnp.float32)
    div = div[None, :]
    seed2d = seed_time.reshape(8, CH)

    x_st = jnp.stack([x_user, x_item])
    t_st = jnp.stack([time_user, time_item])[:, :, None]
    b_st = jnp.stack([batch_user.astype(jnp.int32),
                      batch_item.astype(jnp.int32)])[:, :, None]
    m_st = jnp.stack([_shuffle_wt(Wt_user), _shuffle_wt(Wt_item)])
    bt_st = jnp.stack([bt_user, bt_item])[:, None, :]

    h = _encode(x_st, t_st, b_st, seed2d, div, m_st, bt_st)

    agg_cnt = _make_sc_agg(True)
    agg = _make_sc_agg(False)

    sums, cnt = agg_cnt(src, dst, h.reshape(4 * N, HALF))

    wl0 = jnp.stack([Wl0_u2i.T, Wl0_i2u.T])
    wr0 = jnp.stack([Wr0_u2i.T, Wr0_i2u.T])
    b0 = jnp.stack([b0_u2i, b0_i2u])[:, None, :]
    h1 = _sage_update(sums, cnt, h, wl0, wr0, b0, relu=True)

    (sums1,) = agg(src, dst, h1.reshape(4 * N, HALF))

    wl1 = jnp.stack([Wl1_u2i.T, Wl1_i2u.T])
    wr1 = jnp.stack([Wr1_u2i.T, Wr1_i2u.T])
    b1 = jnp.stack([b1_u2i, b1_i2u])[:, None, :]
    (out_st) = _sage_update(sums1, cnt, h1, wl1, wr1, b1, relu=False)
    return (out_st[0], out_st[1])

# --- scband reference (transcript-rebuilt; emitter-appended) ---
"""Pipeline reference for scband-heterogeneous-gnn-30975304139126 (READ-ONLY COPY).

The authoritative reference and input builder live on the scoring server;
editing this copy changes nothing except your own understanding.
"""

import jax, jax.numpy as jnp
import numpy as np

CH = 128
N_USER = 10000
N_ITEM = 10000
E = 320000
N_SEED = 1024


def positional_encoding(t, channels):
    i = jnp.arange(channels // 2)
    div = jnp.exp(-jnp.log(10000.0) * (2.0 * i) / channels)
    ang = t[:, None] * div[None, :]
    pe = jnp.zeros((t.shape[0], channels), dtype=jnp.float32)
    pe = pe.at[:, 0::2].set(jnp.sin(ang))
    pe = pe.at[:, 1::2].set(jnp.cos(ang))
    return pe


def setup_inputs(seed: int = 0):
    key = jax.random.key(seed)
    ks = jax.random.split(key, 30)
    s = 1.0 / np.sqrt(CH)
    inp = {}
    inp["x_user"] = jax.random.normal(ks[0], (N_USER, CH), jnp.float32)
    inp["x_item"] = jax.random.normal(ks[1], (N_ITEM, CH), jnp.float32)
    inp["time_user"] = jax.random.uniform(ks[2], (N_USER,), jnp.float32)
    inp["time_item"] = jax.random.uniform(ks[3], (N_ITEM,), jnp.float32)
    inp["seed_time"] = jax.random.uniform(ks[4], (N_SEED,), jnp.float32)
    inp["edge_index_u2i"] = jax.random.randint(ks[5], (2, E), 0, N_USER)
    inp["edge_index_i2u"] = jax.random.randint(ks[6], (2, E), 0, N_ITEM)
    inp["batch_user"] = jax.random.randint(ks[7], (N_USER,), 0, N_SEED)
    inp["batch_item"] = jax.random.randint(ks[8], (N_ITEM,), 0, N_SEED)
    inp["Wt_user"] = jax.random.normal(ks[9], (CH, CH), jnp.float32) * s
    inp["bt_user"] = jnp.zeros((CH,), jnp.float32)
    inp["Wt_item"] = jax.random.normal(ks[10], (CH, CH), jnp.float32) * s
    inp["bt_item"] = jnp.zeros((CH,), jnp.float32)
    k = 12
    for l in range(2):
        for et in ("u2i", "i2u"):
            inp["Wl%d_%s" % (l, et)] = jax.random.normal(ks[k], (CH, CH), jnp.float32) * s; k += 1
            inp["Wr%d_%s" % (l, et)] = jax.random.normal(ks[k], (CH, CH), jnp.float32) * s; k += 1
            inp["b%d_%s" % (l, et)] = jnp.zeros((CH,), jnp.float32)
    return inp


def _sage(h_src, h_dst, edge_index, Wl, Wr, b, n_dst):
    src = edge_index[0]
    dst = edge_index[1]
    msg = jnp.take(h_src, src, axis=0)
    summed = jax.ops.segment_sum(msg, dst, num_segments=n_dst)
    cnt = jax.ops.segment_sum(jnp.ones((dst.shape[0],), jnp.float32), dst, num_segments=n_dst)
    mean = summed / jnp.clip(cnt, 1.0)[:, None]
    return mean @ Wl.T + h_dst @ Wr.T + b


def reference(x_user, x_item, time_user, time_item, seed_time,
              edge_index_u2i, edge_index_i2u, batch_user, batch_item,
              Wt_user, bt_user, Wt_item, bt_item,
              Wl0_u2i, Wr0_u2i, b0_u2i, Wl0_i2u, Wr0_i2u, b0_i2u,
              Wl1_u2i, Wr1_u2i, b1_u2i, Wl1_i2u, Wr1_i2u, b1_i2u):
    # HeteroTemporalEncoder: rel_time = seed_time[batch] - node_time, sinusoidal PE + Linear
    rel_u = jnp.take(seed_time, batch_user) - time_user
    rel_i = jnp.take(seed_time, batch_item) - time_item
    enc_u = positional_encoding(rel_u, CH) @ Wt_user.T + bt_user
    enc_i = positional_encoding(rel_i, CH) @ Wt_item.T + bt_item
    h_u = x_user + enc_u
    h_i = x_item + enc_i
    # HeteroGraphSAGE layer 0 (mean aggr per edge type, SAGEConv lin_l/lin_r)
    new_i = _sage(h_u, h_i, edge_index_u2i, Wl0_u2i, Wr0_u2i, b0_u2i, N_ITEM)
    new_u = _sage(h_i, h_u, edge_index_i2u, Wl0_i2u, Wr0_i2u, b0_i2u, N_USER)
    h_u = jax.nn.relu(new_u)
    h_i = jax.nn.relu(new_i)
    # layer 1 (last layer, no activation)
    out_i = _sage(h_u, h_i, edge_index_u2i, Wl1_u2i, Wr1_u2i, b1_u2i, N_ITEM)
    out_u = _sage(h_i, h_u, edge_index_i2u, Wl1_i2u, Wr1_i2u, b1_i2u, N_USER)
    return (out_u, out_i)

if __name__ == "__main__":
    import jax
    _d = setup_inputs()
    print(jax.jit(kernel)(*tuple(_d.values())))

</pallas_src>

<mosaic_0001>
#map = affine_map<(d0, d1) -> (0, 0, 0, 0)>
#map1 = affine_map<(d0, d1) -> (0, 0)>
#map2 = affine_map<(d0, d1) -> (0, 0, 0)>
module attributes {stable_mosaic.version = 14 : i64} {
  func.func @sc_segment_sum_cnt(%arg0: i32, %arg1: i32, %arg2: memref<2x16x157x128xi32, #tpu.memory_space<hbm>>, %arg3: memref<2x16x157x128xi32, #tpu.memory_space<hbm>>, %arg4: memref<40000x64xf32, #tpu.memory_space<hbm>>, %arg5: memref<2x10240x128xf32, #tpu.memory_space<hbm>>, %arg6: memref<2x10240x16xf32, #tpu.memory_space<hbm>>, %arg7: memref<157x128xi32, #tpu.memory_space<vmem>>, %arg8: memref<157x128xi32, #tpu.memory_space<vmem>>, %arg9: memref<128x64xf32, #tpu.memory_space<vmem>>, %arg10: memref<128x64xf32, #tpu.memory_space<vmem>>, %arg11: memref<128x64xf32, #tpu.memory_space<vmem>>, %arg12: memref<128x64xf32, #tpu.memory_space<vmem>>, %arg13: memref<128x16xf32, #tpu.memory_space<vmem>>, %arg14: memref<10240x64xf32, #tpu.memory_space<vmem_shared>>, %arg15: memref<10240x16xf32, #tpu.memory_space<vmem_shared>>, %arg16: memref<!tpu.dma_semaphore, #tpu.memory_space<semaphore_mem>>, %arg17: memref<!tpu.dma_semaphore, #tpu.memory_space<semaphore_mem>>, %arg18: memref<!tpu.dma_semaphore, #tpu.memory_space<semaphore_mem>>, %arg19: memref<!tpu.dma_semaphore, #tpu.memory_space<semaphore_mem>>, %arg20: memref<!tpu.dma_semaphore, #tpu.memory_space<semaphore_mem>>, %arg21: memref<!tpu.dma_semaphore, #tpu.memory_space<semaphore_mem>>, %arg22: memref<!tpu.dma_semaphore, #tpu.memory_space<semaphore_mem>>, %arg23: memref<!tpu.dma_semaphore, #tpu.memory_space<semaphore_mem>>, %arg24: memref<!tpu.dma_semaphore, #tpu.memory_space<semaphore_mem>>) attributes {dimension_semantics = [#tpu.dimension_semantics<core_parallel>, #tpu.dimension_semantics<subcore_parallel>], iteration_bounds = array<i64: 2, 16>, scalar_prefetch = 0 : i64, scratch_operands = 18 : i64, tpu.core_type = #tpu.core_type<sc_vector_subcore>, window_params = [{transform_indices = #map}, {transform_indices = #map}, {transform_indices = #map1}, {transform_indices = #map2}, {transform_indices = #map2}]} {
    "tpu.region"() ({
      %run_scoped3A_187 = tpu.sem_alloc : memref<!tpu.dma_semaphore, #tpu.memory_space<semaphore_mem>>
      %dma_start3A_188 = arith.constant 0 : i32
      %dma_start3A_189 = arith.constant 0 : i32
      %dma_start3A_190 = tpu.memref_slice %arg2[%arg0, %arg1, %dma_start3A_188, %dma_start3A_189] : memref<2x16x157x128xi32, #tpu.memory_space<hbm>> -> memref<1x1x157x128xi32, #tpu.memory_space<hbm>>
      %dma_start3A_191 = tpu.memref_squeeze %dma_start3A_190 : memref<1x1x157x128xi32, #tpu.memory_space<hbm>> -> memref<157x128xi32, #tpu.memory_space<hbm>>
      %dma_start3A_192 = arith.constant 0 : i32
      %dma_start3A_193 = arith.constant 0 : i32
      %dma_start3A_194 = tpu.memref_slice %arg2[%arg0, %arg1, %dma_start3A_192, %dma_start3A_193] : memref<2x16x157x128xi32, #tpu.memory_space<hbm>> -> memref<1x1x157x128xi32, #tpu.memory_space<hbm>>
      %dma_start3A_195 = tpu.memref_squeeze %dma_start3A_194 : memref<1x1x157x128xi32, #tpu.memory_space<hbm>> -> memref<157x128xi32, #tpu.memory_space<hbm>>
      tpu.enqueue_dma source(%dma_start3A_195 : memref<157x128xi32, #tpu.memory_space<hbm>>) target(%arg7 : memref<157x128xi32, #tpu.memory_space<vmem>>) target_semaphore(%run_scoped3A_187 : memref<!tpu.dma_semaphore, #tpu.memory_space<semaphore_mem>>)
      %dma_wait3A_196 = arith.constant 0 : i32
      %dma_wait3A_197 = arith.constant 0 : i32
      %dma_wait3A_198 = tpu.memref_slice %arg2[%arg0, %arg1, %dma_wait3A_196, %dma_wait3A_197] : memref<2x16x157x128xi32, #tpu.memory_space<hbm>> -> memref<1x1x157x128xi32, #tpu.memory_space<hbm>>
      %dma_wait3A_199 = tpu.memref_squeeze %dma_wait3A_198 : memref<1x1x157x128xi32, #tpu.memory_space<hbm>> -> memref<157x128xi32, #tpu.memory_space<hbm>>
      %dma_wait3A_200 = arith.constant 0 : i32
      %dma_wait3A_201 = arith.constant 0 : i32
      %dma_wait3A_202 = tpu.memref_slice %arg2[%arg0, %arg1, %dma_wait3A_200, %dma_wait3A_201] : memref<2x16x157x128xi32, #tpu.memory_space<hbm>> -> memref<1x1x157x128xi32, #tpu.memory_space<hbm>>
      %dma_wait3A_203 = tpu.memref_squeeze %dma_wait3A_202 : memref<1x1x157x128xi32, #tpu.memory_space<hbm>> -> memref<157x128xi32, #tpu.memory_space<hbm>>
      tpu.wait_dma2 semaphore(%run_scoped3A_187 : memref<!tpu.dma_semaphore, #tpu.memory_space<semaphore_mem>>) src(%dma_wait3A_203 : memref<157x128xi32, #tpu.memory_space<hbm>>) dst(%arg7 : memref<157x128xi32, #tpu.memory_space<vmem>>)
      tpu.yield
    }) : () -> ()
    "tpu.region"() ({
      %run_scoped3A_187 = tpu.sem_alloc : memref<!tpu.dma_semaphore, #tpu.memory_space<semaphore_mem>>
      %dma_start3A_188 = arith.constant 0 : i32
      %dma_start3A_189 = arith.constant 0 : i32
      %dma_start3A_190 = tpu.memref_slice %arg3[%arg0, %arg1, %dma_start3A_188, %dma_start3A_189] : memref<2x16x157x128xi32, #tpu.memory_space<hbm>> -> memref<1x1x157x128xi32, #tpu.memory_space<hbm>>
      %dma_start3A_191 = tpu.memref_squeeze %dma_start3A_190 : memref<1x1x157x128xi32, #tpu.memory_space<hbm>> -> memref<157x128xi32, #tpu.memory_space<hbm>>
      %dma_start3A_192 = arith.constant 0 : i32
      %dma_start3A_193 = arith.constant 0 : i32
      %dma_start3A_194 = tpu.memref_slice %arg3[%arg0, %arg1, %dma_start3A_192, %dma_start3A_193] : memref<2x16x157x128xi32, #tpu.memory_space<hbm>> -> memref<1x1x157x128xi32, #tpu.memory_space<hbm>>
      %dma_start3A_195 = tpu.memref_squeeze %dma_start3A_194 : memref<1x1x157x128xi32, #tpu.memory_space<hbm>> -> memref<157x128xi32, #tpu.memory_space<hbm>>
      tpu.enqueue_dma source(%dma_start3A_195 : memref<157x128xi32, #tpu.memory_space<hbm>>) target(%arg8 : memref<157x128xi32, #tpu.memory_space<vmem>>) target_semaphore(%run_scoped3A_187 : memref<!tpu.dma_semaphore, #tpu.memory_space<semaphore_mem>>)
      %dma_wait3A_196 = arith.constant 0 : i32
      %dma_wait3A_197 = arith.constant 0 : i32
      %dma_wait3A_198 = tpu.memref_slice %arg3[%arg0, %arg1, %dma_wait3A_196, %dma_wait3A_197] : memref<2x16x157x128xi32, #tpu.memory_space<hbm>> -> memref<1x1x157x128xi32, #tpu.memory_space<hbm>>
      %dma_wait3A_199 = tpu.memref_squeeze %dma_wait3A_198 : memref<1x1x157x128xi32, #tpu.memory_space<hbm>> -> memref<157x128xi32, #tpu.memory_space<hbm>>
      %dma_wait3A_200 = arith.constant 0 : i32
      %dma_wait3A_201 = arith.constant 0 : i32
      %dma_wait3A_202 = tpu.memref_slice %arg3[%arg0, %arg1, %dma_wait3A_200, %dma_wait3A_201] : memref<2x16x157x128xi32, #tpu.memory_space<hbm>> -> memref<1x1x157x128xi32, #tpu.memory_space<hbm>>
      %dma_wait3A_203 = tpu.memref_squeeze %dma_wait3A_202 : memref<1x1x157x128xi32, #tpu.memory_space<hbm>> -> memref<157x128xi32, #tpu.memory_space<hbm>>
      tpu.wait_dma2 semaphore(%run_scoped3A_187 : memref<!tpu.dma_semaphore, #tpu.memory_space<semaphore_mem>>) src(%dma_wait3A_203 : memref<157x128xi32, #tpu.memory_space<hbm>>) dst(%arg8 : memref<157x128xi32, #tpu.memory_space<vmem>>)
      tpu.yield
    }) : () -> ()
    %broadcast_in_dim3A = arith.constant 0.000000e+00 : f32
    %broadcast_in_dim3A_0 = vector.broadcast %broadcast_in_dim3A : f32 to vector<16xf32>
    %broadcast_in_dim3A_1 = arith.constant 1.000000e+00 : f32
    %broadcast_in_dim3A_2 = vector.broadcast %broadcast_in_dim3A_1 : f32 to vector<16xf32>
    %mul3A = arith.constant 640 : i32
    %mul3A_3 = arith.muli %arg1, %mul3A : i32
    %scan3A = arith.constant 0 : i32
    %scan3A_4 = arith.constant 0 : i32
    %scan3A_5 = arith.constant 128 : i32
    %scan3A_6 = arith.addi %scan3A_4, %scan3A_5 : i32
    %scan3A_7 = arith.constant 1 : i32
    scf.for %scan3A_187 = %scan3A_4 to %scan3A_6 step %scan3A_7  : i32 {
      %swap3A = arith.index_cast %scan3A_187 : i32 to index
      %swap3A_188 = arith.constant 0 : index
      %swap3A_189 = tpu.vector_load %arg9[%swap3A, %swap3A_188] {strides = array<i32>} : memref<128x64xf32, #tpu.memory_space<vmem>>, vector<1x16xf32>,
      %swap3A_190 = vector.shape_cast %swap3A_189 : vector<1x16xf32> to vector<16xf32>
      %swap3A_191 = vector.shape_cast %broadcast_in_dim3A_0 : vector<16xf32> to vector<1x16xf32>
      tpu.vector_store %arg9[%swap3A, %swap3A_188], %swap3A_191 {strides = array<i32>} : memref<128x64xf32, #tpu.memory_space<vmem>>, vector<1x16xf32>,
      %swap3A_192 = arith.index_cast %scan3A_187 : i32 to index
      %swap3A_193 = arith.constant 16 : index
      %swap3A_194 = tpu.vector_load %arg9[%swap3A_192, %swap3A_193] {strides = array<i32>} : memref<128x64xf32, #tpu.memory_space<vmem>>, vector<1x16xf32>,
      %swap3A_195 = vector.shape_cast %swap3A_194 : vector<1x16xf32> to vector<16xf32>
      %swap3A_196 = vector.shape_cast %broadcast_in_dim3A_0 : vector<16xf32> to vector<1x16xf32>
      tpu.vector_store %arg9[%swap3A_192, %swap3A_193], %swap3A_196 {strides = array<i32>} : memref<128x64xf32, #tpu.memory_space<vmem>>, vector<1x16xf32>,
      %swap3A_197 = arith.index_cast %scan3A_187 : i32 to index
      %swap3A_198 = arith.constant 32 : index
      %swap3A_199 = tpu.vector_load %arg9[%swap3A_197, %swap3A_198] {strides = array<i32>} : memref<128x64xf32, #tpu.memory_space<vmem>>, vector<1x16xf32>,
      %swap3A_200 = vector.shape_cast %swap3A_199 : vector<1x16xf32> to vector<16xf32>
      %swap3A_201 = vector.shape_cast %broadcast_in_dim3A_0 : vector<16xf32> to vector<1x16xf32>
      tpu.vector_store %arg9[%swap3A_197, %swap3A_198], %swap3A_201 {strides = array<i32>} : memref<128x64xf32, #tpu.memory_space<vmem>>, vector<1x16xf32>,
      %swap3A_202 = arith.index_cast %scan3A_187 : i32 to index
      %swap3A_203 = arith.constant 48 : index
      %swap3A_204 = tpu.vector_load %arg9[%swap3A_202, %swap3A_203] {strides = array<i32>} : memref<128x64xf32, #tpu.memory_space<vmem>>, vector<1x16xf32>,
      %swap3A_205 = vector.shape_cast %swap3A_204 : vector<1x16xf32> to vector<16xf32>
      %swap3A_206 = vector.shape_cast %broadcast_in_dim3A_0 : vector<16xf32> to vector<1x16xf32>
      tpu.vector_store %arg9[%swap3A_202, %swap3A_203], %swap3A_206 {strides = array<i32>} : memref<128x64xf32, #tpu.memory_space<vmem>>, vector<1x16xf32>,
    }
    %scan3A_8 = arith.constant 128 : i32
    %add3A = arith.constant 0 : i32
    %add3A_9 = arith.addi %mul3A_3, %add3A : i32
    "tpu.region"() ({
      %run_scoped3A_187 = tpu.sem_alloc : memref<!tpu.dma_semaphore, #tpu.memory_space<semaphore_mem>>
      %dma_start3A_188 = arith.constant 0 : i32
      %dma_start3A_189 = tpu.memref_slice %arg14[%add3A_9, %dma_start3A_188] : memref<10240x64xf32, #tpu.memory_space<vmem_shared>> -> memref<128x64xf32, #tpu.memory_space<vmem_shared>>
      %dma_start3A_190 = arith.constant 0 : i32
      %dma_start3A_191 = tpu.memref_slice %arg14[%add3A_9, %dma_start3A_190] : memref<10240x64xf32, #tpu.memory_space<vmem_shared>> -> memref<128x64xf32, #tpu.memory_space<vmem_shared>>
      tpu.enqueue_dma source(%arg9 : memref<128x64xf32, #tpu.memory_space<vmem>>) target(%dma_start3A_191 : memref<128x64xf32, #tpu.memory_space<vmem_shared>>) target_semaphore(%run_scoped3A_187 : memref<!tpu.dma_semaphore, #tpu.memory_space<semaphore_mem>>)
      %dma_wait3A_192 = arith.constant 0 : i32
      %dma_wait3A_193 = tpu.memref_slice %arg14[%add3A_9, %dma_wait3A_192] : memref<10240x64xf32, #tpu.memory_space<vmem_shared>> -> memref<128x64xf32, #tpu.memory_space<vmem_shared>>
      %dma_wait3A_194 = arith.constant 0 : i32
      %dma_wait3A_195 = tpu.memref_slice %arg14[%add3A_9, %dma_wait3A_194] : memref<10240x64xf32, #tpu.memory_space<vmem_shared>> -> memref<128x64xf32, #tpu.memory_space<vmem_shared>>
      tpu.wait_dma2 semaphore(%run_scoped3A_187 : memref<!tpu.dma_semaphore, #tpu.memory_space<semaphore_mem>>) src(%arg9 : memref<128x64xf32, #tpu.memory_space<vmem>>) dst(%dma_wait3A_195 : memref<128x64xf32, #tpu.memory_space<vmem_shared>>)
      tpu.yield
    }) : () -> ()
    %add3A_10 = arith.constant 128 : i32
    %add3A_11 = arith.addi %mul3A_3, %add3A_10 : i32
    "tpu.region"() ({
      %run_scoped3A_187 = tpu.sem_alloc : memref<!tpu.dma_semaphore, #tpu.memory_space<semaphore_mem>>
      %dma_start3A_188 = arith.constant 0 : i32
      %dma_start3A_189 = tpu.memref_slice %arg14[%add3A_11, %dma_start3A_188] : memref<10240x64xf32, #tpu.memory_space<vmem_shared>> -> memref<128x64xf32, #tpu.memory_space<vmem_shared>>
      %dma_start3A_190 = arith.constant 0 : i32
      %dma_start3A_191 = tpu.memref_slice %arg14[%add3A_11, %dma_start3A_190] : memref<10240x64xf32, #tpu.memory_space<vmem_shared>> -> memref<128x64xf32, #tpu.memory_space<vmem_shared>>
      tpu.enqueue_dma source(%arg9 : memref<128x64xf32, #tpu.memory_space<vmem>>) target(%dma_start3A_191 : memref<128x64xf32, #tpu.memory_space<vmem_shared>>) target_semaphore(%run_scoped3A_187 : memref<!tpu.dma_semaphore, #tpu.memory_space<semaphore_mem>>)
      %dma_wait3A_192 = arith.constant 0 : i32
      %dma_wait3A_193 = tpu.memref_slice %arg14[%add3A_11, %dma_wait3A_192] : memref<10240x64xf32, #tpu.memory_space<vmem_shared>> -> memref<128x64xf32, #tpu.memory_space<vmem_shared>>
      %dma_wait3A_194 = arith.constant 0 : i32
      %dma_wait3A_195 = tpu.memref_slice %arg14[%add3A_11, %dma_wait3A_194] : memref<10240x64xf32, #tpu.memory_space<vmem_shared>> -> memref<128x64xf32, #tpu.memory_space<vmem_shared>>
      tpu.wait_dma2 semaphore(%run_scoped3A_187 : memref<!tpu.dma_semaphore, #tpu.memory_space<semaphore_mem>>) src(%arg9 : memref<128x64xf32, #tpu.memory_space<vmem>>) dst(%dma_wait3A_195 : memref<128x64xf32, #tpu.memory_space<vmem_shared>>)
      tpu.yield
    }) : () -> ()
    %add3A_12 = arith.constant 256 : i32
    %add3A_13 = arith.addi %mul3A_3, %add3A_12 : i32
    "tpu.region"() ({
      %run_scoped3A_187 = tpu.sem_alloc : memref<!tpu.dma_semaphore, #tpu.memory_space<semaphore_mem>>
      %dma_start3A_188 = arith.constant 0 : i32
      %dma_start3A_189 = tpu.memref_slice %arg14[%add3A_13, %dma_start3A_188] : memref<10240x64xf32, #tpu.memory_space<vmem_shared>> -> memref<128x64xf32, #tpu.memory_space<vmem_shared>>
      %dma_start3A_190 = arith.constant 0 : i32
      %dma_start3A_191 = tpu.memref_slice %arg14[%add3A_13, %dma_start3A_190] : memref<10240x64xf32, #tpu.memory_space<vmem_shared>> -> memref<128x64xf32, #tpu.memory_space<vmem_shared>>
      tpu.enqueue_dma source(%arg9 : memref<128x64xf32, #tpu.memory_space<vmem>>) target(%dma_start3A_191 : memref<128x64xf32, #tpu.memory_space<vmem_shared>>) target_semaphore(%run_scoped3A_187 : memref<!tpu.dma_semaphore, #tpu.memory_space<semaphore_mem>>)
      %dma_wait3A_192 = arith.constant 0 : i32
      %dma_wait3A_193 = tpu.memref_slice %arg14[%add3A_13, %dma_wait3A_192] : memref<10240x64xf32, #tpu.memory_space<vmem_shared>> -> memref<128x64xf32, #tpu.memory_space<vmem_shared>>
      %dma_wait3A_194 = arith.constant 0 : i32
      %dma_wait3A_195 = tpu.memref_slice %arg14[%add3A_13, %dma_wait3A_194] : memref<10240x64xf32, #tpu.memory_space<vmem_shared>> -> memref<128x64xf32, #tpu.memory_space<vmem_shared>>
      tpu.wait_dma2 semaphore(%run_scoped3A_187 : memref<!tpu.dma_semaphore, #tpu.memory_space<semaphore_mem>>) src(%arg9 : memref<128x64xf32, #tpu.memory_space<vmem>>) dst(%dma_wait3A_195 : memref<128x64xf32, #tpu.memory_space<vmem_shared>>)
      tpu.yield
    }) : () -> ()
    %add3A_14 = arith.constant 384 : i32
    %add3A_15 = arith.addi %mul3A_3, %add3A_14 : i32
    "tpu.region"() ({
      %run_scoped3A_187 = tpu.sem_alloc : memref<!tpu.dma_semaphore, #tpu.memory_space<semaphore_mem>>
      %dma_start3A_188 = arith.constant 0 : i32
      %dma_start3A_189 = tpu.memref_slice %arg14[%add3A_15, %dma_start3A_188] : memref<10240x64xf32, #tpu.memory_space<vmem_shared>> -> memref<128x64xf32, #tpu.memory_space<vmem_shared>>
      %dma_start3A_190 = arith.constant 0 : i32
      %dma_start3A_191 = tpu.memref_slice %arg14[%add3A_15, %dma_start3A_190] : memref<10240x64xf32, #tpu.memory_space<vmem_shared>> -> memref<128x64xf32, #tpu.memory_space<vmem_shared>>
      tpu.enqueue_dma source(%arg9 : memref<128x64xf32, #tpu.memory_space<vmem>>) target(%dma_start3A_191 : memref<128x64xf32, #tpu.memory_space<vmem_shared>>) target_semaphore(%run_scoped3A_187 : memref<!tpu.dma_semaphore, #tpu.memory_space<semaphore_mem>>)
      %dma_wait3A_192 = arith.constant 0 : i32
      %dma_wait3A_193 = tpu.memref_slice %arg14[%add3A_15, %dma_wait3A_192] : memref<10240x64xf32, #tpu.memory_space<vmem_shared>> -> memref<128x64xf32, #tpu.memory_space<vmem_shared>>
      %dma_wait3A_194 = arith.constant 0 : i32
      %dma_wait3A_195 = tpu.memref_slice %arg14[%add3A_15, %dma_wait3A_194] : memref<10240x64xf32, #tpu.memory_space<vmem_shared>> -> memref<128x64xf32, #tpu.memory_space<vmem_shared>>
      tpu.wait_dma2 semaphore(%run_scoped3A_187 : memref<!tpu.dma_semaphore, #tpu.memory_space<semaphore_mem>>) src(%arg9 : memref<128x64xf32, #tpu.memory_space<vmem>>) dst(%dma_wait3A_195 : memref<128x64xf32, #tpu.memory_space<vmem_shared>>)
      tpu.yield
    }) : () -> ()
    %add3A_16 = arith.constant 512 : i32
    %add3A_17 = arith.addi %mul3A_3, %add3A_16 : i32
    "tpu.region"() ({
      %run_scoped3A_187 = tpu.sem_alloc : memref<!tpu.dma_semaphore, #tpu.memory_space<semaphore_mem>>
      %dma_start3A_188 = arith.constant 0 : i32
      %dma_start3A_189 = tpu.memref_slice %arg14[%add3A_17, %dma_start3A_188] : memref<10240x64xf32, #tpu.memory_space<vmem_shared>> -> memref<128x64xf32, #tpu.memory_space<vmem_shared>>
      %dma_start3A_190 = arith.constant 0 : i32
      %dma_start3A_191 = tpu.memref_slice %arg14[%add3A_17, %dma_start3A_190] : memref<10240x64xf32, #tpu.memory_space<vmem_shared>> -> memref<128x64xf32, #tpu.memory_space<vmem_shared>>
      tpu.enqueue_dma source(%arg9 : memref<128x64xf32, #tpu.memory_space<vmem>>) target(%dma_start3A_191 : memref<128x64xf32, #tpu.memory_space<vmem_shared>>) target_semaphore(%run_scoped3A_187 : memref<!tpu.dma_semaphore, #tpu.memory_space<semaphore_mem>>)
      %dma_wait3A_192 = arith.constant 0 : i32
      %dma_wait3A_193 = tpu.memref_slice %arg14[%add3A_17, %dma_wait3A_192] : memref<10240x64xf32, #tpu.memory_space<vmem_shared>> -> memref<128x64xf32, #tpu.memory_space<vmem_shared>>
      %dma_wait3A_194 = arith.constant 0 : i32
      %dma_wait3A_195 = tpu.memref_slice %arg14[%add3A_17, %dma_wait3A_194] : memref<10240x64xf32, #tpu.memory_space<vmem_shared>> -> memref<128x64xf32, #tpu.memory_space<vmem_shared>>
      tpu.wait_dma2 semaphore(%run_scoped3A_187 : memref<!tpu.dma_semaphore, #tpu.memory_space<semaphore_mem>>) src(%arg9 : memref<128x64xf32, #tpu.memory_space<vmem>>) dst(%dma_wait3A_195 : memref<128x64xf32, #tpu.memory_space<vmem_shared>>)
      tpu.yield
    }) : () -> ()
    %scan3A_18 = arith.constant 0 : i32
    %scan3A_19 = arith.constant 0 : i32
    %scan3A_20 = arith.constant 128 : i32
    %scan3A_21 = arith.addi %scan3A_19, %scan3A_20 : i32
    %scan3A_22 = arith.constant 1 : i32
    scf.for %scan3A_187 = %scan3A_19 to %scan3A_21 step %scan3A_22  : i32 {
      %swap3A = arith.index_cast %scan3A_187 : i32 to index
      %swap3A_188 = arith.constant 0 : index
      %swap3A_189 = tpu.vector_load %arg13[%swap3A, %swap3A_188] {strides = array<i32>} : memref<128x16xf32, #tpu.memory_space<vmem>>, vector<1x16xf32>,
      %swap3A_190 = vector.shape_cast %swap3A_189 : vector<1x16xf32> to vector<16xf32>
      %swap3A_191 = vector.shape_cast %broadcast_in_dim3A_0 : vector<16xf32> to vector<1x16xf32>
      tpu.vector_store %arg13[%swap3A, %swap3A_188], %swap3A_191 {strides = array<i32>} : memref<128x16xf32, #tpu.memory_space<vmem>>, vector<1x16xf32>,
    }
    %scan3A_23 = arith.constant 128 : i32
    %add3A_24 = arith.constant 0 : i32
    %add3A_25 = arith.addi %mul3A_3, %add3A_24 : i32
    "tpu.region"() ({
      %run_scoped3A_187 = tpu.sem_alloc : memref<!tpu.dma_semaphore, #tpu.memory_space<semaphore_mem>>
      %dma_start3A_188 = arith.constant 0 : i32
      %dma_start3A_189 = tpu.memref_slice %arg15[%add3A_25, %dma_start3A_188] : memref<10240x16xf32, #tpu.memory_space<vmem_shared>> -> memref<128x16xf32, #tpu.memory_space<vmem_shared>>
      %dma_start3A_190 = arith.constant 0 : i32
      %dma_start3A_191 = tpu.memref_slice %arg15[%add3A_25, %dma_start3A_190] : memref<10240x16xf32, #tpu.memory_space<vmem_shared>> -> memref<128x16xf32, #tpu.memory_space<vmem_shared>>
      tpu.enqueue_dma source(%arg13 : memref<128x16xf32, #tpu.memory_space<vmem>>) target(%dma_start3A_191 : memref<128x16xf32, #tpu.memory_space<vmem_shared>>) target_semaphore(%run_scoped3A_187 : memref<!tpu.dma_semaphore, #tpu.memory_space<semaphore_mem>>)
      %dma_wait3A_192 = arith.constant 0 : i32
      %dma_wait3A_193 = tpu.memref_slice %arg15[%add3A_25, %dma_wait3A_192] : memref<10240x16xf32, #tpu.memory_space<vmem_shared>> -> memref<128x16xf32, #tpu.memory_space<vmem_shared>>
      %dma_wait3A_194 = arith.constant 0 : i32
      %dma_wait3A_195 = tpu.memref_slice %arg15[%add3A_25, %dma_wait3A_194] : memref<10240x16xf32, #tpu.memory_space<vmem_shared>> -> memref<128x16xf32, #tpu.memory_space<vmem_shared>>
      tpu.wait_dma2 semaphore(%run_scoped3A_187 : memref<!tpu.dma_semaphore, #tpu.memory_space<semaphore_mem>>) src(%arg13 : memref<128x16xf32, #tpu.memory_space<vmem>>) dst(%dma_wait3A_195 : memref<128x16xf32, #tpu.memory_space<vmem_shared>>)
      tpu.yield
    }) : () -> ()
    %add3A_26 = arith.constant 128 : i32
    %add3A_27 = arith.addi %mul3A_3, %add3A_26 : i32
    "tpu.region"() ({
      %run_scoped3A_187 = tpu.sem_alloc : memref<!tpu.dma_semaphore, #tpu.memory_space<semaphore_mem>>
      %dma_start3A_188 = arith.constant 0 : i32
      %dma_start3A_189 = tpu.memref_slice %arg15[%add3A_27, %dma_start3A_188] : memref<10240x16xf32, #tpu.memory_space<vmem_shared>> -> memref<128x16xf32, #tpu.memory_space<vmem_shared>>
      %dma_start3A_190 = arith.constant 0 : i32
      %dma_start3A_191 = tpu.memref_slice %arg15[%add3A_27, %dma_start3A_190] : memref<10240x16xf32, #tpu.memory_space<vmem_shared>> -> memref<128x16xf32, #tpu.memory_space<vmem_shared>>
      tpu.enqueue_dma source(%arg13 : memref<128x16xf32, #tpu.memory_space<vmem>>) target(%dma_start3A_191 : memref<128x16xf32, #tpu.memory_space<vmem_shared>>) target_semaphore(%run_scoped3A_187 : memref<!tpu.dma_semaphore, #tpu.memory_space<semaphore_mem>>)
      %dma_wait3A_192 = arith.constant 0 : i32
      %dma_wait3A_193 = tpu.memref_slice %arg15[%add3A_27, %dma_wait3A_192] : memref<10240x16xf32, #tpu.memory_space<vmem_shared>> -> memref<128x16xf32, #tpu.memory_space<vmem_shared>>
      %dma_wait3A_194 = arith.constant 0 : i32
      %dma_wait3A_195 = tpu.memref_slice %arg15[%add3A_27, %dma_wait3A_194] : memref<10240x16xf32, #tpu.memory_space<vmem_shared>> -> memref<128x16xf32, #tpu.memory_space<vmem_shared>>
      tpu.wait_dma2 semaphore(%run_scoped3A_187 : memref<!tpu.dma_semaphore, #tpu.memory_space<semaphore_mem>>) src(%arg13 : memref<128x16xf32, #tpu.memory_space<vmem>>) dst(%dma_wait3A_195 : memref<128x16xf32, #tpu.memory_space<vmem_shared>>)
      tpu.yield
    }) : () -> ()
    %add3A_28 = arith.constant 256 : i32
    %add3A_29 = arith.addi %mul3A_3, %add3A_28 : i32
    "tpu.region"() ({
      %run_scoped3A_187 = tpu.sem_alloc : memref<!tpu.dma_semaphore, #tpu.memory_space<semaphore_mem>>
      %dma_start3A_188 = arith.constant 0 : i32
      %dma_start3A_189 = tpu.memref_slice %arg15[%add3A_29, %dma_start3A_188] : memref<10240x16xf32, #tpu.memory_space<vmem_shared>> -> memref<128x16xf32, #tpu.memory_space<vmem_shared>>
      %dma_start3A_190 = arith.constant 0 : i32
      %dma_start3A_191 = tpu.memref_slice %arg15[%add3A_29, %dma_start3A_190] : memref<10240x16xf32, #tpu.memory_space<vmem_shared>> -> memref<128x16xf32, #tpu.memory_space<vmem_shared>>
      tpu.enqueue_dma source(%arg13 : memref<128x16xf32, #tpu.memory_space<vmem>>) target(%dma_start3A_191 : memref<128x16xf32, #tpu.memory_space<vmem_shared>>) target_semaphore(%run_scoped3A_187 : memref<!tpu.dma_semaphore, #tpu.memory_space<semaphore_mem>>)
      %dma_wait3A_192 = arith.constant 0 : i32
      %dma_wait3A_193 = tpu.memref_slice %arg15[%add3A_29, %dma_wait3A_192] : memref<10240x16xf32, #tpu.memory_space<vmem_shared>> -> memref<128x16xf32, #tpu.memory_space<vmem_shared>>
      %dma_wait3A_194 = arith.constant 0 : i32
      %dma_wait3A_195 = tpu.memref_slice %arg15[%add3A_29, %dma_wait3A_194] : memref<10240x16xf32, #tpu.memory_space<vmem_shared>> -> memref<128x16xf32, #tpu.memory_space<vmem_shared>>
      tpu.wait_dma2 semaphore(%run_scoped3A_187 : memref<!tpu.dma_semaphore, #tpu.memory_space<semaphore_mem>>) src(%arg13 : memref<128x16xf32, #tpu.memory_space<vmem>>) dst(%dma_wait3A_195 : memref<128x16xf32, #tpu.memory_space<vmem_shared>>)
      tpu.yield
    }) : () -> ()
    %add3A_30 = arith.constant 384 : i32
    %add3A_31 = arith.addi %mul3A_3, %add3A_30 : i32
    "tpu.region"() ({
      %run_scoped3A_187 = tpu.sem_alloc : memref<!tpu.dma_semaphore, #tpu.memory_space<semaphore_mem>>
      %dma_start3A_188 = arith.constant 0 : i32
      %dma_start3A_189 = tpu.memref_slice %arg15[%add3A_31, %dma_start3A_188] : memref<10240x16xf32, #tpu.memory_space<vmem_shared>> -> memref<128x16xf32, #tpu.memory_space<vmem_shared>>
      %dma_start3A_190 = arith.constant 0 : i32
      %dma_start3A_191 = tpu.memref_slice %arg15[%add3A_31, %dma_start3A_190] : memref<10240x16xf32, #tpu.memory_space<vmem_shared>> -> memref<128x16xf32, #tpu.memory_space<vmem_shared>>
      tpu.enqueue_dma source(%arg13 : memref<128x16xf32, #tpu.memory_space<vmem>>) target(%dma_start3A_191 : memref<128x16xf32, #tpu.memory_space<vmem_shared>>) target_semaphore(%run_scoped3A_187 : memref<!tpu.dma_semaphore, #tpu.memory_space<semaphore_mem>>)
      %dma_wait3A_192 = arith.constant 0 : i32
      %dma_wait3A_193 = tpu.memref_slice %arg15[%add3A_31, %dma_wait3A_192] : memref<10240x16xf32, #tpu.memory_space<vmem_shared>> -> memref<128x16xf32, #tpu.memory_space<vmem_shared>>
      %dma_wait3A_194 = arith.constant 0 : i32
      %dma_wait3A_195 = tpu.memref_slice %arg15[%add3A_31, %dma_wait3A_194] : memref<10240x16xf32, #tpu.memory_space<vmem_shared>> -> memref<128x16xf32, #tpu.memory_space<vmem_shared>>
      tpu.wait_dma2 semaphore(%run_scoped3A_187 : memref<!tpu.dma_semaphore, #tpu.memory_space<semaphore_mem>>) src(%arg13 : memref<128x16xf32, #tpu.memory_space<vmem>>) dst(%dma_wait3A_195 : memref<128x16xf32, #tpu.memory_space<vmem_shared>>)
      tpu.yield
    }) : () -> ()
    %add3A_32 = arith.constant 512 : i32
    %add3A_33 = arith.addi %mul3A_3, %add3A_32 : i32
    "tpu.region"() ({
      %run_scoped3A_187 = tpu.sem_alloc : memref<!tpu.dma_semaphore, #tpu.memory_space<semaphore_mem>>
      %dma_start3A_188 = arith.constant 0 : i32
      %dma_start3A_189 = tpu.memref_slice %arg15[%add3A_33, %dma_start3A_188] : memref<10240x16xf32, #tpu.memory_space<vmem_shared>> -> memref<128x16xf32, #tpu.memory_space<vmem_shared>>
      %dma_start3A_190 = arith.constant 0 : i32
      %dma_start3A_191 = tpu.memref_slice %arg15[%add3A_33, %dma_start3A_190] : memref<10240x16xf32, #tpu.memory_space<vmem_shared>> -> memref<128x16xf32, #tpu.memory_space<vmem_shared>>
      tpu.enqueue_dma source(%arg13 : memref<128x16xf32, #tpu.memory_space<vmem>>) target(%dma_start3A_191 : memref<128x16xf32, #tpu.memory_space<vmem_shared>>) target_semaphore(%run_scoped3A_187 : memref<!tpu.dma_semaphore, #tpu.memory_space<semaphore_mem>>)
      %dma_wait3A_192 = arith.constant 0 : i32
      %dma_wait3A_193 = tpu.memref_slice %arg15[%add3A_33, %dma_wait3A_192] : memref<10240x16xf32, #tpu.memory_space<vmem_shared>> -> memref<128x16xf32, #tpu.memory_space<vmem_shared>>
      %dma_wait3A_194 = arith.constant 0 : i32
      %dma_wait3A_195 = tpu.memref_slice %arg15[%add3A_33, %dma_wait3A_194] : memref<10240x16xf32, #tpu.memory_space<vmem_shared>> -> memref<128x16xf32, #tpu.memory_space<vmem_shared>>
      tpu.wait_dma2 semaphore(%run_scoped3A_187 : memref<!tpu.dma_semaphore, #tpu.memory_space<semaphore_mem>>) src(%arg13 : memref<128x16xf32, #tpu.memory_space<vmem>>) dst(%dma_wait3A_195 : memref<128x16xf32, #tpu.memory_space<vmem_shared>>)
      tpu.yield
    }) : () -> ()
    %scan3A_34 = arith.constant 0 : i32
    %scan3A_35 = arith.constant 0 : i32
    %scan3A_36 = arith.constant 128 : i32
    %scan3A_37 = arith.addi %scan3A_35, %scan3A_36 : i32
    %scan3A_38 = arith.constant 1 : i32
    scf.for %scan3A_187 = %scan3A_35 to %scan3A_37 step %scan3A_38  : i32 {
      %swap3A = arith.index_cast %scan3A_187 : i32 to index
      %swap3A_188 = arith.constant 0 : index
      %swap3A_189 = tpu.vector_load %arg13[%swap3A, %swap3A_188] {strides = array<i32>} : memref<128x16xf32, #tpu.memory_space<vmem>>, vector<1x16xf32>,
      %swap3A_190 = vector.shape_cast %swap3A_189 : vector<1x16xf32> to vector<16xf32>
      %swap3A_191 = vector.shape_cast %broadcast_in_dim3A_2 : vector<16xf32> to vector<1x16xf32>
      tpu.vector_store %arg13[%swap3A, %swap3A_188], %swap3A_191 {strides = array<i32>} : memref<128x16xf32, #tpu.memory_space<vmem>>, vector<1x16xf32>,
    }
    %scan3A_39 = arith.constant 128 : i32
    %barrier3A = arith.constant 0 : index
    tpu.barrier barrier_id(%barrier3A)
    %dma_start3A = arith.constant 0 : i32
    %dma_start3A_40 = arith.constant 0 : i32
    %dma_start3A_41 = tpu.memref_slice %arg7[%dma_start3A, %dma_start3A_40] : memref<157x128xi32, #tpu.memory_space<vmem>> -> memref<1x128xi32, #tpu.memory_space<vmem>>
    %dma_start3A_42 = tpu.memref_squeeze %dma_start3A_41 : memref<1x128xi32, #tpu.memory_space<vmem>> -> memref<128xi32, #tpu.memory_space<vmem>>
    %dma_start3A_43 = arith.constant 0 : i32
    %dma_start3A_44 = arith.constant 0 : i32
    %dma_start3A_45 = tpu.memref_slice %arg4[%dma_start3A_43, %dma_start3A_44] : memref<40000x64xf32, #tpu.memory_space<hbm>> -> memref<40000x64xf32, #tpu.memory_space<hbm>>
    tpu.enqueue_indirect_dma source(%dma_start3A_45 : memref<40000x64xf32, #tpu.memory_space<hbm>>) target(%arg9 : memref<128x64xf32, #tpu.memory_space<vmem>>) offsets(%dma_start3A_42 : memref<128xi32, #tpu.memory_space<vmem>>) semaphore(%arg16 : memref<!tpu.dma_semaphore, #tpu.memory_space<semaphore_mem>>)
    %dma_start3A_46 = arith.constant 1 : i32
    %dma_start3A_47 = arith.constant 0 : i32
    %dma_start3A_48 = tpu.memref_slice %arg7[%dma_start3A_46, %dma_start3A_47] : memref<157x128xi32, #tpu.memory_space<vmem>> -> memref<1x128xi32, #tpu.memory_space<vmem>>
    %dma_start3A_49 = tpu.memref_squeeze %dma_start3A_48 : memref<1x128xi32, #tpu.memory_space<vmem>> -> memref<128xi32, #tpu.memory_space<vmem>>
    %dma_start3A_50 = arith.constant 0 : i32
    %dma_start3A_51 = arith.constant 0 : i32
    %dma_start3A_52 = tpu.memref_slice %arg4[%dma_start3A_50, %dma_start3A_51] : memref<40000x64xf32, #tpu.memory_space<hbm>> -> memref<40000x64xf32, #tpu.memory_space<hbm>>
    tpu.enqueue_indirect_dma source(%dma_start3A_52 : memref<40000x64xf32, #tpu.memory_space<hbm>>) target(%arg10 : memref<128x64xf32, #tpu.memory_space<vmem>>) offsets(%dma_start3A_49 : memref<128xi32, #tpu.memory_space<vmem>>) semaphore(%arg17 : memref<!tpu.dma_semaphore, #tpu.memory_space<semaphore_mem>>)
    %dma_start3A_53 = arith.constant 2 : i32
    %dma_start3A_54 = arith.constant 0 : i32
    %dma_start3A_55 = tpu.memref_slice %arg7[%dma_start3A_53, %dma_start3A_54] : memref<157x128xi32, #tpu.memory_space<vmem>> -> memref<1x128xi32, #tpu.memory_space<vmem>>
    %dma_start3A_56 = tpu.memref_squeeze %dma_start3A_55 : memref<1x128xi32, #tpu.memory_space<vmem>> -> memref<128xi32, #tpu.memory_space<vmem>>
    %dma_start3A_57 = arith.constant 0 : i32
    %dma_start3A_58 = arith.constant 0 : i32
    %dma_start3A_59 = tpu.memref_slice %arg4[%dma_start3A_57, %dma_start3A_58] : memref<40000x64xf32, #tpu.memory_space<hbm>> -> memref<40000x64xf32, #tpu.memory_space<hbm>>
    tpu.enqueue_indirect_dma source(%dma_start3A_59 : memref<40000x64xf32, #tpu.memory_space<hbm>>) target(%arg11 : memref<128x64xf32, #tpu.memory_space<vmem>>) offsets(%dma_start3A_56 : memref<128xi32, #tpu.memory_space<vmem>>) semaphore(%arg18 : memref<!tpu.dma_semaphore, #tpu.memory_space<semaphore_mem>>)
    %dma_start3A_60 = arith.constant 3 : i32
    %dma_start3A_61 = arith.constant 0 : i32
    %dma_start3A_62 = tpu.memref_slice %arg7[%dma_start3A_60, %dma_start3A_61] : memref<157x128xi32, #tpu.memory_space<vmem>> -> memref<1x128xi32, #tpu.memory_space<vmem>>
    %dma_start3A_63 = tpu.memref_squeeze %dma_start3A_62 : memref<1x128xi32, #tpu.memory_space<vmem>> -> memref<128xi32, #tpu.memory_space<vmem>>
    %dma_start3A_64 = arith.constant 0 : i32
    %dma_start3A_65 = arith.constant 0 : i32
    %dma_start3A_66 = tpu.memref_slice %arg4[%dma_start3A_64, %dma_start3A_65] : memref<40000x64xf32, #tpu.memory_space<hbm>> -> memref<40000x64xf32, #tpu.memory_space<hbm>>
    tpu.enqueue_indirect_dma source(%dma_start3A_66 : memref<40000x64xf32, #tpu.memory_space<hbm>>) target(%arg12 : memref<128x64xf32, #tpu.memory_space<vmem>>) offsets(%dma_start3A_63 : memref<128xi32, #tpu.memory_space<vmem>>) semaphore(%arg19 : memref<!tpu.dma_semaphore, #tpu.memory_space<semaphore_mem>>)
    %scan3A_67 = arith.constant 0 : i32
    %scan3A_68 = arith.constant 0 : i32
    %scan3A_69 = arith.constant 39 : i32
    %scan3A_70 = arith.addi %scan3A_68, %scan3A_69 : i32
    %scan3A_71 = arith.constant 1 : i32
    scf.for %scan3A_187 = %scan3A_68 to %scan3A_70 step %scan3A_71  : i32 {
      %mul3A_188 = arith.constant 4 : i32
      %mul3A_189 = arith.muli %mul3A_188, %scan3A_187 : i32
      %add3A_190 = arith.constant 0 : i32
      %add3A_191 = arith.addi %mul3A_189, %add3A_190 : i32
      %dma_wait3A_192 = arith.constant 0 : i32
      %dma_wait3A_193 = tpu.memref_slice %arg7[%add3A_191, %dma_wait3A_192] : memref<157x128xi32, #tpu.memory_space<vmem>> -> memref<1x128xi32, #tpu.memory_space<vmem>>
      %dma_wait3A_194 = tpu.memref_squeeze %dma_wait3A_193 : memref<1x128xi32, #tpu.memory_space<vmem>> -> memref<128xi32, #tpu.memory_space<vmem>>
      %dma_wait3A_195 = arith.constant 0 : i32
      %dma_wait3A_196 = arith.constant 0 : i32
      %dma_wait3A_197 = tpu.memref_slice %arg4[%dma_wait3A_195, %dma_wait3A_196] : memref<40000x64xf32, #tpu.memory_space<hbm>> -> memref<40000x64xf32, #tpu.memory_space<hbm>>
      tpu.wait_indirect_dma semaphore(%arg16 : memref<!tpu.dma_semaphore, #tpu.memory_space<semaphore_mem>>) src(%dma_wait3A_197 : memref<40000x64xf32, #tpu.memory_space<hbm>>) dst(%arg9 : memref<128x64xf32, #tpu.memory_space<vmem>>)
      %add3A_198 = arith.constant 0 : i32
      %add3A_199 = arith.addi %mul3A_189, %add3A_198 : i32
      %dma_start3A_200 = arith.constant 0 : i32
      %dma_start3A_201 = tpu.memref_slice %arg8[%add3A_199, %dma_start3A_200] : memref<157x128xi32, #tpu.memory_space<vmem>> -> memref<1x128xi32, #tpu.memory_space<vmem>>
      %dma_start3A_202 = tpu.memref_squeeze %dma_start3A_201 : memref<1x128xi32, #tpu.memory_space<vmem>> -> memref<128xi32, #tpu.memory_space<vmem>>
      %dma_start3A_203 = arith.constant 0 : i32
      %dma_start3A_204 = arith.constant 0 : i32
      %dma_start3A_205 = tpu.memref_slice %arg14[%dma_start3A_203, %dma_start3A_204] : memref<10240x64xf32, #tpu.memory_space<vmem_shared>> -> memref<10240x64xf32, #tpu.memory_space<vmem_shared>>
      tpu.enqueue_indirect_dma source(%arg9 : memref<128x64xf32, #tpu.memory_space<vmem>>) target(%dma_start3A_205 : memref<10240x64xf32, #tpu.memory_space<vmem_shared>>) offsets(%dma_start3A_202 : memref<128xi32, #tpu.memory_space<vmem>>) semaphore(%arg20 : memref<!tpu.dma_semaphore, #tpu.memory_space<semaphore_mem>>) {add = true}
      %add3A_206 = arith.constant 0 : i32
      %add3A_207 = arith.addi %mul3A_189, %add3A_206 : i32
      "tpu.region"() ({
        %run_scoped3A_327 = tpu.sem_alloc : memref<!tpu.dma_semaphore, #tpu.memory_space<semaphore_mem>>
        %dma_start3A_328 = arith.constant 0 : i32
        %dma_start3A_329 = tpu.memref_slice %arg8[%add3A_207, %dma_start3A_328] : memref<157x128xi32, #tpu.memory_space<vmem>> -> memref<1x128xi32, #tpu.memory_space<vmem>>
        %dma_start3A_330 = tpu.memref_squeeze %dma_start3A_329 : memref<1x128xi32, #tpu.memory_space<vmem>> -> memref<128xi32, #tpu.memory_space<vmem>>
        %dma_start3A_331 = arith.constant 0 : i32
        %dma_start3A_332 = arith.constant 0 : i32
        %dma_start3A_333 = tpu.memref_slice %arg15[%dma_start3A_331, %dma_start3A_332] : memref<10240x16xf32, #tpu.memory_space<vmem_shared>> -> memref<10240x16xf32, #tpu.memory_space<vmem_shared>>
        tpu.enqueue_indirect_dma source(%arg13 : memref<128x16xf32, #tpu.memory_space<vmem>>) target(%dma_start3A_333 : memref<10240x16xf32, #tpu.memory_space<vmem_shared>>) offsets(%dma_start3A_330 : memref<128xi32, #tpu.memory_space<vmem>>) semaphore(%run_scoped3A_327 : memref<!tpu.dma_semaphore, #tpu.memory_space<semaphore_mem>>) {add = true}
        %dma_wait3A_334 = arith.constant 0 : i32
        %dma_wait3A_335 = tpu.memref_slice %arg8[%add3A_207, %dma_wait3A_334] : memref<157x128xi32, #tpu.memory_space<vmem>> -> memref<1x128xi32, #tpu.memory_space<vmem>>
        %dma_wait3A_336 = tpu.memref_squeeze %dma_wait3A_335 : memref<1x128xi32, #tpu.memory_space<vmem>> -> memref<128xi32, #tpu.memory_space<vmem>>
        %dma_wait3A_337 = arith.constant 0 : i32
        %dma_wait3A_338 = arith.constant 0 : i32
        %dma_wait3A_339 = tpu.memref_slice %arg15[%dma_wait3A_337, %dma_wait3A_338] : memref<10240x16xf32, #tpu.memory_space<vmem_shared>> -> memref<10240x16xf32, #tpu.memory_space<vmem_shared>>
        tpu.wait_indirect_dma semaphore(%run_scoped3A_327 : memref<!tpu.dma_semaphore, #tpu.memory_space<semaphore_mem>>) src(%arg13 : memref<128x16xf32, #tpu.memory_space<vmem>>) dst(%dma_wait3A_339 : memref<10240x16xf32, #tpu.memory_space<vmem_shared>>)
        tpu.yield
      }) : () -> ()
      %add3A_208 = arith.constant 1 : i32
      %add3A_209 = arith.addi %mul3A_189, %add3A_208 : i32
      %dma_wait3A_210 = arith.constant 0 : i32
      %dma_wait3A_211 = tpu.memref_slice %arg7[%add3A_209, %dma_wait3A_210] : memref<157x128xi32, #tpu.memory_space<vmem>> -> memref<1x128xi32, #tpu.memory_space<vmem>>
      %dma_wait3A_212 = tpu.memref_squeeze %dma_wait3A_211 : memref<1x128xi32, #tpu.memory_space<vmem>> -> memref<128xi32, #tpu.memory_space<vmem>>
      %dma_wait3A_213 = arith.constant 0 : i32
      %dma_wait3A_214 = arith.constant 0 : i32
      %dma_wait3A_215 = tpu.memref_slice %arg4[%dma_wait3A_213, %dma_wait3A_214] : memref<40000x64xf32, #tpu.memory_space<hbm>> -> memref<40000x64xf32, #tpu.memory_space<hbm>>
      tpu.wait_indirect_dma semaphore(%arg17 : memref<!tpu.dma_semaphore, #tpu.memory_space<semaphore_mem>>) src(%dma_wait3A_215 : memref<40000x64xf32, #tpu.memory_space<hbm>>) dst(%arg10 : memref<128x64xf32, #tpu.memory_space<vmem>>)
      %add3A_216 = arith.constant 1 : i32
      %add3A_217 = arith.addi %mul3A_189, %add3A_216 : i32
      %dma_start3A_218 = arith.constant 0 : i32
      %dma_start3A_219 = tpu.memref_slice %arg8[%add3A_217, %dma_start3A_218] : memref<157x128xi32, #tpu.memory_space<vmem>> -> memref<1x128xi32, #tpu.memory_space<vmem>>
      %dma_start3A_220 = tpu.memref_squeeze %dma_start3A_219 : memref<1x128xi32, #tpu.memory_space<vmem>> -> memref<128xi32, #tpu.memory_space<vmem>>
      %dma_start3A_221 = arith.constant 0 : i32
      %dma_start3A_222 = arith.constant 0 : i32
      %dma_start3A_223 = tpu.memref_slice %arg14[%dma_start3A_221, %dma_start3A_222] : memref<10240x64xf32, #tpu.memory_space<vmem_shared>> -> memref<10240x64xf32, #tpu.memory_space<vmem_shared>>
      tpu.enqueue_indirect_dma source(%arg10 : memref<128x64xf32, #tpu.memory_space<vmem>>) target(%dma_start3A_223 : memref<10240x64xf32, #tpu.memory_space<vmem_shared>>) offsets(%dma_start3A_220 : memref<128xi32, #tpu.memory_space<vmem>>) semaphore(%arg21 : memref<!tpu.dma_semaphore, #tpu.memory_space<semaphore_mem>>) {add = true}
      %add3A_224 = arith.constant 1 : i32
      %add3A_225 = arith.addi %mul3A_189, %add3A_224 : i32
      "tpu.region"() ({
        %run_scoped3A_327 = tpu.sem_alloc : memref<!tpu.dma_semaphore, #tpu.memory_space<semaphore_mem>>
        %dma_start3A_328 = arith.constant 0 : i32
        %dma_start3A_329 = tpu.memref_slice %arg8[%add3A_225, %dma_start3A_328] : memref<157x128xi32, #tpu.memory_space<vmem>> -> memref<1x128xi32, #tpu.memory_space<vmem>>
        %dma_start3A_330 = tpu.memref_squeeze %dma_start3A_329 : memref<1x128xi32, #tpu.memory_space<vmem>> -> memref<128xi32, #tpu.memory_space<vmem>>
        %dma_start3A_331 = arith.constant 0 : i32
        %dma_start3A_332 = arith.constant 0 : i32
        %dma_start3A_333 = tpu.memref_slice %arg15[%dma_start3A_331, %dma_start3A_332] : memref<10240x16xf32, #tpu.memory_space<vmem_shared>> -> memref<10240x16xf32, #tpu.memory_space<vmem_shared>>
        tpu.enqueue_indirect_dma source(%arg13 : memref<128x16xf32, #tpu.memory_space<vmem>>) target(%dma_start3A_333 : memref<10240x16xf32, #tpu.memory_space<vmem_shared>>) offsets(%dma_start3A_330 : memref<128xi32, #tpu.memory_space<vmem>>) semaphore(%run_scoped3A_327 : memref<!tpu.dma_semaphore, #tpu.memory_space<semaphore_mem>>) {add = true}
        %dma_wait3A_334 = arith.constant 0 : i32
        %dma_wait3A_335 = tpu.memref_slice %arg8[%add3A_225, %dma_wait3A_334] : memref<157x128xi32, #tpu.memory_space<vmem>> -> memref<1x128xi32, #tpu.memory_space<vmem>>
        %dma_wait3A_336 = tpu.memref_squeeze %dma_wait3A_335 : memref<1x128xi32, #tpu.memory_space<vmem>> -> memref<128xi32, #tpu.memory_space<vmem>>
        %dma_wait3A_337 = arith.constant 0 : i32
        %dma_wait3A_338 = arith.constant 0 : i32
        %dma_wait3A_339 = tpu.memref_slice %arg15[%dma_wait3A_337, %dma_wait3A_338] : memref<10240x16xf32, #tpu.memory_space<vmem_shared>> -> memref<10240x16xf32, #tpu.memory_space<vmem_shared>>
        tpu.wait_indirect_dma semaphore(%run_scoped3A_327 : memref<!tpu.dma_semaphore, #tpu.memory_space<semaphore_mem>>) src(%arg13 : memref<128x16xf32, #tpu.memory_space<vmem>>) dst(%dma_wait3A_339 : memref<10240x16xf32, #tpu.memory_space<vmem_shared>>)
        tpu.yield
      }) : () -> ()
      %add3A_226 = arith.constant 2 : i32
      %add3A_227 = arith.addi %mul3A_189, %add3A_226 : i32
      %dma_wait3A_228 = arith.constant 0 : i32
      %dma_wait3A_229 = tpu.memref_slice %arg7[%add3A_227, %dma_wait3A_228] : memref<157x128xi32, #tpu.memory_space<vmem>> -> memref<1x128xi32, #tpu.memory_space<vmem>>
      %dma_wait3A_230 = tpu.memref_squeeze %dma_wait3A_229 : memref<1x128xi32, #tpu.memory_space<vmem>> -> memref<128xi32, #tpu.memory_space<vmem>>
      %dma_wait3A_231 = arith.constant 0 : i32
      %dma_wait3A_232 = arith.constant 0 : i32
      %dma_wait3A_233 = tpu.memref_slice %arg4[%dma_wait3A_231, %dma_wait3A_232] : memref<40000x64xf32, #tpu.memory_space<hbm>> -> memref<40000x64xf32, #tpu.memory_space<hbm>>
      tpu.wait_indirect_dma semaphore(%arg18 : memref<!tpu.dma_semaphore, #tpu.memory_space<semaphore_mem>>) src(%dma_wait3A_233 : memref<40000x64xf32, #tpu.memory_space<hbm>>) dst(%arg11 : memref<128x64xf32, #tpu.memory_space<vmem>>)
      %add3A_234 = arith.constant 2 : i32
      %add3A_235 = arith.addi %mul3A_189, %add3A_234 : i32
      %dma_start3A_236 = arith.constant 0 : i32
      %dma_start3A_237 = tpu.memref_slice %arg8[%add3A_235, %dma_start3A_236] : memref<157x128xi32, #tpu.memory_space<vmem>> -> memref<1x128xi32, #tpu.memory_space<vmem>>
      %dma_start3A_238 = tpu.memref_squeeze %dma_start3A_237 : memref<1x128xi32, #tpu.memory_space<vmem>> -> memref<128xi32, #tpu.memory_space<vmem>>
      %dma_start3A_239 = arith.constant 0 : i32
      %dma_start3A_240 = arith.constant 0 : i32
      %dma_start3A_241 = tpu.memref_slice %arg14[%dma_start3A_239, %dma_start3A_240] : memref<10240x64xf32, #tpu.memory_space<vmem_shared>> -> memref<10240x64xf32, #tpu.memory_space<vmem_shared>>
      tpu.enqueue_indirect_dma source(%arg11 : memref<128x64xf32, #tpu.memory_space<vmem>>) target(%dma_start3A_241 : memref<10240x64xf32, #tpu.memory_space<vmem_shared>>) offsets(%dma_start3A_238 : memref<128xi32, #tpu.memory_space<vmem>>) semaphore(%arg22 : memref<!tpu.dma_semaphore, #tpu.memory_space<semaphore_mem>>) {add = true}
      %add3A_242 = arith.constant 2 : i32
      %add3A_243 = arith.addi %mul3A_189, %add3A_242 : i32
      "tpu.region"() ({
        %run_scoped3A_327 = tpu.sem_alloc : memref<!tpu.dma_semaphore, #tpu.memory_space<semaphore_mem>>
        %dma_start3A_328 = arith.constant 0 : i32
        %dma_start3A_329 = tpu.memref_slice %arg8[%add3A_243, %dma_start3A_328] : memref<157x128xi32, #tpu.memory_space<vmem>> -> memref<1x128xi32, #tpu.memory_space<vmem>>
        %dma_start3A_330 = tpu.memref_squeeze %dma_start3A_329 : memref<1x128xi32, #tpu.memory_space<vmem>> -> memref<128xi32, #tpu.memory_space<vmem>>
        %dma_start3A_331 = arith.constant 0 : i32
        %dma_start3A_332 = arith.constant 0 : i32
        %dma_start3A_333 = tpu.memref_slice %arg15[%dma_start3A_331, %dma_start3A_332] : memref<10240x16xf32, #tpu.memory_space<vmem_shared>> -> memref<10240x16xf32, #tpu.memory_space<vmem_shared>>
        tpu.enqueue_indirect_dma source(%arg13 : memref<128x16xf32, #tpu.memory_space<vmem>>) target(%dma_start3A_333 : memref<10240x16xf32, #tpu.memory_space<vmem_shared>>) offsets(%dma_start3A_330 : memref<128xi32, #tpu.memory_space<vmem>>) semaphore(%run_scoped3A_327 : memref<!tpu.dma_semaphore, #tpu.memory_space<semaphore_mem>>) {add = true}
        %dma_wait3A_334 = arith.constant 0 : i32
        %dma_wait3A_335 = tpu.memref_slice %arg8[%add3A_243, %dma_wait3A_334] : memref<157x128xi32, #tpu.memory_space<vmem>> -> memref<1x128xi32, #tpu.memory_space<vmem>>
        %dma_wait3A_336 = tpu.memref_squeeze %dma_wait3A_335 : memref<1x128xi32, #tpu.memory_space<vmem>> -> memref<128xi32, #tpu.memory_space<vmem>>
        %dma_wait3A_337 = arith.constant 0 : i32
        %dma_wait3A_338 = arith.constant 0 : i32
        %dma_wait3A_339 = tpu.memref_slice %arg15[%dma_wait3A_337, %dma_wait3A_338] : memref<10240x16xf32, #tpu.memory_space<vmem_shared>> -> memref<10240x16xf32, #tpu.memory_space<vmem_shared>>
        tpu.wait_indirect_dma semaphore(%run_scoped3A_327 : memref<!tpu.dma_semaphore, #tpu.memory_space<semaphore_mem>>) src(%arg13 : memref<128x16xf32, #tpu.memory_space<vmem>>) dst(%dma_wait3A_339 : memref<10240x16xf32, #tpu.memory_space<vmem_shared>>)
        tpu.yield
      }) : () -> ()
      %add3A_244 = arith.constant 3 : i32
      %add3A_245 = arith.addi %mul3A_189, %add3A_244 : i32
      %dma_wait3A_246 = arith.constant 0 : i32
      %dma_wait3A_247 = tpu.memref_slice %arg7[%add3A_245, %dma_wait3A_246] : memref<157x128xi32, #tpu.memory_space<vmem>> -> memref<1x128xi32, #tpu.memory_space<vmem>>
      %dma_wait3A_248 = tpu.memref_squeeze %dma_wait3A_247 : memref<1x128xi32, #tpu.memory_space<vmem>> -> memref<128xi32, #tpu.memory_space<vmem>>
      %dma_wait3A_249 = arith.constant 0 : i32
      %dma_wait3A_250 = arith.constant 0 : i32
      %dma_wait3A_251 = tpu.memref_slice %arg4[%dma_wait3A_249, %dma_wait3A_250] : memref<40000x64xf32, #tpu.memory_space<hbm>> -> memref<40000x64xf32, #tpu.memory_space<hbm>>
      tpu.wait_indirect_dma semaphore(%arg19 : memref<!tpu.dma_semaphore, #tpu.memory_space<semaphore_mem>>) src(%dma_wait3A_251 : memref<40000x64xf32, #tpu.memory_space<hbm>>) dst(%arg12 : memref<128x64xf32, #tpu.memory_space<vmem>>)
      %add3A_252 = arith.constant 3 : i32
      %add3A_253 = arith.addi %mul3A_189, %add3A_252 : i32
      %dma_start3A_254 = arith.constant 0 : i32
      %dma_start3A_255 = tpu.memref_slice %arg8[%add3A_253, %dma_start3A_254] : memref<157x128xi32, #tpu.memory_space<vmem>> -> memref<1x128xi32, #tpu.memory_space<vmem>>
      %dma_start3A_256 = tpu.memref_squeeze %dma_start3A_255 : memref<1x128xi32, #tpu.memory_space<vmem>> -> memref<128xi32, #tpu.memory_space<vmem>>
      %dma_start3A_257 = arith.constant 0 : i32
      %dma_start3A_258 = arith.constant 0 : i32
      %dma_start3A_259 = tpu.memref_slice %arg14[%dma_start3A_257, %dma_start3A_258] : memref<10240x64xf32, #tpu.memory_space<vmem_shared>> -> memref<10240x64xf32, #tpu.memory_space<vmem_shared>>
      tpu.enqueue_indirect_dma source(%arg12 : memref<128x64xf32, #tpu.memory_space<vmem>>) target(%dma_start3A_259 : memref<10240x64xf32, #tpu.memory_space<vmem_shared>>) offsets(%dma_start3A_256 : memref<128xi32, #tpu.memory_space<vmem>>) semaphore(%arg23 : memref<!tpu.dma_semaphore, #tpu.memory_space<semaphore_mem>>) {add = true}
      %add3A_260 = arith.constant 3 : i32
      %add3A_261 = arith.addi %mul3A_189, %add3A_260 : i32
      "tpu.region"() ({
        %run_scoped3A_327 = tpu.sem_alloc : memref<!tpu.dma_semaphore, #tpu.memory_space<semaphore_mem>>
        %dma_start3A_328 = arith.constant 0 : i32
        %dma_start3A_329 = tpu.memref_slice %arg8[%add3A_261, %dma_start3A_328] : memref<157x128xi32, #tpu.memory_space<vmem>> -> memref<1x128xi32, #tpu.memory_space<vmem>>
        %dma_start3A_330 = tpu.memref_squeeze %dma_start3A_329 : memref<1x128xi32, #tpu.memory_space<vmem>> -> memref<128xi32, #tpu.memory_space<vmem>>
        %dma_start3A_331 = arith.constant 0 : i32
        %dma_start3A_332 = arith.constant 0 : i32
        %dma_start3A_333 = tpu.memref_slice %arg15[%dma_start3A_331, %dma_start3A_332] : memref<10240x16xf32, #tpu.memory_space<vmem_shared>> -> memref<10240x16xf32, #tpu.memory_space<vmem_shared>>
        tpu.enqueue_indirect_dma source(%arg13 : memref<128x16xf32, #tpu.memory_space<vmem>>) target(%dma_start3A_333 : memref<10240x16xf32, #tpu.memory_space<vmem_shared>>) offsets(%dma_start3A_330 : memref<128xi32, #tpu.memory_space<vmem>>) semaphore(%run_scoped3A_327 : memref<!tpu.dma_semaphore, #tpu.memory_space<semaphore_mem>>) {add = true}
        %dma_wait3A_334 = arith.constant 0 : i32
        %dma_wait3A_335 = tpu.memref_slice %arg8[%add3A_261, %dma_wait3A_334] : memref<157x128xi32, #tpu.memory_space<vmem>> -> memref<1x128xi32, #tpu.memory_space<vmem>>
        %dma_wait3A_336 = tpu.memref_squeeze %dma_wait3A_335 : memref<1x128xi32, #tpu.memory_space<vmem>> -> memref<128xi32, #tpu.memory_space<vmem>>
        %dma_wait3A_337 = arith.constant 0 : i32
        %dma_wait3A_338 = arith.constant 0 : i32
        %dma_wait3A_339 = tpu.memref_slice %arg15[%dma_wait3A_337, %dma_wait3A_338] : memref<10240x16xf32, #tpu.memory_space<vmem_shared>> -> memref<10240x16xf32, #tpu.memory_space<vmem_shared>>
        tpu.wait_indirect_dma semaphore(%run_scoped3A_327 : memref<!tpu.dma_semaphore, #tpu.memory_space<semaphore_mem>>) src(%arg13 : memref<128x16xf32, #tpu.memory_space<vmem>>) dst(%dma_wait3A_339 : memref<10240x16xf32, #tpu.memory_space<vmem_shared>>)
        tpu.yield
      }) : () -> ()
      %add3A_262 = arith.constant 0 : i32
      %add3A_263 = arith.addi %mul3A_189, %add3A_262 : i32
      %dma_wait3A_264 = arith.constant 0 : i32
      %dma_wait3A_265 = tpu.memref_slice %arg8[%add3A_263, %dma_wait3A_264] : memref<157x128xi32, #tpu.memory_space<vmem>> -> memref<1x128xi32, #tpu.memory_space<vmem>>
      %dma_wait3A_266 = tpu.memref_squeeze %dma_wait3A_265 : memref<1x128xi32, #tpu.memory_space<vmem>> -> memref<128xi32, #tpu.memory_space<vmem>>
      %dma_wait3A_267 = arith.constant 0 : i32
      %dma_wait3A_268 = arith.constant 0 : i32
      %dma_wait3A_269 = tpu.memref_slice %arg14[%dma_wait3A_267, %dma_wait3A_268] : memref<10240x64xf32, #tpu.memory_space<vmem_shared>> -> memref<10240x64xf32, #tpu.memory_space<vmem_shared>>
      tpu.wait_indirect_dma semaphore(%arg20 : memref<!tpu.dma_semaphore, #tpu.memory_space<semaphore_mem>>) src(%arg9 : memref<128x64xf32, #tpu.memory_space<vmem>>) dst(%dma_wait3A_269 : memref<10240x64xf32, #tpu.memory_space<vmem_shared>>)
      %add3A_270 = arith.constant 4 : i32
      %add3A_271 = arith.addi %mul3A_189, %add3A_270 : i32
      %add3A_272 = arith.constant 0 : i32
      %add3A_273 = arith.addi %add3A_271, %add3A_272 : i32
      %le3A = arith.constant 156 : i32
      %le3A_274 = arith.cmpi sle, %add3A_273, %le3A : i32
      %convert_element_type3A = arith.extui %le3A_274 : i1 to i32
      %cond3A = arith.constant 0 : i32
      %cond3A_275 = arith.cmpi ne, %convert_element_type3A, %cond3A : i32
      scf.if %cond3A_275 {
        %dma_start3A_327 = arith.constant 0 : i32
        %dma_start3A_328 = tpu.memref_slice %arg7[%add3A_273, %dma_start3A_327] : memref<157x128xi32, #tpu.memory_space<vmem>> -> memref<1x128xi32, #tpu.memory_space<vmem>>
        %dma_start3A_329 = tpu.memref_squeeze %dma_start3A_328 : memref<1x128xi32, #tpu.memory_space<vmem>> -> memref<128xi32, #tpu.memory_space<vmem>>
        %dma_start3A_330 = arith.constant 0 : i32
        %dma_start3A_331 = arith.constant 0 : i32
        %dma_start3A_332 = tpu.memref_slice %arg4[%dma_start3A_330, %dma_start3A_331] : memref<40000x64xf32, #tpu.memory_space<hbm>> -> memref<40000x64xf32, #tpu.memory_space<hbm>>
        tpu.enqueue_indirect_dma source(%dma_start3A_332 : memref<40000x64xf32, #tpu.memory_space<hbm>>) target(%arg9 : memref<128x64xf32, #tpu.memory_space<vmem>>) offsets(%dma_start3A_329 : memref<128xi32, #tpu.memory_space<vmem>>) semaphore(%arg16 : memref<!tpu.dma_semaphore, #tpu.memory_space<semaphore_mem>>)
      } else {
      }
      %add3A_276 = arith.constant 1 : i32
      %add3A_277 = arith.addi %mul3A_189, %add3A_276 : i32
      %dma_wait3A_278 = arith.constant 0 : i32
      %dma_wait3A_279 = tpu.memref_slice %arg8[%add3A_277, %dma_wait3A_278] : memref<157x128xi32, #tpu.memory_space<vmem>> -> memref<1x128xi32, #tpu.memory_space<vmem>>
      %dma_wait3A_280 = tpu.memref_squeeze %dma_wait3A_279 : memref<1x128xi32, #tpu.memory_space<vmem>> -> memref<128xi32, #tpu.memory_space<vmem>>
      %dma_wait3A_281 = arith.constant 0 : i32
      %dma_wait3A_282 = arith.constant 0 : i32
      %dma_wait3A_283 = tpu.memref_slice %arg14[%dma_wait3A_281, %dma_wait3A_282] : memref<10240x64xf32, #tpu.memory_space<vmem_shared>> -> memref<10240x64xf32, #tpu.memory_space<vmem_shared>>
      tpu.wait_indirect_dma semaphore(%arg21 : memref<!tpu.dma_semaphore, #tpu.memory_space<semaphore_mem>>) src(%arg10 : memref<128x64xf32, #tpu.memory_space<vmem>>) dst(%dma_wait3A_283 : memref<10240x64xf32, #tpu.memory_space<vmem_shared>>)
      %add3A_284 = arith.constant 4 : i32
      %add3A_285 = arith.addi %mul3A_189, %add3A_284 : i32
      %add3A_286 = arith.constant 1 : i32
      %add3A_287 = arith.addi %add3A_285, %add3A_286 : i32
      %le3A_288 = arith.constant 156 : i32
      %le3A_289 = arith.cmpi sle, %add3A_287, %le3A_288 : i32
      %convert_element_type3A_290 = arith.extui %le3A_289 : i1 to i32
      %cond3A_291 = arith.constant 0 : i32
      %cond3A_292 = arith.cmpi ne, %convert_element_type3A_290, %cond3A_291 : i32
      scf.if %cond3A_292 {
        %dma_start3A_327 = arith.constant 0 : i32
        %dma_start3A_328 = tpu.memref_slice %arg7[%add3A_287, %dma_start3A_327] : memref<157x128xi32, #tpu.memory_space<vmem>> -> memref<1x128xi32, #tpu.memory_space<vmem>>
        %dma_start3A_329 = tpu.memref_squeeze %dma_start3A_328 : memref<1x128xi32, #tpu.memory_space<vmem>> -> memref<128xi32, #tpu.memory_space<vmem>>
        %dma_start3A_330 = arith.constant 0 : i32
        %dma_start3A_331 = arith.constant 0 : i32
        %dma_start3A_332 = tpu.memref_slice %arg4[%dma_start3A_330, %dma_start3A_331] : memref<40000x64xf32, #tpu.memory_space<hbm>> -> memref<40000x64xf32, #tpu.memory_space<hbm>>
        tpu.enqueue_indirect_dma source(%dma_start3A_332 : memref<40000x64xf32, #tpu.memory_space<hbm>>) target(%arg10 : memref<128x64xf32, #tpu.memory_space<vmem>>) offsets(%dma_start3A_329 : memref<128xi32, #tpu.memory_space<vmem>>) semaphore(%arg17 : memref<!tpu.dma_semaphore, #tpu.memory_space<semaphore_mem>>)
      } else {
      }
      %add3A_293 = arith.constant 2 : i32
      %add3A_294 = arith.addi %mul3A_189, %add3A_293 : i32
      %dma_wait3A_295 = arith.constant 0 : i32
      %dma_wait3A_296 = tpu.memref_slice %arg8[%add3A_294, %dma_wait3A_295] : memref<157x128xi32, #tpu.memory_space<vmem>> -> memref<1x128xi32, #tpu.memory_space<vmem>>
      %dma_wait3A_297 = tpu.memref_squeeze %dma_wait3A_296 : memref<1x128xi32, #tpu.memory_space<vmem>> -> memref<128xi32, #tpu.memory_space<vmem>>
      %dma_wait3A_298 = arith.constant 0 : i32
      %dma_wait3A_299 = arith.constant 0 : i32
      %dma_wait3A_300 = tpu.memref_slice %arg14[%dma_wait3A_298, %dma_wait3A_299] : memref<10240x64xf32, #tpu.memory_space<vmem_shared>> -> memref<10240x64xf32, #tpu.memory_space<vmem_shared>>
      tpu.wait_indirect_dma semaphore(%arg22 : memref<!tpu.dma_semaphore, #tpu.memory_space<semaphore_mem>>) src(%arg11 : memref<128x64xf32, #tpu.memory_space<vmem>>) dst(%dma_wait3A_300 : memref<10240x64xf32, #tpu.memory_space<vmem_shared>>)
      %add3A_301 = arith.constant 4 : i32
      %add3A_302 = arith.addi %mul3A_189, %add3A_301 : i32
      %add3A_303 = arith.constant 2 : i32
      %add3A_304 = arith.addi %add3A_302, %add3A_303 : i32
      %le3A_305 = arith.constant 156 : i32
      %le3A_306 = arith.cmpi sle, %add3A_304, %le3A_305 : i32
      %convert_element_type3A_307 = arith.extui %le3A_306 : i1 to i32
      %cond3A_308 = arith.constant 0 : i32
      %cond3A_309 = arith.cmpi ne, %convert_element_type3A_307, %cond3A_308 : i32
      scf.if %cond3A_309 {
        %dma_start3A_327 = arith.constant 0 : i32
        %dma_start3A_328 = tpu.memref_slice %arg7[%add3A_304, %dma_start3A_327] : memref<157x128xi32, #tpu.memory_space<vmem>> -> memref<1x128xi32, #tpu.memory_space<vmem>>
        %dma_start3A_329 = tpu.memref_squeeze %dma_start3A_328 : memref<1x128xi32, #tpu.memory_space<vmem>> -> memref<128xi32, #tpu.memory_space<vmem>>
        %dma_start3A_330 = arith.constant 0 : i32
        %dma_start3A_331 = arith.constant 0 : i32
        %dma_start3A_332 = tpu.memref_slice %arg4[%dma_start3A_330, %dma_start3A_331] : memref<40000x64xf32, #tpu.memory_space<hbm>> -> memref<40000x64xf32, #tpu.memory_space<hbm>>
        tpu.enqueue_indirect_dma source(%dma_start3A_332 : memref<40000x64xf32, #tpu.memory_space<hbm>>) target(%arg11 : memref<128x64xf32, #tpu.memory_space<vmem>>) offsets(%dma_start3A_329 : memref<128xi32, #tpu.memory_space<vmem>>) semaphore(%arg18 : memref<!tpu.dma_semaphore, #tpu.memory_space<semaphore_mem>>)
      } else {
      }
      %add3A_310 = arith.constant 3 : i32
      %add3A_311 = arith.addi %mul3A_189, %add3A_310 : i32
      %dma_wait3A_312 = arith.constant 0 : i32
      %dma_wait3A_313 = tpu.memref_slice %arg8[%add3A_311, %dma_wait3A_312] : memref<157x128xi32, #tpu.memory_space<vmem>> -> memref<1x128xi32, #tpu.memory_space<vmem>>
      %dma_wait3A_314 = tpu.memref_squeeze %dma_wait3A_313 : memref<1x128xi32, #tpu.memory_space<vmem>> -> memref<128xi32, #tpu.memory_space<vmem>>
      %dma_wait3A_315 = arith.constant 0 : i32
      %dma_wait3A_316 = arith.constant 0 : i32
      %dma_wait3A_317 = tpu.memref_slice %arg14[%dma_wait3A_315, %dma_wait3A_316] : memref<10240x64xf32, #tpu.memory_space<vmem_shared>> -> memref<10240x64xf32, #tpu.memory_space<vmem_shared>>
      tpu.wait_indirect_dma semaphore(%arg23 : memref<!tpu.dma_semaphore, #tpu.memory_space<semaphore_mem>>) src(%arg12 : memref<128x64xf32, #tpu.memory_space<vmem>>) dst(%dma_wait3A_317 : memref<10240x64xf32, #tpu.memory_space<vmem_shared>>)
      %add3A_318 = arith.constant 4 : i32
      %add3A_319 = arith.addi %mul3A_189, %add3A_318 : i32
      %add3A_320 = arith.constant 3 : i32
      %add3A_321 = arith.addi %add3A_319, %add3A_320 : i32
      %le3A_322 = arith.constant 156 : i32
      %le3A_323 = arith.cmpi sle, %add3A_321, %le3A_322 : i32
      %convert_element_type3A_324 = arith.extui %le3A_323 : i1 to i32
      %cond3A_325 = arith.constant 0 : i32
      %cond3A_326 = arith.cmpi ne, %convert_element_type3A_324, %cond3A_325 : i32
      scf.if %cond3A_326 {
        %dma_start3A_327 = arith.constant 0 : i32
        %dma_start3A_328 = tpu.memref_slice %arg7[%add3A_321, %dma_start3A_327] : memref<157x128xi32, #tpu.memory_space<vmem>> -> memref<1x128xi32, #tpu.memory_space<vmem>>
        %dma_start3A_329 = tpu.memref_squeeze %dma_start3A_328 : memref<1x128xi32, #tpu.memory_space<vmem>> -> memref<128xi32, #tpu.memory_space<vmem>>
        %dma_start3A_330 = arith.constant 0 : i32
        %dma_start3A_331 = arith.constant 0 : i32
        %dma_start3A_332 = tpu.memref_slice %arg4[%dma_start3A_330, %dma_start3A_331] : memref<40000x64xf32, #tpu.memory_space<hbm>> -> memref<40000x64xf32, #tpu.memory_space<hbm>>
        tpu.enqueue_indirect_dma source(%dma_start3A_332 : memref<40000x64xf32, #tpu.memory_space<hbm>>) target(%arg12 : memref<128x64xf32, #tpu.memory_space<vmem>>) offsets(%dma_start3A_329 : memref<128xi32, #tpu.memory_space<vmem>>) semaphore(%arg19 : memref<!tpu.dma_semaphore, #tpu.memory_space<semaphore_mem>>)
      } else {
      }
    }
    %scan3A_72 = arith.constant 39 : i32
    %dma_wait3A = arith.constant 156 : i32
    %dma_wait3A_73 = arith.constant 0 : i32
    %dma_wait3A_74 = tpu.memref_slice %arg7[%dma_wait3A, %dma_wait3A_73] : memref<157x128xi32, #tpu.memory_space<vmem>> -> memref<1x128xi32, #tpu.memory_space<vmem>>
    %dma_wait3A_75 = tpu.memref_squeeze %dma_wait3A_74 : memref<1x128xi32, #tpu.memory_space<vmem>> -> memref<128xi32, #tpu.memory_space<vmem>>
    %dma_wait3A_76 = arith.constant 0 : i32
    %dma_wait3A_77 = arith.constant 0 : i32
    %dma_wait3A_78 = tpu.memref_slice %arg4[%dma_wait3A_76, %dma_wait3A_77] : memref<40000x64xf32, #tpu.memory_space<hbm>> -> memref<40000x64xf32, #tpu.memory_space<hbm>>
    tpu.wait_indirect_dma semaphore(%arg16 : memref<!tpu.dma_semaphore, #tpu.memory_space<semaphore_mem>>) src(%dma_wait3A_78 : memref<40000x64xf32, #tpu.memory_space<hbm>>) dst(%arg9 : memref<128x64xf32, #tpu.memory_space<vmem>>)
    %run_scoped3A = arith.constant 156 : i32
    "tpu.region"() ({
      %run_scoped3A_187 = tpu.sem_alloc : memref<!tpu.dma_semaphore, #tpu.memory_space<semaphore_mem>>
      %dma_start3A_188 = arith.constant 0 : i32
      %dma_start3A_189 = tpu.memref_slice %arg8[%run_scoped3A, %dma_start3A_188] : memref<157x128xi32, #tpu.memory_space<vmem>> -> memref<1x128xi32, #tpu.memory_space<vmem>>
      %dma_start3A_190 = tpu.memref_squeeze %dma_start3A_189 : memref<1x128xi32, #tpu.memory_space<vmem>> -> memref<128xi32, #tpu.memory_space<vmem>>
      %dma_start3A_191 = arith.constant 0 : i32
      %dma_start3A_192 = arith.constant 0 : i32
      %dma_start3A_193 = tpu.memref_slice %arg14[%dma_start3A_191, %dma_start3A_192] : memref<10240x64xf32, #tpu.memory_space<vmem_shared>> -> memref<10240x64xf32, #tpu.memory_space<vmem_shared>>
      tpu.enqueue_indirect_dma source(%arg9 : memref<128x64xf32, #tpu.memory_space<vmem>>) target(%dma_start3A_193 : memref<10240x64xf32, #tpu.memory_space<vmem_shared>>) offsets(%dma_start3A_190 : memref<128xi32, #tpu.memory_space<vmem>>) semaphore(%run_scoped3A_187 : memref<!tpu.dma_semaphore, #tpu.memory_space<semaphore_mem>>) {add = true}
      %dma_wait3A_194 = arith.constant 0 : i32
      %dma_wait3A_195 = tpu.memref_slice %arg8[%run_scoped3A, %dma_wait3A_194] : memref<157x128xi32, #tpu.memory_space<vmem>> -> memref<1x128xi32, #tpu.memory_space<vmem>>
      %dma_wait3A_196 = tpu.memref_squeeze %dma_wait3A_195 : memref<1x128xi32, #tpu.memory_space<vmem>> -> memref<128xi32, #tpu.memory_space<vmem>>
      %dma_wait3A_197 = arith.constant 0 : i32
      %dma_wait3A_198 = arith.constant 0 : i32
      %dma_wait3A_199 = tpu.memref_slice %arg14[%dma_wait3A_197, %dma_wait3A_198] : memref<10240x64xf32, #tpu.memory_space<vmem_shared>> -> memref<10240x64xf32, #tpu.memory_space<vmem_shared>>
      tpu.wait_indirect_dma semaphore(%run_scoped3A_187 : memref<!tpu.dma_semaphore, #tpu.memory_space<semaphore_mem>>) src(%arg9 : memref<128x64xf32, #tpu.memory_space<vmem>>) dst(%dma_wait3A_199 : memref<10240x64xf32, #tpu.memory_space<vmem_shared>>)
      tpu.yield
    }) : () -> ()
    %run_scoped3A_79 = arith.constant 156 : i32
    "tpu.region"() ({
      %run_scoped3A_187 = tpu.sem_alloc : memref<!tpu.dma_semaphore, #tpu.memory_space<semaphore_mem>>
      %dma_start3A_188 = arith.constant 0 : i32
      %dma_start3A_189 = tpu.memref_slice %arg8[%run_scoped3A_79, %dma_start3A_188] : memref<157x128xi32, #tpu.memory_space<vmem>> -> memref<1x128xi32, #tpu.memory_space<vmem>>
      %dma_start3A_190 = tpu.memref_squeeze %dma_start3A_189 : memref<1x128xi32, #tpu.memory_space<vmem>> -> memref<128xi32, #tpu.memory_space<vmem>>
      %dma_start3A_191 = arith.constant 0 : i32
      %dma_start3A_192 = arith.constant 0 : i32
      %dma_start3A_193 = tpu.memref_slice %arg15[%dma_start3A_191, %dma_start3A_192] : memref<10240x16xf32, #tpu.memory_space<vmem_shared>> -> memref<10240x16xf32, #tpu.memory_space<vmem_shared>>
      tpu.enqueue_indirect_dma source(%arg13 : memref<128x16xf32, #tpu.memory_space<vmem>>) target(%dma_start3A_193 : memref<10240x16xf32, #tpu.memory_space<vmem_shared>>) offsets(%dma_start3A_190 : memref<128xi32, #tpu.memory_space<vmem>>) semaphore(%run_scoped3A_187 : memref<!tpu.dma_semaphore, #tpu.memory_space<semaphore_mem>>) {add = true}
      %dma_wait3A_194 = arith.constant 0 : i32
      %dma_wait3A_195 = tpu.memref_slice %arg8[%run_scoped3A_79, %dma_wait3A_194] : memref<157x128xi32, #tpu.memory_space<vmem>> -> memref<1x128xi32, #tpu.memory_space<vmem>>
      %dma_wait3A_196 = tpu.memref_squeeze %dma_wait3A_195 : memref<1x128xi32, #tpu.memory_space<vmem>> -> memref<128xi32, #tpu.memory_space<vmem>>
      %dma_wait3A_197 = arith.constant 0 : i32
      %dma_wait3A_198 = arith.constant 0 : i32
      %dma_wait3A_199 = tpu.memref_slice %arg15[%dma_wait3A_197, %dma_wait3A_198] : memref<10240x16xf32, #tpu.memory_space<vmem_shared>> -> memref<10240x16xf32, #tpu.memory_space<vmem_shared>>
      tpu.wait_indirect_dma semaphore(%run_scoped3A_187 : memref<!tpu.dma_semaphore, #tpu.memory_space<semaphore_mem>>) src(%arg13 : memref<128x16xf32, #tpu.memory_space<vmem>>) dst(%dma_wait3A_199 : memref<10240x16xf32, #tpu.memory_space<vmem_shared>>)
      tpu.yield
    }) : () -> ()
    %barrier3A_80 = arith.constant 0 : index
    tpu.barrier barrier_id(%barrier3A_80)
    %add3A_81 = arith.constant 0 : i32
    %add3A_82 = arith.addi %mul3A_3, %add3A_81 : i32
    "tpu.region"() ({
      %run_scoped3A_187 = tpu.sem_alloc : memref<!tpu.dma_semaphore, #tpu.memory_space<semaphore_mem>>
      %dma_start3A_188 = arith.constant 0 : i32
      %dma_start3A_189 = tpu.memref_slice %arg14[%add3A_82, %dma_start3A_188] : memref<10240x64xf32, #tpu.memory_space<vmem_shared>> -> memref<128x64xf32, #tpu.memory_space<vmem_shared>>
      %dma_start3A_190 = arith.constant 0 : i32
      %dma_start3A_191 = tpu.memref_slice %arg14[%add3A_82, %dma_start3A_190] : memref<10240x64xf32, #tpu.memory_space<vmem_shared>> -> memref<128x64xf32, #tpu.memory_space<vmem_shared>>
      tpu.enqueue_dma source(%dma_start3A_191 : memref<128x64xf32, #tpu.memory_space<vmem_shared>>) target(%arg9 : memref<128x64xf32, #tpu.memory_space<vmem>>) target_semaphore(%run_scoped3A_187 : memref<!tpu.dma_semaphore, #tpu.memory_space<semaphore_mem>>)
      %dma_wait3A_192 = arith.constant 0 : i32
      %dma_wait3A_193 = tpu.memref_slice %arg14[%add3A_82, %dma_wait3A_192] : memref<10240x64xf32, #tpu.memory_space<vmem_shared>> -> memref<128x64xf32, #tpu.memory_space<vmem_shared>>
      %dma_wait3A_194 = arith.constant 0 : i32
      %dma_wait3A_195 = tpu.memref_slice %arg14[%add3A_82, %dma_wait3A_194] : memref<10240x64xf32, #tpu.memory_space<vmem_shared>> -> memref<128x64xf32, #tpu.memory_space<vmem_shared>>
      tpu.wait_dma2 semaphore(%run_scoped3A_187 : memref<!tpu.dma_semaphore, #tpu.memory_space<semaphore_mem>>) src(%dma_wait3A_195 : memref<128x64xf32, #tpu.memory_space<vmem_shared>>) dst(%arg9 : memref<128x64xf32, #tpu.memory_space<vmem>>)
      tpu.yield
    }) : () -> ()
    %add3A_83 = arith.constant 0 : i32
    %add3A_84 = arith.addi %mul3A_3, %add3A_83 : i32
    "tpu.region"() ({
      %run_scoped3A_187 = tpu.sem_alloc : memref<!tpu.dma_semaphore, #tpu.memory_space<semaphore_mem>>
      %dma_start3A_188 = arith.constant 0 : i32
      %dma_start3A_189 = tpu.memref_slice %arg5[%arg0, %add3A_84, %dma_start3A_188] : memref<2x10240x128xf32, #tpu.memory_space<hbm>> -> memref<1x128x64xf32, #tpu.memory_space<hbm>>
      %dma_start3A_190 = tpu.memref_squeeze %dma_start3A_189 : memref<1x128x64xf32, #tpu.memory_space<hbm>> -> memref<128x64xf32, #tpu.memory_space<hbm>>
      %dma_start3A_191 = arith.constant 0 : i32
      %dma_start3A_192 = tpu.memref_slice %arg5[%arg0, %add3A_84, %dma_start3A_191] : memref<2x10240x128xf32, #tpu.memory_space<hbm>> -> memref<1x128x64xf32, #tpu.memory_space<hbm>>
      %dma_start3A_193 = tpu.memref_squeeze %dma_start3A_192 : memref<1x128x64xf32, #tpu.memory_space<hbm>> -> memref<128x64xf32, #tpu.memory_space<hbm>>
      tpu.enqueue_dma source(%arg9 : memref<128x64xf32, #tpu.memory_space<vmem>>) target(%dma_start3A_193 : memref<128x64xf32, #tpu.memory_space<hbm>>) target_semaphore(%run_scoped3A_187 : memref<!tpu.dma_semaphore, #tpu.memory_space<semaphore_mem>>)
      %dma_wait3A_194 = arith.constant 0 : i32
      %dma_wait3A_195 = tpu.memref_slice %arg5[%arg0, %add3A_84, %dma_wait3A_194] : memref<2x10240x128xf32, #tpu.memory_space<hbm>> -> memref<1x128x64xf32, #tpu.memory_space<hbm>>
      %dma_wait3A_196 = tpu.memref_squeeze %dma_wait3A_195 : memref<1x128x64xf32, #tpu.memory_space<hbm>> -> memref<128x64xf32, #tpu.memory_space<hbm>>
      %dma_wait3A_197 = arith.constant 0 : i32
      %dma_wait3A_198 = tpu.memref_slice %arg5[%arg0, %add3A_84, %dma_wait3A_197] : memref<2x10240x128xf32, #tpu.memory_space<hbm>> -> memref<1x128x64xf32, #tpu.memory_space<hbm>>
      %dma_wait3A_199 = tpu.memref_squeeze %dma_wait3A_198 : memref<1x128x64xf32, #tpu.memory_space<hbm>> -> memref<128x64xf32, #tpu.memory_space<hbm>>
      tpu.wait_dma2 semaphore(%run_scoped3A_187 : memref<!tpu.dma_semaphore, #tpu.memory_space<semaphore_mem>>) src(%arg9 : memref<128x64xf32, #tpu.memory_space<vmem>>) dst(%dma_wait3A_199 : memref<128x64xf32, #tpu.memory_space<hbm>>)
      tpu.yield
    }) : () -> ()
    %add3A_85 = arith.constant 128 : i32
    %add3A_86 = arith.addi %mul3A_3, %add3A_85 : i32
    "tpu.region"() ({
      %run_scoped3A_187 = tpu.sem_alloc : memref<!tpu.dma_semaphore, #tpu.memory_space<semaphore_mem>>
      %dma_start3A_188 = arith.constant 0 : i32
      %dma_start3A_189 = tpu.memref_slice %arg14[%add3A_86, %dma_start3A_188] : memref<10240x64xf32, #tpu.memory_space<vmem_shared>> -> memref<128x64xf32, #tpu.memory_space<vmem_shared>>
      %dma_start3A_190 = arith.constant 0 : i32
      %dma_start3A_191 = tpu.memref_slice %arg14[%add3A_86, %dma_start3A_190] : memref<10240x64xf32, #tpu.memory_space<vmem_shared>> -> memref<128x64xf32, #tpu.memory_space<vmem_shared>>
      tpu.enqueue_dma source(%dma_start3A_191 : memref<128x64xf32, #tpu.memory_space<vmem_shared>>) target(%arg9 : memref<128x64xf32, #tpu.memory_space<vmem>>) target_semaphore(%run_scoped3A_187 : memref<!tpu.dma_semaphore, #tpu.memory_space<semaphore_mem>>)
      %dma_wait3A_192 = arith.constant 0 : i32
      %dma_wait3A_193 = tpu.memref_slice %arg14[%add3A_86, %dma_wait3A_192] : memref<10240x64xf32, #tpu.memory_space<vmem_shared>> -> memref<128x64xf32, #tpu.memory_space<vmem_shared>>
      %dma_wait3A_194 = arith.constant 0 : i32
      %dma_wait3A_195 = tpu.memref_slice %arg14[%add3A_86, %dma_wait3A_194] : memref<10240x64xf32, #tpu.memory_space<vmem_shared>> -> memref<128x64xf32, #tpu.memory_space<vmem_shared>>
      tpu.wait_dma2 semaphore(%run_scoped3A_187 : memref<!tpu.dma_semaphore, #tpu.memory_space<semaphore_mem>>) src(%dma_wait3A_195 : memref<128x64xf32, #tpu.memory_space<vmem_shared>>) dst(%arg9 : memref<128x64xf32, #tpu.memory_space<vmem>>)
      tpu.yield
    }) : () -> ()
    %add3A_87 = arith.constant 128 : i32
    %add3A_88 = arith.addi %mul3A_3, %add3A_87 : i32
    "tpu.region"() ({
      %run_scoped3A_187 = tpu.sem_alloc : memref<!tpu.dma_semaphore, #tpu.memory_space<semaphore_mem>>
      %dma_start3A_188 = arith.constant 0 : i32
      %dma_start3A_189 = tpu.memref_slice %arg5[%arg0, %add3A_88, %dma_start3A_188] : memref<2x10240x128xf32, #tpu.memory_space<hbm>> -> memref<1x128x64xf32, #tpu.memory_space<hbm>>
      %dma_start3A_190 = tpu.memref_squeeze %dma_start3A_189 : memref<1x128x64xf32, #tpu.memory_space<hbm>> -> memref<128x64xf32, #tpu.memory_space<hbm>>
      %dma_start3A_191 = arith.constant 0 : i32
      %dma_start3A_192 = tpu.memref_slice %arg5[%arg0, %add3A_88, %dma_start3A_191] : memref<2x10240x128xf32, #tpu.memory_space<hbm>> -> memref<1x128x64xf32, #tpu.memory_space<hbm>>
      %dma_start3A_193 = tpu.memref_squeeze %dma_start3A_192 : memref<1x128x64xf32, #tpu.memory_space<hbm>> -> memref<128x64xf32, #tpu.memory_space<hbm>>
      tpu.enqueue_dma source(%arg9 : memref<128x64xf32, #tpu.memory_space<vmem>>) target(%dma_start3A_193 : memref<128x64xf32, #tpu.memory_space<hbm>>) target_semaphore(%run_scoped3A_187 : memref<!tpu.dma_semaphore, #tpu.memory_space<semaphore_mem>>)
      %dma_wait3A_194 = arith.constant 0 : i32
      %dma_wait3A_195 = tpu.memref_slice %arg5[%arg0, %add3A_88, %dma_wait3A_194] : memref<2x10240x128xf32, #tpu.memory_space<hbm>> -> memref<1x128x64xf32, #tpu.memory_space<hbm>>
      %dma_wait3A_196 = tpu.memref_squeeze %dma_wait3A_195 : memref<1x128x64xf32, #tpu.memory_space<hbm>> -> memref<128x64xf32, #tpu.memory_space<hbm>>
      %dma_wait3A_197 = arith.constant 0 : i32
      %dma_wait3A_198 = tpu.memref_slice %arg5[%arg0, %add3A_88, %dma_wait3A_197] : memref<2x10240x128xf32, #tpu.memory_space<hbm>> -> memref<1x128x64xf32, #tpu.memory_space<hbm>>
      %dma_wait3A_199 = tpu.memref_squeeze %dma_wait3A_198 : memref<1x128x64xf32, #tpu.memory_space<hbm>> -> memref<128x64xf32, #tpu.memory_space<hbm>>
      tpu.wait_dma2 semaphore(%run_scoped3A_187 : memref<!tpu.dma_semaphore, #tpu.memory_space<semaphore_mem>>) src(%arg9 : memref<128x64xf32, #tpu.memory_space<vmem>>) dst(%dma_wait3A_199 : memref<128x64xf32, #tpu.memory_space<hbm>>)
      tpu.yield
    }) : () -> ()
    %add3A_89 = arith.constant 256 : i32
    %add3A_90 = arith.addi %mul3A_3, %add3A_89 : i32
    "tpu.region"() ({
      %run_scoped3A_187 = tpu.sem_alloc : memref<!tpu.dma_semaphore, #tpu.memory_space<semaphore_mem>>
      %dma_start3A_188 = arith.constant 0 : i32
      %dma_start3A_189 = tpu.memref_slice %arg14[%add3A_90, %dma_start3A_188] : memref<10240x64xf32, #tpu.memory_space<vmem_shared>> -> memref<128x64xf32, #tpu.memory_space<vmem_shared>>
      %dma_start3A_190 = arith.constant 0 : i32
      %dma_start3A_191 = tpu.memref_slice %arg14[%add3A_90, %dma_start3A_190] : memref<10240x64xf32, #tpu.memory_space<vmem_shared>> -> memref<128x64xf32, #tpu.memory_space<vmem_shared>>
      tpu.enqueue_dma source(%dma_start3A_191 : memref<128x64xf32, #tpu.memory_space<vmem_shared>>) target(%arg9 : memref<128x64xf32, #tpu.memory_space<vmem>>) target_semaphore(%run_scoped3A_187 : memref<!tpu.dma_semaphore, #tpu.memory_space<semaphore_mem>>)
      %dma_wait3A_192 = arith.constant 0 : i32
      %dma_wait3A_193 = tpu.memref_slice %arg14[%add3A_90, %dma_wait3A_192] : memref<10240x64xf32, #tpu.memory_space<vmem_shared>> -> memref<128x64xf32, #tpu.memory_space<vmem_shared>>
      %dma_wait3A_194 = arith.constant 0 : i32
      %dma_wait3A_195 = tpu.memref_slice %arg14[%add3A_90, %dma_wait3A_194] : memref<10240x64xf32, #tpu.memory_space<vmem_shared>> -> memref<128x64xf32, #tpu.memory_space<vmem_shared>>
      tpu.wait_dma2 semaphore(%run_scoped3A_187 : memref<!tpu.dma_semaphore, #tpu.memory_space<semaphore_mem>>) src(%dma_wait3A_195 : memref<128x64xf32, #tpu.memory_space<vmem_shared>>) dst(%arg9 : memref<128x64xf32, #tpu.memory_space<vmem>>)
      tpu.yield
    }) : () -> ()
    %add3A_91 = arith.constant 256 : i32
    %add3A_92 = arith.addi %mul3A_3, %add3A_91 : i32
    "tpu.region"() ({
      %run_scoped3A_187 = tpu.sem_alloc : memref<!tpu.dma_semaphore, #tpu.memory_space<semaphore_mem>>
      %dma_start3A_188 = arith.constant 0 : i32
      %dma_start3A_189 = tpu.memref_slice %arg5[%arg0, %add3A_92, %dma_start3A_188] : memref<2x10240x128xf32, #tpu.memory_space<hbm>> -> memref<1x128x64xf32, #tpu.memory_space<hbm>>
      %dma_start3A_190 = tpu.memref_squeeze %dma_start3A_189 : memref<1x128x64xf32, #tpu.memory_space<hbm>> -> memref<128x64xf32, #tpu.memory_space<hbm>>
      %dma_start3A_191 = arith.constant 0 : i32
      %dma_start3A_192 = tpu.memref_slice %arg5[%arg0, %add3A_92, %dma_start3A_191] : memref<2x10240x128xf32, #tpu.memory_space<hbm>> -> memref<1x128x64xf32, #tpu.memory_space<hbm>>
      %dma_start3A_193 = tpu.memref_squeeze %dma_start3A_192 : memref<1x128x64xf32, #tpu.memory_space<hbm>> -> memref<128x64xf32, #tpu.memory_space<hbm>>
      tpu.enqueue_dma source(%arg9 : memref<128x64xf32, #tpu.memory_space<vmem>>) target(%dma_start3A_193 : memref<128x64xf32, #tpu.memory_space<hbm>>) target_semaphore(%run_scoped3A_187 : memref<!tpu.dma_semaphore, #tpu.memory_space<semaphore_mem>>)
      %dma_wait3A_194 = arith.constant 0 : i32
      %dma_wait3A_195 = tpu.memref_slice %arg5[%arg0, %add3A_92, %dma_wait3A_194] : memref<2x10240x128xf32, #tpu.memory_space<hbm>> -> memref<1x128x64xf32, #tpu.memory_space<hbm>>
      %dma_wait3A_196 = tpu.memref_squeeze %dma_wait3A_195 : memref<1x128x64xf32, #tpu.memory_space<hbm>> -> memref<128x64xf32, #tpu.memory_space<hbm>>
      %dma_wait3A_197 = arith.constant 0 : i32
      %dma_wait3A_198 = tpu.memref_slice %arg5[%arg0, %add3A_92, %dma_wait3A_197] : memref<2x10240x128xf32, #tpu.memory_space<hbm>> -> memref<1x128x64xf32, #tpu.memory_space<hbm>>
      %dma_wait3A_199 = tpu.memref_squeeze %dma_wait3A_198 : memref<1x128x64xf32, #tpu.memory_space<hbm>> -> memref<128x64xf32, #tpu.memory_space<hbm>>
      tpu.wait_dma2 semaphore(%run_scoped3A_187 : memref<!tpu.dma_semaphore, #tpu.memory_space<semaphore_mem>>) src(%arg9 : memref<128x64xf32, #tpu.memory_space<vmem>>) dst(%dma_wait3A_199 : memref<128x64xf32, #tpu.memory_space<hbm>>)
      tpu.yield
    }) : () -> ()
    %add3A_93 = arith.constant 384 : i32
    %add3A_94 = arith.addi %mul3A_3, %add3A_93 : i32
    "tpu.region"() ({
      %run_scoped3A_187 = tpu.sem_alloc : memref<!tpu.dma_semaphore, #tpu.memory_space<semaphore_mem>>
      %dma_start3A_188 = arith.constant 0 : i32
      %dma_start3A_189 = tpu.memref_slice %arg14[%add3A_94, %dma_start3A_188] : memref<10240x64xf32, #tpu.memory_space<vmem_shared>> -> memref<128x64xf32, #tpu.memory_space<vmem_shared>>
      %dma_start3A_190 = arith.constant 0 : i32
      %dma_start3A_191 = tpu.memref_slice %arg14[%add3A_94, %dma_start3A_190] : memref<10240x64xf32, #tpu.memory_space<vmem_shared>> -> memref<128x64xf32, #tpu.memory_space<vmem_shared>>
      tpu.enqueue_dma source(%dma_start3A_191 : memref<128x64xf32, #tpu.memory_space<vmem_shared>>) target(%arg9 : memref<128x64xf32, #tpu.memory_space<vmem>>) target_semaphore(%run_scoped3A_187 : memref<!tpu.dma_semaphore, #tpu.memory_space<semaphore_mem>>)
      %dma_wait3A_192 = arith.constant 0 : i32
      %dma_wait3A_193 = tpu.memref_slice %arg14[%add3A_94, %dma_wait3A_192] : memref<10240x64xf32, #tpu.memory_space<vmem_shared>> -> memref<128x64xf32, #tpu.memory_space<vmem_shared>>
      %dma_wait3A_194 = arith.constant 0 : i32
      %dma_wait3A_195 = tpu.memref_slice %arg14[%add3A_94, %dma_wait3A_194] : memref<10240x64xf32, #tpu.memory_space<vmem_shared>> -> memref<128x64xf32, #tpu.memory_space<vmem_shared>>
      tpu.wait_dma2 semaphore(%run_scoped3A_187 : memref<!tpu.dma_semaphore, #tpu.memory_space<semaphore_mem>>) src(%dma_wait3A_195 : memref<128x64xf32, #tpu.memory_space<vmem_shared>>) dst(%arg9 : memref<128x64xf32, #tpu.memory_space<vmem>>)
      tpu.yield
    }) : () -> ()
    %add3A_95 = arith.constant 384 : i32
    %add3A_96 = arith.addi %mul3A_3, %add3A_95 : i32
    "tpu.region"() ({
      %run_scoped3A_187 = tpu.sem_alloc : memref<!tpu.dma_semaphore, #tpu.memory_space<semaphore_mem>>
      %dma_start3A_188 = arith.constant 0 : i32
      %dma_start3A_189 = tpu.memref_slice %arg5[%arg0, %add3A_96, %dma_start3A_188] : memref<2x10240x128xf32, #tpu.memory_space<hbm>> -> memref<1x128x64xf32, #tpu.memory_space<hbm>>
      %dma_start3A_190 = tpu.memref_squeeze %dma_start3A_189 : memref<1x128x64xf32, #tpu.memory_space<hbm>> -> memref<128x64xf32, #tpu.memory_space<hbm>>
      %dma_start3A_191 = arith.constant 0 : i32
      %dma_start3A_192 = tpu.memref_slice %arg5[%arg0, %add3A_96, %dma_start3A_191] : memref<2x10240x128xf32, #tpu.memory_space<hbm>> -> memref<1x128x64xf32, #tpu.memory_space<hbm>>
      %dma_start3A_193 = tpu.memref_squeeze %dma_start3A_192 : memref<1x128x64xf32, #tpu.memory_space<hbm>> -> memref<128x64xf32, #tpu.memory_space<hbm>>
      tpu.enqueue_dma source(%arg9 : memref<128x64xf32, #tpu.memory_space<vmem>>) target(%dma_start3A_193 : memref<128x64xf32, #tpu.memory_space<hbm>>) target_semaphore(%run_scoped3A_187 : memref<!tpu.dma_semaphore, #tpu.memory_space<semaphore_mem>>)
      %dma_wait3A_194 = arith.constant 0 : i32
      %dma_wait3A_195 = tpu.memref_slice %arg5[%arg0, %add3A_96, %dma_wait3A_194] : memref<2x10240x128xf32, #tpu.memory_space<hbm>> -> memref<1x128x64xf32, #tpu.memory_space<hbm>>
      %dma_wait3A_196 = tpu.memref_squeeze %dma_wait3A_195 : memref<1x128x64xf32, #tpu.memory_space<hbm>> -> memref<128x64xf32, #tpu.memory_space<hbm>>
      %dma_wait3A_197 = arith.constant 0 : i32
      %dma_wait3A_198 = tpu.memref_slice %arg5[%arg0, %add3A_96, %dma_wait3A_197] : memref<2x10240x128xf32, #tpu.memory_space<hbm>> -> memref<1x128x64xf32, #tpu.memory_space<hbm>>
      %dma_wait3A_199 = tpu.memref_squeeze %dma_wait3A_198 : memref<1x128x64xf32, #tpu.memory_space<hbm>> -> memref<128x64xf32, #tpu.memory_space<hbm>>
      tpu.wait_dma2 semaphore(%run_scoped3A_187 : memref<!tpu.dma_semaphore, #tpu.memory_space<semaphore_mem>>) src(%arg9 : memref<128x64xf32, #tpu.memory_space<vmem>>) dst(%dma_wait3A_199 : memref<128x64xf32, #tpu.memory_space<hbm>>)
      tpu.yield
    }) : () -> ()
    %add3A_97 = arith.constant 512 : i32
    %add3A_98 = arith.addi %mul3A_3, %add3A_97 : i32
    "tpu.region"() ({
      %run_scoped3A_187 = tpu.sem_alloc : memref<!tpu.dma_semaphore, #tpu.memory_space<semaphore_mem>>
      %dma_start3A_188 = arith.constant 0 : i32
      %dma_start3A_189 = tpu.memref_slice %arg14[%add3A_98, %dma_start3A_188] : memref<10240x64xf32, #tpu.memory_space<vmem_shared>> -> memref<128x64xf32, #tpu.memory_space<vmem_shared>>
      %dma_start3A_190 = arith.constant 0 : i32
      %dma_start3A_191 = tpu.memref_slice %arg14[%add3A_98, %dma_start3A_190] : memref<10240x64xf32, #tpu.memory_space<vmem_shared>> -> memref<128x64xf32, #tpu.memory_space<vmem_shared>>
      tpu.enqueue_dma source(%dma_start3A_191 : memref<128x64xf32, #tpu.memory_space<vmem_shared>>) target(%arg9 : memref<128x64xf32, #tpu.memory_space<vmem>>) target_semaphore(%run_scoped3A_187 : memref<!tpu.dma_semaphore, #tpu.memory_space<semaphore_mem>>)
      %dma_wait3A_192 = arith.constant 0 : i32
      %dma_wait3A_193 = tpu.memref_slice %arg14[%add3A_98, %dma_wait3A_192] : memref<10240x64xf32, #tpu.memory_space<vmem_shared>> -> memref<128x64xf32, #tpu.memory_space<vmem_shared>>
      %dma_wait3A_194 = arith.constant 0 : i32
      %dma_wait3A_195 = tpu.memref_slice %arg14[%add3A_98, %dma_wait3A_194] : memref<10240x64xf32, #tpu.memory_space<vmem_shared>> -> memref<128x64xf32, #tpu.memory_space<vmem_shared>>
      tpu.wait_dma2 semaphore(%run_scoped3A_187 : memref<!tpu.dma_semaphore, #tpu.memory_space<semaphore_mem>>) src(%dma_wait3A_195 : memref<128x64xf32, #tpu.memory_space<vmem_shared>>) dst(%arg9 : memref<128x64xf32, #tpu.memory_space<vmem>>)
      tpu.yield
    }) : () -> ()
    %add3A_99 = arith.constant 512 : i32
    %add3A_100 = arith.addi %mul3A_3, %add3A_99 : i32
    "tpu.region"() ({
      %run_scoped3A_187 = tpu.sem_alloc : memref<!tpu.dma_semaphore, #tpu.memory_space<semaphore_mem>>
      %dma_start3A_188 = arith.constant 0 : i32
      %dma_start3A_189 = tpu.memref_slice %arg5[%arg0, %add3A_100, %dma_start3A_188] : memref<2x10240x128xf32, #tpu.memory_space<hbm>> -> memref<1x128x64xf32, #tpu.memory_space<hbm>>
      %dma_start3A_190 = tpu.memref_squeeze %dma_start3A_189 : memref<1x128x64xf32, #tpu.memory_space<hbm>> -> memref<128x64xf32, #tpu.memory_space<hbm>>
      %dma_start3A_191 = arith.constant 0 : i32
      %dma_start3A_192 = tpu.memref_slice %arg5[%arg0, %add3A_100, %dma_start3A_191] : memref<2x10240x128xf32, #tpu.memory_space<hbm>> -> memref<1x128x64xf32, #tpu.memory_space<hbm>>
      %dma_start3A_193 = tpu.memref_squeeze %dma_start3A_192 : memref<1x128x64xf32, #tpu.memory_space<hbm>> -> memref<128x64xf32, #tpu.memory_space<hbm>>
      tpu.enqueue_dma source(%arg9 : memref<128x64xf32, #tpu.memory_space<vmem>>) target(%dma_start3A_193 : memref<128x64xf32, #tpu.memory_space<hbm>>) target_semaphore(%run_scoped3A_187 : memref<!tpu.dma_semaphore, #tpu.memory_space<semaphore_mem>>)
      %dma_wait3A_194 = arith.constant 0 : i32
      %dma_wait3A_195 = tpu.memref_slice %arg5[%arg0, %add3A_100, %dma_wait3A_194] : memref<2x10240x128xf32, #tpu.memory_space<hbm>> -> memref<1x128x64xf32, #tpu.memory_space<hbm>>
      %dma_wait3A_196 = tpu.memref_squeeze %dma_wait3A_195 : memref<1x128x64xf32, #tpu.memory_space<hbm>> -> memref<128x64xf32, #tpu.memory_space<hbm>>
      %dma_wait3A_197 = arith.constant 0 : i32
      %dma_wait3A_198 = tpu.memref_slice %arg5[%arg0, %add3A_100, %dma_wait3A_197] : memref<2x10240x128xf32, #tpu.memory_space<hbm>> -> memref<1x128x64xf32, #tpu.memory_space<hbm>>
      %dma_wait3A_199 = tpu.memref_squeeze %dma_wait3A_198 : memref<1x128x64xf32, #tpu.memory_space<hbm>> -> memref<128x64xf32, #tpu.memory_space<hbm>>
      tpu.wait_dma2 semaphore(%run_scoped3A_187 : memref<!tpu.dma_semaphore, #tpu.memory_space<semaphore_mem>>) src(%arg9 : memref<128x64xf32, #tpu.memory_space<vmem>>) dst(%dma_wait3A_199 : memref<128x64xf32, #tpu.memory_space<hbm>>)
      tpu.yield
    }) : () -> ()
    "tpu.region"() ({
      %run_scoped3A_187 = tpu.sem_alloc : memref<!tpu.dma_semaphore, #tpu.memory_space<semaphore_mem>>
      %dma_start3A_188 = arith.constant 0 : i32
      %dma_start3A_189 = tpu.memref_slice %arg6[%arg0, %mul3A_3, %dma_start3A_188] : memref<2x10240x16xf32, #tpu.memory_space<hbm>> -> memref<1x640x16xf32, #tpu.memory_space<hbm>>
      %dma_start3A_190 = tpu.memref_squeeze %dma_start3A_189 : memref<1x640x16xf32, #tpu.memory_space<hbm>> -> memref<640x16xf32, #tpu.memory_space<hbm>>
      %dma_start3A_191 = arith.constant 0 : i32
      %dma_start3A_192 = tpu.memref_slice %arg15[%mul3A_3, %dma_start3A_191] : memref<10240x16xf32, #tpu.memory_space<vmem_shared>> -> memref<640x16xf32, #tpu.memory_space<vmem_shared>>
      tpu.enqueue_dma source(%dma_start3A_192 : memref<640x16xf32, #tpu.memory_space<vmem_shared>>) target(%dma_start3A_190 : memref<640x16xf32, #tpu.memory_space<hbm>>) target_semaphore(%run_scoped3A_187 : memref<!tpu.dma_semaphore, #tpu.memory_space<semaphore_mem>>)
      %dma_wait3A_193 = arith.constant 0 : i32
      %dma_wait3A_194 = tpu.memref_slice %arg6[%arg0, %mul3A_3, %dma_wait3A_193] : memref<2x10240x16xf32, #tpu.memory_space<hbm>> -> memref<1x640x16xf32, #tpu.memory_space<hbm>>
      %dma_wait3A_195 = tpu.memref_squeeze %dma_wait3A_194 : memref<1x640x16xf32, #tpu.memory_space<hbm>> -> memref<640x16xf32, #tpu.memory_space<hbm>>
      %dma_wait3A_196 = arith.constant 0 : i32
      %dma_wait3A_197 = tpu.memref_slice %arg15[%mul3A_3, %dma_wait3A_196] : memref<10240x16xf32, #tpu.memory_space<vmem_shared>> -> memref<640x16xf32, #tpu.memory_space<vmem_shared>>
      tpu.wait_dma2 semaphore(%run_scoped3A_187 : memref<!tpu.dma_semaphore, #tpu.memory_space<semaphore_mem>>) src(%dma_wait3A_197 : memref<640x16xf32, #tpu.memory_space<vmem_shared>>) dst(%dma_wait3A_195 : memref<640x16xf32, #tpu.memory_space<hbm>>)
      tpu.yield
    }) : () -> ()
    %scan3A_101 = arith.constant 0 : i32
    %scan3A_102 = arith.constant 0 : i32
    %scan3A_103 = arith.constant 157 : i32
    %scan3A_104 = arith.addi %scan3A_102, %scan3A_103 : i32
    %scan3A_105 = arith.constant 1 : i32
    scf.for %scan3A_187 = %scan3A_102 to %scan3A_104 step %scan3A_105  : i32 {
      %get3A = arith.index_cast %scan3A_187 : i32 to index
      %get3A_188 = arith.constant 0 : index
      %get3A_189 = tpu.vector_load %arg7[%get3A, %get3A_188] {strides = array<i32>} : memref<157x128xi32, #tpu.memory_space<vmem>>, vector<1x16xi32>,
      %get3A_190 = vector.shape_cast %get3A_189 : vector<1x16xi32> to vector<16xi32>
      %add3A_191 = arith.constant 1 : i32
      %add3A_192 = vector.broadcast %add3A_191 : i32 to vector<16xi32>
      %add3A_193 = arith.addi %get3A_190, %add3A_192 : vector<16xi32>
      %swap3A = arith.index_cast %scan3A_187 : i32 to index
      %swap3A_194 = arith.constant 0 : index
      %swap3A_195 = tpu.vector_load %arg7[%swap3A, %swap3A_194] {strides = array<i32>} : memref<157x128xi32, #tpu.memory_space<vmem>>, vector<1x16xi32>,
      %swap3A_196 = vector.shape_cast %swap3A_195 : vector<1x16xi32> to vector<16xi32>
      %swap3A_197 = vector.shape_cast %add3A_193 : vector<16xi32> to vector<1x16xi32>
      tpu.vector_store %arg7[%swap3A, %swap3A_194], %swap3A_197 {strides = array<i32>} : memref<157x128xi32, #tpu.memory_space<vmem>>, vector<1x16xi32>,
      %get3A_198 = arith.index_cast %scan3A_187 : i32 to index
      %get3A_199 = arith.constant 16 : index
      %get3A_200 = tpu.vector_load %arg7[%get3A_198, %get3A_199] {strides = array<i32>} : memref<157x128xi32, #tpu.memory_space<vmem>>, vector<1x16xi32>,
      %get3A_201 = vector.shape_cast %get3A_200 : vector<1x16xi32> to vector<16xi32>
      %add3A_202 = arith.constant 1 : i32
      %add3A_203 = vector.broadcast %add3A_202 : i32 to vector<16xi32>
      %add3A_204 = arith.addi %get3A_201, %add3A_203 : vector<16xi32>
      %swap3A_205 = arith.index_cast %scan3A_187 : i32 to index
      %swap3A_206 = arith.constant 16 : index
      %swap3A_207 = tpu.vector_load %arg7[%swap3A_205, %swap3A_206] {strides = array<i32>} : memref<157x128xi32, #tpu.memory_space<vmem>>, vector<1x16xi32>,
      %swap3A_208 = vector.shape_cast %swap3A_207 : vector<1x16xi32> to vector<16xi32>
      %swap3A_209 = vector.shape_cast %add3A_204 : vector<16xi32> to vector<1x16xi32>
      tpu.vector_store %arg7[%swap3A_205, %swap3A_206], %swap3A_209 {strides = array<i32>} : memref<157x128xi32, #tpu.memory_space<vmem>>, vector<1x16xi32>,
      %get3A_210 = arith.index_cast %scan3A_187 : i32 to index
      %get3A_211 = arith.constant 32 : index
      %get3A_212 = tpu.vector_load %arg7[%get3A_210, %get3A_211] {strides = array<i32>} : memref<157x128xi32, #tpu.memory_space<vmem>>, vector<1x16xi32>,
      %get3A_213 = vector.shape_cast %get3A_212 : vector<1x16xi32> to vector<16xi32>
      %add3A_214 = arith.constant 1 : i32
      %add3A_215 = vector.broadcast %add3A_214 : i32 to vector<16xi32>
      %add3A_216 = arith.addi %get3A_213, %add3A_215 : vector<16xi32>
      %swap3A_217 = arith.index_cast %scan3A_187 : i32 to index
      %swap3A_218 = arith.constant 32 : index
      %swap3A_219 = tpu.vector_load %arg7[%swap3A_217, %swap3A_218] {strides = array<i32>} : memref<157x128xi32, #tpu.memory_space<vmem>>, vector<1x16xi32>,
      %swap3A_220 = vector.shape_cast %swap3A_219 : vector<1x16xi32> to vector<16xi32>
      %swap3A_221 = vector.shape_cast %add3A_216 : vector<16xi32> to vector<1x16xi32>
      tpu.vector_store %arg7[%swap3A_217, %swap3A_218], %swap3A_221 {strides = array<i32>} : memref<157x128xi32, #tpu.memory_space<vmem>>, vector<1x16xi32>,
      %get3A_222 = arith.index_cast %scan3A_187 : i32 to index
      %get3A_223 = arith.constant 48 : index
      %get3A_224 = tpu.vector_load %arg7[%get3A_222, %get3A_223] {strides = array<i32>} : memref<157x128xi32, #tpu.memory_space<vmem>>, vector<1x16xi32>,
      %get3A_225 = vector.shape_cast %get3A_224 : vector<1x16xi32> to vector<16xi32>
      %add3A_226 = arith.constant 1 : i32
      %add3A_227 = vector.broadcast %add3A_226 : i32 to vector<16xi32>
      %add3A_228 = arith.addi %get3A_225, %add3A_227 : vector<16xi32>
      %swap3A_229 = arith.index_cast %scan3A_187 : i32 to index
      %swap3A_230 = arith.constant 48 : index
      %swap3A_231 = tpu.vector_load %arg7[%swap3A_229, %swap3A_230] {strides = array<i32>} : memref<157x128xi32, #tpu.memory_space<vmem>>, vector<1x16xi32>,
      %swap3A_232 = vector.shape_cast %swap3A_231 : vector<1x16xi32> to vector<16xi32>
      %swap3A_233 = vector.shape_cast %add3A_228 : vector<16xi32> to vector<1x16xi32>
      tpu.vector_store %arg7[%swap3A_229, %swap3A_230], %swap3A_233 {strides = array<i32>} : memref<157x128xi32, #tpu.memory_space<vmem>>, vector<1x16xi32>,
      %get3A_234 = arith.index_cast %scan3A_187 : i32 to index
      %get3A_235 = arith.constant 64 : index
      %get3A_236 = tpu.vector_load %arg7[%get3A_234, %get3A_235] {strides = array<i32>} : memref<157x128xi32, #tpu.memory_space<vmem>>, vector<1x16xi32>,
      %get3A_237 = vector.shape_cast %get3A_236 : vector<1x16xi32> to vector<16xi32>
      %add3A_238 = arith.constant 1 : i32
      %add3A_239 = vector.broadcast %add3A_238 : i32 to vector<16xi32>
      %add3A_240 = arith.addi %get3A_237, %add3A_239 : vector<16xi32>
      %swap3A_241 = arith.index_cast %scan3A_187 : i32 to index
      %swap3A_242 = arith.constant 64 : index
      %swap3A_243 = tpu.vector_load %arg7[%swap3A_241, %swap3A_242] {strides = array<i32>} : memref<157x128xi32, #tpu.memory_space<vmem>>, vector<1x16xi32>,
      %swap3A_244 = vector.shape_cast %swap3A_243 : vector<1x16xi32> to vector<16xi32>
      %swap3A_245 = vector.shape_cast %add3A_240 : vector<16xi32> to vector<1x16xi32>
      tpu.vector_store %arg7[%swap3A_241, %swap3A_242], %swap3A_245 {strides = array<i32>} : memref<157x128xi32, #tpu.memory_space<vmem>>, vector<1x16xi32>,
      %get3A_246 = arith.index_cast %scan3A_187 : i32 to index
      %get3A_247 = arith.constant 80 : index
      %get3A_248 = tpu.vector_load %arg7[%get3A_246, %get3A_247] {strides = array<i32>} : memref<157x128xi32, #tpu.memory_space<vmem>>, vector<1x16xi32>,
      %get3A_249 = vector.shape_cast %get3A_248 : vector<1x16xi32> to vector<16xi32>
      %add3A_250 = arith.constant 1 : i32
      %add3A_251 = vector.broadcast %add3A_250 : i32 to vector<16xi32>
      %add3A_252 = arith.addi %get3A_249, %add3A_251 : vector<16xi32>
      %swap3A_253 = arith.index_cast %scan3A_187 : i32 to index
      %swap3A_254 = arith.constant 80 : index
      %swap3A_255 = tpu.vector_load %arg7[%swap3A_253, %swap3A_254] {strides = array<i32>} : memref<157x128xi32, #tpu.memory_space<vmem>>, vector<1x16xi32>,
      %swap3A_256 = vector.shape_cast %swap3A_255 : vector<1x16xi32> to vector<16xi32>
      %swap3A_257 = vector.shape_cast %add3A_252 : vector<16xi32> to vector<1x16xi32>
      tpu.vector_store %arg7[%swap3A_253, %swap3A_254], %swap3A_257 {strides = array<i32>} : memref<157x128xi32, #tpu.memory_space<vmem>>, vector<1x16xi32>,
      %get3A_258 = arith.index_cast %scan3A_187 : i32 to index
      %get3A_259 = arith.constant 96 : index
      %get3A_260 = tpu.vector_load %arg7[%get3A_258, %get3A_259] {strides = array<i32>} : memref<157x128xi32, #tpu.memory_space<vmem>>, vector<1x16xi32>,
      %get3A_261 = vector.shape_cast %get3A_260 : vector<1x16xi32> to vector<16xi32>
      %add3A_262 = arith.constant 1 : i32
      %add3A_263 = vector.broadcast %add3A_262 : i32 to vector<16xi32>
      %add3A_264 = arith.addi %get3A_261, %add3A_263 : vector<16xi32>
      %swap3A_265 = arith.index_cast %scan3A_187 : i32 to index
      %swap3A_266 = arith.constant 96 : index
      %swap3A_267 = tpu.vector_load %arg7[%swap3A_265, %swap3A_266] {strides = array<i32>} : memref<157x128xi32, #tpu.memory_space<vmem>>, vector<1x16xi32>,
      %swap3A_268 = vector.shape_cast %swap3A_267 : vector<1x16xi32> to vector<16xi32>
      %swap3A_269 = vector.shape_cast %add3A_264 : vector<16xi32> to vector<1x16xi32>
      tpu.vector_store %arg7[%swap3A_265, %swap3A_266], %swap3A_269 {strides = array<i32>} : memref<157x128xi32, #tpu.memory_space<vmem>>, vector<1x16xi32>,
      %get3A_270 = arith.index_cast %scan3A_187 : i32 to index
      %get3A_271 = arith.constant 112 : index
      %get3A_272 = tpu.vector_load %arg7[%get3A_270, %get3A_271] {strides = array<i32>} : memref<157x128xi32, #tpu.memory_space<vmem>>, vector<1x16xi32>,
      %get3A_273 = vector.shape_cast %get3A_272 : vector<1x16xi32> to vector<16xi32>
      %add3A_274 = arith.constant 1 : i32
      %add3A_275 = vector.broadcast %add3A_274 : i32 to vector<16xi32>
      %add3A_276 = arith.addi %get3A_273, %add3A_275 : vector<16xi32>
      %swap3A_277 = arith.index_cast %scan3A_187 : i32 to index
      %swap3A_278 = arith.constant 112 : index
      %swap3A_279 = tpu.vector_load %arg7[%swap3A_277, %swap3A_278] {strides = array<i32>} : memref<157x128xi32, #tpu.memory_space<vmem>>, vector<1x16xi32>,
      %swap3A_280 = vector.shape_cast %swap3A_279 : vector<1x16xi32> to vector<16xi32>
      %swap3A_281 = vector.shape_cast %add3A_276 : vector<16xi32> to vector<1x16xi32>
      tpu.vector_store %arg7[%swap3A_277, %swap3A_278], %swap3A_281 {strides = array<i32>} : memref<157x128xi32, #tpu.memory_space<vmem>>, vector<1x16xi32>,
    }
    %scan3A_106 = arith.constant 157 : i32
    %scan3A_107 = arith.constant 0 : i32
    %scan3A_108 = arith.constant 0 : i32
    %scan3A_109 = arith.constant 128 : i32
    %scan3A_110 = arith.addi %scan3A_108, %scan3A_109 : i32
    %scan3A_111 = arith.constant 1 : i32
    scf.for %scan3A_187 = %scan3A_108 to %scan3A_110 step %scan3A_111  : i32 {
      %swap3A = arith.index_cast %scan3A_187 : i32 to index
      %swap3A_188 = arith.constant 0 : index
      %swap3A_189 = tpu.vector_load %arg9[%swap3A, %swap3A_188] {strides = array<i32>} : memref<128x64xf32, #tpu.memory_space<vmem>>, vector<1x16xf32>,
      %swap3A_190 = vector.shape_cast %swap3A_189 : vector<1x16xf32> to vector<16xf32>
      %swap3A_191 = vector.shape_cast %broadcast_in_dim3A_0 : vector<16xf32> to vector<1x16xf32>
      tpu.vector_store %arg9[%swap3A, %swap3A_188], %swap3A_191 {strides = array<i32>} : memref<128x64xf32, #tpu.memory_space<vmem>>, vector<1x16xf32>,
      %swap3A_192 = arith.index_cast %scan3A_187 : i32 to index
      %swap3A_193 = arith.constant 16 : index
      %swap3A_194 = tpu.vector_load %arg9[%swap3A_192, %swap3A_193] {strides = array<i32>} : memref<128x64xf32, #tpu.memory_space<vmem>>, vector<1x16xf32>,
      %swap3A_195 = vector.shape_cast %swap3A_194 : vector<1x16xf32> to vector<16xf32>
      %swap3A_196 = vector.shape_cast %broadcast_in_dim3A_0 : vector<16xf32> to vector<1x16xf32>
      tpu.vector_store %arg9[%swap3A_192, %swap3A_193], %swap3A_196 {strides = array<i32>} : memref<128x64xf32, #tpu.memory_space<vmem>>, vector<1x16xf32>,
      %swap3A_197 = arith.index_cast %scan3A_187 : i32 to index
      %swap3A_198 = arith.constant 32 : index
      %swap3A_199 = tpu.vector_load %arg9[%swap3A_197, %swap3A_198] {strides = array<i32>} : memref<128x64xf32, #tpu.memory_space<vmem>>, vector<1x16xf32>,
      %swap3A_200 = vector.shape_cast %swap3A_199 : vector<1x16xf32> to vector<16xf32>
      %swap3A_201 = vector.shape_cast %broadcast_in_dim3A_0 : vector<16xf32> to vector<1x16xf32>
      tpu.vector_store %arg9[%swap3A_197, %swap3A_198], %swap3A_201 {strides = array<i32>} : memref<128x64xf32, #tpu.memory_space<vmem>>, vector<1x16xf32>,
      %swap3A_202 = arith.index_cast %scan3A_187 : i32 to index
      %swap3A_203 = arith.constant 48 : index
      %swap3A_204 = tpu.vector_load %arg9[%swap3A_202, %swap3A_203] {strides = array<i32>} : memref<128x64xf32, #tpu.memory_space<vmem>>, vector<1x16xf32>,
      %swap3A_205 = vector.shape_cast %swap3A_204 : vector<1x16xf32> to vector<16xf32>
      %swap3A_206 = vector.shape_cast %broadcast_in_dim3A_0 : vector<16xf32> to vector<1x16xf32>
      tpu.vector_store %arg9[%swap3A_202, %swap3A_203], %swap3A_206 {strides = array<i32>} : memref<128x64xf32, #tpu.memory_space<vmem>>, vector<1x16xf32>,
    }
    %scan3A_112 = arith.constant 128 : i32
    %add3A_113 = arith.constant 0 : i32
    %add3A_114 = arith.addi %mul3A_3, %add3A_113 : i32
    "tpu.region"() ({
      %run_scoped3A_187 = tpu.sem_alloc : memref<!tpu.dma_semaphore, #tpu.memory_space<semaphore_mem>>
      %dma_start3A_188 = arith.constant 0 : i32
      %dma_start3A_189 = tpu.memref_slice %arg14[%add3A_114, %dma_start3A_188] : memref<10240x64xf32, #tpu.memory_space<vmem_shared>> -> memref<128x64xf32, #tpu.memory_space<vmem_shared>>
      %dma_start3A_190 = arith.constant 0 : i32
      %dma_start3A_191 = tpu.memref_slice %arg14[%add3A_114, %dma_start3A_190] : memref<10240x64xf32, #tpu.memory_space<vmem_shared>> -> memref<128x64xf32, #tpu.memory_space<vmem_shared>>
      tpu.enqueue_dma source(%arg9 : memref<128x64xf32, #tpu.memory_space<vmem>>) target(%dma_start3A_191 : memref<128x64xf32, #tpu.memory_space<vmem_shared>>) target_semaphore(%run_scoped3A_187 : memref<!tpu.dma_semaphore, #tpu.memory_space<semaphore_mem>>)
      %dma_wait3A_192 = arith.constant 0 : i32
      %dma_wait3A_193 = tpu.memref_slice %arg14[%add3A_114, %dma_wait3A_192] : memref<10240x64xf32, #tpu.memory_space<vmem_shared>> -> memref<128x64xf32, #tpu.memory_space<vmem_shared>>
      %dma_wait3A_194 = arith.constant 0 : i32
      %dma_wait3A_195 = tpu.memref_slice %arg14[%add3A_114, %dma_wait3A_194] : memref<10240x64xf32, #tpu.memory_space<vmem_shared>> -> memref<128x64xf32, #tpu.memory_space<vmem_shared>>
      tpu.wait_dma2 semaphore(%run_scoped3A_187 : memref<!tpu.dma_semaphore, #tpu.memory_space<semaphore_mem>>) src(%arg9 : memref<128x64xf32, #tpu.memory_space<vmem>>) dst(%dma_wait3A_195 : memref<128x64xf32, #tpu.memory_space<vmem_shared>>)
      tpu.yield
    }) : () -> ()
    %add3A_115 = arith.constant 128 : i32
    %add3A_116 = arith.addi %mul3A_3, %add3A_115 : i32
    "tpu.region"() ({
      %run_scoped3A_187 = tpu.sem_alloc : memref<!tpu.dma_semaphore, #tpu.memory_space<semaphore_mem>>
      %dma_start3A_188 = arith.constant 0 : i32
      %dma_start3A_189 = tpu.memref_slice %arg14[%add3A_116, %dma_start3A_188] : memref<10240x64xf32, #tpu.memory_space<vmem_shared>> -> memref<128x64xf32, #tpu.memory_space<vmem_shared>>
      %dma_start3A_190 = arith.constant 0 : i32
      %dma_start3A_191 = tpu.memref_slice %arg14[%add3A_116, %dma_start3A_190] : memref<10240x64xf32, #tpu.memory_space<vmem_shared>> -> memref<128x64xf32, #tpu.memory_space<vmem_shared>>
      tpu.enqueue_dma source(%arg9 : memref<128x64xf32, #tpu.memory_space<vmem>>) target(%dma_start3A_191 : memref<128x64xf32, #tpu.memory_space<vmem_shared>>) target_semaphore(%run_scoped3A_187 : memref<!tpu.dma_semaphore, #tpu.memory_space<semaphore_mem>>)
      %dma_wait3A_192 = arith.constant 0 : i32
      %dma_wait3A_193 = tpu.memref_slice %arg14[%add3A_116, %dma_wait3A_192] : memref<10240x64xf32, #tpu.memory_space<vmem_shared>> -> memref<128x64xf32, #tpu.memory_space<vmem_shared>>
      %dma_wait3A_194 = arith.constant 0 : i32
      %dma_wait3A_195 = tpu.memref_slice %arg14[%add3A_116, %dma_wait3A_194] : memref<10240x64xf32, #tpu.memory_space<vmem_shared>> -> memref<128x64xf32, #tpu.memory_space<vmem_shared>>
      tpu.wait_dma2 semaphore(%run_scoped3A_187 : memref<!tpu.dma_semaphore, #tpu.memory_space<semaphore_mem>>) src(%arg9 : memref<128x64xf32, #tpu.memory_space<vmem>>) dst(%dma_wait3A_195 : memref<128x64xf32, #tpu.memory_space<vmem_shared>>)
      tpu.yield
    }) : () -> ()
    %add3A_117 = arith.constant 256 : i32
    %add3A_118 = arith.addi %mul3A_3, %add3A_117 : i32
    "tpu.region"() ({
      %run_scoped3A_187 = tpu.sem_alloc : memref<!tpu.dma_semaphore, #tpu.memory_space<semaphore_mem>>
      %dma_start3A_188 = arith.constant 0 : i32
      %dma_start3A_189 = tpu.memref_slice %arg14[%add3A_118, %dma_start3A_188] : memref<10240x64xf32, #tpu.memory_space<vmem_shared>> -> memref<128x64xf32, #tpu.memory_space<vmem_shared>>
      %dma_start3A_190 = arith.constant 0 : i32
      %dma_start3A_191 = tpu.memref_slice %arg14[%add3A_118, %dma_start3A_190] : memref<10240x64xf32, #tpu.memory_space<vmem_shared>> -> memref<128x64xf32, #tpu.memory_space<vmem_shared>>
      tpu.enqueue_dma source(%arg9 : memref<128x64xf32, #tpu.memory_space<vmem>>) target(%dma_start3A_191 : memref<128x64xf32, #tpu.memory_space<vmem_shared>>) target_semaphore(%run_scoped3A_187 : memref<!tpu.dma_semaphore, #tpu.memory_space<semaphore_mem>>)
      %dma_wait3A_192 = arith.constant 0 : i32
      %dma_wait3A_193 = tpu.memref_slice %arg14[%add3A_118, %dma_wait3A_192] : memref<10240x64xf32, #tpu.memory_space<vmem_shared>> -> memref<128x64xf32, #tpu.memory_space<vmem_shared>>
      %dma_wait3A_194 = arith.constant 0 : i32
      %dma_wait3A_195 = tpu.memref_slice %arg14[%add3A_118, %dma_wait3A_194] : memref<10240x64xf32, #tpu.memory_space<vmem_shared>> -> memref<128x64xf32, #tpu.memory_space<vmem_shared>>
      tpu.wait_dma2 semaphore(%run_scoped3A_187 : memref<!tpu.dma_semaphore, #tpu.memory_space<semaphore_mem>>) src(%arg9 : memref<128x64xf32, #tpu.memory_space<vmem>>) dst(%dma_wait3A_195 : memref<128x64xf32, #tpu.memory_space<vmem_shared>>)
      tpu.yield
    }) : () -> ()
    %add3A_119 = arith.constant 384 : i32
    %add3A_120 = arith.addi %mul3A_3, %add3A_119 : i32
    "tpu.region"() ({
      %run_scoped3A_187 = tpu.sem_alloc : memref<!tpu.dma_semaphore, #tpu.memory_space<semaphore_mem>>
      %dma_start3A_188 = arith.constant 0 : i32
      %dma_start3A_189 = tpu.memref_slice %arg14[%add3A_120, %dma_start3A_188] : memref<10240x64xf32, #tpu.memory_space<vmem_shared>> -> memref<128x64xf32, #tpu.memory_space<vmem_shared>>
      %dma_start3A_190 = arith.constant 0 : i32
      %dma_start3A_191 = tpu.memref_slice %arg14[%add3A_120, %dma_start3A_190] : memref<10240x64xf32, #tpu.memory_space<vmem_shared>> -> memref<128x64xf32, #tpu.memory_space<vmem_shared>>
      tpu.enqueue_dma source(%arg9 : memref<128x64xf32, #tpu.memory_space<vmem>>) target(%dma_start3A_191 : memref<128x64xf32, #tpu.memory_space<vmem_shared>>) target_semaphore(%run_scoped3A_187 : memref<!tpu.dma_semaphore, #tpu.memory_space<semaphore_mem>>)
      %dma_wait3A_192 = arith.constant 0 : i32
      %dma_wait3A_193 = tpu.memref_slice %arg14[%add3A_120, %dma_wait3A_192] : memref<10240x64xf32, #tpu.memory_space<vmem_shared>> -> memref<128x64xf32, #tpu.memory_space<vmem_shared>>
      %dma_wait3A_194 = arith.constant 0 : i32
      %dma_wait3A_195 = tpu.memref_slice %arg14[%add3A_120, %dma_wait3A_194] : memref<10240x64xf32, #tpu.memory_space<vmem_shared>> -> memref<128x64xf32, #tpu.memory_space<vmem_shared>>
      tpu.wait_dma2 semaphore(%run_scoped3A_187 : memref<!tpu.dma_semaphore, #tpu.memory_space<semaphore_mem>>) src(%arg9 : memref<128x64xf32, #tpu.memory_space<vmem>>) dst(%dma_wait3A_195 : memref<128x64xf32, #tpu.memory_space<vmem_shared>>)
      tpu.yield
    }) : () -> ()
    %add3A_121 = arith.constant 512 : i32
    %add3A_122 = arith.addi %mul3A_3, %add3A_121 : i32
    "tpu.region"() ({
      %run_scoped3A_187 = tpu.sem_alloc : memref<!tpu.dma_semaphore, #tpu.memory_space<semaphore_mem>>
      %dma_start3A_188 = arith.constant 0 : i32
      %dma_start3A_189 = tpu.memref_slice %arg14[%add3A_122, %dma_start3A_188] : memref<10240x64xf32, #tpu.memory_space<vmem_shared>> -> memref<128x64xf32, #tpu.memory_space<vmem_shared>>
      %dma_start3A_190 = arith.constant 0 : i32
      %dma_start3A_191 = tpu.memref_slice %arg14[%add3A_122, %dma_start3A_190] : memref<10240x64xf32, #tpu.memory_space<vmem_shared>> -> memref<128x64xf32, #tpu.memory_space<vmem_shared>>
      tpu.enqueue_dma source(%arg9 : memref<128x64xf32, #tpu.memory_space<vmem>>) target(%dma_start3A_191 : memref<128x64xf32, #tpu.memory_space<vmem_shared>>) target_semaphore(%run_scoped3A_187 : memref<!tpu.dma_semaphore, #tpu.memory_space<semaphore_mem>>)
      %dma_wait3A_192 = arith.constant 0 : i32
      %dma_wait3A_193 = tpu.memref_slice %arg14[%add3A_122, %dma_wait3A_192] : memref<10240x64xf32, #tpu.memory_space<vmem_shared>> -> memref<128x64xf32, #tpu.memory_space<vmem_shared>>
      %dma_wait3A_194 = arith.constant 0 : i32
      %dma_wait3A_195 = tpu.memref_slice %arg14[%add3A_122, %dma_wait3A_194] : memref<10240x64xf32, #tpu.memory_space<vmem_shared>> -> memref<128x64xf32, #tpu.memory_space<vmem_shared>>
      tpu.wait_dma2 semaphore(%run_scoped3A_187 : memref<!tpu.dma_semaphore, #tpu.memory_space<semaphore_mem>>) src(%arg9 : memref<128x64xf32, #tpu.memory_space<vmem>>) dst(%dma_wait3A_195 : memref<128x64xf32, #tpu.memory_space<vmem_shared>>)
      tpu.yield
    }) : () -> ()
    %barrier3A_123 = arith.constant 0 : index
    tpu.barrier barrier_id(%barrier3A_123)
    %dma_start3A_124 = arith.constant 0 : i32
    %dma_start3A_125 = arith.constant 0 : i32
    %dma_start3A_126 = tpu.memref_slice %arg7[%dma_start3A_124, %dma_start3A_125] : memref<157x128xi32, #tpu.memory_space<vmem>> -> memref<1x128xi32, #tpu.memory_space<vmem>>
    %dma_start3A_127 = tpu.memref_squeeze %dma_start3A_126 : memref<1x128xi32, #tpu.memory_space<vmem>> -> memref<128xi32, #tpu.memory_space<vmem>>
    %dma_start3A_128 = arith.constant 0 : i32
    %dma_start3A_129 = arith.constant 0 : i32
    %dma_start3A_130 = tpu.memref_slice %arg4[%dma_start3A_128, %dma_start3A_129] : memref<40000x64xf32, #tpu.memory_space<hbm>> -> memref<40000x64xf32, #tpu.memory_space<hbm>>
    tpu.enqueue_indirect_dma source(%dma_start3A_130 : memref<40000x64xf32, #tpu.memory_space<hbm>>) target(%arg9 : memref<128x64xf32, #tpu.memory_space<vmem>>) offsets(%dma_start3A_127 : memref<128xi32, #tpu.memory_space<vmem>>) semaphore(%arg16 : memref<!tpu.dma_semaphore, #tpu.memory_space<semaphore_mem>>)
    %dma_start3A_131 = arith.constant 1 : i32
    %dma_start3A_132 = arith.constant 0 : i32
    %dma_start3A_133 = tpu.memref_slice %arg7[%dma_start3A_131, %dma_start3A_132] : memref<157x128xi32, #tpu.memory_space<vmem>> -> memref<1x128xi32, #tpu.memory_space<vmem>>
    %dma_start3A_134 = tpu.memref_squeeze %dma_start3A_133 : memref<1x128xi32, #tpu.memory_space<vmem>> -> memref<128xi32, #tpu.memory_space<vmem>>
    %dma_start3A_135 = arith.constant 0 : i32
    %dma_start3A_136 = arith.constant 0 : i32
    %dma_start3A_137 = tpu.memref_slice %arg4[%dma_start3A_135, %dma_start3A_136] : memref<40000x64xf32, #tpu.memory_space<hbm>> -> memref<40000x64xf32, #tpu.memory_space<hbm>>
    tpu.enqueue_indirect_dma source(%dma_start3A_137 : memref<40000x64xf32, #tpu.memory_space<hbm>>) target(%arg10 : memref<128x64xf32, #tpu.memory_space<vmem>>) offsets(%dma_start3A_134 : memref<128xi32, #tpu.memory_space<vmem>>) semaphore(%arg17 : memref<!tpu.dma_semaphore, #tpu.memory_space<semaphore_mem>>)
    %dma_start3A_138 = arith.constant 2 : i32
    %dma_start3A_139 = arith.constant 0 : i32
    %dma_start3A_140 = tpu.memref_slice %arg7[%dma_start3A_138, %dma_start3A_139] : memref<157x128xi32, #tpu.memory_space<vmem>> -> memref<1x128xi32, #tpu.memory_space<vmem>>
    %dma_start3A_141 = tpu.memref_squeeze %dma_start3A_140 : memref<1x128xi32, #tpu.memory_space<vmem>> -> memref<128xi32, #tpu.memory_space<vmem>>
    %dma_start3A_142 = arith.constant 0 : i32
    %dma_start3A_143 = arith.constant 0 : i32
    %dma_start3A_144 = tpu.memref_slice %arg4[%dma_start3A_142, %dma_start3A_143] : memref<40000x64xf32, #tpu.memory_space<hbm>> -> memref<40000x64xf32, #tpu.memory_space<hbm>>
    tpu.enqueue_indirect_dma source(%dma_start3A_144 : memref<40000x64xf32, #tpu.memory_space<hbm>>) target(%arg11 : memref<128x64xf32, #tpu.memory_space<vmem>>) offsets(%dma_start3A_141 : memref<128xi32, #tpu.memory_space<vmem>>) semaphore(%arg18 : memref<!tpu.dma_semaphore, #tpu.memory_space<semaphore_mem>>)
    %dma_start3A_145 = arith.constant 3 : i32
    %dma_start3A_146 = arith.constant 0 : i32
    %dma_start3A_147 = tpu.memref_slice %arg7[%dma_start3A_145, %dma_start3A_146] : memref<157x128xi32, #tpu.memory_space<vmem>> -> memref<1x128xi32, #tpu.memory_space<vmem>>
    %dma_start3A_148 = tpu.memref_squeeze %dma_start3A_147 : memref<1x128xi32, #tpu.memory_space<vmem>> -> memref<128xi32, #tpu.memory_space<vmem>>
    %dma_start3A_149 = arith.constant 0 : i32
    %dma_start3A_150 = arith.constant 0 : i32
    %dma_start3A_151 = tpu.memref_slice %arg4[%dma_start3A_149, %dma_start3A_150] : memref<40000x64xf32, #tpu.memory_space<hbm>> -> memref<40000x64xf32, #tpu.memory_space<hbm>>
    tpu.enqueue_indirect_dma source(%dma_start3A_151 : memref<40000x64xf32, #tpu.memory_space<hbm>>) target(%arg12 : memref<128x64xf32, #tpu.memory_space<vmem>>) offsets(%dma_start3A_148 : memref<128xi32, #tpu.memory_space<vmem>>) semaphore(%arg19 : memref<!tpu.dma_semaphore, #tpu.memory_space<semaphore_mem>>)
    %scan3A_152 = arith.constant 0 : i32
    %scan3A_153 = arith.constant 0 : i32
    %scan3A_154 = arith.constant 39 : i32
    %scan3A_155 = arith.addi %scan3A_153, %scan3A_154 : i32
    %scan3A_156 = arith.constant 1 : i32
    scf.for %scan3A_187 = %scan3A_153 to %scan3A_155 step %scan3A_156  : i32 {
      %mul3A_188 = arith.constant 4 : i32
      %mul3A_189 = arith.muli %mul3A_188, %scan3A_187 : i32
      %add3A_190 = arith.constant 0 : i32
      %add3A_191 = arith.addi %mul3A_189, %add3A_190 : i32
      %dma_wait3A_192 = arith.constant 0 : i32
      %dma_wait3A_193 = tpu.memref_slice %arg7[%add3A_191, %dma_wait3A_192] : memref<157x128xi32, #tpu.memory_space<vmem>> -> memref<1x128xi32, #tpu.memory_space<vmem>>
      %dma_wait3A_194 = tpu.memref_squeeze %dma_wait3A_193 : memref<1x128xi32, #tpu.memory_space<vmem>> -> memref<128xi32, #tpu.memory_space<vmem>>
      %dma_wait3A_195 = arith.constant 0 : i32
      %dma_wait3A_196 = arith.constant 0 : i32
      %dma_wait3A_197 = tpu.memref_slice %arg4[%dma_wait3A_195, %dma_wait3A_196] : memref<40000x64xf32, #tpu.memory_space<hbm>> -> memref<40000x64xf32, #tpu.memory_space<hbm>>
      tpu.wait_indirect_dma semaphore(%arg16 : memref<!tpu.dma_semaphore, #tpu.memory_space<semaphore_mem>>) src(%dma_wait3A_197 : memref<40000x64xf32, #tpu.memory_space<hbm>>) dst(%arg9 : memref<128x64xf32, #tpu.memory_space<vmem>>)
      %add3A_198 = arith.constant 0 : i32
      %add3A_199 = arith.addi %mul3A_189, %add3A_198 : i32
      %dma_start3A_200 = arith.constant 0 : i32
      %dma_start3A_201 = tpu.memref_slice %arg8[%add3A_199, %dma_start3A_200] : memref<157x128xi32, #tpu.memory_space<vmem>> -> memref<1x128xi32, #tpu.memory_space<vmem>>
      %dma_start3A_202 = tpu.memref_squeeze %dma_start3A_201 : memref<1x128xi32, #tpu.memory_space<vmem>> -> memref<128xi32, #tpu.memory_space<vmem>>
      %dma_start3A_203 = arith.constant 0 : i32
      %dma_start3A_204 = arith.constant 0 : i32
      %dma_start3A_205 = tpu.memref_slice %arg14[%dma_start3A_203, %dma_start3A_204] : memref<10240x64xf32, #tpu.memory_space<vmem_shared>> -> memref<10240x64xf32, #tpu.memory_space<vmem_shared>>
      tpu.enqueue_indirect_dma source(%arg9 : memref<128x64xf32, #tpu.memory_space<vmem>>) target(%dma_start3A_205 : memref<10240x64xf32, #tpu.memory_space<vmem_shared>>) offsets(%dma_start3A_202 : memref<128xi32, #tpu.memory_space<vmem>>) semaphore(%arg20 : memref<!tpu.dma_semaphore, #tpu.memory_space<semaphore_mem>>) {add = true}
      %add3A_206 = arith.constant 1 : i32
      %add3A_207 = arith.addi %mul3A_189, %add3A_206 : i32
      %dma_wait3A_208 = arith.constant 0 : i32
      %dma_wait3A_209 = tpu.memref_slice %arg7[%add3A_207, %dma_wait3A_208] : memref<157x128xi32, #tpu.memory_space<vmem>> -> memref<1x128xi32, #tpu.memory_space<vmem>>
      %dma_wait3A_210 = tpu.memref_squeeze %dma_wait3A_209 : memref<1x128xi32, #tpu.memory_space<vmem>> -> memref<128xi32, #tpu.memory_space<vmem>>
      %dma_wait3A_211 = arith.constant 0 : i32
      %dma_wait3A_212 = arith.constant 0 : i32
      %dma_wait3A_213 = tpu.memref_slice %arg4[%dma_wait3A_211, %dma_wait3A_212] : memref<40000x64xf32, #tpu.memory_space<hbm>> -> memref<40000x64xf32, #tpu.memory_space<hbm>>
      tpu.wait_indirect_dma semaphore(%arg17 : memref<!tpu.dma_semaphore, #tpu.memory_space<semaphore_mem>>) src(%dma_wait3A_213 : memref<40000x64xf32, #tpu.memory_space<hbm>>) dst(%arg10 : memref<128x64xf32, #tpu.memory_space<vmem>>)
      %add3A_214 = arith.constant 1 : i32
      %add3A_215 = arith.addi %mul3A_189, %add3A_214 : i32
      %dma_start3A_216 = arith.constant 0 : i32
      %dma_start3A_217 = tpu.memref_slice %arg8[%add3A_215, %dma_start3A_216] : memref<157x128xi32, #tpu.memory_space<vmem>> -> memref<1x128xi32, #tpu.memory_space<vmem>>
      %dma_start3A_218 = tpu.memref_squeeze %dma_start3A_217 : memref<1x128xi32, #tpu.memory_space<vmem>> -> memref<128xi32, #tpu.memory_space<vmem>>
      %dma_start3A_219 = arith.constant 0 : i32
      %dma_start3A_220 = arith.constant 0 : i32
      %dma_start3A_221 = tpu.memref_slice %arg14[%dma_start3A_219, %dma_start3A_220] : memref<10240x64xf32, #tpu.memory_space<vmem_shared>> -> memref<10240x64xf32, #tpu.memory_space<vmem_shared>>
      tpu.enqueue_indirect_dma source(%arg10 : memref<128x64xf32, #tpu.memory_space<vmem>>) target(%dma_start3A_221 : memref<10240x64xf32, #tpu.memory_space<vmem_shared>>) offsets(%dma_start3A_218 : memref<128xi32, #tpu.memory_space<vmem>>) semaphore(%arg21 : memref<!tpu.dma_semaphore, #tpu.memory_space<semaphore_mem>>) {add = true}
      %add3A_222 = arith.constant 2 : i32
      %add3A_223 = arith.addi %mul3A_189, %add3A_222 : i32
      %dma_wait3A_224 = arith.constant 0 : i32
      %dma_wait3A_225 = tpu.memref_slice %arg7[%add3A_223, %dma_wait3A_224] : memref<157x128xi32, #tpu.memory_space<vmem>> -> memref<1x128xi32, #tpu.memory_space<vmem>>
      %dma_wait3A_226 = tpu.memref_squeeze %dma_wait3A_225 : memref<1x128xi32, #tpu.memory_space<vmem>> -> memref<128xi32, #tpu.memory_space<vmem>>
      %dma_wait3A_227 = arith.constant 0 : i32
      %dma_wait3A_228 = arith.constant 0 : i32
      %dma_wait3A_229 = tpu.memref_slice %arg4[%dma_wait3A_227, %dma_wait3A_228] : memref<40000x64xf32, #tpu.memory_space<hbm>> -> memref<40000x64xf32, #tpu.memory_space<hbm>>
      tpu.wait_indirect_dma semaphore(%arg18 : memref<!tpu.dma_semaphore, #tpu.memory_space<semaphore_mem>>) src(%dma_wait3A_229 : memref<40000x64xf32, #tpu.memory_space<hbm>>) dst(%arg11 : memref<128x64xf32, #tpu.memory_space<vmem>>)
      %add3A_230 = arith.constant 2 : i32
      %add3A_231 = arith.addi %mul3A_189, %add3A_230 : i32
      %dma_start3A_232 = arith.constant 0 : i32
      %dma_start3A_233 = tpu.memref_slice %arg8[%add3A_231, %dma_start3A_232] : memref<157x128xi32, #tpu.memory_space<vmem>> -> memref<1x128xi32, #tpu.memory_space<vmem>>
      %dma_start3A_234 = tpu.memref_squeeze %dma_start3A_233 : memref<1x128xi32, #tpu.memory_space<vmem>> -> memref<128xi32, #tpu.memory_space<vmem>>
      %dma_start3A_235 = arith.constant 0 : i32
      %dma_start3A_236 = arith.constant 0 : i32
      %dma_start3A_237 = tpu.memref_slice %arg14[%dma_start3A_235, %dma_start3A_236] : memref<10240x64xf32, #tpu.memory_space<vmem_shared>> -> memref<10240x64xf32, #tpu.memory_space<vmem_shared>>
      tpu.enqueue_indirect_dma source(%arg11 : memref<128x64xf32, #tpu.memory_space<vmem>>) target(%dma_start3A_237 : memref<10240x64xf32, #tpu.memory_space<vmem_shared>>) offsets(%dma_start3A_234 : memref<128xi32, #tpu.memory_space<vmem>>) semaphore(%arg22 : memref<!tpu.dma_semaphore, #tpu.memory_space<semaphore_mem>>) {add = true}
      %add3A_238 = arith.constant 3 : i32
      %add3A_239 = arith.addi %mul3A_189, %add3A_238 : i32
      %dma_wait3A_240 = arith.constant 0 : i32
      %dma_wait3A_241 = tpu.memref_slice %arg7[%add3A_239, %dma_wait3A_240] : memref<157x128xi32, #tpu.memory_space<vmem>> -> memref<1x128xi32, #tpu.memory_space<vmem>>
      %dma_wait3A_242 = tpu.memref_squeeze %dma_wait3A_241 : memref<1x128xi32, #tpu.memory_space<vmem>> -> memref<128xi32, #tpu.memory_space<vmem>>
      %dma_wait3A_243 = arith.constant 0 : i32
      %dma_wait3A_244 = arith.constant 0 : i32
      %dma_wait3A_245 = tpu.memref_slice %arg4[%dma_wait3A_243, %dma_wait3A_244] : memref<40000x64xf32, #tpu.memory_space<hbm>> -> memref<40000x64xf32, #tpu.memory_space<hbm>>
      tpu.wait_indirect_dma semaphore(%arg19 : memref<!tpu.dma_semaphore, #tpu.memory_space<semaphore_mem>>) src(%dma_wait3A_245 : memref<40000x64xf32, #tpu.memory_space<hbm>>) dst(%arg12 : memref<128x64xf32, #tpu.memory_space<vmem>>)
      %add3A_246 = arith.constant 3 : i32
      %add3A_247 = arith.addi %mul3A_189, %add3A_246 : i32
      %dma_start3A_248 = arith.constant 0 : i32
      %dma_start3A_249 = tpu.memref_slice %arg8[%add3A_247, %dma_start3A_248] : memref<157x128xi32, #tpu.memory_space<vmem>> -> memref<1x128xi32, #tpu.memory_space<vmem>>
      %dma_start3A_250 = tpu.memref_squeeze %dma_start3A_249 : memref<1x128xi32, #tpu.memory_space<vmem>> -> memref<128xi32, #tpu.memory_space<vmem>>
      %dma_start3A_251 = arith.constant 0 : i32
      %dma_start3A_252 = arith.constant 0 : i32
      %dma_start3A_253 = tpu.memref_slice %arg14[%dma_start3A_251, %dma_start3A_252] : memref<10240x64xf32, #tpu.memory_space<vmem_shared>> -> memref<10240x64xf32, #tpu.memory_space<vmem_shared>>
      tpu.enqueue_indirect_dma source(%arg12 : memref<128x64xf32, #tpu.memory_space<vmem>>) target(%dma_start3A_253 : memref<10240x64xf32, #tpu.memory_space<vmem_shared>>) offsets(%dma_start3A_250 : memref<128xi32, #tpu.memory_space<vmem>>) semaphore(%arg23 : memref<!tpu.dma_semaphore, #tpu.memory_space<semaphore_mem>>) {add = true}
      %add3A_254 = arith.constant 0 : i32
      %add3A_255 = arith.addi %mul3A_189, %add3A_254 : i32
      %dma_wait3A_256 = arith.constant 0 : i32
      %dma_wait3A_257 = tpu.memref_slice %arg8[%add3A_255, %dma_wait3A_256] : memref<157x128xi32, #tpu.memory_space<vmem>> -> memref<1x128xi32, #tpu.memory_space<vmem>>
      %dma_wait3A_258 = tpu.memref_squeeze %dma_wait3A_257 : memref<1x128xi32, #tpu.memory_space<vmem>> -> memref<128xi32, #tpu.memory_space<vmem>>
      %dma_wait3A_259 = arith.constant 0 : i32
      %dma_wait3A_260 = arith.constant 0 : i32
      %dma_wait3A_261 = tpu.memref_slice %arg14[%dma_wait3A_259, %dma_wait3A_260] : memref<10240x64xf32, #tpu.memory_space<vmem_shared>> -> memref<10240x64xf32, #tpu.memory_space<vmem_shared>>
      tpu.wait_indirect_dma semaphore(%arg20 : memref<!tpu.dma_semaphore, #tpu.memory_space<semaphore_mem>>) src(%arg9 : memref<128x64xf32, #tpu.memory_space<vmem>>) dst(%dma_wait3A_261 : memref<10240x64xf32, #tpu.memory_space<vmem_shared>>)
      %add3A_262 = arith.constant 4 : i32
      %add3A_263 = arith.addi %mul3A_189, %add3A_262 : i32
      %add3A_264 = arith.constant 0 : i32
      %add3A_265 = arith.addi %add3A_263, %add3A_264 : i32
      %le3A = arith.constant 156 : i32
      %le3A_266 = arith.cmpi sle, %add3A_265, %le3A : i32
      %convert_element_type3A = arith.extui %le3A_266 : i1 to i32
      %cond3A = arith.constant 0 : i32
      %cond3A_267 = arith.cmpi ne, %convert_element_type3A, %cond3A : i32
      scf.if %cond3A_267 {
        %dma_start3A_319 = arith.constant 0 : i32
        %dma_start3A_320 = tpu.memref_slice %arg7[%add3A_265, %dma_start3A_319] : memref<157x128xi32, #tpu.memory_space<vmem>> -> memref<1x128xi32, #tpu.memory_space<vmem>>
        %dma_start3A_321 = tpu.memref_squeeze %dma_start3A_320 : memref<1x128xi32, #tpu.memory_space<vmem>> -> memref<128xi32, #tpu.memory_space<vmem>>
        %dma_start3A_322 = arith.constant 0 : i32
        %dma_start3A_323 = arith.constant 0 : i32
        %dma_start3A_324 = tpu.memref_slice %arg4[%dma_start3A_322, %dma_start3A_323] : memref<40000x64xf32, #tpu.memory_space<hbm>> -> memref<40000x64xf32, #tpu.memory_space<hbm>>
        tpu.enqueue_indirect_dma source(%dma_start3A_324 : memref<40000x64xf32, #tpu.memory_space<hbm>>) target(%arg9 : memref<128x64xf32, #tpu.memory_space<vmem>>) offsets(%dma_start3A_321 : memref<128xi32, #tpu.memory_space<vmem>>) semaphore(%arg16 : memref<!tpu.dma_semaphore, #tpu.memory_space<semaphore_mem>>)
      } else {
      }
      %add3A_268 = arith.constant 1 : i32
      %add3A_269 = arith.addi %mul3A_189, %add3A_268 : i32
      %dma_wait3A_270 = arith.constant 0 : i32
      %dma_wait3A_271 = tpu.memref_slice %arg8[%add3A_269, %dma_wait3A_270] : memref<157x128xi32, #tpu.memory_space<vmem>> -> memref<1x128xi32, #tpu.memory_space<vmem>>
      %dma_wait3A_272 = tpu.memref_squeeze %dma_wait3A_271 : memref<1x128xi32, #tpu.memory_space<vmem>> -> memref<128xi32, #tpu.memory_space<vmem>>
      %dma_wait3A_273 = arith.constant 0 : i32
      %dma_wait3A_274 = arith.constant 0 : i32
      %dma_wait3A_275 = tpu.memref_slice %arg14[%dma_wait3A_273, %dma_wait3A_274] : memref<10240x64xf32, #tpu.memory_space<vmem_shared>> -> memref<10240x64xf32, #tpu.memory_space<vmem_shared>>
      tpu.wait_indirect_dma semaphore(%arg21 : memref<!tpu.dma_semaphore, #tpu.memory_space<semaphore_mem>>) src(%arg10 : memref<128x64xf32, #tpu.memory_space<vmem>>) dst(%dma_wait3A_275 : memref<10240x64xf32, #tpu.memory_space<vmem_shared>>)
      %add3A_276 = arith.constant 4 : i32
      %add3A_277 = arith.addi %mul3A_189, %add3A_276 : i32
      %add3A_278 = arith.constant 1 : i32
      %add3A_279 = arith.addi %add3A_277, %add3A_278 : i32
      %le3A_280 = arith.constant 156 : i32
      %le3A_281 = arith.cmpi sle, %add3A_279, %le3A_280 : i32
      %convert_element_type3A_282 = arith.extui %le3A_281 : i1 to i32
      %cond3A_283 = arith.constant 0 : i32
      %cond3A_284 = arith.cmpi ne, %convert_element_type3A_282, %cond3A_283 : i32
      scf.if %cond3A_284 {
        %dma_start3A_319 = arith.constant 0 : i32
        %dma_start3A_320 = tpu.memref_slice %arg7[%add3A_279, %dma_start3A_319] : memref<157x128xi32, #tpu.memory_space<vmem>> -> memref<1x128xi32, #tpu.memory_space<vmem>>
        %dma_start3A_321 = tpu.memref_squeeze %dma_start3A_320 : memref<1x128xi32, #tpu.memory_space<vmem>> -> memref<128xi32, #tpu.memory_space<vmem>>
        %dma_start3A_322 = arith.constant 0 : i32
        %dma_start3A_323 = arith.constant 0 : i32
        %dma_start3A_324 = tpu.memref_slice %arg4[%dma_start3A_322, %dma_start3A_323] : memref<40000x64xf32, #tpu.memory_space<hbm>> -> memref<40000x64xf32, #tpu.memory_space<hbm>>
        tpu.enqueue_indirect_dma source(%dma_start3A_324 : memref<40000x64xf32, #tpu.memory_space<hbm>>) target(%arg10 : memref<128x64xf32, #tpu.memory_space<vmem>>) offsets(%dma_start3A_321 : memref<128xi32, #tpu.memory_space<vmem>>) semaphore(%arg17 : memref<!tpu.dma_semaphore, #tpu.memory_space<semaphore_mem>>)
      } else {
      }
      %add3A_285 = arith.constant 2 : i32
      %add3A_286 = arith.addi %mul3A_189, %add3A_285 : i32
      %dma_wait3A_287 = arith.constant 0 : i32
      %dma_wait3A_288 = tpu.memref_slice %arg8[%add3A_286, %dma_wait3A_287] : memref<157x128xi32, #tpu.memory_space<vmem>> -> memref<1x128xi32, #tpu.memory_space<vmem>>
      %dma_wait3A_289 = tpu.memref_squeeze %dma_wait3A_288 : memref<1x128xi32, #tpu.memory_space<vmem>> -> memref<128xi32, #tpu.memory_space<vmem>>
      %dma_wait3A_290 = arith.constant 0 : i32
      %dma_wait3A_291 = arith.constant 0 : i32
      %dma_wait3A_292 = tpu.memref_slice %arg14[%dma_wait3A_290, %dma_wait3A_291] : memref<10240x64xf32, #tpu.memory_space<vmem_shared>> -> memref<10240x64xf32, #tpu.memory_space<vmem_shared>>
      tpu.wait_indirect_dma semaphore(%arg22 : memref<!tpu.dma_semaphore, #tpu.memory_space<semaphore_mem>>) src(%arg11 : memref<128x64xf32, #tpu.memory_space<vmem>>) dst(%dma_wait3A_292 : memref<10240x64xf32, #tpu.memory_space<vmem_shared>>)
      %add3A_293 = arith.constant 4 : i32
      %add3A_294 = arith.addi %mul3A_189, %add3A_293 : i32
      %add3A_295 = arith.constant 2 : i32
      %add3A_296 = arith.addi %add3A_294, %add3A_295 : i32
      %le3A_297 = arith.constant 156 : i32
      %le3A_298 = arith.cmpi sle, %add3A_296, %le3A_297 : i32
      %convert_element_type3A_299 = arith.extui %le3A_298 : i1 to i32
      %cond3A_300 = arith.constant 0 : i32
      %cond3A_301 = arith.cmpi ne, %convert_element_type3A_299, %cond3A_300 : i32
      scf.if %cond3A_301 {
        %dma_start3A_319 = arith.constant 0 : i32
        %dma_start3A_320 = tpu.memref_slice %arg7[%add3A_296, %dma_start3A_319] : memref<157x128xi32, #tpu.memory_space<vmem>> -> memref<1x128xi32, #tpu.memory_space<vmem>>
        %dma_start3A_321 = tpu.memref_squeeze %dma_start3A_320 : memref<1x128xi32, #tpu.memory_space<vmem>> -> memref<128xi32, #tpu.memory_space<vmem>>
        %dma_start3A_322 = arith.constant 0 : i32
        %dma_start3A_323 = arith.constant 0 : i32
        %dma_start3A_324 = tpu.memref_slice %arg4[%dma_start3A_322, %dma_start3A_323] : memref<40000x64xf32, #tpu.memory_space<hbm>> -> memref<40000x64xf32, #tpu.memory_space<hbm>>
        tpu.enqueue_indirect_dma source(%dma_start3A_324 : memref<40000x64xf32, #tpu.memory_space<hbm>>) target(%arg11 : memref<128x64xf32, #tpu.memory_space<vmem>>) offsets(%dma_start3A_321 : memref<128xi32, #tpu.memory_space<vmem>>) semaphore(%arg18 : memref<!tpu.dma_semaphore, #tpu.memory_space<semaphore_mem>>)
      } else {
      }
      %add3A_302 = arith.constant 3 : i32
      %add3A_303 = arith.addi %mul3A_189, %add3A_302 : i32
      %dma_wait3A_304 = arith.constant 0 : i32
      %dma_wait3A_305 = tpu.memref_slice %arg8[%add3A_303, %dma_wait3A_304] : memref<157x128xi32, #tpu.memory_space<vmem>> -> memref<1x128xi32, #tpu.memory_space<vmem>>
      %dma_wait3A_306 = tpu.memref_squeeze %dma_wait3A_305 : memref<1x128xi32, #tpu.memory_space<vmem>> -> memref<128xi32, #tpu.memory_space<vmem>>
      %dma_wait3A_307 = arith.constant 0 : i32
      %dma_wait3A_308 = arith.constant 0 : i32
      %dma_wait3A_309 = tpu.memref_slice %arg14[%dma_wait3A_307, %dma_wait3A_308] : memref<10240x64xf32, #tpu.memory_space<vmem_shared>> -> memref<10240x64xf32, #tpu.memory_space<vmem_shared>>
      tpu.wait_indirect_dma semaphore(%arg23 : memref<!tpu.dma_semaphore, #tpu.memory_space<semaphore_mem>>) src(%arg12 : memref<128x64xf32, #tpu.memory_space<vmem>>) dst(%dma_wait3A_309 : memref<10240x64xf32, #tpu.memory_space<vmem_shared>>)
      %add3A_310 = arith.constant 4 : i32
      %add3A_311 = arith.addi %mul3A_189, %add3A_310 : i32
      %add3A_312 = arith.constant 3 : i32
      %add3A_313 = arith.addi %add3A_311, %add3A_312 : i32
      %le3A_314 = arith.constant 156 : i32
      %le3A_315 = arith.cmpi sle, %add3A_313, %le3A_314 : i32
      %convert_element_type3A_316 = arith.extui %le3A_315 : i1 to i32
      %cond3A_317 = arith.constant 0 : i32
      %cond3A_318 = arith.cmpi ne, %convert_element_type3A_316, %cond3A_317 : i32
      scf.if %cond3A_318 {
        %dma_start3A_319 = arith.constant 0 : i32
        %dma_start3A_320 = tpu.memref_slice %arg7[%add3A_313, %dma_start3A_319] : memref<157x128xi32, #tpu.memory_space<vmem>> -> memref<1x128xi32, #tpu.memory_space<vmem>>
        %dma_start3A_321 = tpu.memref_squeeze %dma_start3A_320 : memref<1x128xi32, #tpu.memory_space<vmem>> -> memref<128xi32, #tpu.memory_space<vmem>>
        %dma_start3A_322 = arith.constant 0 : i32
        %dma_start3A_323 = arith.constant 0 : i32
        %dma_start3A_324 = tpu.memref_slice %arg4[%dma_start3A_322, %dma_start3A_323] : memref<40000x64xf32, #tpu.memory_space<hbm>> -> memref<40000x64xf32, #tpu.memory_space<hbm>>
        tpu.enqueue_indirect_dma source(%dma_start3A_324 : memref<40000x64xf32, #tpu.memory_space<hbm>>) target(%arg12 : memref<128x64xf32, #tpu.memory_space<vmem>>) offsets(%dma_start3A_321 : memref<128xi32, #tpu.memory_space<vmem>>) semaphore(%arg19 : memref<!tpu.dma_semaphore, #tpu.memory_space<semaphore_mem>>)
      } else {
      }
    }
    %scan3A_157 = arith.constant 39 : i32
    %dma_wait3A_158 = arith.constant 156 : i32
    %dma_wait3A_159 = arith.constant 0 : i32
    %dma_wait3A_160 = tpu.memref_slice %arg7[%dma_wait3A_158, %dma_wait3A_159] : memref<157x128xi32, #tpu.memory_space<vmem>> -> memref<1x128xi32, #tpu.memory_space<vmem>>
    %dma_wait3A_161 = tpu.memref_squeeze %dma_wait3A_160 : memref<1x128xi32, #tpu.memory_space<vmem>> -> memref<128xi32, #tpu.memory_space<vmem>>
    %dma_wait3A_162 = arith.constant 0 : i32
    %dma_wait3A_163 = arith.constant 0 : i32
    %dma_wait3A_164 = tpu.memref_slice %arg4[%dma_wait3A_162, %dma_wait3A_163] : memref<40000x64xf32, #tpu.memory_space<hbm>> -> memref<40000x64xf32, #tpu.memory_space<hbm>>
    tpu.wait_indirect_dma semaphore(%arg16 : memref<!tpu.dma_semaphore, #tpu.memory_space<semaphore_mem>>) src(%dma_wait3A_164 : memref<40000x64xf32, #tpu.memory_space<hbm>>) dst(%arg9 : memref<128x64xf32, #tpu.memory_space<vmem>>)
    %run_scoped3A_165 = arith.constant 156 : i32
    "tpu.region"() ({
      %run_scoped3A_187 = tpu.sem_alloc : memref<!tpu.dma_semaphore, #tpu.memory_space<semaphore_mem>>
      %dma_start3A_188 = arith.constant 0 : i32
      %dma_start3A_189 = tpu.memref_slice %arg8[%run_scoped3A_165, %dma_start3A_188] : memref<157x128xi32, #tpu.memory_space<vmem>> -> memref<1x128xi32, #tpu.memory_space<vmem>>
      %dma_start3A_190 = tpu.memref_squeeze %dma_start3A_189 : memref<1x128xi32, #tpu.memory_space<vmem>> -> memref<128xi32, #tpu.memory_space<vmem>>
      %dma_start3A_191 = arith.constant 0 : i32
      %dma_start3A_192 = arith.constant 0 : i32
      %dma_start3A_193 = tpu.memref_slice %arg14[%dma_start3A_191, %dma_start3A_192] : memref<10240x64xf32, #tpu.memory_space<vmem_shared>> -> memref<10240x64xf32, #tpu.memory_space<vmem_shared>>
      tpu.enqueue_indirect_dma source(%arg9 : memref<128x64xf32, #tpu.memory_space<vmem>>) target(%dma_start3A_193 : memref<10240x64xf32, #tpu.memory_space<vmem_shared>>) offsets(%dma_start3A_190 : memref<128xi32, #tpu.memory_space<vmem>>) semaphore(%run_scoped3A_187 : memref<!tpu.dma_semaphore, #tpu.memory_space<semaphore_mem>>) {add = true}
      %dma_wait3A_194 = arith.constant 0 : i32
      %dma_wait3A_195 = tpu.memref_slice %arg8[%run_scoped3A_165, %dma_wait3A_194] : memref<157x128xi32, #tpu.memory_space<vmem>> -> memref<1x128xi32, #tpu.memory_space<vmem>>
      %dma_wait3A_196 = tpu.memref_squeeze %dma_wait3A_195 : memref<1x128xi32, #tpu.memory_space<vmem>> -> memref<128xi32, #tpu.memory_space<vmem>>
      %dma_wait3A_197 = arith.constant 0 : i32
      %dma_wait3A_198 = arith.constant 0 : i32
      %dma_wait3A_199 = tpu.memref_slice %arg14[%dma_wait3A_197, %dma_wait3A_198] : memref<10240x64xf32, #tpu.memory_space<vmem_shared>> -> memref<10240x64xf32, #tpu.memory_space<vmem_shared>>
      tpu.wait_indirect_dma semaphore(%run_scoped3A_187 : memref<!tpu.dma_semaphore, #tpu.memory_space<semaphore_mem>>) src(%arg9 : memref<128x64xf32, #tpu.memory_space<vmem>>) dst(%dma_wait3A_199 : memref<10240x64xf32, #tpu.memory_space<vmem_shared>>)
      tpu.yield
    }) : () -> ()
    %barrier3A_166 = arith.constant 0 : index
    tpu.barrier barrier_id(%barrier3A_166)
    %add3A_167 = arith.constant 0 : i32
    %add3A_168 = arith.addi %mul3A_3, %add3A_167 : i32
    "tpu.region"() ({
      %run_scoped3A_187 = tpu.sem_alloc : memref<!tpu.dma_semaphore, #tpu.memory_space<semaphore_mem>>
      %dma_start3A_188 = arith.constant 0 : i32
      %dma_start3A_189 = tpu.memref_slice %arg14[%add3A_168, %dma_start3A_188] : memref<10240x64xf32, #tpu.memory_space<vmem_shared>> -> memref<128x64xf32, #tpu.memory_space<vmem_shared>>
      %dma_start3A_190 = arith.constant 0 : i32
      %dma_start3A_191 = tpu.memref_slice %arg14[%add3A_168, %dma_start3A_190] : memref<10240x64xf32, #tpu.memory_space<vmem_shared>> -> memref<128x64xf32, #tpu.memory_space<vmem_shared>>
      tpu.enqueue_dma source(%dma_start3A_191 : memref<128x64xf32, #tpu.memory_space<vmem_shared>>) target(%arg9 : memref<128x64xf32, #tpu.memory_space<vmem>>) target_semaphore(%run_scoped3A_187 : memref<!tpu.dma_semaphore, #tpu.memory_space<semaphore_mem>>)
      %dma_wait3A_192 = arith.constant 0 : i32
      %dma_wait3A_193 = tpu.memref_slice %arg14[%add3A_168, %dma_wait3A_192] : memref<10240x64xf32, #tpu.memory_space<vmem_shared>> -> memref<128x64xf32, #tpu.memory_space<vmem_shared>>
      %dma_wait3A_194 = arith.constant 0 : i32
      %dma_wait3A_195 = tpu.memref_slice %arg14[%add3A_168, %dma_wait3A_194] : memref<10240x64xf32, #tpu.memory_space<vmem_shared>> -> memref<128x64xf32, #tpu.memory_space<vmem_shared>>
      tpu.wait_dma2 semaphore(%run_scoped3A_187 : memref<!tpu.dma_semaphore, #tpu.memory_space<semaphore_mem>>) src(%dma_wait3A_195 : memref<128x64xf32, #tpu.memory_space<vmem_shared>>) dst(%arg9 : memref<128x64xf32, #tpu.memory_space<vmem>>)
      tpu.yield
    }) : () -> ()
    %add3A_169 = arith.constant 0 : i32
    %add3A_170 = arith.addi %mul3A_3, %add3A_169 : i32
    "tpu.region"() ({
      %run_scoped3A_187 = tpu.sem_alloc : memref<!tpu.dma_semaphore, #tpu.memory_space<semaphore_mem>>
      %dma_start3A_188 = arith.constant 64 : i32
      %dma_start3A_189 = tpu.memref_slice %arg5[%arg0, %add3A_170, %dma_start3A_188] : memref<2x10240x128xf32, #tpu.memory_space<hbm>> -> memref<1x128x64xf32, #tpu.memory_space<hbm>>
      %dma_start3A_190 = tpu.memref_squeeze %dma_start3A_189 : memref<1x128x64xf32, #tpu.memory_space<hbm>> -> memref<128x64xf32, #tpu.memory_space<hbm>>
      %dma_start3A_191 = arith.constant 64 : i32
      %dma_start3A_192 = tpu.memref_slice %arg5[%arg0, %add3A_170, %dma_start3A_191] : memref<2x10240x128xf32, #tpu.memory_space<hbm>> -> memref<1x128x64xf32, #tpu.memory_space<hbm>>
      %dma_start3A_193 = tpu.memref_squeeze %dma_start3A_192 : memref<1x128x64xf32, #tpu.memory_space<hbm>> -> memref<128x64xf32, #tpu.memory_space<hbm>>
      tpu.enqueue_dma source(%arg9 : memref<128x64xf32, #tpu.memory_space<vmem>>) target(%dma_start3A_193 : memref<128x64xf32, #tpu.memory_space<hbm>>) target_semaphore(%run_scoped3A_187 : memref<!tpu.dma_semaphore, #tpu.memory_space<semaphore_mem>>)
      %dma_wait3A_194 = arith.constant 64 : i32
      %dma_wait3A_195 = tpu.memref_slice %arg5[%arg0, %add3A_170, %dma_wait3A_194] : memref<2x10240x128xf32, #tpu.memory_space<hbm>> -> memref<1x128x64xf32, #tpu.memory_space<hbm>>
      %dma_wait3A_196 = tpu.memref_squeeze %dma_wait3A_195 : memref<1x128x64xf32, #tpu.memory_space<hbm>> -> memref<128x64xf32, #tpu.memory_space<hbm>>
      %dma_wait3A_197 = arith.constant 64 : i32
      %dma_wait3A_198 = tpu.memref_slice %arg5[%arg0, %add3A_170, %dma_wait3A_197] : memref<2x10240x128xf32, #tpu.memory_space<hbm>> -> memref<1x128x64xf32, #tpu.memory_space<hbm>>
      %dma_wait3A_199 = tpu.memref_squeeze %dma_wait3A_198 : memref<1x128x64xf32, #tpu.memory_space<hbm>> -> memref<128x64xf32, #tpu.memory_space<hbm>>
      tpu.wait_dma2 semaphore(%run_scoped3A_187 : memref<!tpu.dma_semaphore, #tpu.memory_space<semaphore_mem>>) src(%arg9 : memref<128x64xf32, #tpu.memory_space<vmem>>) dst(%dma_wait3A_199 : memref<128x64xf32, #tpu.memory_space<hbm>>)
      tpu.yield
    }) : () -> ()
    %add3A_171 = arith.constant 128 : i32
    %add3A_172 = arith.addi %mul3A_3, %add3A_171 : i32
    "tpu.region"() ({
      %run_scoped3A_187 = tpu.sem_alloc : memref<!tpu.dma_semaphore, #tpu.memory_space<semaphore_mem>>
      %dma_start3A_188 = arith.constant 0 : i32
      %dma_start3A_189 = tpu.memref_slice %arg14[%add3A_172, %dma_start3A_188] : memref<10240x64xf32, #tpu.memory_space<vmem_shared>> -> memref<128x64xf32, #tpu.memory_space<vmem_shared>>
      %dma_start3A_190 = arith.constant 0 : i32
      %dma_start3A_191 = tpu.memref_slice %arg14[%add3A_172, %dma_start3A_190] : memref<10240x64xf32, #tpu.memory_space<vmem_shared>> -> memref<128x64xf32, #tpu.memory_space<vmem_shared>>
      tpu.enqueue_dma source(%dma_start3A_191 : memref<128x64xf32, #tpu.memory_space<vmem_shared>>) target(%arg9 : memref<128x64xf32, #tpu.memory_space<vmem>>) target_semaphore(%run_scoped3A_187 : memref<!tpu.dma_semaphore, #tpu.memory_space<semaphore_mem>>)
      %dma_wait3A_192 = arith.constant 0 : i32
      %dma_wait3A_193 = tpu.memref_slice %arg14[%add3A_172, %dma_wait3A_192] : memref<10240x64xf32, #tpu.memory_space<vmem_shared>> -> memref<128x64xf32, #tpu.memory_space<vmem_shared>>
      %dma_wait3A_194 = arith.constant 0 : i32
      %dma_wait3A_195 = tpu.memref_slice %arg14[%add3A_172, %dma_wait3A_194] : memref<10240x64xf32, #tpu.memory_space<vmem_shared>> -> memref<128x64xf32, #tpu.memory_space<vmem_shared>>
      tpu.wait_dma2 semaphore(%run_scoped3A_187 : memref<!tpu.dma_semaphore, #tpu.memory_space<semaphore_mem>>) src(%dma_wait3A_195 : memref<128x64xf32, #tpu.memory_space<vmem_shared>>) dst(%arg9 : memref<128x64xf32, #tpu.memory_space<vmem>>)
      tpu.yield
    }) : () -> ()
    %add3A_173 = arith.constant 128 : i32
    %add3A_174 = arith.addi %mul3A_3, %add3A_173 : i32
    "tpu.region"() ({
      %run_scoped3A_187 = tpu.sem_alloc : memref<!tpu.dma_semaphore, #tpu.memory_space<semaphore_mem>>
      %dma_start3A_188 = arith.constant 64 : i32
      %dma_start3A_189 = tpu.memref_slice %arg5[%arg0, %add3A_174, %dma_start3A_188] : memref<2x10240x128xf32, #tpu.memory_space<hbm>> -> memref<1x128x64xf32, #tpu.memory_space<hbm>>
      %dma_start3A_190 = tpu.memref_squeeze %dma_start3A_189 : memref<1x128x64xf32, #tpu.memory_space<hbm>> -> memref<128x64xf32, #tpu.memory_space<hbm>>
      %dma_start3A_191 = arith.constant 64 : i32
      %dma_start3A_192 = tpu.memref_slice %arg5[%arg0, %add3A_174, %dma_start3A_191] : memref<2x10240x128xf32, #tpu.memory_space<hbm>> -> memref<1x128x64xf32, #tpu.memory_space<hbm>>
      %dma_start3A_193 = tpu.memref_squeeze %dma_start3A_192 : memref<1x128x64xf32, #tpu.memory_space<hbm>> -> memref<128x64xf32, #tpu.memory_space<hbm>>
      tpu.enqueue_dma source(%arg9 : memref<128x64xf32, #tpu.memory_space<vmem>>) target(%dma_start3A_193 : memref<128x64xf32, #tpu.memory_space<hbm>>) target_semaphore(%run_scoped3A_187 : memref<!tpu.dma_semaphore, #tpu.memory_space<semaphore_mem>>)
      %dma_wait3A_194 = arith.constant 64 : i32
      %dma_wait3A_195 = tpu.memref_slice %arg5[%arg0, %add3A_174, %dma_wait3A_194] : memref<2x10240x128xf32, #tpu.memory_space<hbm>> -> memref<1x128x64xf32, #tpu.memory_space<hbm>>
      %dma_wait3A_196 = tpu.memref_squeeze %dma_wait3A_195 : memref<1x128x64xf32, #tpu.memory_space<hbm>> -> memref<128x64xf32, #tpu.memory_space<hbm>>
      %dma_wait3A_197 = arith.constant 64 : i32
      %dma_wait3A_198 = tpu.memref_slice %arg5[%arg0, %add3A_174, %dma_wait3A_197] : memref<2x10240x128xf32, #tpu.memory_space<hbm>> -> memref<1x128x64xf32, #tpu.memory_space<hbm>>
      %dma_wait3A_199 = tpu.memref_squeeze %dma_wait3A_198 : memref<1x128x64xf32, #tpu.memory_space<hbm>> -> memref<128x64xf32, #tpu.memory_space<hbm>>
      tpu.wait_dma2 semaphore(%run_scoped3A_187 : memref<!tpu.dma_semaphore, #tpu.memory_space<semaphore_mem>>) src(%arg9 : memref<128x64xf32, #tpu.memory_space<vmem>>) dst(%dma_wait3A_199 : memref<128x64xf32, #tpu.memory_space<hbm>>)
      tpu.yield
    }) : () -> ()
    %add3A_175 = arith.constant 256 : i32
    %add3A_176 = arith.addi %mul3A_3, %add3A_175 : i32
    "tpu.region"() ({
      %run_scoped3A_187 = tpu.sem_alloc : memref<!tpu.dma_semaphore, #tpu.memory_space<semaphore_mem>>
      %dma_start3A_188 = arith.constant 0 : i32
      %dma_start3A_189 = tpu.memref_slice %arg14[%add3A_176, %dma_start3A_188] : memref<10240x64xf32, #tpu.memory_space<vmem_shared>> -> memref<128x64xf32, #tpu.memory_space<vmem_shared>>
      %dma_start3A_190 = arith.constant 0 : i32
      %dma_start3A_191 = tpu.memref_slice %arg14[%add3A_176, %dma_start3A_190] : memref<10240x64xf32, #tpu.memory_space<vmem_shared>> -> memref<128x64xf32, #tpu.memory_space<vmem_shared>>
      tpu.enqueue_dma source(%dma_start3A_191 : memref<128x64xf32, #tpu.memory_space<vmem_shared>>) target(%arg9 : memref<128x64xf32, #tpu.memory_space<vmem>>) target_semaphore(%run_scoped3A_187 : memref<!tpu.dma_semaphore, #tpu.memory_space<semaphore_mem>>)
      %dma_wait3A_192 = arith.constant 0 : i32
      %dma_wait3A_193 = tpu.memref_slice %arg14[%add3A_176, %dma_wait3A_192] : memref<10240x64xf32, #tpu.memory_space<vmem_shared>> -> memref<128x64xf32, #tpu.memory_space<vmem_shared>>
      %dma_wait3A_194 = arith.constant 0 : i32
      %dma_wait3A_195 = tpu.memref_slice %arg14[%add3A_176, %dma_wait3A_194] : memref<10240x64xf32, #tpu.memory_space<vmem_shared>> -> memref<128x64xf32, #tpu.memory_space<vmem_shared>>
      tpu.wait_dma2 semaphore(%run_scoped3A_187 : memref<!tpu.dma_semaphore, #tpu.memory_space<semaphore_mem>>) src(%dma_wait3A_195 : memref<128x64xf32, #tpu.memory_space<vmem_shared>>) dst(%arg9 : memref<128x64xf32, #tpu.memory_space<vmem>>)
      tpu.yield
    }) : () -> ()
    %add3A_177 = arith.constant 256 : i32
    %add3A_178 = arith.addi %mul3A_3, %add3A_177 : i32
    "tpu.region"() ({
      %run_scoped3A_187 = tpu.sem_alloc : memref<!tpu.dma_semaphore, #tpu.memory_space<semaphore_mem>>
      %dma_start3A_188 = arith.constant 64 : i32
      %dma_start3A_189 = tpu.memref_slice %arg5[%arg0, %add3A_178, %dma_start3A_188] : memref<2x10240x128xf32, #tpu.memory_space<hbm>> -> memref<1x128x64xf32, #tpu.memory_space<hbm>>
      %dma_start3A_190 = tpu.memref_squeeze %dma_start3A_189 : memref<1x128x64xf32, #tpu.memory_space<hbm>> -> memref<128x64xf32, #tpu.memory_space<hbm>>
      %dma_start3A_191 = arith.constant 64 : i32
      %dma_start3A_192 = tpu.memref_slice %arg5[%arg0, %add3A_178, %dma_start3A_191] : memref<2x10240x128xf32, #tpu.memory_space<hbm>> -> memref<1x128x64xf32, #tpu.memory_space<hbm>>
      %dma_start3A_193 = tpu.memref_squeeze %dma_start3A_192 : memref<1x128x64xf32, #tpu.memory_space<hbm>> -> memref<128x64xf32, #tpu.memory_space<hbm>>
      tpu.enqueue_dma source(%arg9 : memref<128x64xf32, #tpu.memory_space<vmem>>) target(%dma_start3A_193 : memref<128x64xf32, #tpu.memory_space<hbm>>) target_semaphore(%run_scoped3A_187 : memref<!tpu.dma_semaphore, #tpu.memory_space<semaphore_mem>>)
      %dma_wait3A_194 = arith.constant 64 : i32
      %dma_wait3A_195 = tpu.memref_slice %arg5[%arg0, %add3A_178, %dma_wait3A_194] : memref<2x10240x128xf32, #tpu.memory_space<hbm>> -> memref<1x128x64xf32, #tpu.memory_space<hbm>>
      %dma_wait3A_196 = tpu.memref_squeeze %dma_wait3A_195 : memref<1x128x64xf32, #tpu.memory_space<hbm>> -> memref<128x64xf32, #tpu.memory_space<hbm>>
      %dma_wait3A_197 = arith.constant 64 : i32
      %dma_wait3A_198 = tpu.memref_slice %arg5[%arg0, %add3A_178, %dma_wait3A_197] : memref<2x10240x128xf32, #tpu.memory_space<hbm>> -> memref<1x128x64xf32, #tpu.memory_space<hbm>>
      %dma_wait3A_199 = tpu.memref_squeeze %dma_wait3A_198 : memref<1x128x64xf32, #tpu.memory_space<hbm>> -> memref<128x64xf32, #tpu.memory_space<hbm>>
      tpu.wait_dma2 semaphore(%run_scoped3A_187 : memref<!tpu.dma_semaphore, #tpu.memory_space<semaphore_mem>>) src(%arg9 : memref<128x64xf32, #tpu.memory_space<vmem>>) dst(%dma_wait3A_199 : memref<128x64xf32, #tpu.memory_space<hbm>>)
      tpu.yield
    }) : () -> ()
    %add3A_179 = arith.constant 384 : i32
    %add3A_180 = arith.addi %mul3A_3, %add3A_179 : i32
    "tpu.region"() ({
      %run_scoped3A_187 = tpu.sem_alloc : memref<!tpu.dma_semaphore, #tpu.memory_space<semaphore_mem>>
      %dma_start3A_188 = arith.constant 0 : i32
      %dma_start3A_189 = tpu.memref_slice %arg14[%add3A_180, %dma_start3A_188] : memref<10240x64xf32, #tpu.memory_space<vmem_shared>> -> memref<128x64xf32, #tpu.memory_space<vmem_shared>>
      %dma_start3A_190 = arith.constant 0 : i32
      %dma_start3A_191 = tpu.memref_slice %arg14[%add3A_180, %dma_start3A_190] : memref<10240x64xf32, #tpu.memory_space<vmem_shared>> -> memref<128x64xf32, #tpu.memory_space<vmem_shared>>
      tpu.enqueue_dma source(%dma_start3A_191 : memref<128x64xf32, #tpu.memory_space<vmem_shared>>) target(%arg9 : memref<128x64xf32, #tpu.memory_space<vmem>>) target_semaphore(%run_scoped3A_187 : memref<!tpu.dma_semaphore, #tpu.memory_space<semaphore_mem>>)
      %dma_wait3A_192 = arith.constant 0 : i32
      %dma_wait3A_193 = tpu.memref_slice %arg14[%add3A_180, %dma_wait3A_192] : memref<10240x64xf32, #tpu.memory_space<vmem_shared>> -> memref<128x64xf32, #tpu.memory_space<vmem_shared>>
      %dma_wait3A_194 = arith.constant 0 : i32
      %dma_wait3A_195 = tpu.memref_slice %arg14[%add3A_180, %dma_wait3A_194] : memref<10240x64xf32, #tpu.memory_space<vmem_shared>> -> memref<128x64xf32, #tpu.memory_space<vmem_shared>>
      tpu.wait_dma2 semaphore(%run_scoped3A_187 : memref<!tpu.dma_semaphore, #tpu.memory_space<semaphore_mem>>) src(%dma_wait3A_195 : memref<128x64xf32, #tpu.memory_space<vmem_shared>>) dst(%arg9 : memref<128x64xf32, #tpu.memory_space<vmem>>)
      tpu.yield
    }) : () -> ()
    %add3A_181 = arith.constant 384 : i32
    %add3A_182 = arith.addi %mul3A_3, %add3A_181 : i32
    "tpu.region"() ({
      %run_scoped3A_187 = tpu.sem_alloc : memref<!tpu.dma_semaphore, #tpu.memory_space<semaphore_mem>>
      %dma_start3A_188 = arith.constant 64 : i32
      %dma_start3A_189 = tpu.memref_slice %arg5[%arg0, %add3A_182, %dma_start3A_188] : memref<2x10240x128xf32, #tpu.memory_space<hbm>> -> memref<1x128x64xf32, #tpu.memory_space<hbm>>
      %dma_start3A_190 = tpu.memref_squeeze %dma_start3A_189 : memref<1x128x64xf32, #tpu.memory_space<hbm>> -> memref<128x64xf32, #tpu.memory_space<hbm>>
      %dma_start3A_191 = arith.constant 64 : i32
      %dma_start3A_192 = tpu.memref_slice %arg5[%arg0, %add3A_182, %dma_start3A_191] : memref<2x10240x128xf32, #tpu.memory_space<hbm>> -> memref<1x128x64xf32, #tpu.memory_space<hbm>>
      %dma_start3A_193 = tpu.memref_squeeze %dma_start3A_192 : memref<1x128x64xf32, #tpu.memory_space<hbm>> -> memref<128x64xf32, #tpu.memory_space<hbm>>
      tpu.enqueue_dma source(%arg9 : memref<128x64xf32, #tpu.memory_space<vmem>>) target(%dma_start3A_193 : memref<128x64xf32, #tpu.memory_space<hbm>>) target_semaphore(%run_scoped3A_187 : memref<!tpu.dma_semaphore, #tpu.memory_space<semaphore_mem>>)
      %dma_wait3A_194 = arith.constant 64 : i32
      %dma_wait3A_195 = tpu.memref_slice %arg5[%arg0, %add3A_182, %dma_wait3A_194] : memref<2x10240x128xf32, #tpu.memory_space<hbm>> -> memref<1x128x64xf32, #tpu.memory_space<hbm>>
      %dma_wait3A_196 = tpu.memref_squeeze %dma_wait3A_195 : memref<1x128x64xf32, #tpu.memory_space<hbm>> -> memref<128x64xf32, #tpu.memory_space<hbm>>
      %dma_wait3A_197 = arith.constant 64 : i32
      %dma_wait3A_198 = tpu.memref_slice %arg5[%arg0, %add3A_182, %dma_wait3A_197] : memref<2x10240x128xf32, #tpu.memory_space<hbm>> -> memref<1x128x64xf32, #tpu.memory_space<hbm>>
      %dma_wait3A_199 = tpu.memref_squeeze %dma_wait3A_198 : memref<1x128x64xf32, #tpu.memory_space<hbm>> -> memref<128x64xf32, #tpu.memory_space<hbm>>
      tpu.wait_dma2 semaphore(%run_scoped3A_187 : memref<!tpu.dma_semaphore, #tpu.memory_space<semaphore_mem>>) src(%arg9 : memref<128x64xf32, #tpu.memory_space<vmem>>) dst(%dma_wait3A_199 : memref<128x64xf32, #tpu.memory_space<hbm>>)
      tpu.yield
    }) : () -> ()
    %add3A_183 = arith.constant 512 : i32
    %add3A_184 = arith.addi %mul3A_3, %add3A_183 : i32
    "tpu.region"() ({
      %run_scoped3A_187 = tpu.sem_alloc : memref<!tpu.dma_semaphore, #tpu.memory_space<semaphore_mem>>
      %dma_start3A_188 = arith.constant 0 : i32
      %dma_start3A_189 = tpu.memref_slice %arg14[%add3A_184, %dma_start3A_188] : memref<10240x64xf32, #tpu.memory_space<vmem_shared>> -> memref<128x64xf32, #tpu.memory_space<vmem_shared>>
      %dma_start3A_190 = arith.constant 0 : i32
      %dma_start3A_191 = tpu.memref_slice %arg14[%add3A_184, %dma_start3A_190] : memref<10240x64xf32, #tpu.memory_space<vmem_shared>> -> memref<128x64xf32, #tpu.memory_space<vmem_shared>>
      tpu.enqueue_dma source(%dma_start3A_191 : memref<128x64xf32, #tpu.memory_space<vmem_shared>>) target(%arg9 : memref<128x64xf32, #tpu.memory_space<vmem>>) target_semaphore(%run_scoped3A_187 : memref<!tpu.dma_semaphore, #tpu.memory_space<semaphore_mem>>)
      %dma_wait3A_192 = arith.constant 0 : i32
      %dma_wait3A_193 = tpu.memref_slice %arg14[%add3A_184, %dma_wait3A_192] : memref<10240x64xf32, #tpu.memory_space<vmem_shared>> -> memref<128x64xf32, #tpu.memory_space<vmem_shared>>
      %dma_wait3A_194 = arith.constant 0 : i32
      %dma_wait3A_195 = tpu.memref_slice %arg14[%add3A_184, %dma_wait3A_194] : memref<10240x64xf32, #tpu.memory_space<vmem_shared>> -> memref<128x64xf32, #tpu.memory_space<vmem_shared>>
      tpu.wait_dma2 semaphore(%run_scoped3A_187 : memref<!tpu.dma_semaphore, #tpu.memory_space<semaphore_mem>>) src(%dma_wait3A_195 : memref<128x64xf32, #tpu.memory_space<vmem_shared>>) dst(%arg9 : memref<128x64xf32, #tpu.memory_space<vmem>>)
      tpu.yield
    }) : () -> ()
    %add3A_185 = arith.constant 512 : i32
    %add3A_186 = arith.addi %mul3A_3, %add3A_185 : i32
    "tpu.region"() ({
      %run_scoped3A_187 = tpu.sem_alloc : memref<!tpu.dma_semaphore, #tpu.memory_space<semaphore_mem>>
      %dma_start3A_188 = arith.constant 64 : i32
      %dma_start3A_189 = tpu.memref_slice %arg5[%arg0, %add3A_186, %dma_start3A_188] : memref<2x10240x128xf32, #tpu.memory_space<hbm>> -> memref<1x128x64xf32, #tpu.memory_space<hbm>>
      %dma_start3A_190 = tpu.memref_squeeze %dma_start3A_189 : memref<1x128x64xf32, #tpu.memory_space<hbm>> -> memref<128x64xf32, #tpu.memory_space<hbm>>
      %dma_start3A_191 = arith.constant 64 : i32
      %dma_start3A_192 = tpu.memref_slice %arg5[%arg0, %add3A_186, %dma_start3A_191] : memref<2x10240x128xf32, #tpu.memory_space<hbm>> -> memref<1x128x64xf32, #tpu.memory_space<hbm>>
      %dma_start3A_193 = tpu.memref_squeeze %dma_start3A_192 : memref<1x128x64xf32, #tpu.memory_space<hbm>> -> memref<128x64xf32, #tpu.memory_space<hbm>>
      tpu.enqueue_dma source(%arg9 : memref<128x64xf32, #tpu.memory_space<vmem>>) target(%dma_start3A_193 : memref<128x64xf32, #tpu.memory_space<hbm>>) target_semaphore(%run_scoped3A_187 : memref<!tpu.dma_semaphore, #tpu.memory_space<semaphore_mem>>)
      %dma_wait3A_194 = arith.constant 64 : i32
      %dma_wait3A_195 = tpu.memref_slice %arg5[%arg0, %add3A_186, %dma_wait3A_194] : memref<2x10240x128xf32, #tpu.memory_space<hbm>> -> memref<1x128x64xf32, #tpu.memory_space<hbm>>
      %dma_wait3A_196 = tpu.memref_squeeze %dma_wait3A_195 : memref<1x128x64xf32, #tpu.memory_space<hbm>> -> memref<128x64xf32, #tpu.memory_space<hbm>>
      %dma_wait3A_197 = arith.constant 64 : i32
      %dma_wait3A_198 = tpu.memref_slice %arg5[%arg0, %add3A_186, %dma_wait3A_197] : memref<2x10240x128xf32, #tpu.memory_space<hbm>> -> memref<1x128x64xf32, #tpu.memory_space<hbm>>
      %dma_wait3A_199 = tpu.memref_squeeze %dma_wait3A_198 : memref<1x128x64xf32, #tpu.memory_space<hbm>> -> memref<128x64xf32, #tpu.memory_space<hbm>>
      tpu.wait_dma2 semaphore(%run_scoped3A_187 : memref<!tpu.dma_semaphore, #tpu.memory_space<semaphore_mem>>) src(%arg9 : memref<128x64xf32, #tpu.memory_space<vmem>>) dst(%dma_wait3A_199 : memref<128x64xf32, #tpu.memory_space<hbm>>)
      tpu.yield
    }) : () -> ()
    return
  }
}

#map = affine_map<(d0, d1) -> (0, 0, 0, 0)>
#map1 = affine_map<(d0, d1) -> (0, 0)>
#map2 = affine_map<(d0, d1) -> (0, 0, 0)>
module attributes {stable_mosaic.version = 14 : i64} {
  func.func @sc_segment_sum(%arg0: i32, %arg1: i32, %arg2: memref<2x16x157x128xi32, #tpu.memory_space<hbm>>, %arg3: memref<2x16x157x128xi32, #tpu.memory_space<hbm>>, %arg4: memref<40000x64xf32, #tpu.memory_space<hbm>>, %arg5: memref<2x10240x128xf32, #tpu.memory_space<hbm>>, %arg6: memref<157x128xi32, #tpu.memory_space<vmem>>, %arg7: memref<157x128xi32, #tpu.memory_space<vmem>>, %arg8: memref<128x64xf32, #tpu.memory_space<vmem>>, %arg9: memref<128x64xf32, #tpu.memory_space<vmem>>, %arg10: memref<128x64xf32, #tpu.memory_space<vmem>>, %arg11: memref<128x64xf32, #tpu.memory_space<vmem>>, %arg12: memref<10240x64xf32, #tpu.memory_space<vmem_shared>>, %arg13: memref<!tpu.dma_semaphore, #tpu.memory_space<semaphore_mem>>, %arg14: memref<!tpu.dma_semaphore, #tpu.memory_space<semaphore_mem>>, %arg15: memref<!tpu.dma_semaphore, #tpu.memory_space<semaphore_mem>>, %arg16: memref<!tpu.dma_semaphore, #tpu.memory_space<semaphore_mem>>, %arg17: memref<!tpu.dma_semaphore, #tpu.memory_space<semaphore_mem>>, %arg18: memref<!tpu.dma_semaphore, #tpu.memory_space<semaphore_mem>>, %arg19: memref<!tpu.dma_semaphore, #tpu.memory_space<semaphore_mem>>, %arg20: memref<!tpu.dma_semaphore, #tpu.memory_space<semaphore_mem>>, %arg21: memref<!tpu.dma_semaphore, #tpu.memory_space<semaphore_mem>>) attributes {dimension_semantics = [#tpu.dimension_semantics<core_parallel>, #tpu.dimension_semantics<subcore_parallel>], iteration_bounds = array<i64: 2, 16>, scalar_prefetch = 0 : i64, scratch_operands = 16 : i64, tpu.core_type = #tpu.core_type<sc_vector_subcore>, window_params = [{transform_indices = #map}, {transform_indices = #map}, {transform_indices = #map1}, {transform_indices = #map2}]} {
    "tpu.region"() ({
      %run_scoped3A_164 = tpu.sem_alloc : memref<!tpu.dma_semaphore, #tpu.memory_space<semaphore_mem>>
      %dma_start3A_165 = arith.constant 0 : i32
      %dma_start3A_166 = arith.constant 0 : i32
      %dma_start3A_167 = tpu.memref_slice %arg2[%arg0, %arg1, %dma_start3A_165, %dma_start3A_166] : memref<2x16x157x128xi32, #tpu.memory_space<hbm>> -> memref<1x1x157x128xi32, #tpu.memory_space<hbm>>
      %dma_start3A_168 = tpu.memref_squeeze %dma_start3A_167 : memref<1x1x157x128xi32, #tpu.memory_space<hbm>> -> memref<157x128xi32, #tpu.memory_space<hbm>>
      %dma_start3A_169 = arith.constant 0 : i32
      %dma_start3A_170 = arith.constant 0 : i32
      %dma_start3A_171 = tpu.memref_slice %arg2[%arg0, %arg1, %dma_start3A_169, %dma_start3A_170] : memref<2x16x157x128xi32, #tpu.memory_space<hbm>> -> memref<1x1x157x128xi32, #tpu.memory_space<hbm>>
      %dma_start3A_172 = tpu.memref_squeeze %dma_start3A_171 : memref<1x1x157x128xi32, #tpu.memory_space<hbm>> -> memref<157x128xi32, #tpu.memory_space<hbm>>
      tpu.enqueue_dma source(%dma_start3A_172 : memref<157x128xi32, #tpu.memory_space<hbm>>) target(%arg6 : memref<157x128xi32, #tpu.memory_space<vmem>>) target_semaphore(%run_scoped3A_164 : memref<!tpu.dma_semaphore, #tpu.memory_space<semaphore_mem>>)
      %dma_wait3A_173 = arith.constant 0 : i32
      %dma_wait3A_174 = arith.constant 0 : i32
      %dma_wait3A_175 = tpu.memref_slice %arg2[%arg0, %arg1, %dma_wait3A_173, %dma_wait3A_174] : memref<2x16x157x128xi32, #tpu.memory_space<hbm>> -> memref<1x1x157x128xi32, #tpu.memory_space<hbm>>
      %dma_wait3A_176 = tpu.memref_squeeze %dma_wait3A_175 : memref<1x1x157x128xi32, #tpu.memory_space<hbm>> -> memref<157x128xi32, #tpu.memory_space<hbm>>
      %dma_wait3A_177 = arith.constant 0 : i32
      %dma_wait3A_178 = arith.constant 0 : i32
      %dma_wait3A_179 = tpu.memref_slice %arg2[%arg0, %arg1, %dma_wait3A_177, %dma_wait3A_178] : memref<2x16x157x128xi32, #tpu.memory_space<hbm>> -> memref<1x1x157x128xi32, #tpu.memory_space<hbm>>
      %dma_wait3A_180 = tpu.memref_squeeze %dma_wait3A_179 : memref<1x1x157x128xi32, #tpu.memory_space<hbm>> -> memref<157x128xi32, #tpu.memory_space<hbm>>
      tpu.wait_dma2 semaphore(%run_scoped3A_164 : memref<!tpu.dma_semaphore, #tpu.memory_space<semaphore_mem>>) src(%dma_wait3A_180 : memref<157x128xi32, #tpu.memory_space<hbm>>) dst(%arg6 : memref<157x128xi32, #tpu.memory_space<vmem>>)
      tpu.yield
    }) : () -> ()
    "tpu.region"() ({
      %run_scoped3A_164 = tpu.sem_alloc : memref<!tpu.dma_semaphore, #tpu.memory_space<semaphore_mem>>
      %dma_start3A_165 = arith.constant 0 : i32
      %dma_start3A_166 = arith.constant 0 : i32
      %dma_start3A_167 = tpu.memref_slice %arg3[%arg0, %arg1, %dma_start3A_165, %dma_start3A_166] : memref<2x16x157x128xi32, #tpu.memory_space<hbm>> -> memref<1x1x157x128xi32, #tpu.memory_space<hbm>>
      %dma_start3A_168 = tpu.memref_squeeze %dma_start3A_167 : memref<1x1x157x128xi32, #tpu.memory_space<hbm>> -> memref<157x128xi32, #tpu.memory_space<hbm>>
      %dma_start3A_169 = arith.constant 0 : i32
      %dma_start3A_170 = arith.constant 0 : i32
      %dma_start3A_171 = tpu.memref_slice %arg3[%arg0, %arg1, %dma_start3A_169, %dma_start3A_170] : memref<2x16x157x128xi32, #tpu.memory_space<hbm>> -> memref<1x1x157x128xi32, #tpu.memory_space<hbm>>
      %dma_start3A_172 = tpu.memref_squeeze %dma_start3A_171 : memref<1x1x157x128xi32, #tpu.memory_space<hbm>> -> memref<157x128xi32, #tpu.memory_space<hbm>>
      tpu.enqueue_dma source(%dma_start3A_172 : memref<157x128xi32, #tpu.memory_space<hbm>>) target(%arg7 : memref<157x128xi32, #tpu.memory_space<vmem>>) target_semaphore(%run_scoped3A_164 : memref<!tpu.dma_semaphore, #tpu.memory_space<semaphore_mem>>)
      %dma_wait3A_173 = arith.constant 0 : i32
      %dma_wait3A_174 = arith.constant 0 : i32
      %dma_wait3A_175 = tpu.memref_slice %arg3[%arg0, %arg1, %dma_wait3A_173, %dma_wait3A_174] : memref<2x16x157x128xi32, #tpu.memory_space<hbm>> -> memref<1x1x157x128xi32, #tpu.memory_space<hbm>>
      %dma_wait3A_176 = tpu.memref_squeeze %dma_wait3A_175 : memref<1x1x157x128xi32, #tpu.memory_space<hbm>> -> memref<157x128xi32, #tpu.memory_space<hbm>>
      %dma_wait3A_177 = arith.constant 0 : i32
      %dma_wait3A_178 = arith.constant 0 : i32
      %dma_wait3A_179 = tpu.memref_slice %arg3[%arg0, %arg1, %dma_wait3A_177, %dma_wait3A_178] : memref<2x16x157x128xi32, #tpu.memory_space<hbm>> -> memref<1x1x157x128xi32, #tpu.memory_space<hbm>>
      %dma_wait3A_180 = tpu.memref_squeeze %dma_wait3A_179 : memref<1x1x157x128xi32, #tpu.memory_space<hbm>> -> memref<157x128xi32, #tpu.memory_space<hbm>>
      tpu.wait_dma2 semaphore(%run_scoped3A_164 : memref<!tpu.dma_semaphore, #tpu.memory_space<semaphore_mem>>) src(%dma_wait3A_180 : memref<157x128xi32, #tpu.memory_space<hbm>>) dst(%arg7 : memref<157x128xi32, #tpu.memory_space<vmem>>)
      tpu.yield
    }) : () -> ()
    %broadcast_in_dim3A = arith.constant 0.000000e+00 : f32
    %broadcast_in_dim3A_0 = vector.broadcast %broadcast_in_dim3A : f32 to vector<16xf32>
    %broadcast_in_dim3A_1 = arith.constant 1.000000e+00 : f32
    %broadcast_in_dim3A_2 = vector.broadcast %broadcast_in_dim3A_1 : f32 to vector<16xf32>
    %mul3A = arith.constant 640 : i32
    %mul3A_3 = arith.muli %arg1, %mul3A : i32
    %scan3A = arith.constant 0 : i32
    %scan3A_4 = arith.constant 0 : i32
    %scan3A_5 = arith.constant 128 : i32
    %scan3A_6 = arith.addi %scan3A_4, %scan3A_5 : i32
    %scan3A_7 = arith.constant 1 : i32
    scf.for %scan3A_164 = %scan3A_4 to %scan3A_6 step %scan3A_7  : i32 {
      %swap3A = arith.index_cast %scan3A_164 : i32 to index
      %swap3A_165 = arith.constant 0 : index
      %swap3A_166 = tpu.vector_load %arg8[%swap3A, %swap3A_165] {strides = array<i32>} : memref<128x64xf32, #tpu.memory_space<vmem>>, vector<1x16xf32>,
      %swap3A_167 = vector.shape_cast %swap3A_166 : vector<1x16xf32> to vector<16xf32>
      %swap3A_168 = vector.shape_cast %broadcast_in_dim3A_0 : vector<16xf32> to vector<1x16xf32>
      tpu.vector_store %arg8[%swap3A, %swap3A_165], %swap3A_168 {strides = array<i32>} : memref<128x64xf32, #tpu.memory_space<vmem>>, vector<1x16xf32>,
      %swap3A_169 = arith.index_cast %scan3A_164 : i32 to index
      %swap3A_170 = arith.constant 16 : index
      %swap3A_171 = tpu.vector_load %arg8[%swap3A_169, %swap3A_170] {strides = array<i32>} : memref<128x64xf32, #tpu.memory_space<vmem>>, vector<1x16xf32>,
      %swap3A_172 = vector.shape_cast %swap3A_171 : vector<1x16xf32> to vector<16xf32>
      %swap3A_173 = vector.shape_cast %broadcast_in_dim3A_0 : vector<16xf32> to vector<1x16xf32>
      tpu.vector_store %arg8[%swap3A_169, %swap3A_170], %swap3A_173 {strides = array<i32>} : memref<128x64xf32, #tpu.memory_space<vmem>>, vector<1x16xf32>,
      %swap3A_174 = arith.index_cast %scan3A_164 : i32 to index
      %swap3A_175 = arith.constant 32 : index
      %swap3A_176 = tpu.vector_load %arg8[%swap3A_174, %swap3A_175] {strides = array<i32>} : memref<128x64xf32, #tpu.memory_space<vmem>>, vector<1x16xf32>,
      %swap3A_177 = vector.shape_cast %swap3A_176 : vector<1x16xf32> to vector<16xf32>
      %swap3A_178 = vector.shape_cast %broadcast_in_dim3A_0 : vector<16xf32> to vector<1x16xf32>
      tpu.vector_store %arg8[%swap3A_174, %swap3A_175], %swap3A_178 {strides = array<i32>} : memref<128x64xf32, #tpu.memory_space<vmem>>, vector<1x16xf32>,
      %swap3A_179 = arith.index_cast %scan3A_164 : i32 to index
      %swap3A_180 = arith.constant 48 : index
      %swap3A_181 = tpu.vector_load %arg8[%swap3A_179, %swap3A_180] {strides = array<i32>} : memref<128x64xf32, #tpu.memory_space<vmem>>, vector<1x16xf32>,
      %swap3A_182 = vector.shape_cast %swap3A_181 : vector<1x16xf32> to vector<16xf32>
      %swap3A_183 = vector.shape_cast %broadcast_in_dim3A_0 : vector<16xf32> to vector<1x16xf32>
      tpu.vector_store %arg8[%swap3A_179, %swap3A_180], %swap3A_183 {strides = array<i32>} : memref<128x64xf32, #tpu.memory_space<vmem>>, vector<1x16xf32>,
    }
    %scan3A_8 = arith.constant 128 : i32
    %add3A = arith.constant 0 : i32
    %add3A_9 = arith.addi %mul3A_3, %add3A : i32
    "tpu.region"() ({
      %run_scoped3A_164 = tpu.sem_alloc : memref<!tpu.dma_semaphore, #tpu.memory_space<semaphore_mem>>
      %dma_start3A_165 = arith.constant 0 : i32
      %dma_start3A_166 = tpu.memref_slice %arg12[%add3A_9, %dma_start3A_165] : memref<10240x64xf32, #tpu.memory_space<vmem_shared>> -> memref<128x64xf32, #tpu.memory_space<vmem_shared>>
      %dma_start3A_167 = arith.constant 0 : i32
      %dma_start3A_168 = tpu.memref_slice %arg12[%add3A_9, %dma_start3A_167] : memref<10240x64xf32, #tpu.memory_space<vmem_shared>> -> memref<128x64xf32, #tpu.memory_space<vmem_shared>>
      tpu.enqueue_dma source(%arg8 : memref<128x64xf32, #tpu.memory_space<vmem>>) target(%dma_start3A_168 : memref<128x64xf32, #tpu.memory_space<vmem_shared>>) target_semaphore(%run_scoped3A_164 : memref<!tpu.dma_semaphore, #tpu.memory_space<semaphore_mem>>)
      %dma_wait3A_169 = arith.constant 0 : i32
      %dma_wait3A_170 = tpu.memref_slice %arg12[%add3A_9, %dma_wait3A_169] : memref<10240x64xf32, #tpu.memory_space<vmem_shared>> -> memref<128x64xf32, #tpu.memory_space<vmem_shared>>
      %dma_wait3A_171 = arith.constant 0 : i32
      %dma_wait3A_172 = tpu.memref_slice %arg12[%add3A_9, %dma_wait3A_171] : memref<10240x64xf32, #tpu.memory_space<vmem_shared>> -> memref<128x64xf32, #tpu.memory_space<vmem_shared>>
      tpu.wait_dma2 semaphore(%run_scoped3A_164 : memref<!tpu.dma_semaphore, #tpu.memory_space<semaphore_mem>>) src(%arg8 : memref<128x64xf32, #tpu.memory_space<vmem>>) dst(%dma_wait3A_172 : memref<128x64xf32, #tpu.memory_space<vmem_shared>>)
      tpu.yield
    }) : () -> ()
    %add3A_10 = arith.constant 128 : i32
    %add3A_11 = arith.addi %mul3A_3, %add3A_10 : i32
    "tpu.region"() ({
      %run_scoped3A_164 = tpu.sem_alloc : memref<!tpu.dma_semaphore, #tpu.memory_space<semaphore_mem>>
      %dma_start3A_165 = arith.constant 0 : i32
      %dma_start3A_166 = tpu.memref_slice %arg12[%add3A_11, %dma_start3A_165] : memref<10240x64xf32, #tpu.memory_space<vmem_shared>> -> memref<128x64xf32, #tpu.memory_space<vmem_shared>>
      %dma_start3A_167 = arith.constant 0 : i32
      %dma_start3A_168 = tpu.memref_slice %arg12[%add3A_11, %dma_start3A_167] : memref<10240x64xf32, #tpu.memory_space<vmem_shared>> -> memref<128x64xf32, #tpu.memory_space<vmem_shared>>
      tpu.enqueue_dma source(%arg8 : memref<128x64xf32, #tpu.memory_space<vmem>>) target(%dma_start3A_168 : memref<128x64xf32, #tpu.memory_space<vmem_shared>>) target_semaphore(%run_scoped3A_164 : memref<!tpu.dma_semaphore, #tpu.memory_space<semaphore_mem>>)
      %dma_wait3A_169 = arith.constant 0 : i32
      %dma_wait3A_170 = tpu.memref_slice %arg12[%add3A_11, %dma_wait3A_169] : memref<10240x64xf32, #tpu.memory_space<vmem_shared>> -> memref<128x64xf32, #tpu.memory_space<vmem_shared>>
      %dma_wait3A_171 = arith.constant 0 : i32
      %dma_wait3A_172 = tpu.memref_slice %arg12[%add3A_11, %dma_wait3A_171] : memref<10240x64xf32, #tpu.memory_space<vmem_shared>> -> memref<128x64xf32, #tpu.memory_space<vmem_shared>>
      tpu.wait_dma2 semaphore(%run_scoped3A_164 : memref<!tpu.dma_semaphore, #tpu.memory_space<semaphore_mem>>) src(%arg8 : memref<128x64xf32, #tpu.memory_space<vmem>>) dst(%dma_wait3A_172 : memref<128x64xf32, #tpu.memory_space<vmem_shared>>)
      tpu.yield
    }) : () -> ()
    %add3A_12 = arith.constant 256 : i32
    %add3A_13 = arith.addi %mul3A_3, %add3A_12 : i32
    "tpu.region"() ({
      %run_scoped3A_164 = tpu.sem_alloc : memref<!tpu.dma_semaphore, #tpu.memory_space<semaphore_mem>>
      %dma_start3A_165 = arith.constant 0 : i32
      %dma_start3A_166 = tpu.memref_slice %arg12[%add3A_13, %dma_start3A_165] : memref<10240x64xf32, #tpu.memory_space<vmem_shared>> -> memref<128x64xf32, #tpu.memory_space<vmem_shared>>
      %dma_start3A_167 = arith.constant 0 : i32
      %dma_start3A_168 = tpu.memref_slice %arg12[%add3A_13, %dma_start3A_167] : memref<10240x64xf32, #tpu.memory_space<vmem_shared>> -> memref<128x64xf32, #tpu.memory_space<vmem_shared>>
      tpu.enqueue_dma source(%arg8 : memref<128x64xf32, #tpu.memory_space<vmem>>) target(%dma_start3A_168 : memref<128x64xf32, #tpu.memory_space<vmem_shared>>) target_semaphore(%run_scoped3A_164 : memref<!tpu.dma_semaphore, #tpu.memory_space<semaphore_mem>>)
      %dma_wait3A_169 = arith.constant 0 : i32
      %dma_wait3A_170 = tpu.memref_slice %arg12[%add3A_13, %dma_wait3A_169] : memref<10240x64xf32, #tpu.memory_space<vmem_shared>> -> memref<128x64xf32, #tpu.memory_space<vmem_shared>>
      %dma_wait3A_171 = arith.constant 0 : i32
      %dma_wait3A_172 = tpu.memref_slice %arg12[%add3A_13, %dma_wait3A_171] : memref<10240x64xf32, #tpu.memory_space<vmem_shared>> -> memref<128x64xf32, #tpu.memory_space<vmem_shared>>
      tpu.wait_dma2 semaphore(%run_scoped3A_164 : memref<!tpu.dma_semaphore, #tpu.memory_space<semaphore_mem>>) src(%arg8 : memref<128x64xf32, #tpu.memory_space<vmem>>) dst(%dma_wait3A_172 : memref<128x64xf32, #tpu.memory_space<vmem_shared>>)
      tpu.yield
    }) : () -> ()
    %add3A_14 = arith.constant 384 : i32
    %add3A_15 = arith.addi %mul3A_3, %add3A_14 : i32
    "tpu.region"() ({
      %run_scoped3A_164 = tpu.sem_alloc : memref<!tpu.dma_semaphore, #tpu.memory_space<semaphore_mem>>
      %dma_start3A_165 = arith.constant 0 : i32
      %dma_start3A_166 = tpu.memref_slice %arg12[%add3A_15, %dma_start3A_165] : memref<10240x64xf32, #tpu.memory_space<vmem_shared>> -> memref<128x64xf32, #tpu.memory_space<vmem_shared>>
      %dma_start3A_167 = arith.constant 0 : i32
      %dma_start3A_168 = tpu.memref_slice %arg12[%add3A_15, %dma_start3A_167] : memref<10240x64xf32, #tpu.memory_space<vmem_shared>> -> memref<128x64xf32, #tpu.memory_space<vmem_shared>>
      tpu.enqueue_dma source(%arg8 : memref<128x64xf32, #tpu.memory_space<vmem>>) target(%dma_start3A_168 : memref<128x64xf32, #tpu.memory_space<vmem_shared>>) target_semaphore(%run_scoped3A_164 : memref<!tpu.dma_semaphore, #tpu.memory_space<semaphore_mem>>)
      %dma_wait3A_169 = arith.constant 0 : i32
      %dma_wait3A_170 = tpu.memref_slice %arg12[%add3A_15, %dma_wait3A_169] : memref<10240x64xf32, #tpu.memory_space<vmem_shared>> -> memref<128x64xf32, #tpu.memory_space<vmem_shared>>
      %dma_wait3A_171 = arith.constant 0 : i32
      %dma_wait3A_172 = tpu.memref_slice %arg12[%add3A_15, %dma_wait3A_171] : memref<10240x64xf32, #tpu.memory_space<vmem_shared>> -> memref<128x64xf32, #tpu.memory_space<vmem_shared>>
      tpu.wait_dma2 semaphore(%run_scoped3A_164 : memref<!tpu.dma_semaphore, #tpu.memory_space<semaphore_mem>>) src(%arg8 : memref<128x64xf32, #tpu.memory_space<vmem>>) dst(%dma_wait3A_172 : memref<128x64xf32, #tpu.memory_space<vmem_shared>>)
      tpu.yield
    }) : () -> ()
    %add3A_16 = arith.constant 512 : i32
    %add3A_17 = arith.addi %mul3A_3, %add3A_16 : i32
    "tpu.region"() ({
      %run_scoped3A_164 = tpu.sem_alloc : memref<!tpu.dma_semaphore, #tpu.memory_space<semaphore_mem>>
      %dma_start3A_165 = arith.constant 0 : i32
      %dma_start3A_166 = tpu.memref_slice %arg12[%add3A_17, %dma_start3A_165] : memref<10240x64xf32, #tpu.memory_space<vmem_shared>> -> memref<128x64xf32, #tpu.memory_space<vmem_shared>>
      %dma_start3A_167 = arith.constant 0 : i32
      %dma_start3A_168 = tpu.memref_slice %arg12[%add3A_17, %dma_start3A_167] : memref<10240x64xf32, #tpu.memory_space<vmem_shared>> -> memref<128x64xf32, #tpu.memory_space<vmem_shared>>
      tpu.enqueue_dma source(%arg8 : memref<128x64xf32, #tpu.memory_space<vmem>>) target(%dma_start3A_168 : memref<128x64xf32, #tpu.memory_space<vmem_shared>>) target_semaphore(%run_scoped3A_164 : memref<!tpu.dma_semaphore, #tpu.memory_space<semaphore_mem>>)
      %dma_wait3A_169 = arith.constant 0 : i32
      %dma_wait3A_170 = tpu.memref_slice %arg12[%add3A_17, %dma_wait3A_169] : memref<10240x64xf32, #tpu.memory_space<vmem_shared>> -> memref<128x64xf32, #tpu.memory_space<vmem_shared>>
      %dma_wait3A_171 = arith.constant 0 : i32
      %dma_wait3A_172 = tpu.memref_slice %arg12[%add3A_17, %dma_wait3A_171] : memref<10240x64xf32, #tpu.memory_space<vmem_shared>> -> memref<128x64xf32, #tpu.memory_space<vmem_shared>>
      tpu.wait_dma2 semaphore(%run_scoped3A_164 : memref<!tpu.dma_semaphore, #tpu.memory_space<semaphore_mem>>) src(%arg8 : memref<128x64xf32, #tpu.memory_space<vmem>>) dst(%dma_wait3A_172 : memref<128x64xf32, #tpu.memory_space<vmem_shared>>)
      tpu.yield
    }) : () -> ()
    %barrier3A = arith.constant 0 : index
    tpu.barrier barrier_id(%barrier3A)
    %dma_start3A = arith.constant 0 : i32
    %dma_start3A_18 = arith.constant 0 : i32
    %dma_start3A_19 = tpu.memref_slice %arg6[%dma_start3A, %dma_start3A_18] : memref<157x128xi32, #tpu.memory_space<vmem>> -> memref<1x128xi32, #tpu.memory_space<vmem>>
    %dma_start3A_20 = tpu.memref_squeeze %dma_start3A_19 : memref<1x128xi32, #tpu.memory_space<vmem>> -> memref<128xi32, #tpu.memory_space<vmem>>
    %dma_start3A_21 = arith.constant 0 : i32
    %dma_start3A_22 = arith.constant 0 : i32
    %dma_start3A_23 = tpu.memref_slice %arg4[%dma_start3A_21, %dma_start3A_22] : memref<40000x64xf32, #tpu.memory_space<hbm>> -> memref<40000x64xf32, #tpu.memory_space<hbm>>
    tpu.enqueue_indirect_dma source(%dma_start3A_23 : memref<40000x64xf32, #tpu.memory_space<hbm>>) target(%arg8 : memref<128x64xf32, #tpu.memory_space<vmem>>) offsets(%dma_start3A_20 : memref<128xi32, #tpu.memory_space<vmem>>) semaphore(%arg13 : memref<!tpu.dma_semaphore, #tpu.memory_space<semaphore_mem>>)
    %dma_start3A_24 = arith.constant 1 : i32
    %dma_start3A_25 = arith.constant 0 : i32
    %dma_start3A_26 = tpu.memref_slice %arg6[%dma_start3A_24, %dma_start3A_25] : memref<157x128xi32, #tpu.memory_space<vmem>> -> memref<1x128xi32, #tpu.memory_space<vmem>>
    %dma_start3A_27 = tpu.memref_squeeze %dma_start3A_26 : memref<1x128xi32, #tpu.memory_space<vmem>> -> memref<128xi32, #tpu.memory_space<vmem>>
    %dma_start3A_28 = arith.constant 0 : i32
    %dma_start3A_29 = arith.constant 0 : i32
    %dma_start3A_30 = tpu.memref_slice %arg4[%dma_start3A_28, %dma_start3A_29] : memref<40000x64xf32, #tpu.memory_space<hbm>> -> memref<40000x64xf32, #tpu.memory_space<hbm>>
    tpu.enqueue_indirect_dma source(%dma_start3A_30 : memref<40000x64xf32, #tpu.memory_space<hbm>>) target(%arg9 : memref<128x64xf32, #tpu.memory_space<vmem>>) offsets(%dma_start3A_27 : memref<128xi32, #tpu.memory_space<vmem>>) semaphore(%arg14 : memref<!tpu.dma_semaphore, #tpu.memory_space<semaphore_mem>>)
    %dma_start3A_31 = arith.constant 2 : i32
    %dma_start3A_32 = arith.constant 0 : i32
    %dma_start3A_33 = tpu.memref_slice %arg6[%dma_start3A_31, %dma_start3A_32] : memref<157x128xi32, #tpu.memory_space<vmem>> -> memref<1x128xi32, #tpu.memory_space<vmem>>
    %dma_start3A_34 = tpu.memref_squeeze %dma_start3A_33 : memref<1x128xi32, #tpu.memory_space<vmem>> -> memref<128xi32, #tpu.memory_space<vmem>>
    %dma_start3A_35 = arith.constant 0 : i32
    %dma_start3A_36 = arith.constant 0 : i32
    %dma_start3A_37 = tpu.memref_slice %arg4[%dma_start3A_35, %dma_start3A_36] : memref<40000x64xf32, #tpu.memory_space<hbm>> -> memref<40000x64xf32, #tpu.memory_space<hbm>>
    tpu.enqueue_indirect_dma source(%dma_start3A_37 : memref<40000x64xf32, #tpu.memory_space<hbm>>) target(%arg10 : memref<128x64xf32, #tpu.memory_space<vmem>>) offsets(%dma_start3A_34 : memref<128xi32, #tpu.memory_space<vmem>>) semaphore(%arg15 : memref<!tpu.dma_semaphore, #tpu.memory_space<semaphore_mem>>)
    %dma_start3A_38 = arith.constant 3 : i32
    %dma_start3A_39 = arith.constant 0 : i32
    %dma_start3A_40 = tpu.memref_slice %arg6[%dma_start3A_38, %dma_start3A_39] : memref<157x128xi32, #tpu.memory_space<vmem>> -> memref<1x128xi32, #tpu.memory_space<vmem>>
    %dma_start3A_41 = tpu.memref_squeeze %dma_start3A_40 : memref<1x128xi32, #tpu.memory_space<vmem>> -> memref<128xi32, #tpu.memory_space<vmem>>
    %dma_start3A_42 = arith.constant 0 : i32
    %dma_start3A_43 = arith.constant 0 : i32
    %dma_start3A_44 = tpu.memref_slice %arg4[%dma_start3A_42, %dma_start3A_43] : memref<40000x64xf32, #tpu.memory_space<hbm>> -> memref<40000x64xf32, #tpu.memory_space<hbm>>
    tpu.enqueue_indirect_dma source(%dma_start3A_44 : memref<40000x64xf32, #tpu.memory_space<hbm>>) target(%arg11 : memref<128x64xf32, #tpu.memory_space<vmem>>) offsets(%dma_start3A_41 : memref<128xi32, #tpu.memory_space<vmem>>) semaphore(%arg16 : memref<!tpu.dma_semaphore, #tpu.memory_space<semaphore_mem>>)
    %scan3A_45 = arith.constant 0 : i32
    %scan3A_46 = arith.constant 0 : i32
    %scan3A_47 = arith.constant 39 : i32
    %scan3A_48 = arith.addi %scan3A_46, %scan3A_47 : i32
    %scan3A_49 = arith.constant 1 : i32
    scf.for %scan3A_164 = %scan3A_46 to %scan3A_48 step %scan3A_49  : i32 {
      %mul3A_165 = arith.constant 4 : i32
      %mul3A_166 = arith.muli %mul3A_165, %scan3A_164 : i32
      %add3A_167 = arith.constant 0 : i32
      %add3A_168 = arith.addi %mul3A_166, %add3A_167 : i32
      %dma_wait3A_169 = arith.constant 0 : i32
      %dma_wait3A_170 = tpu.memref_slice %arg6[%add3A_168, %dma_wait3A_169] : memref<157x128xi32, #tpu.memory_space<vmem>> -> memref<1x128xi32, #tpu.memory_space<vmem>>
      %dma_wait3A_171 = tpu.memref_squeeze %dma_wait3A_170 : memref<1x128xi32, #tpu.memory_space<vmem>> -> memref<128xi32, #tpu.memory_space<vmem>>
      %dma_wait3A_172 = arith.constant 0 : i32
      %dma_wait3A_173 = arith.constant 0 : i32
      %dma_wait3A_174 = tpu.memref_slice %arg4[%dma_wait3A_172, %dma_wait3A_173] : memref<40000x64xf32, #tpu.memory_space<hbm>> -> memref<40000x64xf32, #tpu.memory_space<hbm>>
      tpu.wait_indirect_dma semaphore(%arg13 : memref<!tpu.dma_semaphore, #tpu.memory_space<semaphore_mem>>) src(%dma_wait3A_174 : memref<40000x64xf32, #tpu.memory_space<hbm>>) dst(%arg8 : memref<128x64xf32, #tpu.memory_space<vmem>>)
      %add3A_175 = arith.constant 0 : i32
      %add3A_176 = arith.addi %mul3A_166, %add3A_175 : i32
      %dma_start3A_177 = arith.constant 0 : i32
      %dma_start3A_178 = tpu.memref_slice %arg7[%add3A_176, %dma_start3A_177] : memref<157x128xi32, #tpu.memory_space<vmem>> -> memref<1x128xi32, #tpu.memory_space<vmem>>
      %dma_start3A_179 = tpu.memref_squeeze %dma_start3A_178 : memref<1x128xi32, #tpu.memory_space<vmem>> -> memref<128xi32, #tpu.memory_space<vmem>>
      %dma_start3A_180 = arith.constant 0 : i32
      %dma_start3A_181 = arith.constant 0 : i32
      %dma_start3A_182 = tpu.memref_slice %arg12[%dma_start3A_180, %dma_start3A_181] : memref<10240x64xf32, #tpu.memory_space<vmem_shared>> -> memref<10240x64xf32, #tpu.memory_space<vmem_shared>>
      tpu.enqueue_indirect_dma source(%arg8 : memref<128x64xf32, #tpu.memory_space<vmem>>) target(%dma_start3A_182 : memref<10240x64xf32, #tpu.memory_space<vmem_shared>>) offsets(%dma_start3A_179 : memref<128xi32, #tpu.memory_space<vmem>>) semaphore(%arg17 : memref<!tpu.dma_semaphore, #tpu.memory_space<semaphore_mem>>) {add = true}
      %add3A_183 = arith.constant 1 : i32
      %add3A_184 = arith.addi %mul3A_166, %add3A_183 : i32
      %dma_wait3A_185 = arith.constant 0 : i32
      %dma_wait3A_186 = tpu.memref_slice %arg6[%add3A_184, %dma_wait3A_185] : memref<157x128xi32, #tpu.memory_space<vmem>> -> memref<1x128xi32, #tpu.memory_space<vmem>>
      %dma_wait3A_187 = tpu.memref_squeeze %dma_wait3A_186 : memref<1x128xi32, #tpu.memory_space<vmem>> -> memref<128xi32, #tpu.memory_space<vmem>>
      %dma_wait3A_188 = arith.constant 0 : i32
      %dma_wait3A_189 = arith.constant 0 : i32
      %dma_wait3A_190 = tpu.memref_slice %arg4[%dma_wait3A_188, %dma_wait3A_189] : memref<40000x64xf32, #tpu.memory_space<hbm>> -> memref<40000x64xf32, #tpu.memory_space<hbm>>
      tpu.wait_indirect_dma semaphore(%arg14 : memref<!tpu.dma_semaphore, #tpu.memory_space<semaphore_mem>>) src(%dma_wait3A_190 : memref<40000x64xf32, #tpu.memory_space<hbm>>) dst(%arg9 : memref<128x64xf32, #tpu.memory_space<vmem>>)
      %add3A_191 = arith.constant 1 : i32
      %add3A_192 = arith.addi %mul3A_166, %add3A_191 : i32
      %dma_start3A_193 = arith.constant 0 : i32
      %dma_start3A_194 = tpu.memref_slice %arg7[%add3A_192, %dma_start3A_193] : memref<157x128xi32, #tpu.memory_space<vmem>> -> memref<1x128xi32, #tpu.memory_space<vmem>>
      %dma_start3A_195 = tpu.memref_squeeze %dma_start3A_194 : memref<1x128xi32, #tpu.memory_space<vmem>> -> memref<128xi32, #tpu.memory_space<vmem>>
      %dma_start3A_196 = arith.constant 0 : i32
      %dma_start3A_197 = arith.constant 0 : i32
      %dma_start3A_198 = tpu.memref_slice %arg12[%dma_start3A_196, %dma_start3A_197] : memref<10240x64xf32, #tpu.memory_space<vmem_shared>> -> memref<10240x64xf32, #tpu.memory_space<vmem_shared>>
      tpu.enqueue_indirect_dma source(%arg9 : memref<128x64xf32, #tpu.memory_space<vmem>>) target(%dma_start3A_198 : memref<10240x64xf32, #tpu.memory_space<vmem_shared>>) offsets(%dma_start3A_195 : memref<128xi32, #tpu.memory_space<vmem>>) semaphore(%arg18 : memref<!tpu.dma_semaphore, #tpu.memory_space<semaphore_mem>>) {add = true}
      %add3A_199 = arith.constant 2 : i32
      %add3A_200 = arith.addi %mul3A_166, %add3A_199 : i32
      %dma_wait3A_201 = arith.constant 0 : i32
      %dma_wait3A_202 = tpu.memref_slice %arg6[%add3A_200, %dma_wait3A_201] : memref<157x128xi32, #tpu.memory_space<vmem>> -> memref<1x128xi32, #tpu.memory_space<vmem>>
      %dma_wait3A_203 = tpu.memref_squeeze %dma_wait3A_202 : memref<1x128xi32, #tpu.memory_space<vmem>> -> memref<128xi32, #tpu.memory_space<vmem>>
      %dma_wait3A_204 = arith.constant 0 : i32
      %dma_wait3A_205 = arith.constant 0 : i32
      %dma_wait3A_206 = tpu.memref_slice %arg4[%dma_wait3A_204, %dma_wait3A_205] : memref<40000x64xf32, #tpu.memory_space<hbm>> -> memref<40000x64xf32, #tpu.memory_space<hbm>>
      tpu.wait_indirect_dma semaphore(%arg15 : memref<!tpu.dma_semaphore, #tpu.memory_space<semaphore_mem>>) src(%dma_wait3A_206 : memref<40000x64xf32, #tpu.memory_space<hbm>>) dst(%arg10 : memref<128x64xf32, #tpu.memory_space<vmem>>)
      %add3A_207 = arith.constant 2 : i32
      %add3A_208 = arith.addi %mul3A_166, %add3A_207 : i32
      %dma_start3A_209 = arith.constant 0 : i32
      %dma_start3A_210 = tpu.memref_slice %arg7[%add3A_208, %dma_start3A_209] : memref<157x128xi32, #tpu.memory_space<vmem>> -> memref<1x128xi32, #tpu.memory_space<vmem>>
      %dma_start3A_211 = tpu.memref_squeeze %dma_start3A_210 : memref<1x128xi32, #tpu.memory_space<vmem>> -> memref<128xi32, #tpu.memory_space<vmem>>
      %dma_start3A_212 = arith.constant 0 : i32
      %dma_start3A_213 = arith.constant 0 : i32
      %dma_start3A_214 = tpu.memref_slice %arg12[%dma_start3A_212, %dma_start3A_213] : memref<10240x64xf32, #tpu.memory_space<vmem_shared>> -> memref<10240x64xf32, #tpu.memory_space<vmem_shared>>
      tpu.enqueue_indirect_dma source(%arg10 : memref<128x64xf32, #tpu.memory_space<vmem>>) target(%dma_start3A_214 : memref<10240x64xf32, #tpu.memory_space<vmem_shared>>) offsets(%dma_start3A_211 : memref<128xi32, #tpu.memory_space<vmem>>) semaphore(%arg19 : memref<!tpu.dma_semaphore, #tpu.memory_space<semaphore_mem>>) {add = true}
      %add3A_215 = arith.constant 3 : i32
      %add3A_216 = arith.addi %mul3A_166, %add3A_215 : i32
      %dma_wait3A_217 = arith.constant 0 : i32
      %dma_wait3A_218 = tpu.memref_slice %arg6[%add3A_216, %dma_wait3A_217] : memref<157x128xi32, #tpu.memory_space<vmem>> -> memref<1x128xi32, #tpu.memory_space<vmem>>
      %dma_wait3A_219 = tpu.memref_squeeze %dma_wait3A_218 : memref<1x128xi32, #tpu.memory_space<vmem>> -> memref<128xi32, #tpu.memory_space<vmem>>
      %dma_wait3A_220 = arith.constant 0 : i32
      %dma_wait3A_221 = arith.constant 0 : i32
      %dma_wait3A_222 = tpu.memref_slice %arg4[%dma_wait3A_220, %dma_wait3A_221] : memref<40000x64xf32, #tpu.memory_space<hbm>> -> memref<40000x64xf32, #tpu.memory_space<hbm>>
      tpu.wait_indirect_dma semaphore(%arg16 : memref<!tpu.dma_semaphore, #tpu.memory_space<semaphore_mem>>) src(%dma_wait3A_222 : memref<40000x64xf32, #tpu.memory_space<hbm>>) dst(%arg11 : memref<128x64xf32, #tpu.memory_space<vmem>>)
      %add3A_223 = arith.constant 3 : i32
      %add3A_224 = arith.addi %mul3A_166, %add3A_223 : i32
      %dma_start3A_225 = arith.constant 0 : i32
      %dma_start3A_226 = tpu.memref_slice %arg7[%add3A_224, %dma_start3A_225] : memref<157x128xi32, #tpu.memory_space<vmem>> -> memref<1x128xi32, #tpu.memory_space<vmem>>
      %dma_start3A_227 = tpu.memref_squeeze %dma_start3A_226 : memref<1x128xi32, #tpu.memory_space<vmem>> -> memref<128xi32, #tpu.memory_space<vmem>>
      %dma_start3A_228 = arith.constant 0 : i32
      %dma_start3A_229 = arith.constant 0 : i32
      %dma_start3A_230 = tpu.memref_slice %arg12[%dma_start3A_228, %dma_start3A_229] : memref<10240x64xf32, #tpu.memory_space<vmem_shared>> -> memref<10240x64xf32, #tpu.memory_space<vmem_shared>>
      tpu.enqueue_indirect_dma source(%arg11 : memref<128x64xf32, #tpu.memory_space<vmem>>) target(%dma_start3A_230 : memref<10240x64xf32, #tpu.memory_space<vmem_shared>>) offsets(%dma_start3A_227 : memref<128xi32, #tpu.memory_space<vmem>>) semaphore(%arg20 : memref<!tpu.dma_semaphore, #tpu.memory_space<semaphore_mem>>) {add = true}
      %add3A_231 = arith.constant 0 : i32
      %add3A_232 = arith.addi %mul3A_166, %add3A_231 : i32
      %dma_wait3A_233 = arith.constant 0 : i32
      %dma_wait3A_234 = tpu.memref_slice %arg7[%add3A_232, %dma_wait3A_233] : memref<157x128xi32, #tpu.memory_space<vmem>> -> memref<1x128xi32, #tpu.memory_space<vmem>>
      %dma_wait3A_235 = tpu.memref_squeeze %dma_wait3A_234 : memref<1x128xi32, #tpu.memory_space<vmem>> -> memref<128xi32, #tpu.memory_space<vmem>>
      %dma_wait3A_236 = arith.constant 0 : i32
      %dma_wait3A_237 = arith.constant 0 : i32
      %dma_wait3A_238 = tpu.memref_slice %arg12[%dma_wait3A_236, %dma_wait3A_237] : memref<10240x64xf32, #tpu.memory_space<vmem_shared>> -> memref<10240x64xf32, #tpu.memory_space<vmem_shared>>
      tpu.wait_indirect_dma semaphore(%arg17 : memref<!tpu.dma_semaphore, #tpu.memory_space<semaphore_mem>>) src(%arg8 : memref<128x64xf32, #tpu.memory_space<vmem>>) dst(%dma_wait3A_238 : memref<10240x64xf32, #tpu.memory_space<vmem_shared>>)
      %add3A_239 = arith.constant 4 : i32
      %add3A_240 = arith.addi %mul3A_166, %add3A_239 : i32
      %add3A_241 = arith.constant 0 : i32
      %add3A_242 = arith.addi %add3A_240, %add3A_241 : i32
      %le3A = arith.constant 156 : i32
      %le3A_243 = arith.cmpi sle, %add3A_242, %le3A : i32
      %convert_element_type3A = arith.extui %le3A_243 : i1 to i32
      %cond3A = arith.constant 0 : i32
      %cond3A_244 = arith.cmpi ne, %convert_element_type3A, %cond3A : i32
      scf.if %cond3A_244 {
        %dma_start3A_296 = arith.constant 0 : i32
        %dma_start3A_297 = tpu.memref_slice %arg6[%add3A_242, %dma_start3A_296] : memref<157x128xi32, #tpu.memory_space<vmem>> -> memref<1x128xi32, #tpu.memory_space<vmem>>
        %dma_start3A_298 = tpu.memref_squeeze %dma_start3A_297 : memref<1x128xi32, #tpu.memory_space<vmem>> -> memref<128xi32, #tpu.memory_space<vmem>>
        %dma_start3A_299 = arith.constant 0 : i32
        %dma_start3A_300 = arith.constant 0 : i32
        %dma_start3A_301 = tpu.memref_slice %arg4[%dma_start3A_299, %dma_start3A_300] : memref<40000x64xf32, #tpu.memory_space<hbm>> -> memref<40000x64xf32, #tpu.memory_space<hbm>>
        tpu.enqueue_indirect_dma source(%dma_start3A_301 : memref<40000x64xf32, #tpu.memory_space<hbm>>) target(%arg8 : memref<128x64xf32, #tpu.memory_space<vmem>>) offsets(%dma_start3A_298 : memref<128xi32, #tpu.memory_space<vmem>>) semaphore(%arg13 : memref<!tpu.dma_semaphore, #tpu.memory_space<semaphore_mem>>)
      } else {
      }
      %add3A_245 = arith.constant 1 : i32
      %add3A_246 = arith.addi %mul3A_166, %add3A_245 : i32
      %dma_wait3A_247 = arith.constant 0 : i32
      %dma_wait3A_248 = tpu.memref_slice %arg7[%add3A_246, %dma_wait3A_247] : memref<157x128xi32, #tpu.memory_space<vmem>> -> memref<1x128xi32, #tpu.memory_space<vmem>>
      %dma_wait3A_249 = tpu.memref_squeeze %dma_wait3A_248 : memref<1x128xi32, #tpu.memory_space<vmem>> -> memref<128xi32, #tpu.memory_space<vmem>>
      %dma_wait3A_250 = arith.constant 0 : i32
      %dma_wait3A_251 = arith.constant 0 : i32
      %dma_wait3A_252 = tpu.memref_slice %arg12[%dma_wait3A_250, %dma_wait3A_251] : memref<10240x64xf32, #tpu.memory_space<vmem_shared>> -> memref<10240x64xf32, #tpu.memory_space<vmem_shared>>
      tpu.wait_indirect_dma semaphore(%arg18 : memref<!tpu.dma_semaphore, #tpu.memory_space<semaphore_mem>>) src(%arg9 : memref<128x64xf32, #tpu.memory_space<vmem>>) dst(%dma_wait3A_252 : memref<10240x64xf32, #tpu.memory_space<vmem_shared>>)
      %add3A_253 = arith.constant 4 : i32
      %add3A_254 = arith.addi %mul3A_166, %add3A_253 : i32
      %add3A_255 = arith.constant 1 : i32
      %add3A_256 = arith.addi %add3A_254, %add3A_255 : i32
      %le3A_257 = arith.constant 156 : i32
      %le3A_258 = arith.cmpi sle, %add3A_256, %le3A_257 : i32
      %convert_element_type3A_259 = arith.extui %le3A_258 : i1 to i32
      %cond3A_260 = arith.constant 0 : i32
      %cond3A_261 = arith.cmpi ne, %convert_element_type3A_259, %cond3A_260 : i32
      scf.if %cond3A_261 {
        %dma_start3A_296 = arith.constant 0 : i32
        %dma_start3A_297 = tpu.memref_slice %arg6[%add3A_256, %dma_start3A_296] : memref<157x128xi32, #tpu.memory_space<vmem>> -> memref<1x128xi32, #tpu.memory_space<vmem>>
        %dma_start3A_298 = tpu.memref_squeeze %dma_start3A_297 : memref<1x128xi32, #tpu.memory_space<vmem>> -> memref<128xi32, #tpu.memory_space<vmem>>
        %dma_start3A_299 = arith.constant 0 : i32
        %dma_start3A_300 = arith.constant 0 : i32
        %dma_start3A_301 = tpu.memref_slice %arg4[%dma_start3A_299, %dma_start3A_300] : memref<40000x64xf32, #tpu.memory_space<hbm>> -> memref<40000x64xf32, #tpu.memory_space<hbm>>
        tpu.enqueue_indirect_dma source(%dma_start3A_301 : memref<40000x64xf32, #tpu.memory_space<hbm>>) target(%arg9 : memref<128x64xf32, #tpu.memory_space<vmem>>) offsets(%dma_start3A_298 : memref<128xi32, #tpu.memory_space<vmem>>) semaphore(%arg14 : memref<!tpu.dma_semaphore, #tpu.memory_space<semaphore_mem>>)
      } else {
      }
      %add3A_262 = arith.constant 2 : i32
      %add3A_263 = arith.addi %mul3A_166, %add3A_262 : i32
      %dma_wait3A_264 = arith.constant 0 : i32
      %dma_wait3A_265 = tpu.memref_slice %arg7[%add3A_263, %dma_wait3A_264] : memref<157x128xi32, #tpu.memory_space<vmem>> -> memref<1x128xi32, #tpu.memory_space<vmem>>
      %dma_wait3A_266 = tpu.memref_squeeze %dma_wait3A_265 : memref<1x128xi32, #tpu.memory_space<vmem>> -> memref<128xi32, #tpu.memory_space<vmem>>
      %dma_wait3A_267 = arith.constant 0 : i32
      %dma_wait3A_268 = arith.constant 0 : i32
      %dma_wait3A_269 = tpu.memref_slice %arg12[%dma_wait3A_267, %dma_wait3A_268] : memref<10240x64xf32, #tpu.memory_space<vmem_shared>> -> memref<10240x64xf32, #tpu.memory_space<vmem_shared>>
      tpu.wait_indirect_dma semaphore(%arg19 : memref<!tpu.dma_semaphore, #tpu.memory_space<semaphore_mem>>) src(%arg10 : memref<128x64xf32, #tpu.memory_space<vmem>>) dst(%dma_wait3A_269 : memref<10240x64xf32, #tpu.memory_space<vmem_shared>>)
      %add3A_270 = arith.constant 4 : i32
      %add3A_271 = arith.addi %mul3A_166, %add3A_270 : i32
      %add3A_272 = arith.constant 2 : i32
      %add3A_273 = arith.addi %add3A_271, %add3A_272 : i32
      %le3A_274 = arith.constant 156 : i32
      %le3A_275 = arith.cmpi sle, %add3A_273, %le3A_274 : i32
      %convert_element_type3A_276 = arith.extui %le3A_275 : i1 to i32
      %cond3A_277 = arith.constant 0 : i32
      %cond3A_278 = arith.cmpi ne, %convert_element_type3A_276, %cond3A_277 : i32
      scf.if %cond3A_278 {
        %dma_start3A_296 = arith.constant 0 : i32
        %dma_start3A_297 = tpu.memref_slice %arg6[%add3A_273, %dma_start3A_296] : memref<157x128xi32, #tpu.memory_space<vmem>> -> memref<1x128xi32, #tpu.memory_space<vmem>>
        %dma_start3A_298 = tpu.memref_squeeze %dma_start3A_297 : memref<1x128xi32, #tpu.memory_space<vmem>> -> memref<128xi32, #tpu.memory_space<vmem>>
        %dma_start3A_299 = arith.constant 0 : i32
        %dma_start3A_300 = arith.constant 0 : i32
        %dma_start3A_301 = tpu.memref_slice %arg4[%dma_start3A_299, %dma_start3A_300] : memref<40000x64xf32, #tpu.memory_space<hbm>> -> memref<40000x64xf32, #tpu.memory_space<hbm>>
        tpu.enqueue_indirect_dma source(%dma_start3A_301 : memref<40000x64xf32, #tpu.memory_space<hbm>>) target(%arg10 : memref<128x64xf32, #tpu.memory_space<vmem>>) offsets(%dma_start3A_298 : memref<128xi32, #tpu.memory_space<vmem>>) semaphore(%arg15 : memref<!tpu.dma_semaphore, #tpu.memory_space<semaphore_mem>>)
      } else {
      }
      %add3A_279 = arith.constant 3 : i32
      %add3A_280 = arith.addi %mul3A_166, %add3A_279 : i32
      %dma_wait3A_281 = arith.constant 0 : i32
      %dma_wait3A_282 = tpu.memref_slice %arg7[%add3A_280, %dma_wait3A_281] : memref<157x128xi32, #tpu.memory_space<vmem>> -> memref<1x128xi32, #tpu.memory_space<vmem>>
      %dma_wait3A_283 = tpu.memref_squeeze %dma_wait3A_282 : memref<1x128xi32, #tpu.memory_space<vmem>> -> memref<128xi32, #tpu.memory_space<vmem>>
      %dma_wait3A_284 = arith.constant 0 : i32
      %dma_wait3A_285 = arith.constant 0 : i32
      %dma_wait3A_286 = tpu.memref_slice %arg12[%dma_wait3A_284, %dma_wait3A_285] : memref<10240x64xf32, #tpu.memory_space<vmem_shared>> -> memref<10240x64xf32, #tpu.memory_space<vmem_shared>>
      tpu.wait_indirect_dma semaphore(%arg20 : memref<!tpu.dma_semaphore, #tpu.memory_space<semaphore_mem>>) src(%arg11 : memref<128x64xf32, #tpu.memory_space<vmem>>) dst(%dma_wait3A_286 : memref<10240x64xf32, #tpu.memory_space<vmem_shared>>)
      %add3A_287 = arith.constant 4 : i32
      %add3A_288 = arith.addi %mul3A_166, %add3A_287 : i32
      %add3A_289 = arith.constant 3 : i32
      %add3A_290 = arith.addi %add3A_288, %add3A_289 : i32
      %le3A_291 = arith.constant 156 : i32
      %le3A_292 = arith.cmpi sle, %add3A_290, %le3A_291 : i32
      %convert_element_type3A_293 = arith.extui %le3A_292 : i1 to i32
      %cond3A_294 = arith.constant 0 : i32
      %cond3A_295 = arith.cmpi ne, %convert_element_type3A_293, %cond3A_294 : i32
      scf.if %cond3A_295 {
        %dma_start3A_296 = arith.constant 0 : i32
        %dma_start3A_297 = tpu.memref_slice %arg6[%add3A_290, %dma_start3A_296] : memref<157x128xi32, #tpu.memory_space<vmem>> -> memref<1x128xi32, #tpu.memory_space<vmem>>
        %dma_start3A_298 = tpu.memref_squeeze %dma_start3A_297 : memref<1x128xi32, #tpu.memory_space<vmem>> -> memref<128xi32, #tpu.memory_space<vmem>>
        %dma_start3A_299 = arith.constant 0 : i32
        %dma_start3A_300 = arith.constant 0 : i32
        %dma_start3A_301 = tpu.memref_slice %arg4[%dma_start3A_299, %dma_start3A_300] : memref<40000x64xf32, #tpu.memory_space<hbm>> -> memref<40000x64xf32, #tpu.memory_space<hbm>>
        tpu.enqueue_indirect_dma source(%dma_start3A_301 : memref<40000x64xf32, #tpu.memory_space<hbm>>) target(%arg11 : memref<128x64xf32, #tpu.memory_space<vmem>>) offsets(%dma_start3A_298 : memref<128xi32, #tpu.memory_space<vmem>>) semaphore(%arg16 : memref<!tpu.dma_semaphore, #tpu.memory_space<semaphore_mem>>)
      } else {
      }
    }
    %scan3A_50 = arith.constant 39 : i32
    %dma_wait3A = arith.constant 156 : i32
    %dma_wait3A_51 = arith.constant 0 : i32
    %dma_wait3A_52 = tpu.memref_slice %arg6[%dma_wait3A, %dma_wait3A_51] : memref<157x128xi32, #tpu.memory_space<vmem>> -> memref<1x128xi32, #tpu.memory_space<vmem>>
    %dma_wait3A_53 = tpu.memref_squeeze %dma_wait3A_52 : memref<1x128xi32, #tpu.memory_space<vmem>> -> memref<128xi32, #tpu.memory_space<vmem>>
    %dma_wait3A_54 = arith.constant 0 : i32
    %dma_wait3A_55 = arith.constant 0 : i32
    %dma_wait3A_56 = tpu.memref_slice %arg4[%dma_wait3A_54, %dma_wait3A_55] : memref<40000x64xf32, #tpu.memory_space<hbm>> -> memref<40000x64xf32, #tpu.memory_space<hbm>>
    tpu.wait_indirect_dma semaphore(%arg13 : memref<!tpu.dma_semaphore, #tpu.memory_space<semaphore_mem>>) src(%dma_wait3A_56 : memref<40000x64xf32, #tpu.memory_space<hbm>>) dst(%arg8 : memref<128x64xf32, #tpu.memory_space<vmem>>)
    %run_scoped3A = arith.constant 156 : i32
    "tpu.region"() ({
      %run_scoped3A_164 = tpu.sem_alloc : memref<!tpu.dma_semaphore, #tpu.memory_space<semaphore_mem>>
      %dma_start3A_165 = arith.constant 0 : i32
      %dma_start3A_166 = tpu.memref_slice %arg7[%run_scoped3A, %dma_start3A_165] : memref<157x128xi32, #tpu.memory_space<vmem>> -> memref<1x128xi32, #tpu.memory_space<vmem>>
      %dma_start3A_167 = tpu.memref_squeeze %dma_start3A_166 : memref<1x128xi32, #tpu.memory_space<vmem>> -> memref<128xi32, #tpu.memory_space<vmem>>
      %dma_start3A_168 = arith.constant 0 : i32
      %dma_start3A_169 = arith.constant 0 : i32
      %dma_start3A_170 = tpu.memref_slice %arg12[%dma_start3A_168, %dma_start3A_169] : memref<10240x64xf32, #tpu.memory_space<vmem_shared>> -> memref<10240x64xf32, #tpu.memory_space<vmem_shared>>
      tpu.enqueue_indirect_dma source(%arg8 : memref<128x64xf32, #tpu.memory_space<vmem>>) target(%dma_start3A_170 : memref<10240x64xf32, #tpu.memory_space<vmem_shared>>) offsets(%dma_start3A_167 : memref<128xi32, #tpu.memory_space<vmem>>) semaphore(%run_scoped3A_164 : memref<!tpu.dma_semaphore, #tpu.memory_space<semaphore_mem>>) {add = true}
      %dma_wait3A_171 = arith.constant 0 : i32
      %dma_wait3A_172 = tpu.memref_slice %arg7[%run_scoped3A, %dma_wait3A_171] : memref<157x128xi32, #tpu.memory_space<vmem>> -> memref<1x128xi32, #tpu.memory_space<vmem>>
      %dma_wait3A_173 = tpu.memref_squeeze %dma_wait3A_172 : memref<1x128xi32, #tpu.memory_space<vmem>> -> memref<128xi32, #tpu.memory_space<vmem>>
      %dma_wait3A_174 = arith.constant 0 : i32
      %dma_wait3A_175 = arith.constant 0 : i32
      %dma_wait3A_176 = tpu.memref_slice %arg12[%dma_wait3A_174, %dma_wait3A_175] : memref<10240x64xf32, #tpu.memory_space<vmem_shared>> -> memref<10240x64xf32, #tpu.memory_space<vmem_shared>>
      tpu.wait_indirect_dma semaphore(%run_scoped3A_164 : memref<!tpu.dma_semaphore, #tpu.memory_space<semaphore_mem>>) src(%arg8 : memref<128x64xf32, #tpu.memory_space<vmem>>) dst(%dma_wait3A_176 : memref<10240x64xf32, #tpu.memory_space<vmem_shared>>)
      tpu.yield
    }) : () -> ()
    %barrier3A_57 = arith.constant 0 : index
    tpu.barrier barrier_id(%barrier3A_57)
    %add3A_58 = arith.constant 0 : i32
    %add3A_59 = arith.addi %mul3A_3, %add3A_58 : i32
    "tpu.region"() ({
      %run_scoped3A_164 = tpu.sem_alloc : memref<!tpu.dma_semaphore, #tpu.memory_space<semaphore_mem>>
      %dma_start3A_165 = arith.constant 0 : i32
      %dma_start3A_166 = tpu.memref_slice %arg12[%add3A_59, %dma_start3A_165] : memref<10240x64xf32, #tpu.memory_space<vmem_shared>> -> memref<128x64xf32, #tpu.memory_space<vmem_shared>>
      %dma_start3A_167 = arith.constant 0 : i32
      %dma_start3A_168 = tpu.memref_slice %arg12[%add3A_59, %dma_start3A_167] : memref<10240x64xf32, #tpu.memory_space<vmem_shared>> -> memref<128x64xf32, #tpu.memory_space<vmem_shared>>
      tpu.enqueue_dma source(%dma_start3A_168 : memref<128x64xf32, #tpu.memory_space<vmem_shared>>) target(%arg8 : memref<128x64xf32, #tpu.memory_space<vmem>>) target_semaphore(%run_scoped3A_164 : memref<!tpu.dma_semaphore, #tpu.memory_space<semaphore_mem>>)
      %dma_wait3A_169 = arith.constant 0 : i32
      %dma_wait3A_170 = tpu.memref_slice %arg12[%add3A_59, %dma_wait3A_169] : memref<10240x64xf32, #tpu.memory_space<vmem_shared>> -> memref<128x64xf32, #tpu.memory_space<vmem_shared>>
      %dma_wait3A_171 = arith.constant 0 : i32
      %dma_wait3A_172 = tpu.memref_slice %arg12[%add3A_59, %dma_wait3A_171] : memref<10240x64xf32, #tpu.memory_space<vmem_shared>> -> memref<128x64xf32, #tpu.memory_space<vmem_shared>>
      tpu.wait_dma2 semaphore(%run_scoped3A_164 : memref<!tpu.dma_semaphore, #tpu.memory_space<semaphore_mem>>) src(%dma_wait3A_172 : memref<128x64xf32, #tpu.memory_space<vmem_shared>>) dst(%arg8 : memref<128x64xf32, #tpu.memory_space<vmem>>)
      tpu.yield
    }) : () -> ()
    %add3A_60 = arith.constant 0 : i32
    %add3A_61 = arith.addi %mul3A_3, %add3A_60 : i32
    "tpu.region"() ({
      %run_scoped3A_164 = tpu.sem_alloc : memref<!tpu.dma_semaphore, #tpu.memory_space<semaphore_mem>>
      %dma_start3A_165 = arith.constant 0 : i32
      %dma_start3A_166 = tpu.memref_slice %arg5[%arg0, %add3A_61, %dma_start3A_165] : memref<2x10240x128xf32, #tpu.memory_space<hbm>> -> memref<1x128x64xf32, #tpu.memory_space<hbm>>
      %dma_start3A_167 = tpu.memref_squeeze %dma_start3A_166 : memref<1x128x64xf32, #tpu.memory_space<hbm>> -> memref<128x64xf32, #tpu.memory_space<hbm>>
      %dma_start3A_168 = arith.constant 0 : i32
      %dma_start3A_169 = tpu.memref_slice %arg5[%arg0, %add3A_61, %dma_start3A_168] : memref<2x10240x128xf32, #tpu.memory_space<hbm>> -> memref<1x128x64xf32, #tpu.memory_space<hbm>>
      %dma_start3A_170 = tpu.memref_squeeze %dma_start3A_169 : memref<1x128x64xf32, #tpu.memory_space<hbm>> -> memref<128x64xf32, #tpu.memory_space<hbm>>
      tpu.enqueue_dma source(%arg8 : memref<128x64xf32, #tpu.memory_space<vmem>>) target(%dma_start3A_170 : memref<128x64xf32, #tpu.memory_space<hbm>>) target_semaphore(%run_scoped3A_164 : memref<!tpu.dma_semaphore, #tpu.memory_space<semaphore_mem>>)
      %dma_wait3A_171 = arith.constant 0 : i32
      %dma_wait3A_172 = tpu.memref_slice %arg5[%arg0, %add3A_61, %dma_wait3A_171] : memref<2x10240x128xf32, #tpu.memory_space<hbm>> -> memref<1x128x64xf32, #tpu.memory_space<hbm>>
      %dma_wait3A_173 = tpu.memref_squeeze %dma_wait3A_172 : memref<1x128x64xf32, #tpu.memory_space<hbm>> -> memref<128x64xf32, #tpu.memory_space<hbm>>
      %dma_wait3A_174 = arith.constant 0 : i32
      %dma_wait3A_175 = tpu.memref_slice %arg5[%arg0, %add3A_61, %dma_wait3A_174] : memref<2x10240x128xf32, #tpu.memory_space<hbm>> -> memref<1x128x64xf32, #tpu.memory_space<hbm>>
      %dma_wait3A_176 = tpu.memref_squeeze %dma_wait3A_175 : memref<1x128x64xf32, #tpu.memory_space<hbm>> -> memref<128x64xf32, #tpu.memory_space<hbm>>
      tpu.wait_dma2 semaphore(%run_scoped3A_164 : memref<!tpu.dma_semaphore, #tpu.memory_space<semaphore_mem>>) src(%arg8 : memref<128x64xf32, #tpu.memory_space<vmem>>) dst(%dma_wait3A_176 : memref<128x64xf32, #tpu.memory_space<hbm>>)
      tpu.yield
    }) : () -> ()
    %add3A_62 = arith.constant 128 : i32
    %add3A_63 = arith.addi %mul3A_3, %add3A_62 : i32
    "tpu.region"() ({
      %run_scoped3A_164 = tpu.sem_alloc : memref<!tpu.dma_semaphore, #tpu.memory_space<semaphore_mem>>
      %dma_start3A_165 = arith.constant 0 : i32
      %dma_start3A_166 = tpu.memref_slice %arg12[%add3A_63, %dma_start3A_165] : memref<10240x64xf32, #tpu.memory_space<vmem_shared>> -> memref<128x64xf32, #tpu.memory_space<vmem_shared>>
      %dma_start3A_167 = arith.constant 0 : i32
      %dma_start3A_168 = tpu.memref_slice %arg12[%add3A_63, %dma_start3A_167] : memref<10240x64xf32, #tpu.memory_space<vmem_shared>> -> memref<128x64xf32, #tpu.memory_space<vmem_shared>>
      tpu.enqueue_dma source(%dma_start3A_168 : memref<128x64xf32, #tpu.memory_space<vmem_shared>>) target(%arg8 : memref<128x64xf32, #tpu.memory_space<vmem>>) target_semaphore(%run_scoped3A_164 : memref<!tpu.dma_semaphore, #tpu.memory_space<semaphore_mem>>)
      %dma_wait3A_169 = arith.constant 0 : i32
      %dma_wait3A_170 = tpu.memref_slice %arg12[%add3A_63, %dma_wait3A_169] : memref<10240x64xf32, #tpu.memory_space<vmem_shared>> -> memref<128x64xf32, #tpu.memory_space<vmem_shared>>
      %dma_wait3A_171 = arith.constant 0 : i32
      %dma_wait3A_172 = tpu.memref_slice %arg12[%add3A_63, %dma_wait3A_171] : memref<10240x64xf32, #tpu.memory_space<vmem_shared>> -> memref<128x64xf32, #tpu.memory_space<vmem_shared>>
      tpu.wait_dma2 semaphore(%run_scoped3A_164 : memref<!tpu.dma_semaphore, #tpu.memory_space<semaphore_mem>>) src(%dma_wait3A_172 : memref<128x64xf32, #tpu.memory_space<vmem_shared>>) dst(%arg8 : memref<128x64xf32, #tpu.memory_space<vmem>>)
      tpu.yield
    }) : () -> ()
    %add3A_64 = arith.constant 128 : i32
    %add3A_65 = arith.addi %mul3A_3, %add3A_64 : i32
    "tpu.region"() ({
      %run_scoped3A_164 = tpu.sem_alloc : memref<!tpu.dma_semaphore, #tpu.memory_space<semaphore_mem>>
      %dma_start3A_165 = arith.constant 0 : i32
      %dma_start3A_166 = tpu.memref_slice %arg5[%arg0, %add3A_65, %dma_start3A_165] : memref<2x10240x128xf32, #tpu.memory_space<hbm>> -> memref<1x128x64xf32, #tpu.memory_space<hbm>>
      %dma_start3A_167 = tpu.memref_squeeze %dma_start3A_166 : memref<1x128x64xf32, #tpu.memory_space<hbm>> -> memref<128x64xf32, #tpu.memory_space<hbm>>
      %dma_start3A_168 = arith.constant 0 : i32
      %dma_start3A_169 = tpu.memref_slice %arg5[%arg0, %add3A_65, %dma_start3A_168] : memref<2x10240x128xf32, #tpu.memory_space<hbm>> -> memref<1x128x64xf32, #tpu.memory_space<hbm>>
      %dma_start3A_170 = tpu.memref_squeeze %dma_start3A_169 : memref<1x128x64xf32, #tpu.memory_space<hbm>> -> memref<128x64xf32, #tpu.memory_space<hbm>>
      tpu.enqueue_dma source(%arg8 : memref<128x64xf32, #tpu.memory_space<vmem>>) target(%dma_start3A_170 : memref<128x64xf32, #tpu.memory_space<hbm>>) target_semaphore(%run_scoped3A_164 : memref<!tpu.dma_semaphore, #tpu.memory_space<semaphore_mem>>)
      %dma_wait3A_171 = arith.constant 0 : i32
      %dma_wait3A_172 = tpu.memref_slice %arg5[%arg0, %add3A_65, %dma_wait3A_171] : memref<2x10240x128xf32, #tpu.memory_space<hbm>> -> memref<1x128x64xf32, #tpu.memory_space<hbm>>
      %dma_wait3A_173 = tpu.memref_squeeze %dma_wait3A_172 : memref<1x128x64xf32, #tpu.memory_space<hbm>> -> memref<128x64xf32, #tpu.memory_space<hbm>>
      %dma_wait3A_174 = arith.constant 0 : i32
      %dma_wait3A_175 = tpu.memref_slice %arg5[%arg0, %add3A_65, %dma_wait3A_174] : memref<2x10240x128xf32, #tpu.memory_space<hbm>> -> memref<1x128x64xf32, #tpu.memory_space<hbm>>
      %dma_wait3A_176 = tpu.memref_squeeze %dma_wait3A_175 : memref<1x128x64xf32, #tpu.memory_space<hbm>> -> memref<128x64xf32, #tpu.memory_space<hbm>>
      tpu.wait_dma2 semaphore(%run_scoped3A_164 : memref<!tpu.dma_semaphore, #tpu.memory_space<semaphore_mem>>) src(%arg8 : memref<128x64xf32, #tpu.memory_space<vmem>>) dst(%dma_wait3A_176 : memref<128x64xf32, #tpu.memory_space<hbm>>)
      tpu.yield
    }) : () -> ()
    %add3A_66 = arith.constant 256 : i32
    %add3A_67 = arith.addi %mul3A_3, %add3A_66 : i32
    "tpu.region"() ({
      %run_scoped3A_164 = tpu.sem_alloc : memref<!tpu.dma_semaphore, #tpu.memory_space<semaphore_mem>>
      %dma_start3A_165 = arith.constant 0 : i32
      %dma_start3A_166 = tpu.memref_slice %arg12[%add3A_67, %dma_start3A_165] : memref<10240x64xf32, #tpu.memory_space<vmem_shared>> -> memref<128x64xf32, #tpu.memory_space<vmem_shared>>
      %dma_start3A_167 = arith.constant 0 : i32
      %dma_start3A_168 = tpu.memref_slice %arg12[%add3A_67, %dma_start3A_167] : memref<10240x64xf32, #tpu.memory_space<vmem_shared>> -> memref<128x64xf32, #tpu.memory_space<vmem_shared>>
      tpu.enqueue_dma source(%dma_start3A_168 : memref<128x64xf32, #tpu.memory_space<vmem_shared>>) target(%arg8 : memref<128x64xf32, #tpu.memory_space<vmem>>) target_semaphore(%run_scoped3A_164 : memref<!tpu.dma_semaphore, #tpu.memory_space<semaphore_mem>>)
      %dma_wait3A_169 = arith.constant 0 : i32
      %dma_wait3A_170 = tpu.memref_slice %arg12[%add3A_67, %dma_wait3A_169] : memref<10240x64xf32, #tpu.memory_space<vmem_shared>> -> memref<128x64xf32, #tpu.memory_space<vmem_shared>>
      %dma_wait3A_171 = arith.constant 0 : i32
      %dma_wait3A_172 = tpu.memref_slice %arg12[%add3A_67, %dma_wait3A_171] : memref<10240x64xf32, #tpu.memory_space<vmem_shared>> -> memref<128x64xf32, #tpu.memory_space<vmem_shared>>
      tpu.wait_dma2 semaphore(%run_scoped3A_164 : memref<!tpu.dma_semaphore, #tpu.memory_space<semaphore_mem>>) src(%dma_wait3A_172 : memref<128x64xf32, #tpu.memory_space<vmem_shared>>) dst(%arg8 : memref<128x64xf32, #tpu.memory_space<vmem>>)
      tpu.yield
    }) : () -> ()
    %add3A_68 = arith.constant 256 : i32
    %add3A_69 = arith.addi %mul3A_3, %add3A_68 : i32
    "tpu.region"() ({
      %run_scoped3A_164 = tpu.sem_alloc : memref<!tpu.dma_semaphore, #tpu.memory_space<semaphore_mem>>
      %dma_start3A_165 = arith.constant 0 : i32
      %dma_start3A_166 = tpu.memref_slice %arg5[%arg0, %add3A_69, %dma_start3A_165] : memref<2x10240x128xf32, #tpu.memory_space<hbm>> -> memref<1x128x64xf32, #tpu.memory_space<hbm>>
      %dma_start3A_167 = tpu.memref_squeeze %dma_start3A_166 : memref<1x128x64xf32, #tpu.memory_space<hbm>> -> memref<128x64xf32, #tpu.memory_space<hbm>>
      %dma_start3A_168 = arith.constant 0 : i32
      %dma_start3A_169 = tpu.memref_slice %arg5[%arg0, %add3A_69, %dma_start3A_168] : memref<2x10240x128xf32, #tpu.memory_space<hbm>> -> memref<1x128x64xf32, #tpu.memory_space<hbm>>
      %dma_start3A_170 = tpu.memref_squeeze %dma_start3A_169 : memref<1x128x64xf32, #tpu.memory_space<hbm>> -> memref<128x64xf32, #tpu.memory_space<hbm>>
      tpu.enqueue_dma source(%arg8 : memref<128x64xf32, #tpu.memory_space<vmem>>) target(%dma_start3A_170 : memref<128x64xf32, #tpu.memory_space<hbm>>) target_semaphore(%run_scoped3A_164 : memref<!tpu.dma_semaphore, #tpu.memory_space<semaphore_mem>>)
      %dma_wait3A_171 = arith.constant 0 : i32
      %dma_wait3A_172 = tpu.memref_slice %arg5[%arg0, %add3A_69, %dma_wait3A_171] : memref<2x10240x128xf32, #tpu.memory_space<hbm>> -> memref<1x128x64xf32, #tpu.memory_space<hbm>>
      %dma_wait3A_173 = tpu.memref_squeeze %dma_wait3A_172 : memref<1x128x64xf32, #tpu.memory_space<hbm>> -> memref<128x64xf32, #tpu.memory_space<hbm>>
      %dma_wait3A_174 = arith.constant 0 : i32
      %dma_wait3A_175 = tpu.memref_slice %arg5[%arg0, %add3A_69, %dma_wait3A_174] : memref<2x10240x128xf32, #tpu.memory_space<hbm>> -> memref<1x128x64xf32, #tpu.memory_space<hbm>>
      %dma_wait3A_176 = tpu.memref_squeeze %dma_wait3A_175 : memref<1x128x64xf32, #tpu.memory_space<hbm>> -> memref<128x64xf32, #tpu.memory_space<hbm>>
      tpu.wait_dma2 semaphore(%run_scoped3A_164 : memref<!tpu.dma_semaphore, #tpu.memory_space<semaphore_mem>>) src(%arg8 : memref<128x64xf32, #tpu.memory_space<vmem>>) dst(%dma_wait3A_176 : memref<128x64xf32, #tpu.memory_space<hbm>>)
      tpu.yield
    }) : () -> ()
    %add3A_70 = arith.constant 384 : i32
    %add3A_71 = arith.addi %mul3A_3, %add3A_70 : i32
    "tpu.region"() ({
      %run_scoped3A_164 = tpu.sem_alloc : memref<!tpu.dma_semaphore, #tpu.memory_space<semaphore_mem>>
      %dma_start3A_165 = arith.constant 0 : i32
      %dma_start3A_166 = tpu.memref_slice %arg12[%add3A_71, %dma_start3A_165] : memref<10240x64xf32, #tpu.memory_space<vmem_shared>> -> memref<128x64xf32, #tpu.memory_space<vmem_shared>>
      %dma_start3A_167 = arith.constant 0 : i32
      %dma_start3A_168 = tpu.memref_slice %arg12[%add3A_71, %dma_start3A_167] : memref<10240x64xf32, #tpu.memory_space<vmem_shared>> -> memref<128x64xf32, #tpu.memory_space<vmem_shared>>
      tpu.enqueue_dma source(%dma_start3A_168 : memref<128x64xf32, #tpu.memory_space<vmem_shared>>) target(%arg8 : memref<128x64xf32, #tpu.memory_space<vmem>>) target_semaphore(%run_scoped3A_164 : memref<!tpu.dma_semaphore, #tpu.memory_space<semaphore_mem>>)
      %dma_wait3A_169 = arith.constant 0 : i32
      %dma_wait3A_170 = tpu.memref_slice %arg12[%add3A_71, %dma_wait3A_169] : memref<10240x64xf32, #tpu.memory_space<vmem_shared>> -> memref<128x64xf32, #tpu.memory_space<vmem_shared>>
      %dma_wait3A_171 = arith.constant 0 : i32
      %dma_wait3A_172 = tpu.memref_slice %arg12[%add3A_71, %dma_wait3A_171] : memref<10240x64xf32, #tpu.memory_space<vmem_shared>> -> memref<128x64xf32, #tpu.memory_space<vmem_shared>>
      tpu.wait_dma2 semaphore(%run_scoped3A_164 : memref<!tpu.dma_semaphore, #tpu.memory_space<semaphore_mem>>) src(%dma_wait3A_172 : memref<128x64xf32, #tpu.memory_space<vmem_shared>>) dst(%arg8 : memref<128x64xf32, #tpu.memory_space<vmem>>)
      tpu.yield
    }) : () -> ()
    %add3A_72 = arith.constant 384 : i32
    %add3A_73 = arith.addi %mul3A_3, %add3A_72 : i32
    "tpu.region"() ({
      %run_scoped3A_164 = tpu.sem_alloc : memref<!tpu.dma_semaphore, #tpu.memory_space<semaphore_mem>>
      %dma_start3A_165 = arith.constant 0 : i32
      %dma_start3A_166 = tpu.memref_slice %arg5[%arg0, %add3A_73, %dma_start3A_165] : memref<2x10240x128xf32, #tpu.memory_space<hbm>> -> memref<1x128x64xf32, #tpu.memory_space<hbm>>
      %dma_start3A_167 = tpu.memref_squeeze %dma_start3A_166 : memref<1x128x64xf32, #tpu.memory_space<hbm>> -> memref<128x64xf32, #tpu.memory_space<hbm>>
      %dma_start3A_168 = arith.constant 0 : i32
      %dma_start3A_169 = tpu.memref_slice %arg5[%arg0, %add3A_73, %dma_start3A_168] : memref<2x10240x128xf32, #tpu.memory_space<hbm>> -> memref<1x128x64xf32, #tpu.memory_space<hbm>>
      %dma_start3A_170 = tpu.memref_squeeze %dma_start3A_169 : memref<1x128x64xf32, #tpu.memory_space<hbm>> -> memref<128x64xf32, #tpu.memory_space<hbm>>
      tpu.enqueue_dma source(%arg8 : memref<128x64xf32, #tpu.memory_space<vmem>>) target(%dma_start3A_170 : memref<128x64xf32, #tpu.memory_space<hbm>>) target_semaphore(%run_scoped3A_164 : memref<!tpu.dma_semaphore, #tpu.memory_space<semaphore_mem>>)
      %dma_wait3A_171 = arith.constant 0 : i32
      %dma_wait3A_172 = tpu.memref_slice %arg5[%arg0, %add3A_73, %dma_wait3A_171] : memref<2x10240x128xf32, #tpu.memory_space<hbm>> -> memref<1x128x64xf32, #tpu.memory_space<hbm>>
      %dma_wait3A_173 = tpu.memref_squeeze %dma_wait3A_172 : memref<1x128x64xf32, #tpu.memory_space<hbm>> -> memref<128x64xf32, #tpu.memory_space<hbm>>
      %dma_wait3A_174 = arith.constant 0 : i32
      %dma_wait3A_175 = tpu.memref_slice %arg5[%arg0, %add3A_73, %dma_wait3A_174] : memref<2x10240x128xf32, #tpu.memory_space<hbm>> -> memref<1x128x64xf32, #tpu.memory_space<hbm>>
      %dma_wait3A_176 = tpu.memref_squeeze %dma_wait3A_175 : memref<1x128x64xf32, #tpu.memory_space<hbm>> -> memref<128x64xf32, #tpu.memory_space<hbm>>
      tpu.wait_dma2 semaphore(%run_scoped3A_164 : memref<!tpu.dma_semaphore, #tpu.memory_space<semaphore_mem>>) src(%arg8 : memref<128x64xf32, #tpu.memory_space<vmem>>) dst(%dma_wait3A_176 : memref<128x64xf32, #tpu.memory_space<hbm>>)
      tpu.yield
    }) : () -> ()
    %add3A_74 = arith.constant 512 : i32
    %add3A_75 = arith.addi %mul3A_3, %add3A_74 : i32
    "tpu.region"() ({
      %run_scoped3A_164 = tpu.sem_alloc : memref<!tpu.dma_semaphore, #tpu.memory_space<semaphore_mem>>
      %dma_start3A_165 = arith.constant 0 : i32
      %dma_start3A_166 = tpu.memref_slice %arg12[%add3A_75, %dma_start3A_165] : memref<10240x64xf32, #tpu.memory_space<vmem_shared>> -> memref<128x64xf32, #tpu.memory_space<vmem_shared>>
      %dma_start3A_167 = arith.constant 0 : i32
      %dma_start3A_168 = tpu.memref_slice %arg12[%add3A_75, %dma_start3A_167] : memref<10240x64xf32, #tpu.memory_space<vmem_shared>> -> memref<128x64xf32, #tpu.memory_space<vmem_shared>>
      tpu.enqueue_dma source(%dma_start3A_168 : memref<128x64xf32, #tpu.memory_space<vmem_shared>>) target(%arg8 : memref<128x64xf32, #tpu.memory_space<vmem>>) target_semaphore(%run_scoped3A_164 : memref<!tpu.dma_semaphore, #tpu.memory_space<semaphore_mem>>)
      %dma_wait3A_169 = arith.constant 0 : i32
      %dma_wait3A_170 = tpu.memref_slice %arg12[%add3A_75, %dma_wait3A_169] : memref<10240x64xf32, #tpu.memory_space<vmem_shared>> -> memref<128x64xf32, #tpu.memory_space<vmem_shared>>
      %dma_wait3A_171 = arith.constant 0 : i32
      %dma_wait3A_172 = tpu.memref_slice %arg12[%add3A_75, %dma_wait3A_171] : memref<10240x64xf32, #tpu.memory_space<vmem_shared>> -> memref<128x64xf32, #tpu.memory_space<vmem_shared>>
      tpu.wait_dma2 semaphore(%run_scoped3A_164 : memref<!tpu.dma_semaphore, #tpu.memory_space<semaphore_mem>>) src(%dma_wait3A_172 : memref<128x64xf32, #tpu.memory_space<vmem_shared>>) dst(%arg8 : memref<128x64xf32, #tpu.memory_space<vmem>>)
      tpu.yield
    }) : () -> ()
    %add3A_76 = arith.constant 512 : i32
    %add3A_77 = arith.addi %mul3A_3, %add3A_76 : i32
    "tpu.region"() ({
      %run_scoped3A_164 = tpu.sem_alloc : memref<!tpu.dma_semaphore, #tpu.memory_space<semaphore_mem>>
      %dma_start3A_165 = arith.constant 0 : i32
      %dma_start3A_166 = tpu.memref_slice %arg5[%arg0, %add3A_77, %dma_start3A_165] : memref<2x10240x128xf32, #tpu.memory_space<hbm>> -> memref<1x128x64xf32, #tpu.memory_space<hbm>>
      %dma_start3A_167 = tpu.memref_squeeze %dma_start3A_166 : memref<1x128x64xf32, #tpu.memory_space<hbm>> -> memref<128x64xf32, #tpu.memory_space<hbm>>
      %dma_start3A_168 = arith.constant 0 : i32
      %dma_start3A_169 = tpu.memref_slice %arg5[%arg0, %add3A_77, %dma_start3A_168] : memref<2x10240x128xf32, #tpu.memory_space<hbm>> -> memref<1x128x64xf32, #tpu.memory_space<hbm>>
      %dma_start3A_170 = tpu.memref_squeeze %dma_start3A_169 : memref<1x128x64xf32, #tpu.memory_space<hbm>> -> memref<128x64xf32, #tpu.memory_space<hbm>>
      tpu.enqueue_dma source(%arg8 : memref<128x64xf32, #tpu.memory_space<vmem>>) target(%dma_start3A_170 : memref<128x64xf32, #tpu.memory_space<hbm>>) target_semaphore(%run_scoped3A_164 : memref<!tpu.dma_semaphore, #tpu.memory_space<semaphore_mem>>)
      %dma_wait3A_171 = arith.constant 0 : i32
      %dma_wait3A_172 = tpu.memref_slice %arg5[%arg0, %add3A_77, %dma_wait3A_171] : memref<2x10240x128xf32, #tpu.memory_space<hbm>> -> memref<1x128x64xf32, #tpu.memory_space<hbm>>
      %dma_wait3A_173 = tpu.memref_squeeze %dma_wait3A_172 : memref<1x128x64xf32, #tpu.memory_space<hbm>> -> memref<128x64xf32, #tpu.memory_space<hbm>>
      %dma_wait3A_174 = arith.constant 0 : i32
      %dma_wait3A_175 = tpu.memref_slice %arg5[%arg0, %add3A_77, %dma_wait3A_174] : memref<2x10240x128xf32, #tpu.memory_space<hbm>> -> memref<1x128x64xf32, #tpu.memory_space<hbm>>
      %dma_wait3A_176 = tpu.memref_squeeze %dma_wait3A_175 : memref<1x128x64xf32, #tpu.memory_space<hbm>> -> memref<128x64xf32, #tpu.memory_space<hbm>>
      tpu.wait_dma2 semaphore(%run_scoped3A_164 : memref<!tpu.dma_semaphore, #tpu.memory_space<semaphore_mem>>) src(%arg8 : memref<128x64xf32, #tpu.memory_space<vmem>>) dst(%dma_wait3A_176 : memref<128x64xf32, #tpu.memory_space<hbm>>)
      tpu.yield
    }) : () -> ()
    %scan3A_78 = arith.constant 0 : i32
    %scan3A_79 = arith.constant 0 : i32
    %scan3A_80 = arith.constant 157 : i32
    %scan3A_81 = arith.addi %scan3A_79, %scan3A_80 : i32
    %scan3A_82 = arith.constant 1 : i32
    scf.for %scan3A_164 = %scan3A_79 to %scan3A_81 step %scan3A_82  : i32 {
      %get3A = arith.index_cast %scan3A_164 : i32 to index
      %get3A_165 = arith.constant 0 : index
      %get3A_166 = tpu.vector_load %arg6[%get3A, %get3A_165] {strides = array<i32>} : memref<157x128xi32, #tpu.memory_space<vmem>>, vector<1x16xi32>,
      %get3A_167 = vector.shape_cast %get3A_166 : vector<1x16xi32> to vector<16xi32>
      %add3A_168 = arith.constant 1 : i32
      %add3A_169 = vector.broadcast %add3A_168 : i32 to vector<16xi32>
      %add3A_170 = arith.addi %get3A_167, %add3A_169 : vector<16xi32>
      %swap3A = arith.index_cast %scan3A_164 : i32 to index
      %swap3A_171 = arith.constant 0 : index
      %swap3A_172 = tpu.vector_load %arg6[%swap3A, %swap3A_171] {strides = array<i32>} : memref<157x128xi32, #tpu.memory_space<vmem>>, vector<1x16xi32>,
      %swap3A_173 = vector.shape_cast %swap3A_172 : vector<1x16xi32> to vector<16xi32>
      %swap3A_174 = vector.shape_cast %add3A_170 : vector<16xi32> to vector<1x16xi32>
      tpu.vector_store %arg6[%swap3A, %swap3A_171], %swap3A_174 {strides = array<i32>} : memref<157x128xi32, #tpu.memory_space<vmem>>, vector<1x16xi32>,
      %get3A_175 = arith.index_cast %scan3A_164 : i32 to index
      %get3A_176 = arith.constant 16 : index
      %get3A_177 = tpu.vector_load %arg6[%get3A_175, %get3A_176] {strides = array<i32>} : memref<157x128xi32, #tpu.memory_space<vmem>>, vector<1x16xi32>,
      %get3A_178 = vector.shape_cast %get3A_177 : vector<1x16xi32> to vector<16xi32>
      %add3A_179 = arith.constant 1 : i32
      %add3A_180 = vector.broadcast %add3A_179 : i32 to vector<16xi32>
      %add3A_181 = arith.addi %get3A_178, %add3A_180 : vector<16xi32>
      %swap3A_182 = arith.index_cast %scan3A_164 : i32 to index
      %swap3A_183 = arith.constant 16 : index
      %swap3A_184 = tpu.vector_load %arg6[%swap3A_182, %swap3A_183] {strides = array<i32>} : memref<157x128xi32, #tpu.memory_space<vmem>>, vector<1x16xi32>,
      %swap3A_185 = vector.shape_cast %swap3A_184 : vector<1x16xi32> to vector<16xi32>
      %swap3A_186 = vector.shape_cast %add3A_181 : vector<16xi32> to vector<1x16xi32>
      tpu.vector_store %arg6[%swap3A_182, %swap3A_183], %swap3A_186 {strides = array<i32>} : memref<157x128xi32, #tpu.memory_space<vmem>>, vector<1x16xi32>,
      %get3A_187 = arith.index_cast %scan3A_164 : i32 to index
      %get3A_188 = arith.constant 32 : index
      %get3A_189 = tpu.vector_load %arg6[%get3A_187, %get3A_188] {strides = array<i32>} : memref<157x128xi32, #tpu.memory_space<vmem>>, vector<1x16xi32>,
      %get3A_190 = vector.shape_cast %get3A_189 : vector<1x16xi32> to vector<16xi32>
      %add3A_191 = arith.constant 1 : i32
      %add3A_192 = vector.broadcast %add3A_191 : i32 to vector<16xi32>
      %add3A_193 = arith.addi %get3A_190, %add3A_192 : vector<16xi32>
      %swap3A_194 = arith.index_cast %scan3A_164 : i32 to index
      %swap3A_195 = arith.constant 32 : index
      %swap3A_196 = tpu.vector_load %arg6[%swap3A_194, %swap3A_195] {strides = array<i32>} : memref<157x128xi32, #tpu.memory_space<vmem>>, vector<1x16xi32>,
      %swap3A_197 = vector.shape_cast %swap3A_196 : vector<1x16xi32> to vector<16xi32>
      %swap3A_198 = vector.shape_cast %add3A_193 : vector<16xi32> to vector<1x16xi32>
      tpu.vector_store %arg6[%swap3A_194, %swap3A_195], %swap3A_198 {strides = array<i32>} : memref<157x128xi32, #tpu.memory_space<vmem>>, vector<1x16xi32>,
      %get3A_199 = arith.index_cast %scan3A_164 : i32 to index
      %get3A_200 = arith.constant 48 : index
      %get3A_201 = tpu.vector_load %arg6[%get3A_199, %get3A_200] {strides = array<i32>} : memref<157x128xi32, #tpu.memory_space<vmem>>, vector<1x16xi32>,
      %get3A_202 = vector.shape_cast %get3A_201 : vector<1x16xi32> to vector<16xi32>
      %add3A_203 = arith.constant 1 : i32
      %add3A_204 = vector.broadcast %add3A_203 : i32 to vector<16xi32>
      %add3A_205 = arith.addi %get3A_202, %add3A_204 : vector<16xi32>
      %swap3A_206 = arith.index_cast %scan3A_164 : i32 to index
      %swap3A_207 = arith.constant 48 : index
      %swap3A_208 = tpu.vector_load %arg6[%swap3A_206, %swap3A_207] {strides = array<i32>} : memref<157x128xi32, #tpu.memory_space<vmem>>, vector<1x16xi32>,
      %swap3A_209 = vector.shape_cast %swap3A_208 : vector<1x16xi32> to vector<16xi32>
      %swap3A_210 = vector.shape_cast %add3A_205 : vector<16xi32> to vector<1x16xi32>
      tpu.vector_store %arg6[%swap3A_206, %swap3A_207], %swap3A_210 {strides = array<i32>} : memref<157x128xi32, #tpu.memory_space<vmem>>, vector<1x16xi32>,
      %get3A_211 = arith.index_cast %scan3A_164 : i32 to index
      %get3A_212 = arith.constant 64 : index
      %get3A_213 = tpu.vector_load %arg6[%get3A_211, %get3A_212] {strides = array<i32>} : memref<157x128xi32, #tpu.memory_space<vmem>>, vector<1x16xi32>,
      %get3A_214 = vector.shape_cast %get3A_213 : vector<1x16xi32> to vector<16xi32>
      %add3A_215 = arith.constant 1 : i32
      %add3A_216 = vector.broadcast %add3A_215 : i32 to vector<16xi32>
      %add3A_217 = arith.addi %get3A_214, %add3A_216 : vector<16xi32>
      %swap3A_218 = arith.index_cast %scan3A_164 : i32 to index
      %swap3A_219 = arith.constant 64 : index
      %swap3A_220 = tpu.vector_load %arg6[%swap3A_218, %swap3A_219] {strides = array<i32>} : memref<157x128xi32, #tpu.memory_space<vmem>>, vector<1x16xi32>,
      %swap3A_221 = vector.shape_cast %swap3A_220 : vector<1x16xi32> to vector<16xi32>
      %swap3A_222 = vector.shape_cast %add3A_217 : vector<16xi32> to vector<1x16xi32>
      tpu.vector_store %arg6[%swap3A_218, %swap3A_219], %swap3A_222 {strides = array<i32>} : memref<157x128xi32, #tpu.memory_space<vmem>>, vector<1x16xi32>,
      %get3A_223 = arith.index_cast %scan3A_164 : i32 to index
      %get3A_224 = arith.constant 80 : index
      %get3A_225 = tpu.vector_load %arg6[%get3A_223, %get3A_224] {strides = array<i32>} : memref<157x128xi32, #tpu.memory_space<vmem>>, vector<1x16xi32>,
      %get3A_226 = vector.shape_cast %get3A_225 : vector<1x16xi32> to vector<16xi32>
      %add3A_227 = arith.constant 1 : i32
      %add3A_228 = vector.broadcast %add3A_227 : i32 to vector<16xi32>
      %add3A_229 = arith.addi %get3A_226, %add3A_228 : vector<16xi32>
      %swap3A_230 = arith.index_cast %scan3A_164 : i32 to index
      %swap3A_231 = arith.constant 80 : index
      %swap3A_232 = tpu.vector_load %arg6[%swap3A_230, %swap3A_231] {strides = array<i32>} : memref<157x128xi32, #tpu.memory_space<vmem>>, vector<1x16xi32>,
      %swap3A_233 = vector.shape_cast %swap3A_232 : vector<1x16xi32> to vector<16xi32>
      %swap3A_234 = vector.shape_cast %add3A_229 : vector<16xi32> to vector<1x16xi32>
      tpu.vector_store %arg6[%swap3A_230, %swap3A_231], %swap3A_234 {strides = array<i32>} : memref<157x128xi32, #tpu.memory_space<vmem>>, vector<1x16xi32>,
      %get3A_235 = arith.index_cast %scan3A_164 : i32 to index
      %get3A_236 = arith.constant 96 : index
      %get3A_237 = tpu.vector_load %arg6[%get3A_235, %get3A_236] {strides = array<i32>} : memref<157x128xi32, #tpu.memory_space<vmem>>, vector<1x16xi32>,
      %get3A_238 = vector.shape_cast %get3A_237 : vector<1x16xi32> to vector<16xi32>
      %add3A_239 = arith.constant 1 : i32
      %add3A_240 = vector.broadcast %add3A_239 : i32 to vector<16xi32>
      %add3A_241 = arith.addi %get3A_238, %add3A_240 : vector<16xi32>
      %swap3A_242 = arith.index_cast %scan3A_164 : i32 to index
      %swap3A_243 = arith.constant 96 : index
      %swap3A_244 = tpu.vector_load %arg6[%swap3A_242, %swap3A_243] {strides = array<i32>} : memref<157x128xi32, #tpu.memory_space<vmem>>, vector<1x16xi32>,
      %swap3A_245 = vector.shape_cast %swap3A_244 : vector<1x16xi32> to vector<16xi32>
      %swap3A_246 = vector.shape_cast %add3A_241 : vector<16xi32> to vector<1x16xi32>
      tpu.vector_store %arg6[%swap3A_242, %swap3A_243], %swap3A_246 {strides = array<i32>} : memref<157x128xi32, #tpu.memory_space<vmem>>, vector<1x16xi32>,
      %get3A_247 = arith.index_cast %scan3A_164 : i32 to index
      %get3A_248 = arith.constant 112 : index
      %get3A_249 = tpu.vector_load %arg6[%get3A_247, %get3A_248] {strides = array<i32>} : memref<157x128xi32, #tpu.memory_space<vmem>>, vector<1x16xi32>,
      %get3A_250 = vector.shape_cast %get3A_249 : vector<1x16xi32> to vector<16xi32>
      %add3A_251 = arith.constant 1 : i32
      %add3A_252 = vector.broadcast %add3A_251 : i32 to vector<16xi32>
      %add3A_253 = arith.addi %get3A_250, %add3A_252 : vector<16xi32>
      %swap3A_254 = arith.index_cast %scan3A_164 : i32 to index
      %swap3A_255 = arith.constant 112 : index
      %swap3A_256 = tpu.vector_load %arg6[%swap3A_254, %swap3A_255] {strides = array<i32>} : memref<157x128xi32, #tpu.memory_space<vmem>>, vector<1x16xi32>,
      %swap3A_257 = vector.shape_cast %swap3A_256 : vector<1x16xi32> to vector<16xi32>
      %swap3A_258 = vector.shape_cast %add3A_253 : vector<16xi32> to vector<1x16xi32>
      tpu.vector_store %arg6[%swap3A_254, %swap3A_255], %swap3A_258 {strides = array<i32>} : memref<157x128xi32, #tpu.memory_space<vmem>>, vector<1x16xi32>,
    }
    %scan3A_83 = arith.constant 157 : i32
    %scan3A_84 = arith.constant 0 : i32
    %scan3A_85 = arith.constant 0 : i32
    %scan3A_86 = arith.constant 128 : i32
    %scan3A_87 = arith.addi %scan3A_85, %scan3A_86 : i32
    %scan3A_88 = arith.constant 1 : i32
    scf.for %scan3A_164 = %scan3A_85 to %scan3A_87 step %scan3A_88  : i32 {
      %swap3A = arith.index_cast %scan3A_164 : i32 to index
      %swap3A_165 = arith.constant 0 : index
      %swap3A_166 = tpu.vector_load %arg8[%swap3A, %swap3A_165] {strides = array<i32>} : memref<128x64xf32, #tpu.memory_space<vmem>>, vector<1x16xf32>,
      %swap3A_167 = vector.shape_cast %swap3A_166 : vector<1x16xf32> to vector<16xf32>
      %swap3A_168 = vector.shape_cast %broadcast_in_dim3A_0 : vector<16xf32> to vector<1x16xf32>
      tpu.vector_store %arg8[%swap3A, %swap3A_165], %swap3A_168 {strides = array<i32>} : memref<128x64xf32, #tpu.memory_space<vmem>>, vector<1x16xf32>,
      %swap3A_169 = arith.index_cast %scan3A_164 : i32 to index
      %swap3A_170 = arith.constant 16 : index
      %swap3A_171 = tpu.vector_load %arg8[%swap3A_169, %swap3A_170] {strides = array<i32>} : memref<128x64xf32, #tpu.memory_space<vmem>>, vector<1x16xf32>,
      %swap3A_172 = vector.shape_cast %swap3A_171 : vector<1x16xf32> to vector<16xf32>
      %swap3A_173 = vector.shape_cast %broadcast_in_dim3A_0 : vector<16xf32> to vector<1x16xf32>
      tpu.vector_store %arg8[%swap3A_169, %swap3A_170], %swap3A_173 {strides = array<i32>} : memref<128x64xf32, #tpu.memory_space<vmem>>, vector<1x16xf32>,
      %swap3A_174 = arith.index_cast %scan3A_164 : i32 to index
      %swap3A_175 = arith.constant 32 : index
      %swap3A_176 = tpu.vector_load %arg8[%swap3A_174, %swap3A_175] {strides = array<i32>} : memref<128x64xf32, #tpu.memory_space<vmem>>, vector<1x16xf32>,
      %swap3A_177 = vector.shape_cast %swap3A_176 : vector<1x16xf32> to vector<16xf32>
      %swap3A_178 = vector.shape_cast %broadcast_in_dim3A_0 : vector<16xf32> to vector<1x16xf32>
      tpu.vector_store %arg8[%swap3A_174, %swap3A_175], %swap3A_178 {strides = array<i32>} : memref<128x64xf32, #tpu.memory_space<vmem>>, vector<1x16xf32>,
      %swap3A_179 = arith.index_cast %scan3A_164 : i32 to index
      %swap3A_180 = arith.constant 48 : index
      %swap3A_181 = tpu.vector_load %arg8[%swap3A_179, %swap3A_180] {strides = array<i32>} : memref<128x64xf32, #tpu.memory_space<vmem>>, vector<1x16xf32>,
      %swap3A_182 = vector.shape_cast %swap3A_181 : vector<1x16xf32> to vector<16xf32>
      %swap3A_183 = vector.shape_cast %broadcast_in_dim3A_0 : vector<16xf32> to vector<1x16xf32>
      tpu.vector_store %arg8[%swap3A_179, %swap3A_180], %swap3A_183 {strides = array<i32>} : memref<128x64xf32, #tpu.memory_space<vmem>>, vector<1x16xf32>,
    }
    %scan3A_89 = arith.constant 128 : i32
    %add3A_90 = arith.constant 0 : i32
    %add3A_91 = arith.addi %mul3A_3, %add3A_90 : i32
    "tpu.region"() ({
      %run_scoped3A_164 = tpu.sem_alloc : memref<!tpu.dma_semaphore, #tpu.memory_space<semaphore_mem>>
      %dma_start3A_165 = arith.constant 0 : i32
      %dma_start3A_166 = tpu.memref_slice %arg12[%add3A_91, %dma_start3A_165] : memref<10240x64xf32, #tpu.memory_space<vmem_shared>> -> memref<128x64xf32, #tpu.memory_space<vmem_shared>>
      %dma_start3A_167 = arith.constant 0 : i32
      %dma_start3A_168 = tpu.memref_slice %arg12[%add3A_91, %dma_start3A_167] : memref<10240x64xf32, #tpu.memory_space<vmem_shared>> -> memref<128x64xf32, #tpu.memory_space<vmem_shared>>
      tpu.enqueue_dma source(%arg8 : memref<128x64xf32, #tpu.memory_space<vmem>>) target(%dma_start3A_168 : memref<128x64xf32, #tpu.memory_space<vmem_shared>>) target_semaphore(%run_scoped3A_164 : memref<!tpu.dma_semaphore, #tpu.memory_space<semaphore_mem>>)
      %dma_wait3A_169 = arith.constant 0 : i32
      %dma_wait3A_170 = tpu.memref_slice %arg12[%add3A_91, %dma_wait3A_169] : memref<10240x64xf32, #tpu.memory_space<vmem_shared>> -> memref<128x64xf32, #tpu.memory_space<vmem_shared>>
      %dma_wait3A_171 = arith.constant 0 : i32
      %dma_wait3A_172 = tpu.memref_slice %arg12[%add3A_91, %dma_wait3A_171] : memref<10240x64xf32, #tpu.memory_space<vmem_shared>> -> memref<128x64xf32, #tpu.memory_space<vmem_shared>>
      tpu.wait_dma2 semaphore(%run_scoped3A_164 : memref<!tpu.dma_semaphore, #tpu.memory_space<semaphore_mem>>) src(%arg8 : memref<128x64xf32, #tpu.memory_space<vmem>>) dst(%dma_wait3A_172 : memref<128x64xf32, #tpu.memory_space<vmem_shared>>)
      tpu.yield
    }) : () -> ()
    %add3A_92 = arith.constant 128 : i32
    %add3A_93 = arith.addi %mul3A_3, %add3A_92 : i32
    "tpu.region"() ({
      %run_scoped3A_164 = tpu.sem_alloc : memref<!tpu.dma_semaphore, #tpu.memory_space<semaphore_mem>>
      %dma_start3A_165 = arith.constant 0 : i32
      %dma_start3A_166 = tpu.memref_slice %arg12[%add3A_93, %dma_start3A_165] : memref<10240x64xf32, #tpu.memory_space<vmem_shared>> -> memref<128x64xf32, #tpu.memory_space<vmem_shared>>
      %dma_start3A_167 = arith.constant 0 : i32
      %dma_start3A_168 = tpu.memref_slice %arg12[%add3A_93, %dma_start3A_167] : memref<10240x64xf32, #tpu.memory_space<vmem_shared>> -> memref<128x64xf32, #tpu.memory_space<vmem_shared>>
      tpu.enqueue_dma source(%arg8 : memref<128x64xf32, #tpu.memory_space<vmem>>) target(%dma_start3A_168 : memref<128x64xf32, #tpu.memory_space<vmem_shared>>) target_semaphore(%run_scoped3A_164 : memref<!tpu.dma_semaphore, #tpu.memory_space<semaphore_mem>>)
      %dma_wait3A_169 = arith.constant 0 : i32
      %dma_wait3A_170 = tpu.memref_slice %arg12[%add3A_93, %dma_wait3A_169] : memref<10240x64xf32, #tpu.memory_space<vmem_shared>> -> memref<128x64xf32, #tpu.memory_space<vmem_shared>>
      %dma_wait3A_171 = arith.constant 0 : i32
      %dma_wait3A_172 = tpu.memref_slice %arg12[%add3A_93, %dma_wait3A_171] : memref<10240x64xf32, #tpu.memory_space<vmem_shared>> -> memref<128x64xf32, #tpu.memory_space<vmem_shared>>
      tpu.wait_dma2 semaphore(%run_scoped3A_164 : memref<!tpu.dma_semaphore, #tpu.memory_space<semaphore_mem>>) src(%arg8 : memref<128x64xf32, #tpu.memory_space<vmem>>) dst(%dma_wait3A_172 : memref<128x64xf32, #tpu.memory_space<vmem_shared>>)
      tpu.yield
    }) : () -> ()
    %add3A_94 = arith.constant 256 : i32
    %add3A_95 = arith.addi %mul3A_3, %add3A_94 : i32
    "tpu.region"() ({
      %run_scoped3A_164 = tpu.sem_alloc : memref<!tpu.dma_semaphore, #tpu.memory_space<semaphore_mem>>
      %dma_start3A_165 = arith.constant 0 : i32
      %dma_start3A_166 = tpu.memref_slice %arg12[%add3A_95, %dma_start3A_165] : memref<10240x64xf32, #tpu.memory_space<vmem_shared>> -> memref<128x64xf32, #tpu.memory_space<vmem_shared>>
      %dma_start3A_167 = arith.constant 0 : i32
      %dma_start3A_168 = tpu.memref_slice %arg12[%add3A_95, %dma_start3A_167] : memref<10240x64xf32, #tpu.memory_space<vmem_shared>> -> memref<128x64xf32, #tpu.memory_space<vmem_shared>>
      tpu.enqueue_dma source(%arg8 : memref<128x64xf32, #tpu.memory_space<vmem>>) target(%dma_start3A_168 : memref<128x64xf32, #tpu.memory_space<vmem_shared>>) target_semaphore(%run_scoped3A_164 : memref<!tpu.dma_semaphore, #tpu.memory_space<semaphore_mem>>)
      %dma_wait3A_169 = arith.constant 0 : i32
      %dma_wait3A_170 = tpu.memref_slice %arg12[%add3A_95, %dma_wait3A_169] : memref<10240x64xf32, #tpu.memory_space<vmem_shared>> -> memref<128x64xf32, #tpu.memory_space<vmem_shared>>
      %dma_wait3A_171 = arith.constant 0 : i32
      %dma_wait3A_172 = tpu.memref_slice %arg12[%add3A_95, %dma_wait3A_171] : memref<10240x64xf32, #tpu.memory_space<vmem_shared>> -> memref<128x64xf32, #tpu.memory_space<vmem_shared>>
      tpu.wait_dma2 semaphore(%run_scoped3A_164 : memref<!tpu.dma_semaphore, #tpu.memory_space<semaphore_mem>>) src(%arg8 : memref<128x64xf32, #tpu.memory_space<vmem>>) dst(%dma_wait3A_172 : memref<128x64xf32, #tpu.memory_space<vmem_shared>>)
      tpu.yield
    }) : () -> ()
    %add3A_96 = arith.constant 384 : i32
    %add3A_97 = arith.addi %mul3A_3, %add3A_96 : i32
    "tpu.region"() ({
      %run_scoped3A_164 = tpu.sem_alloc : memref<!tpu.dma_semaphore, #tpu.memory_space<semaphore_mem>>
      %dma_start3A_165 = arith.constant 0 : i32
      %dma_start3A_166 = tpu.memref_slice %arg12[%add3A_97, %dma_start3A_165] : memref<10240x64xf32, #tpu.memory_space<vmem_shared>> -> memref<128x64xf32, #tpu.memory_space<vmem_shared>>
      %dma_start3A_167 = arith.constant 0 : i32
      %dma_start3A_168 = tpu.memref_slice %arg12[%add3A_97, %dma_start3A_167] : memref<10240x64xf32, #tpu.memory_space<vmem_shared>> -> memref<128x64xf32, #tpu.memory_space<vmem_shared>>
      tpu.enqueue_dma source(%arg8 : memref<128x64xf32, #tpu.memory_space<vmem>>) target(%dma_start3A_168 : memref<128x64xf32, #tpu.memory_space<vmem_shared>>) target_semaphore(%run_scoped3A_164 : memref<!tpu.dma_semaphore, #tpu.memory_space<semaphore_mem>>)
      %dma_wait3A_169 = arith.constant 0 : i32
      %dma_wait3A_170 = tpu.memref_slice %arg12[%add3A_97, %dma_wait3A_169] : memref<10240x64xf32, #tpu.memory_space<vmem_shared>> -> memref<128x64xf32, #tpu.memory_space<vmem_shared>>
      %dma_wait3A_171 = arith.constant 0 : i32
      %dma_wait3A_172 = tpu.memref_slice %arg12[%add3A_97, %dma_wait3A_171] : memref<10240x64xf32, #tpu.memory_space<vmem_shared>> -> memref<128x64xf32, #tpu.memory_space<vmem_shared>>
      tpu.wait_dma2 semaphore(%run_scoped3A_164 : memref<!tpu.dma_semaphore, #tpu.memory_space<semaphore_mem>>) src(%arg8 : memref<128x64xf32, #tpu.memory_space<vmem>>) dst(%dma_wait3A_172 : memref<128x64xf32, #tpu.memory_space<vmem_shared>>)
      tpu.yield
    }) : () -> ()
    %add3A_98 = arith.constant 512 : i32
    %add3A_99 = arith.addi %mul3A_3, %add3A_98 : i32
    "tpu.region"() ({
      %run_scoped3A_164 = tpu.sem_alloc : memref<!tpu.dma_semaphore, #tpu.memory_space<semaphore_mem>>
      %dma_start3A_165 = arith.constant 0 : i32
      %dma_start3A_166 = tpu.memref_slice %arg12[%add3A_99, %dma_start3A_165] : memref<10240x64xf32, #tpu.memory_space<vmem_shared>> -> memref<128x64xf32, #tpu.memory_space<vmem_shared>>
      %dma_start3A_167 = arith.constant 0 : i32
      %dma_start3A_168 = tpu.memref_slice %arg12[%add3A_99, %dma_start3A_167] : memref<10240x64xf32, #tpu.memory_space<vmem_shared>> -> memref<128x64xf32, #tpu.memory_space<vmem_shared>>
      tpu.enqueue_dma source(%arg8 : memref<128x64xf32, #tpu.memory_space<vmem>>) target(%dma_start3A_168 : memref<128x64xf32, #tpu.memory_space<vmem_shared>>) target_semaphore(%run_scoped3A_164 : memref<!tpu.dma_semaphore, #tpu.memory_space<semaphore_mem>>)
      %dma_wait3A_169 = arith.constant 0 : i32
      %dma_wait3A_170 = tpu.memref_slice %arg12[%add3A_99, %dma_wait3A_169] : memref<10240x64xf32, #tpu.memory_space<vmem_shared>> -> memref<128x64xf32, #tpu.memory_space<vmem_shared>>
      %dma_wait3A_171 = arith.constant 0 : i32
      %dma_wait3A_172 = tpu.memref_slice %arg12[%add3A_99, %dma_wait3A_171] : memref<10240x64xf32, #tpu.memory_space<vmem_shared>> -> memref<128x64xf32, #tpu.memory_space<vmem_shared>>
      tpu.wait_dma2 semaphore(%run_scoped3A_164 : memref<!tpu.dma_semaphore, #tpu.memory_space<semaphore_mem>>) src(%arg8 : memref<128x64xf32, #tpu.memory_space<vmem>>) dst(%dma_wait3A_172 : memref<128x64xf32, #tpu.memory_space<vmem_shared>>)
      tpu.yield
    }) : () -> ()
    %barrier3A_100 = arith.constant 0 : index
    tpu.barrier barrier_id(%barrier3A_100)
    %dma_start3A_101 = arith.constant 0 : i32
    %dma_start3A_102 = arith.constant 0 : i32
    %dma_start3A_103 = tpu.memref_slice %arg6[%dma_start3A_101, %dma_start3A_102] : memref<157x128xi32, #tpu.memory_space<vmem>> -> memref<1x128xi32, #tpu.memory_space<vmem>>
    %dma_start3A_104 = tpu.memref_squeeze %dma_start3A_103 : memref<1x128xi32, #tpu.memory_space<vmem>> -> memref<128xi32, #tpu.memory_space<vmem>>
    %dma_start3A_105 = arith.constant 0 : i32
    %dma_start3A_106 = arith.constant 0 : i32
    %dma_start3A_107 = tpu.memref_slice %arg4[%dma_start3A_105, %dma_start3A_106] : memref<40000x64xf32, #tpu.memory_space<hbm>> -> memref<40000x64xf32, #tpu.memory_space<hbm>>
    tpu.enqueue_indirect_dma source(%dma_start3A_107 : memref<40000x64xf32, #tpu.memory_space<hbm>>) target(%arg8 : memref<128x64xf32, #tpu.memory_space<vmem>>) offsets(%dma_start3A_104 : memref<128xi32, #tpu.memory_space<vmem>>) semaphore(%arg13 : memref<!tpu.dma_semaphore, #tpu.memory_space<semaphore_mem>>)
    %dma_start3A_108 = arith.constant 1 : i32
    %dma_start3A_109 = arith.constant 0 : i32
    %dma_start3A_110 = tpu.memref_slice %arg6[%dma_start3A_108, %dma_start3A_109] : memref<157x128xi32, #tpu.memory_space<vmem>> -> memref<1x128xi32, #tpu.memory_space<vmem>>
    %dma_start3A_111 = tpu.memref_squeeze %dma_start3A_110 : memref<1x128xi32, #tpu.memory_space<vmem>> -> memref<128xi32, #tpu.memory_space<vmem>>
    %dma_start3A_112 = arith.constant 0 : i32
    %dma_start3A_113 = arith.constant 0 : i32
    %dma_start3A_114 = tpu.memref_slice %arg4[%dma_start3A_112, %dma_start3A_113] : memref<40000x64xf32, #tpu.memory_space<hbm>> -> memref<40000x64xf32, #tpu.memory_space<hbm>>
    tpu.enqueue_indirect_dma source(%dma_start3A_114 : memref<40000x64xf32, #tpu.memory_space<hbm>>) target(%arg9 : memref<128x64xf32, #tpu.memory_space<vmem>>) offsets(%dma_start3A_111 : memref<128xi32, #tpu.memory_space<vmem>>) semaphore(%arg14 : memref<!tpu.dma_semaphore, #tpu.memory_space<semaphore_mem>>)
    %dma_start3A_115 = arith.constant 2 : i32
    %dma_start3A_116 = arith.constant 0 : i32
    %dma_start3A_117 = tpu.memref_slice %arg6[%dma_start3A_115, %dma_start3A_116] : memref<157x128xi32, #tpu.memory_space<vmem>> -> memref<1x128xi32, #tpu.memory_space<vmem>>
    %dma_start3A_118 = tpu.memref_squeeze %dma_start3A_117 : memref<1x128xi32, #tpu.memory_space<vmem>> -> memref<128xi32, #tpu.memory_space<vmem>>
    %dma_start3A_119 = arith.constant 0 : i32
    %dma_start3A_120 = arith.constant 0 : i32
    %dma_start3A_121 = tpu.memref_slice %arg4[%dma_start3A_119, %dma_start3A_120] : memref<40000x64xf32, #tpu.memory_space<hbm>> -> memref<40000x64xf32, #tpu.memory_space<hbm>>
    tpu.enqueue_indirect_dma source(%dma_start3A_121 : memref<40000x64xf32, #tpu.memory_space<hbm>>) target(%arg10 : memref<128x64xf32, #tpu.memory_space<vmem>>) offsets(%dma_start3A_118 : memref<128xi32, #tpu.memory_space<vmem>>) semaphore(%arg15 : memref<!tpu.dma_semaphore, #tpu.memory_space<semaphore_mem>>)
    %dma_start3A_122 = arith.constant 3 : i32
    %dma_start3A_123 = arith.constant 0 : i32
    %dma_start3A_124 = tpu.memref_slice %arg6[%dma_start3A_122, %dma_start3A_123] : memref<157x128xi32, #tpu.memory_space<vmem>> -> memref<1x128xi32, #tpu.memory_space<vmem>>
    %dma_start3A_125 = tpu.memref_squeeze %dma_start3A_124 : memref<1x128xi32, #tpu.memory_space<vmem>> -> memref<128xi32, #tpu.memory_space<vmem>>
    %dma_start3A_126 = arith.constant 0 : i32
    %dma_start3A_127 = arith.constant 0 : i32
    %dma_start3A_128 = tpu.memref_slice %arg4[%dma_start3A_126, %dma_start3A_127] : memref<40000x64xf32, #tpu.memory_space<hbm>> -> memref<40000x64xf32, #tpu.memory_space<hbm>>
    tpu.enqueue_indirect_dma source(%dma_start3A_128 : memref<40000x64xf32, #tpu.memory_space<hbm>>) target(%arg11 : memref<128x64xf32, #tpu.memory_space<vmem>>) offsets(%dma_start3A_125 : memref<128xi32, #tpu.memory_space<vmem>>) semaphore(%arg16 : memref<!tpu.dma_semaphore, #tpu.memory_space<semaphore_mem>>)
    %scan3A_129 = arith.constant 0 : i32
    %scan3A_130 = arith.constant 0 : i32
    %scan3A_131 = arith.constant 39 : i32
    %scan3A_132 = arith.addi %scan3A_130, %scan3A_131 : i32
    %scan3A_133 = arith.constant 1 : i32
    scf.for %scan3A_164 = %scan3A_130 to %scan3A_132 step %scan3A_133  : i32 {
      %mul3A_165 = arith.constant 4 : i32
      %mul3A_166 = arith.muli %mul3A_165, %scan3A_164 : i32
      %add3A_167 = arith.constant 0 : i32
      %add3A_168 = arith.addi %mul3A_166, %add3A_167 : i32
      %dma_wait3A_169 = arith.constant 0 : i32
      %dma_wait3A_170 = tpu.memref_slice %arg6[%add3A_168, %dma_wait3A_169] : memref<157x128xi32, #tpu.memory_space<vmem>> -> memref<1x128xi32, #tpu.memory_space<vmem>>
      %dma_wait3A_171 = tpu.memref_squeeze %dma_wait3A_170 : memref<1x128xi32, #tpu.memory_space<vmem>> -> memref<128xi32, #tpu.memory_space<vmem>>
      %dma_wait3A_172 = arith.constant 0 : i32
      %dma_wait3A_173 = arith.constant 0 : i32
      %dma_wait3A_174 = tpu.memref_slice %arg4[%dma_wait3A_172, %dma_wait3A_173] : memref<40000x64xf32, #tpu.memory_space<hbm>> -> memref<40000x64xf32, #tpu.memory_space<hbm>>
      tpu.wait_indirect_dma semaphore(%arg13 : memref<!tpu.dma_semaphore, #tpu.memory_space<semaphore_mem>>) src(%dma_wait3A_174 : memref<40000x64xf32, #tpu.memory_space<hbm>>) dst(%arg8 : memref<128x64xf32, #tpu.memory_space<vmem>>)
      %add3A_175 = arith.constant 0 : i32
      %add3A_176 = arith.addi %mul3A_166, %add3A_175 : i32
      %dma_start3A_177 = arith.constant 0 : i32
      %dma_start3A_178 = tpu.memref_slice %arg7[%add3A_176, %dma_start3A_177] : memref<157x128xi32, #tpu.memory_space<vmem>> -> memref<1x128xi32, #tpu.memory_space<vmem>>
      %dma_start3A_179 = tpu.memref_squeeze %dma_start3A_178 : memref<1x128xi32, #tpu.memory_space<vmem>> -> memref<128xi32, #tpu.memory_space<vmem>>
      %dma_start3A_180 = arith.constant 0 : i32
      %dma_start3A_181 = arith.constant 0 : i32
      %dma_start3A_182 = tpu.memref_slice %arg12[%dma_start3A_180, %dma_start3A_181] : memref<10240x64xf32, #tpu.memory_space<vmem_shared>> -> memref<10240x64xf32, #tpu.memory_space<vmem_shared>>
      tpu.enqueue_indirect_dma source(%arg8 : memref<128x64xf32, #tpu.memory_space<vmem>>) target(%dma_start3A_182 : memref<10240x64xf32, #tpu.memory_space<vmem_shared>>) offsets(%dma_start3A_179 : memref<128xi32, #tpu.memory_space<vmem>>) semaphore(%arg17 : memref<!tpu.dma_semaphore, #tpu.memory_space<semaphore_mem>>) {add = true}
      %add3A_183 = arith.constant 1 : i32
      %add3A_184 = arith.addi %mul3A_166, %add3A_183 : i32
      %dma_wait3A_185 = arith.constant 0 : i32
      %dma_wait3A_186 = tpu.memref_slice %arg6[%add3A_184, %dma_wait3A_185] : memref<157x128xi32, #tpu.memory_space<vmem>> -> memref<1x128xi32, #tpu.memory_space<vmem>>
      %dma_wait3A_187 = tpu.memref_squeeze %dma_wait3A_186 : memref<1x128xi32, #tpu.memory_space<vmem>> -> memref<128xi32, #tpu.memory_space<vmem>>
      %dma_wait3A_188 = arith.constant 0 : i32
      %dma_wait3A_189 = arith.constant 0 : i32
      %dma_wait3A_190 = tpu.memref_slice %arg4[%dma_wait3A_188, %dma_wait3A_189] : memref<40000x64xf32, #tpu.memory_space<hbm>> -> memref<40000x64xf32, #tpu.memory_space<hbm>>
      tpu.wait_indirect_dma semaphore(%arg14 : memref<!tpu.dma_semaphore, #tpu.memory_space<semaphore_mem>>) src(%dma_wait3A_190 : memref<40000x64xf32, #tpu.memory_space<hbm>>) dst(%arg9 : memref<128x64xf32, #tpu.memory_space<vmem>>)
      %add3A_191 = arith.constant 1 : i32
      %add3A_192 = arith.addi %mul3A_166, %add3A_191 : i32
      %dma_start3A_193 = arith.constant 0 : i32
      %dma_start3A_194 = tpu.memref_slice %arg7[%add3A_192, %dma_start3A_193] : memref<157x128xi32, #tpu.memory_space<vmem>> -> memref<1x128xi32, #tpu.memory_space<vmem>>
      %dma_start3A_195 = tpu.memref_squeeze %dma_start3A_194 : memref<1x128xi32, #tpu.memory_space<vmem>> -> memref<128xi32, #tpu.memory_space<vmem>>
      %dma_start3A_196 = arith.constant 0 : i32
      %dma_start3A_197 = arith.constant 0 : i32
      %dma_start3A_198 = tpu.memref_slice %arg12[%dma_start3A_196, %dma_start3A_197] : memref<10240x64xf32, #tpu.memory_space<vmem_shared>> -> memref<10240x64xf32, #tpu.memory_space<vmem_shared>>
      tpu.enqueue_indirect_dma source(%arg9 : memref<128x64xf32, #tpu.memory_space<vmem>>) target(%dma_start3A_198 : memref<10240x64xf32, #tpu.memory_space<vmem_shared>>) offsets(%dma_start3A_195 : memref<128xi32, #tpu.memory_space<vmem>>) semaphore(%arg18 : memref<!tpu.dma_semaphore, #tpu.memory_space<semaphore_mem>>) {add = true}
      %add3A_199 = arith.constant 2 : i32
      %add3A_200 = arith.addi %mul3A_166, %add3A_199 : i32
      %dma_wait3A_201 = arith.constant 0 : i32
      %dma_wait3A_202 = tpu.memref_slice %arg6[%add3A_200, %dma_wait3A_201] : memref<157x128xi32, #tpu.memory_space<vmem>> -> memref<1x128xi32, #tpu.memory_space<vmem>>
      %dma_wait3A_203 = tpu.memref_squeeze %dma_wait3A_202 : memref<1x128xi32, #tpu.memory_space<vmem>> -> memref<128xi32, #tpu.memory_space<vmem>>
      %dma_wait3A_204 = arith.constant 0 : i32
      %dma_wait3A_205 = arith.constant 0 : i32
      %dma_wait3A_206 = tpu.memref_slice %arg4[%dma_wait3A_204, %dma_wait3A_205] : memref<40000x64xf32, #tpu.memory_space<hbm>> -> memref<40000x64xf32, #tpu.memory_space<hbm>>
      tpu.wait_indirect_dma semaphore(%arg15 : memref<!tpu.dma_semaphore, #tpu.memory_space<semaphore_mem>>) src(%dma_wait3A_206 : memref<40000x64xf32, #tpu.memory_space<hbm>>) dst(%arg10 : memref<128x64xf32, #tpu.memory_space<vmem>>)
      %add3A_207 = arith.constant 2 : i32
      %add3A_208 = arith.addi %mul3A_166, %add3A_207 : i32
      %dma_start3A_209 = arith.constant 0 : i32
      %dma_start3A_210 = tpu.memref_slice %arg7[%add3A_208, %dma_start3A_209] : memref<157x128xi32, #tpu.memory_space<vmem>> -> memref<1x128xi32, #tpu.memory_space<vmem>>
      %dma_start3A_211 = tpu.memref_squeeze %dma_start3A_210 : memref<1x128xi32, #tpu.memory_space<vmem>> -> memref<128xi32, #tpu.memory_space<vmem>>
      %dma_start3A_212 = arith.constant 0 : i32
      %dma_start3A_213 = arith.constant 0 : i32
      %dma_start3A_214 = tpu.memref_slice %arg12[%dma_start3A_212, %dma_start3A_213] : memref<10240x64xf32, #tpu.memory_space<vmem_shared>> -> memref<10240x64xf32, #tpu.memory_space<vmem_shared>>
      tpu.enqueue_indirect_dma source(%arg10 : memref<128x64xf32, #tpu.memory_space<vmem>>) target(%dma_start3A_214 : memref<10240x64xf32, #tpu.memory_space<vmem_shared>>) offsets(%dma_start3A_211 : memref<128xi32, #tpu.memory_space<vmem>>) semaphore(%arg19 : memref<!tpu.dma_semaphore, #tpu.memory_space<semaphore_mem>>) {add = true}
      %add3A_215 = arith.constant 3 : i32
      %add3A_216 = arith.addi %mul3A_166, %add3A_215 : i32
      %dma_wait3A_217 = arith.constant 0 : i32
      %dma_wait3A_218 = tpu.memref_slice %arg6[%add3A_216, %dma_wait3A_217] : memref<157x128xi32, #tpu.memory_space<vmem>> -> memref<1x128xi32, #tpu.memory_space<vmem>>
      %dma_wait3A_219 = tpu.memref_squeeze %dma_wait3A_218 : memref<1x128xi32, #tpu.memory_space<vmem>> -> memref<128xi32, #tpu.memory_space<vmem>>
      %dma_wait3A_220 = arith.constant 0 : i32
      %dma_wait3A_221 = arith.constant 0 : i32
      %dma_wait3A_222 = tpu.memref_slice %arg4[%dma_wait3A_220, %dma_wait3A_221] : memref<40000x64xf32, #tpu.memory_space<hbm>> -> memref<40000x64xf32, #tpu.memory_space<hbm>>
      tpu.wait_indirect_dma semaphore(%arg16 : memref<!tpu.dma_semaphore, #tpu.memory_space<semaphore_mem>>) src(%dma_wait3A_222 : memref<40000x64xf32, #tpu.memory_space<hbm>>) dst(%arg11 : memref<128x64xf32, #tpu.memory_space<vmem>>)
      %add3A_223 = arith.constant 3 : i32
      %add3A_224 = arith.addi %mul3A_166, %add3A_223 : i32
      %dma_start3A_225 = arith.constant 0 : i32
      %dma_start3A_226 = tpu.memref_slice %arg7[%add3A_224, %dma_start3A_225] : memref<157x128xi32, #tpu.memory_space<vmem>> -> memref<1x128xi32, #tpu.memory_space<vmem>>
      %dma_start3A_227 = tpu.memref_squeeze %dma_start3A_226 : memref<1x128xi32, #tpu.memory_space<vmem>> -> memref<128xi32, #tpu.memory_space<vmem>>
      %dma_start3A_228 = arith.constant 0 : i32
      %dma_start3A_229 = arith.constant 0 : i32
      %dma_start3A_230 = tpu.memref_slice %arg12[%dma_start3A_228, %dma_start3A_229] : memref<10240x64xf32, #tpu.memory_space<vmem_shared>> -> memref<10240x64xf32, #tpu.memory_space<vmem_shared>>
      tpu.enqueue_indirect_dma source(%arg11 : memref<128x64xf32, #tpu.memory_space<vmem>>) target(%dma_start3A_230 : memref<10240x64xf32, #tpu.memory_space<vmem_shared>>) offsets(%dma_start3A_227 : memref<128xi32, #tpu.memory_space<vmem>>) semaphore(%arg20 : memref<!tpu.dma_semaphore, #tpu.memory_space<semaphore_mem>>) {add = true}
      %add3A_231 = arith.constant 0 : i32
      %add3A_232 = arith.addi %mul3A_166, %add3A_231 : i32
      %dma_wait3A_233 = arith.constant 0 : i32
      %dma_wait3A_234 = tpu.memref_slice %arg7[%add3A_232, %dma_wait3A_233] : memref<157x128xi32, #tpu.memory_space<vmem>> -> memref<1x128xi32, #tpu.memory_space<vmem>>
      %dma_wait3A_235 = tpu.memref_squeeze %dma_wait3A_234 : memref<1x128xi32, #tpu.memory_space<vmem>> -> memref<128xi32, #tpu.memory_space<vmem>>
      %dma_wait3A_236 = arith.constant 0 : i32
      %dma_wait3A_237 = arith.constant 0 : i32
      %dma_wait3A_238 = tpu.memref_slice %arg12[%dma_wait3A_236, %dma_wait3A_237] : memref<10240x64xf32, #tpu.memory_space<vmem_shared>> -> memref<10240x64xf32, #tpu.memory_space<vmem_shared>>
      tpu.wait_indirect_dma semaphore(%arg17 : memref<!tpu.dma_semaphore, #tpu.memory_space<semaphore_mem>>) src(%arg8 : memref<128x64xf32, #tpu.memory_space<vmem>>) dst(%dma_wait3A_238 : memref<10240x64xf32, #tpu.memory_space<vmem_shared>>)
      %add3A_239 = arith.constant 4 : i32
      %add3A_240 = arith.addi %mul3A_166, %add3A_239 : i32
      %add3A_241 = arith.constant 0 : i32
      %add3A_242 = arith.addi %add3A_240, %add3A_241 : i32
      %le3A = arith.constant 156 : i32
      %le3A_243 = arith.cmpi sle, %add3A_242, %le3A : i32
      %convert_element_type3A = arith.extui %le3A_243 : i1 to i32
      %cond3A = arith.constant 0 : i32
      %cond3A_244 = arith.cmpi ne, %convert_element_type3A, %cond3A : i32
      scf.if %cond3A_244 {
        %dma_start3A_296 = arith.constant 0 : i32
        %dma_start3A_297 = tpu.memref_slice %arg6[%add3A_242, %dma_start3A_296] : memref<157x128xi32, #tpu.memory_space<vmem>> -> memref<1x128xi32, #tpu.memory_space<vmem>>
        %dma_start3A_298 = tpu.memref_squeeze %dma_start3A_297 : memref<1x128xi32, #tpu.memory_space<vmem>> -> memref<128xi32, #tpu.memory_space<vmem>>
        %dma_start3A_299 = arith.constant 0 : i32
        %dma_start3A_300 = arith.constant 0 : i32
        %dma_start3A_301 = tpu.memref_slice %arg4[%dma_start3A_299, %dma_start3A_300] : memref<40000x64xf32, #tpu.memory_space<hbm>> -> memref<40000x64xf32, #tpu.memory_space<hbm>>
        tpu.enqueue_indirect_dma source(%dma_start3A_301 : memref<40000x64xf32, #tpu.memory_space<hbm>>) target(%arg8 : memref<128x64xf32, #tpu.memory_space<vmem>>) offsets(%dma_start3A_298 : memref<128xi32, #tpu.memory_space<vmem>>) semaphore(%arg13 : memref<!tpu.dma_semaphore, #tpu.memory_space<semaphore_mem>>)
      } else {
      }
      %add3A_245 = arith.constant 1 : i32
      %add3A_246 = arith.addi %mul3A_166, %add3A_245 : i32
      %dma_wait3A_247 = arith.constant 0 : i32
      %dma_wait3A_248 = tpu.memref_slice %arg7[%add3A_246, %dma_wait3A_247] : memref<157x128xi32, #tpu.memory_space<vmem>> -> memref<1x128xi32, #tpu.memory_space<vmem>>
      %dma_wait3A_249 = tpu.memref_squeeze %dma_wait3A_248 : memref<1x128xi32, #tpu.memory_space<vmem>> -> memref<128xi32, #tpu.memory_space<vmem>>
      %dma_wait3A_250 = arith.constant 0 : i32
      %dma_wait3A_251 = arith.constant 0 : i32
      %dma_wait3A_252 = tpu.memref_slice %arg12[%dma_wait3A_250, %dma_wait3A_251] : memref<10240x64xf32, #tpu.memory_space<vmem_shared>> -> memref<10240x64xf32, #tpu.memory_space<vmem_shared>>
      tpu.wait_indirect_dma semaphore(%arg18 : memref<!tpu.dma_semaphore, #tpu.memory_space<semaphore_mem>>) src(%arg9 : memref<128x64xf32, #tpu.memory_space<vmem>>) dst(%dma_wait3A_252 : memref<10240x64xf32, #tpu.memory_space<vmem_shared>>)
      %add3A_253 = arith.constant 4 : i32
      %add3A_254 = arith.addi %mul3A_166, %add3A_253 : i32
      %add3A_255 = arith.constant 1 : i32
      %add3A_256 = arith.addi %add3A_254, %add3A_255 : i32
      %le3A_257 = arith.constant 156 : i32
      %le3A_258 = arith.cmpi sle, %add3A_256, %le3A_257 : i32
      %convert_element_type3A_259 = arith.extui %le3A_258 : i1 to i32
      %cond3A_260 = arith.constant 0 : i32
      %cond3A_261 = arith.cmpi ne, %convert_element_type3A_259, %cond3A_260 : i32
      scf.if %cond3A_261 {
        %dma_start3A_296 = arith.constant 0 : i32
        %dma_start3A_297 = tpu.memref_slice %arg6[%add3A_256, %dma_start3A_296] : memref<157x128xi32, #tpu.memory_space<vmem>> -> memref<1x128xi32, #tpu.memory_space<vmem>>
        %dma_start3A_298 = tpu.memref_squeeze %dma_start3A_297 : memref<1x128xi32, #tpu.memory_space<vmem>> -> memref<128xi32, #tpu.memory_space<vmem>>
        %dma_start3A_299 = arith.constant 0 : i32
        %dma_start3A_300 = arith.constant 0 : i32
        %dma_start3A_301 = tpu.memref_slice %arg4[%dma_start3A_299, %dma_start3A_300] : memref<40000x64xf32, #tpu.memory_space<hbm>> -> memref<40000x64xf32, #tpu.memory_space<hbm>>
        tpu.enqueue_indirect_dma source(%dma_start3A_301 : memref<40000x64xf32, #tpu.memory_space<hbm>>) target(%arg9 : memref<128x64xf32, #tpu.memory_space<vmem>>) offsets(%dma_start3A_298 : memref<128xi32, #tpu.memory_space<vmem>>) semaphore(%arg14 : memref<!tpu.dma_semaphore, #tpu.memory_space<semaphore_mem>>)
      } else {
      }
      %add3A_262 = arith.constant 2 : i32
      %add3A_263 = arith.addi %mul3A_166, %add3A_262 : i32
      %dma_wait3A_264 = arith.constant 0 : i32
      %dma_wait3A_265 = tpu.memref_slice %arg7[%add3A_263, %dma_wait3A_264] : memref<157x128xi32, #tpu.memory_space<vmem>> -> memref<1x128xi32, #tpu.memory_space<vmem>>
      %dma_wait3A_266 = tpu.memref_squeeze %dma_wait3A_265 : memref<1x128xi32, #tpu.memory_space<vmem>> -> memref<128xi32, #tpu.memory_space<vmem>>
      %dma_wait3A_267 = arith.constant 0 : i32
      %dma_wait3A_268 = arith.constant 0 : i32
      %dma_wait3A_269 = tpu.memref_slice %arg12[%dma_wait3A_267, %dma_wait3A_268] : memref<10240x64xf32, #tpu.memory_space<vmem_shared>> -> memref<10240x64xf32, #tpu.memory_space<vmem_shared>>
      tpu.wait_indirect_dma semaphore(%arg19 : memref<!tpu.dma_semaphore, #tpu.memory_space<semaphore_mem>>) src(%arg10 : memref<128x64xf32, #tpu.memory_space<vmem>>) dst(%dma_wait3A_269 : memref<10240x64xf32, #tpu.memory_space<vmem_shared>>)
      %add3A_270 = arith.constant 4 : i32
      %add3A_271 = arith.addi %mul3A_166, %add3A_270 : i32
      %add3A_272 = arith.constant 2 : i32
      %add3A_273 = arith.addi %add3A_271, %add3A_272 : i32
      %le3A_274 = arith.constant 156 : i32
      %le3A_275 = arith.cmpi sle, %add3A_273, %le3A_274 : i32
      %convert_element_type3A_276 = arith.extui %le3A_275 : i1 to i32
      %cond3A_277 = arith.constant 0 : i32
      %cond3A_278 = arith.cmpi ne, %convert_element_type3A_276, %cond3A_277 : i32
      scf.if %cond3A_278 {
        %dma_start3A_296 = arith.constant 0 : i32
        %dma_start3A_297 = tpu.memref_slice %arg6[%add3A_273, %dma_start3A_296] : memref<157x128xi32, #tpu.memory_space<vmem>> -> memref<1x128xi32, #tpu.memory_space<vmem>>
        %dma_start3A_298 = tpu.memref_squeeze %dma_start3A_297 : memref<1x128xi32, #tpu.memory_space<vmem>> -> memref<128xi32, #tpu.memory_space<vmem>>
        %dma_start3A_299 = arith.constant 0 : i32
        %dma_start3A_300 = arith.constant 0 : i32
        %dma_start3A_301 = tpu.memref_slice %arg4[%dma_start3A_299, %dma_start3A_300] : memref<40000x64xf32, #tpu.memory_space<hbm>> -> memref<40000x64xf32, #tpu.memory_space<hbm>>
        tpu.enqueue_indirect_dma source(%dma_start3A_301 : memref<40000x64xf32, #tpu.memory_space<hbm>>) target(%arg10 : memref<128x64xf32, #tpu.memory_space<vmem>>) offsets(%dma_start3A_298 : memref<128xi32, #tpu.memory_space<vmem>>) semaphore(%arg15 : memref<!tpu.dma_semaphore, #tpu.memory_space<semaphore_mem>>)
      } else {
      }
      %add3A_279 = arith.constant 3 : i32
      %add3A_280 = arith.addi %mul3A_166, %add3A_279 : i32
      %dma_wait3A_281 = arith.constant 0 : i32
      %dma_wait3A_282 = tpu.memref_slice %arg7[%add3A_280, %dma_wait3A_281] : memref<157x128xi32, #tpu.memory_space<vmem>> -> memref<1x128xi32, #tpu.memory_space<vmem>>
      %dma_wait3A_283 = tpu.memref_squeeze %dma_wait3A_282 : memref<1x128xi32, #tpu.memory_space<vmem>> -> memref<128xi32, #tpu.memory_space<vmem>>
      %dma_wait3A_284 = arith.constant 0 : i32
      %dma_wait3A_285 = arith.constant 0 : i32
      %dma_wait3A_286 = tpu.memref_slice %arg12[%dma_wait3A_284, %dma_wait3A_285] : memref<10240x64xf32, #tpu.memory_space<vmem_shared>> -> memref<10240x64xf32, #tpu.memory_space<vmem_shared>>
      tpu.wait_indirect_dma semaphore(%arg20 : memref<!tpu.dma_semaphore, #tpu.memory_space<semaphore_mem>>) src(%arg11 : memref<128x64xf32, #tpu.memory_space<vmem>>) dst(%dma_wait3A_286 : memref<10240x64xf32, #tpu.memory_space<vmem_shared>>)
      %add3A_287 = arith.constant 4 : i32
      %add3A_288 = arith.addi %mul3A_166, %add3A_287 : i32
      %add3A_289 = arith.constant 3 : i32
      %add3A_290 = arith.addi %add3A_288, %add3A_289 : i32
      %le3A_291 = arith.constant 156 : i32
      %le3A_292 = arith.cmpi sle, %add3A_290, %le3A_291 : i32
      %convert_element_type3A_293 = arith.extui %le3A_292 : i1 to i32
      %cond3A_294 = arith.constant 0 : i32
      %cond3A_295 = arith.cmpi ne, %convert_element_type3A_293, %cond3A_294 : i32
      scf.if %cond3A_295 {
        %dma_start3A_296 = arith.constant 0 : i32
        %dma_start3A_297 = tpu.memref_slice %arg6[%add3A_290, %dma_start3A_296] : memref<157x128xi32, #tpu.memory_space<vmem>> -> memref<1x128xi32, #tpu.memory_space<vmem>>
        %dma_start3A_298 = tpu.memref_squeeze %dma_start3A_297 : memref<1x128xi32, #tpu.memory_space<vmem>> -> memref<128xi32, #tpu.memory_space<vmem>>
        %dma_start3A_299 = arith.constant 0 : i32
        %dma_start3A_300 = arith.constant 0 : i32
        %dma_start3A_301 = tpu.memref_slice %arg4[%dma_start3A_299, %dma_start3A_300] : memref<40000x64xf32, #tpu.memory_space<hbm>> -> memref<40000x64xf32, #tpu.memory_space<hbm>>
        tpu.enqueue_indirect_dma source(%dma_start3A_301 : memref<40000x64xf32, #tpu.memory_space<hbm>>) target(%arg11 : memref<128x64xf32, #tpu.memory_space<vmem>>) offsets(%dma_start3A_298 : memref<128xi32, #tpu.memory_space<vmem>>) semaphore(%arg16 : memref<!tpu.dma_semaphore, #tpu.memory_space<semaphore_mem>>)
      } else {
      }
    }
    %scan3A_134 = arith.constant 39 : i32
    %dma_wait3A_135 = arith.constant 156 : i32
    %dma_wait3A_136 = arith.constant 0 : i32
    %dma_wait3A_137 = tpu.memref_slice %arg6[%dma_wait3A_135, %dma_wait3A_136] : memref<157x128xi32, #tpu.memory_space<vmem>> -> memref<1x128xi32, #tpu.memory_space<vmem>>
    %dma_wait3A_138 = tpu.memref_squeeze %dma_wait3A_137 : memref<1x128xi32, #tpu.memory_space<vmem>> -> memref<128xi32, #tpu.memory_space<vmem>>
    %dma_wait3A_139 = arith.constant 0 : i32
    %dma_wait3A_140 = arith.constant 0 : i32
    %dma_wait3A_141 = tpu.memref_slice %arg4[%dma_wait3A_139, %dma_wait3A_140] : memref<40000x64xf32, #tpu.memory_space<hbm>> -> memref<40000x64xf32, #tpu.memory_space<hbm>>
    tpu.wait_indirect_dma semaphore(%arg13 : memref<!tpu.dma_semaphore, #tpu.memory_space<semaphore_mem>>) src(%dma_wait3A_141 : memref<40000x64xf32, #tpu.memory_space<hbm>>) dst(%arg8 : memref<128x64xf32, #tpu.memory_space<vmem>>)
    %run_scoped3A_142 = arith.constant 156 : i32
    "tpu.region"() ({
      %run_scoped3A_164 = tpu.sem_alloc : memref<!tpu.dma_semaphore, #tpu.memory_space<semaphore_mem>>
      %dma_start3A_165 = arith.constant 0 : i32
      %dma_start3A_166 = tpu.memref_slice %arg7[%run_scoped3A_142, %dma_start3A_165] : memref<157x128xi32, #tpu.memory_space<vmem>> -> memref<1x128xi32, #tpu.memory_space<vmem>>
      %dma_start3A_167 = tpu.memref_squeeze %dma_start3A_166 : memref<1x128xi32, #tpu.memory_space<vmem>> -> memref<128xi32, #tpu.memory_space<vmem>>
      %dma_start3A_168 = arith.constant 0 : i32
      %dma_start3A_169 = arith.constant 0 : i32
      %dma_start3A_170 = tpu.memref_slice %arg12[%dma_start3A_168, %dma_start3A_169] : memref<10240x64xf32, #tpu.memory_space<vmem_shared>> -> memref<10240x64xf32, #tpu.memory_space<vmem_shared>>
      tpu.enqueue_indirect_dma source(%arg8 : memref<128x64xf32, #tpu.memory_space<vmem>>) target(%dma_start3A_170 : memref<10240x64xf32, #tpu.memory_space<vmem_shared>>) offsets(%dma_start3A_167 : memref<128xi32, #tpu.memory_space<vmem>>) semaphore(%run_scoped3A_164 : memref<!tpu.dma_semaphore, #tpu.memory_space<semaphore_mem>>) {add = true}
      %dma_wait3A_171 = arith.constant 0 : i32
      %dma_wait3A_172 = tpu.memref_slice %arg7[%run_scoped3A_142, %dma_wait3A_171] : memref<157x128xi32, #tpu.memory_space<vmem>> -> memref<1x128xi32, #tpu.memory_space<vmem>>
      %dma_wait3A_173 = tpu.memref_squeeze %dma_wait3A_172 : memref<1x128xi32, #tpu.memory_space<vmem>> -> memref<128xi32, #tpu.memory_space<vmem>>
      %dma_wait3A_174 = arith.constant 0 : i32
      %dma_wait3A_175 = arith.constant 0 : i32
      %dma_wait3A_176 = tpu.memref_slice %arg12[%dma_wait3A_174, %dma_wait3A_175] : memref<10240x64xf32, #tpu.memory_space<vmem_shared>> -> memref<10240x64xf32, #tpu.memory_space<vmem_shared>>
      tpu.wait_indirect_dma semaphore(%run_scoped3A_164 : memref<!tpu.dma_semaphore, #tpu.memory_space<semaphore_mem>>) src(%arg8 : memref<128x64xf32, #tpu.memory_space<vmem>>) dst(%dma_wait3A_176 : memref<10240x64xf32, #tpu.memory_space<vmem_shared>>)
      tpu.yield
    }) : () -> ()
    %barrier3A_143 = arith.constant 0 : index
    tpu.barrier barrier_id(%barrier3A_143)
    %add3A_144 = arith.constant 0 : i32
    %add3A_145 = arith.addi %mul3A_3, %add3A_144 : i32
    "tpu.region"() ({
      %run_scoped3A_164 = tpu.sem_alloc : memref<!tpu.dma_semaphore, #tpu.memory_space<semaphore_mem>>
      %dma_start3A_165 = arith.constant 0 : i32
      %dma_start3A_166 = tpu.memref_slice %arg12[%add3A_145, %dma_start3A_165] : memref<10240x64xf32, #tpu.memory_space<vmem_shared>> -> memref<128x64xf32, #tpu.memory_space<vmem_shared>>
      %dma_start3A_167 = arith.constant 0 : i32
      %dma_start3A_168 = tpu.memref_slice %arg12[%add3A_145, %dma_start3A_167] : memref<10240x64xf32, #tpu.memory_space<vmem_shared>> -> memref<128x64xf32, #tpu.memory_space<vmem_shared>>
      tpu.enqueue_dma source(%dma_start3A_168 : memref<128x64xf32, #tpu.memory_space<vmem_shared>>) target(%arg8 : memref<128x64xf32, #tpu.memory_space<vmem>>) target_semaphore(%run_scoped3A_164 : memref<!tpu.dma_semaphore, #tpu.memory_space<semaphore_mem>>)
      %dma_wait3A_169 = arith.constant 0 : i32
      %dma_wait3A_170 = tpu.memref_slice %arg12[%add3A_145, %dma_wait3A_169] : memref<10240x64xf32, #tpu.memory_space<vmem_shared>> -> memref<128x64xf32, #tpu.memory_space<vmem_shared>>
      %dma_wait3A_171 = arith.constant 0 : i32
      %dma_wait3A_172 = tpu.memref_slice %arg12[%add3A_145, %dma_wait3A_171] : memref<10240x64xf32, #tpu.memory_space<vmem_shared>> -> memref<128x64xf32, #tpu.memory_space<vmem_shared>>
      tpu.wait_dma2 semaphore(%run_scoped3A_164 : memref<!tpu.dma_semaphore, #tpu.memory_space<semaphore_mem>>) src(%dma_wait3A_172 : memref<128x64xf32, #tpu.memory_space<vmem_shared>>) dst(%arg8 : memref<128x64xf32, #tpu.memory_space<vmem>>)
      tpu.yield
    }) : () -> ()
    %add3A_146 = arith.constant 0 : i32
    %add3A_147 = arith.addi %mul3A_3, %add3A_146 : i32
    "tpu.region"() ({
      %run_scoped3A_164 = tpu.sem_alloc : memref<!tpu.dma_semaphore, #tpu.memory_space<semaphore_mem>>
      %dma_start3A_165 = arith.constant 64 : i32
      %dma_start3A_166 = tpu.memref_slice %arg5[%arg0, %add3A_147, %dma_start3A_165] : memref<2x10240x128xf32, #tpu.memory_space<hbm>> -> memref<1x128x64xf32, #tpu.memory_space<hbm>>
      %dma_start3A_167 = tpu.memref_squeeze %dma_start3A_166 : memref<1x128x64xf32, #tpu.memory_space<hbm>> -> memref<128x64xf32, #tpu.memory_space<hbm>>
      %dma_start3A_168 = arith.constant 64 : i32
      %dma_start3A_169 = tpu.memref_slice %arg5[%arg0, %add3A_147, %dma_start3A_168] : memref<2x10240x128xf32, #tpu.memory_space<hbm>> -> memref<1x128x64xf32, #tpu.memory_space<hbm>>
      %dma_start3A_170 = tpu.memref_squeeze %dma_start3A_169 : memref<1x128x64xf32, #tpu.memory_space<hbm>> -> memref<128x64xf32, #tpu.memory_space<hbm>>
      tpu.enqueue_dma source(%arg8 : memref<128x64xf32, #tpu.memory_space<vmem>>) target(%dma_start3A_170 : memref<128x64xf32, #tpu.memory_space<hbm>>) target_semaphore(%run_scoped3A_164 : memref<!tpu.dma_semaphore, #tpu.memory_space<semaphore_mem>>)
      %dma_wait3A_171 = arith.constant 64 : i32
      %dma_wait3A_172 = tpu.memref_slice %arg5[%arg0, %add3A_147, %dma_wait3A_171] : memref<2x10240x128xf32, #tpu.memory_space<hbm>> -> memref<1x128x64xf32, #tpu.memory_space<hbm>>
      %dma_wait3A_173 = tpu.memref_squeeze %dma_wait3A_172 : memref<1x128x64xf32, #tpu.memory_space<hbm>> -> memref<128x64xf32, #tpu.memory_space<hbm>>
      %dma_wait3A_174 = arith.constant 64 : i32
      %dma_wait3A_175 = tpu.memref_slice %arg5[%arg0, %add3A_147, %dma_wait3A_174] : memref<2x10240x128xf32, #tpu.memory_space<hbm>> -> memref<1x128x64xf32, #tpu.memory_space<hbm>>
      %dma_wait3A_176 = tpu.memref_squeeze %dma_wait3A_175 : memref<1x128x64xf32, #tpu.memory_space<hbm>> -> memref<128x64xf32, #tpu.memory_space<hbm>>
      tpu.wait_dma2 semaphore(%run_scoped3A_164 : memref<!tpu.dma_semaphore, #tpu.memory_space<semaphore_mem>>) src(%arg8 : memref<128x64xf32, #tpu.memory_space<vmem>>) dst(%dma_wait3A_176 : memref<128x64xf32, #tpu.memory_space<hbm>>)
      tpu.yield
    }) : () -> ()
    %add3A_148 = arith.constant 128 : i32
    %add3A_149 = arith.addi %mul3A_3, %add3A_148 : i32
    "tpu.region"() ({
      %run_scoped3A_164 = tpu.sem_alloc : memref<!tpu.dma_semaphore, #tpu.memory_space<semaphore_mem>>
      %dma_start3A_165 = arith.constant 0 : i32
      %dma_start3A_166 = tpu.memref_slice %arg12[%add3A_149, %dma_start3A_165] : memref<10240x64xf32, #tpu.memory_space<vmem_shared>> -> memref<128x64xf32, #tpu.memory_space<vmem_shared>>
      %dma_start3A_167 = arith.constant 0 : i32
      %dma_start3A_168 = tpu.memref_slice %arg12[%add3A_149, %dma_start3A_167] : memref<10240x64xf32, #tpu.memory_space<vmem_shared>> -> memref<128x64xf32, #tpu.memory_space<vmem_shared>>
      tpu.enqueue_dma source(%dma_start3A_168 : memref<128x64xf32, #tpu.memory_space<vmem_shared>>) target(%arg8 : memref<128x64xf32, #tpu.memory_space<vmem>>) target_semaphore(%run_scoped3A_164 : memref<!tpu.dma_semaphore, #tpu.memory_space<semaphore_mem>>)
      %dma_wait3A_169 = arith.constant 0 : i32
      %dma_wait3A_170 = tpu.memref_slice %arg12[%add3A_149, %dma_wait3A_169] : memref<10240x64xf32, #tpu.memory_space<vmem_shared>> -> memref<128x64xf32, #tpu.memory_space<vmem_shared>>
      %dma_wait3A_171 = arith.constant 0 : i32
      %dma_wait3A_172 = tpu.memref_slice %arg12[%add3A_149, %dma_wait3A_171] : memref<10240x64xf32, #tpu.memory_space<vmem_shared>> -> memref<128x64xf32, #tpu.memory_space<vmem_shared>>
      tpu.wait_dma2 semaphore(%run_scoped3A_164 : memref<!tpu.dma_semaphore, #tpu.memory_space<semaphore_mem>>) src(%dma_wait3A_172 : memref<128x64xf32, #tpu.memory_space<vmem_shared>>) dst(%arg8 : memref<128x64xf32, #tpu.memory_space<vmem>>)
      tpu.yield
    }) : () -> ()
    %add3A_150 = arith.constant 128 : i32
    %add3A_151 = arith.addi %mul3A_3, %add3A_150 : i32
    "tpu.region"() ({
      %run_scoped3A_164 = tpu.sem_alloc : memref<!tpu.dma_semaphore, #tpu.memory_space<semaphore_mem>>
      %dma_start3A_165 = arith.constant 64 : i32
      %dma_start3A_166 = tpu.memref_slice %arg5[%arg0, %add3A_151, %dma_start3A_165] : memref<2x10240x128xf32, #tpu.memory_space<hbm>> -> memref<1x128x64xf32, #tpu.memory_space<hbm>>
      %dma_start3A_167 = tpu.memref_squeeze %dma_start3A_166 : memref<1x128x64xf32, #tpu.memory_space<hbm>> -> memref<128x64xf32, #tpu.memory_space<hbm>>
      %dma_start3A_168 = arith.constant 64 : i32
      %dma_start3A_169 = tpu.memref_slice %arg5[%arg0, %add3A_151, %dma_start3A_168] : memref<2x10240x128xf32, #tpu.memory_space<hbm>> -> memref<1x128x64xf32, #tpu.memory_space<hbm>>
      %dma_start3A_170 = tpu.memref_squeeze %dma_start3A_169 : memref<1x128x64xf32, #tpu.memory_space<hbm>> -> memref<128x64xf32, #tpu.memory_space<hbm>>
      tpu.enqueue_dma source(%arg8 : memref<128x64xf32, #tpu.memory_space<vmem>>) target(%dma_start3A_170 : memref<128x64xf32, #tpu.memory_space<hbm>>) target_semaphore(%run_scoped3A_164 : memref<!tpu.dma_semaphore, #tpu.memory_space<semaphore_mem>>)
      %dma_wait3A_171 = arith.constant 64 : i32
      %dma_wait3A_172 = tpu.memref_slice %arg5[%arg0, %add3A_151, %dma_wait3A_171] : memref<2x10240x128xf32, #tpu.memory_space<hbm>> -> memref<1x128x64xf32, #tpu.memory_space<hbm>>
      %dma_wait3A_173 = tpu.memref_squeeze %dma_wait3A_172 : memref<1x128x64xf32, #tpu.memory_space<hbm>> -> memref<128x64xf32, #tpu.memory_space<hbm>>
      %dma_wait3A_174 = arith.constant 64 : i32
      %dma_wait3A_175 = tpu.memref_slice %arg5[%arg0, %add3A_151, %dma_wait3A_174] : memref<2x10240x128xf32, #tpu.memory_space<hbm>> -> memref<1x128x64xf32, #tpu.memory_space<hbm>>
      %dma_wait3A_176 = tpu.memref_squeeze %dma_wait3A_175 : memref<1x128x64xf32, #tpu.memory_space<hbm>> -> memref<128x64xf32, #tpu.memory_space<hbm>>
      tpu.wait_dma2 semaphore(%run_scoped3A_164 : memref<!tpu.dma_semaphore, #tpu.memory_space<semaphore_mem>>) src(%arg8 : memref<128x64xf32, #tpu.memory_space<vmem>>) dst(%dma_wait3A_176 : memref<128x64xf32, #tpu.memory_space<hbm>>)
      tpu.yield
    }) : () -> ()
    %add3A_152 = arith.constant 256 : i32
    %add3A_153 = arith.addi %mul3A_3, %add3A_152 : i32
    "tpu.region"() ({
      %run_scoped3A_164 = tpu.sem_alloc : memref<!tpu.dma_semaphore, #tpu.memory_space<semaphore_mem>>
      %dma_start3A_165 = arith.constant 0 : i32
      %dma_start3A_166 = tpu.memref_slice %arg12[%add3A_153, %dma_start3A_165] : memref<10240x64xf32, #tpu.memory_space<vmem_shared>> -> memref<128x64xf32, #tpu.memory_space<vmem_shared>>
      %dma_start3A_167 = arith.constant 0 : i32
      %dma_start3A_168 = tpu.memref_slice %arg12[%add3A_153, %dma_start3A_167] : memref<10240x64xf32, #tpu.memory_space<vmem_shared>> -> memref<128x64xf32, #tpu.memory_space<vmem_shared>>
      tpu.enqueue_dma source(%dma_start3A_168 : memref<128x64xf32, #tpu.memory_space<vmem_shared>>) target(%arg8 : memref<128x64xf32, #tpu.memory_space<vmem>>) target_semaphore(%run_scoped3A_164 : memref<!tpu.dma_semaphore, #tpu.memory_space<semaphore_mem>>)
      %dma_wait3A_169 = arith.constant 0 : i32
      %dma_wait3A_170 = tpu.memref_slice %arg12[%add3A_153, %dma_wait3A_169] : memref<10240x64xf32, #tpu.memory_space<vmem_shared>> -> memref<128x64xf32, #tpu.memory_space<vmem_shared>>
      %dma_wait3A_171 = arith.constant 0 : i32
      %dma_wait3A_172 = tpu.memref_slice %arg12[%add3A_153, %dma_wait3A_171] : memref<10240x64xf32, #tpu.memory_space<vmem_shared>> -> memref<128x64xf32, #tpu.memory_space<vmem_shared>>
      tpu.wait_dma2 semaphore(%run_scoped3A_164 : memref<!tpu.dma_semaphore, #tpu.memory_space<semaphore_mem>>) src(%dma_wait3A_172 : memref<128x64xf32, #tpu.memory_space<vmem_shared>>) dst(%arg8 : memref<128x64xf32, #tpu.memory_space<vmem>>)
      tpu.yield
    }) : () -> ()
    %add3A_154 = arith.constant 256 : i32
    %add3A_155 = arith.addi %mul3A_3, %add3A_154 : i32
    "tpu.region"() ({
      %run_scoped3A_164 = tpu.sem_alloc : memref<!tpu.dma_semaphore, #tpu.memory_space<semaphore_mem>>
      %dma_start3A_165 = arith.constant 64 : i32
      %dma_start3A_166 = tpu.memref_slice %arg5[%arg0, %add3A_155, %dma_start3A_165] : memref<2x10240x128xf32, #tpu.memory_space<hbm>> -> memref<1x128x64xf32, #tpu.memory_space<hbm>>
      %dma_start3A_167 = tpu.memref_squeeze %dma_start3A_166 : memref<1x128x64xf32, #tpu.memory_space<hbm>> -> memref<128x64xf32, #tpu.memory_space<hbm>>
      %dma_start3A_168 = arith.constant 64 : i32
      %dma_start3A_169 = tpu.memref_slice %arg5[%arg0, %add3A_155, %dma_start3A_168] : memref<2x10240x128xf32, #tpu.memory_space<hbm>> -> memref<1x128x64xf32, #tpu.memory_space<hbm>>
      %dma_start3A_170 = tpu.memref_squeeze %dma_start3A_169 : memref<1x128x64xf32, #tpu.memory_space<hbm>> -> memref<128x64xf32, #tpu.memory_space<hbm>>
      tpu.enqueue_dma source(%arg8 : memref<128x64xf32, #tpu.memory_space<vmem>>) target(%dma_start3A_170 : memref<128x64xf32, #tpu.memory_space<hbm>>) target_semaphore(%run_scoped3A_164 : memref<!tpu.dma_semaphore, #tpu.memory_space<semaphore_mem>>)
      %dma_wait3A_171 = arith.constant 64 : i32
      %dma_wait3A_172 = tpu.memref_slice %arg5[%arg0, %add3A_155, %dma_wait3A_171] : memref<2x10240x128xf32, #tpu.memory_space<hbm>> -> memref<1x128x64xf32, #tpu.memory_space<hbm>>
      %dma_wait3A_173 = tpu.memref_squeeze %dma_wait3A_172 : memref<1x128x64xf32, #tpu.memory_space<hbm>> -> memref<128x64xf32, #tpu.memory_space<hbm>>
      %dma_wait3A_174 = arith.constant 64 : i32
      %dma_wait3A_175 = tpu.memref_slice %arg5[%arg0, %add3A_155, %dma_wait3A_174] : memref<2x10240x128xf32, #tpu.memory_space<hbm>> -> memref<1x128x64xf32, #tpu.memory_space<hbm>>
      %dma_wait3A_176 = tpu.memref_squeeze %dma_wait3A_175 : memref<1x128x64xf32, #tpu.memory_space<hbm>> -> memref<128x64xf32, #tpu.memory_space<hbm>>
      tpu.wait_dma2 semaphore(%run_scoped3A_164 : memref<!tpu.dma_semaphore, #tpu.memory_space<semaphore_mem>>) src(%arg8 : memref<128x64xf32, #tpu.memory_space<vmem>>) dst(%dma_wait3A_176 : memref<128x64xf32, #tpu.memory_space<hbm>>)
      tpu.yield
    }) : () -> ()
    %add3A_156 = arith.constant 384 : i32
    %add3A_157 = arith.addi %mul3A_3, %add3A_156 : i32
    "tpu.region"() ({
      %run_scoped3A_164 = tpu.sem_alloc : memref<!tpu.dma_semaphore, #tpu.memory_space<semaphore_mem>>
      %dma_start3A_165 = arith.constant 0 : i32
      %dma_start3A_166 = tpu.memref_slice %arg12[%add3A_157, %dma_start3A_165] : memref<10240x64xf32, #tpu.memory_space<vmem_shared>> -> memref<128x64xf32, #tpu.memory_space<vmem_shared>>
      %dma_start3A_167 = arith.constant 0 : i32
      %dma_start3A_168 = tpu.memref_slice %arg12[%add3A_157, %dma_start3A_167] : memref<10240x64xf32, #tpu.memory_space<vmem_shared>> -> memref<128x64xf32, #tpu.memory_space<vmem_shared>>
      tpu.enqueue_dma source(%dma_start3A_168 : memref<128x64xf32, #tpu.memory_space<vmem_shared>>) target(%arg8 : memref<128x64xf32, #tpu.memory_space<vmem>>) target_semaphore(%run_scoped3A_164 : memref<!tpu.dma_semaphore, #tpu.memory_space<semaphore_mem>>)
      %dma_wait3A_169 = arith.constant 0 : i32
      %dma_wait3A_170 = tpu.memref_slice %arg12[%add3A_157, %dma_wait3A_169] : memref<10240x64xf32, #tpu.memory_space<vmem_shared>> -> memref<128x64xf32, #tpu.memory_space<vmem_shared>>
      %dma_wait3A_171 = arith.constant 0 : i32
      %dma_wait3A_172 = tpu.memref_slice %arg12[%add3A_157, %dma_wait3A_171] : memref<10240x64xf32, #tpu.memory_space<vmem_shared>> -> memref<128x64xf32, #tpu.memory_space<vmem_shared>>
      tpu.wait_dma2 semaphore(%run_scoped3A_164 : memref<!tpu.dma_semaphore, #tpu.memory_space<semaphore_mem>>) src(%dma_wait3A_172 : memref<128x64xf32, #tpu.memory_space<vmem_shared>>) dst(%arg8 : memref<128x64xf32, #tpu.memory_space<vmem>>)
      tpu.yield
    }) : () -> ()
    %add3A_158 = arith.constant 384 : i32
    %add3A_159 = arith.addi %mul3A_3, %add3A_158 : i32
    "tpu.region"() ({
      %run_scoped3A_164 = tpu.sem_alloc : memref<!tpu.dma_semaphore, #tpu.memory_space<semaphore_mem>>
      %dma_start3A_165 = arith.constant 64 : i32
      %dma_start3A_166 = tpu.memref_slice %arg5[%arg0, %add3A_159, %dma_start3A_165] : memref<2x10240x128xf32, #tpu.memory_space<hbm>> -> memref<1x128x64xf32, #tpu.memory_space<hbm>>
      %dma_start3A_167 = tpu.memref_squeeze %dma_start3A_166 : memref<1x128x64xf32, #tpu.memory_space<hbm>> -> memref<128x64xf32, #tpu.memory_space<hbm>>
      %dma_start3A_168 = arith.constant 64 : i32
      %dma_start3A_169 = tpu.memref_slice %arg5[%arg0, %add3A_159, %dma_start3A_168] : memref<2x10240x128xf32, #tpu.memory_space<hbm>> -> memref<1x128x64xf32, #tpu.memory_space<hbm>>
      %dma_start3A_170 = tpu.memref_squeeze %dma_start3A_169 : memref<1x128x64xf32, #tpu.memory_space<hbm>> -> memref<128x64xf32, #tpu.memory_space<hbm>>
      tpu.enqueue_dma source(%arg8 : memref<128x64xf32, #tpu.memory_space<vmem>>) target(%dma_start3A_170 : memref<128x64xf32, #tpu.memory_space<hbm>>) target_semaphore(%run_scoped3A_164 : memref<!tpu.dma_semaphore, #tpu.memory_space<semaphore_mem>>)
      %dma_wait3A_171 = arith.constant 64 : i32
      %dma_wait3A_172 = tpu.memref_slice %arg5[%arg0, %add3A_159, %dma_wait3A_171] : memref<2x10240x128xf32, #tpu.memory_space<hbm>> -> memref<1x128x64xf32, #tpu.memory_space<hbm>>
      %dma_wait3A_173 = tpu.memref_squeeze %dma_wait3A_172 : memref<1x128x64xf32, #tpu.memory_space<hbm>> -> memref<128x64xf32, #tpu.memory_space<hbm>>
      %dma_wait3A_174 = arith.constant 64 : i32
      %dma_wait3A_175 = tpu.memref_slice %arg5[%arg0, %add3A_159, %dma_wait3A_174] : memref<2x10240x128xf32, #tpu.memory_space<hbm>> -> memref<1x128x64xf32, #tpu.memory_space<hbm>>
      %dma_wait3A_176 = tpu.memref_squeeze %dma_wait3A_175 : memref<1x128x64xf32, #tpu.memory_space<hbm>> -> memref<128x64xf32, #tpu.memory_space<hbm>>
      tpu.wait_dma2 semaphore(%run_scoped3A_164 : memref<!tpu.dma_semaphore, #tpu.memory_space<semaphore_mem>>) src(%arg8 : memref<128x64xf32, #tpu.memory_space<vmem>>) dst(%dma_wait3A_176 : memref<128x64xf32, #tpu.memory_space<hbm>>)
      tpu.yield
    }) : () -> ()
    %add3A_160 = arith.constant 512 : i32
    %add3A_161 = arith.addi %mul3A_3, %add3A_160 : i32
    "tpu.region"() ({
      %run_scoped3A_164 = tpu.sem_alloc : memref<!tpu.dma_semaphore, #tpu.memory_space<semaphore_mem>>
      %dma_start3A_165 = arith.constant 0 : i32
      %dma_start3A_166 = tpu.memref_slice %arg12[%add3A_161, %dma_start3A_165] : memref<10240x64xf32, #tpu.memory_space<vmem_shared>> -> memref<128x64xf32, #tpu.memory_space<vmem_shared>>
      %dma_start3A_167 = arith.constant 0 : i32
      %dma_start3A_168 = tpu.memref_slice %arg12[%add3A_161, %dma_start3A_167] : memref<10240x64xf32, #tpu.memory_space<vmem_shared>> -> memref<128x64xf32, #tpu.memory_space<vmem_shared>>
      tpu.enqueue_dma source(%dma_start3A_168 : memref<128x64xf32, #tpu.memory_space<vmem_shared>>) target(%arg8 : memref<128x64xf32, #tpu.memory_space<vmem>>) target_semaphore(%run_scoped3A_164 : memref<!tpu.dma_semaphore, #tpu.memory_space<semaphore_mem>>)
      %dma_wait3A_169 = arith.constant 0 : i32
      %dma_wait3A_170 = tpu.memref_slice %arg12[%add3A_161, %dma_wait3A_169] : memref<10240x64xf32, #tpu.memory_space<vmem_shared>> -> memref<128x64xf32, #tpu.memory_space<vmem_shared>>
      %dma_wait3A_171 = arith.constant 0 : i32
      %dma_wait3A_172 = tpu.memref_slice %arg12[%add3A_161, %dma_wait3A_171] : memref<10240x64xf32, #tpu.memory_space<vmem_shared>> -> memref<128x64xf32, #tpu.memory_space<vmem_shared>>
      tpu.wait_dma2 semaphore(%run_scoped3A_164 : memref<!tpu.dma_semaphore, #tpu.memory_space<semaphore_mem>>) src(%dma_wait3A_172 : memref<128x64xf32, #tpu.memory_space<vmem_shared>>) dst(%arg8 : memref<128x64xf32, #tpu.memory_space<vmem>>)
      tpu.yield
    }) : () -> ()
    %add3A_162 = arith.constant 512 : i32
    %add3A_163 = arith.addi %mul3A_3, %add3A_162 : i32
    "tpu.region"() ({
      %run_scoped3A_164 = tpu.sem_alloc : memref<!tpu.dma_semaphore, #tpu.memory_space<semaphore_mem>>
      %dma_start3A_165 = arith.constant 64 : i32
      %dma_start3A_166 = tpu.memref_slice %arg5[%arg0, %add3A_163, %dma_start3A_165] : memref<2x10240x128xf32, #tpu.memory_space<hbm>> -> memref<1x128x64xf32, #tpu.memory_space<hbm>>
      %dma_start3A_167 = tpu.memref_squeeze %dma_start3A_166 : memref<1x128x64xf32, #tpu.memory_space<hbm>> -> memref<128x64xf32, #tpu.memory_space<hbm>>
      %dma_start3A_168 = arith.constant 64 : i32
      %dma_start3A_169 = tpu.memref_slice %arg5[%arg0, %add3A_163, %dma_start3A_168] : memref<2x10240x128xf32, #tpu.memory_space<hbm>> -> memref<1x128x64xf32, #tpu.memory_space<hbm>>
      %dma_start3A_170 = tpu.memref_squeeze %dma_start3A_169 : memref<1x128x64xf32, #tpu.memory_space<hbm>> -> memref<128x64xf32, #tpu.memory_space<hbm>>
      tpu.enqueue_dma source(%arg8 : memref<128x64xf32, #tpu.memory_space<vmem>>) target(%dma_start3A_170 : memref<128x64xf32, #tpu.memory_space<hbm>>) target_semaphore(%run_scoped3A_164 : memref<!tpu.dma_semaphore, #tpu.memory_space<semaphore_mem>>)
      %dma_wait3A_171 = arith.constant 64 : i32
      %dma_wait3A_172 = tpu.memref_slice %arg5[%arg0, %add3A_163, %dma_wait3A_171] : memref<2x10240x128xf32, #tpu.memory_space<hbm>> -> memref<1x128x64xf32, #tpu.memory_space<hbm>>
      %dma_wait3A_173 = tpu.memref_squeeze %dma_wait3A_172 : memref<1x128x64xf32, #tpu.memory_space<hbm>> -> memref<128x64xf32, #tpu.memory_space<hbm>>
      %dma_wait3A_174 = arith.constant 64 : i32
      %dma_wait3A_175 = tpu.memref_slice %arg5[%arg0, %add3A_163, %dma_wait3A_174] : memref<2x10240x128xf32, #tpu.memory_space<hbm>> -> memref<1x128x64xf32, #tpu.memory_space<hbm>>
      %dma_wait3A_176 = tpu.memref_squeeze %dma_wait3A_175 : memref<1x128x64xf32, #tpu.memory_space<hbm>> -> memref<128x64xf32, #tpu.memory_space<hbm>>
      tpu.wait_dma2 semaphore(%run_scoped3A_164 : memref<!tpu.dma_semaphore, #tpu.memory_space<semaphore_mem>>) src(%arg8 : memref<128x64xf32, #tpu.memory_space<vmem>>) dst(%dma_wait3A_176 : memref<128x64xf32, #tpu.memory_space<hbm>>)
      tpu.yield
    }) : () -> ()
    return
  }
}

module attributes {stable_mosaic.version = 14 : i64} {
  func.func @_encode_body(%arg0: i32, %arg1: i32, %arg2: memref<1x2000x128xf32, #tpu.memory_space<vmem>>, %arg3: memref<1x2000x1xf32, #tpu.memory_space<vmem>>, %arg4: memref<1x2000x1xi32, #tpu.memory_space<vmem>>, %arg5: memref<8x128xf32, #tpu.memory_space<vmem>>, %arg6: memref<1x64xf32, #tpu.memory_space<vmem>>, %arg7: memref<1x128x128xf32, #tpu.memory_space<vmem>>, %arg8: memref<1x1x128xf32, #tpu.memory_space<vmem>>, %arg9: memref<1x2000x128xf32, #tpu.memory_space<vmem>>) attributes {dimension_semantics = [#tpu.dimension_semantics<arbitrary>, #tpu.dimension_semantics<arbitrary>], iteration_bounds = array<i64: 2, 5>, scalar_prefetch = 0 : i64, scratch_operands = 0 : i64, tpu.core_type = #tpu.core_type<tc>, window_params = [{transform_indices = @transform_0, window_bounds = array<i64: 1, 2000, 128>}, {transform_indices = @transform_1, window_bounds = array<i64: 1, 2000, 1>}, {transform_indices = @transform_2, window_bounds = array<i64: 1, 2000, 1>}, {pipeline_mode = #tpu.pipeline_mode<synchronous>, transform_indices = @transform_3, window_bounds = array<i64: 8, 128>}, {pipeline_mode = #tpu.pipeline_mode<synchronous>, transform_indices = @transform_4, window_bounds = array<i64: 1, 64>}, {transform_indices = @transform_5, window_bounds = array<i64: 1, 128, 128>}, {transform_indices = @transform_6, window_bounds = array<i64: 1, 1, 128>}, {transform_indices = @transform_7, window_bounds = array<i64: 1, 2000, 128>}]} {
    %get3A = arith.constant 0 : index
    %get3A_0 = arith.constant 0 : index
    %get3A_1 = arith.constant 0 : index
    %get3A_2 = vector.load %arg4[%get3A, %get3A_0, %get3A_1] : memref<1x2000x1xi32, #tpu.memory_space<vmem>>, vector<1x2000x1xi32>
    %get3A_3 = vector.shape_cast %get3A_2 : vector<1x2000x1xi32> to vector<2000x1xi32>
    %get3A_4 = arith.constant 0 : index
    %get3A_5 = arith.constant 0 : index
    %get3A_6 = vector.load %arg5[%get3A_4, %get3A_5] : memref<8x128xf32, #tpu.memory_space<vmem>>, vector<8x128xf32>
    %reshape3A = vector.shape_cast %get3A_6 : vector<8x128xf32> to vector<1x1024xf32>
    %iota3A = tpu.iota {dimensions = array<i32: 1>} : vector<1x1024xi32>
    %eq3A = vector.broadcast %get3A_3 : vector<2000x1xi32> to vector<2000x1024xi32>
    %eq3A_7 = vector.broadcast %iota3A : vector<1x1024xi32> to vector<2000x1024xi32>
    %eq3A_8 = arith.cmpi eq, %eq3A, %eq3A_7 : vector<2000x1024xi32>
    %convert_element_type3A = arith.extui %eq3A_8 : vector<2000x1024xi1> to vector<2000x1024xi32>
    %convert_element_type3A_9 = arith.sitofp %convert_element_type3A : vector<2000x1024xi32> to vector<2000x1024xf32>
    %mul3A = vector.broadcast %reshape3A : vector<1x1024xf32> to vector<2000x1024xf32>
    %mul3A_10 = arith.mulf %convert_element_type3A_9, %mul3A : vector<2000x1024xf32>
    %reduce_sum3A = arith.constant dense<0.000000e+00> : vector<2000xf32>
    %reduce_sum3A_11 = vector.multi_reduction <add>, %mul3A_10, %reduce_sum3A [1] : vector<2000x1024xf32> to vector<2000xf32>
    %broadcast_in_dim3A = vector.shape_cast %reduce_sum3A_11 : vector<2000xf32> to vector<2000x1xf32>
    %get3A_12 = arith.constant 0 : index
    %get3A_13 = arith.constant 0 : index
    %get3A_14 = arith.constant 0 : index
    %get3A_15 = vector.load %arg3[%get3A_12, %get3A_13, %get3A_14] : memref<1x2000x1xf32, #tpu.memory_space<vmem>>, vector<1x2000x1xf32>
    %get3A_16 = vector.shape_cast %get3A_15 : vector<1x2000x1xf32> to vector<2000x1xf32>
    %sub3A = arith.subf %broadcast_in_dim3A, %get3A_16 : vector<2000x1xf32>
    %get3A_17 = arith.constant 0 : index
    %get3A_18 = arith.constant 0 : index
    %get3A_19 = vector.load %arg6[%get3A_17, %get3A_18] : memref<1x64xf32, #tpu.memory_space<vmem>>, vector<1x64xf32>
    %mul3A_20 = vector.broadcast %sub3A : vector<2000x1xf32> to vector<2000x64xf32>
    %mul3A_21 = vector.broadcast %get3A_19 : vector<1x64xf32> to vector<2000x64xf32>
    %mul3A_22 = arith.mulf %mul3A_20, %mul3A_21 : vector<2000x64xf32>
    %sin3A = math.sin %mul3A_22 : vector<2000x64xf32>
    %cos3A = math.cos %mul3A_22 : vector<2000x64xf32>
    %concatenate3A = tpu.concatenate %sin3A, %cos3A in 1 : vector<2000x64xf32>, vector<2000x64xf32> -> vector<2000x128xf32>
    %get3A_23 = arith.constant 0 : index
    %get3A_24 = arith.constant 0 : index
    %get3A_25 = arith.constant 0 : index
    %get3A_26 = vector.load %arg7[%get3A_23, %get3A_24, %get3A_25] : memref<1x128x128xf32, #tpu.memory_space<vmem>>, vector<1x128x128xf32>
    %get3A_27 = vector.shape_cast %get3A_26 : vector<1x128x128xf32> to vector<128x128xf32>
    %dot_general3A = arith.constant dense<0.000000e+00> : vector<2000x128xf32>
    %dot_general3A_28 = tpu.matmul %concatenate3A, %get3A_27, %dot_general3A {dimension_numbers = #tpu.dot_dimension_numbers<[1], [0], [0], [1], [0, 0, 1, 1], [], []>, transpose_lhs_hint = false} : vector<2000x128xf32>, vector<128x128xf32>, vector<2000x128xf32> -> vector<2000x128xf32>
    %get3A_29 = arith.constant 0 : index
    %get3A_30 = arith.constant 0 : index
    %get3A_31 = arith.constant 0 : index
    %get3A_32 = vector.load %arg2[%get3A_29, %get3A_30, %get3A_31] : memref<1x2000x128xf32, #tpu.memory_space<vmem>>, vector<1x2000x128xf32>
    %get3A_33 = vector.shape_cast %get3A_32 : vector<1x2000x128xf32> to vector<2000x128xf32>
    %add3A = arith.addf %get3A_33, %dot_general3A_28 : vector<2000x128xf32>
    %get3A_34 = arith.constant 0 : index
    %get3A_35 = arith.constant 0 : index
    %get3A_36 = arith.constant 0 : index
    %get3A_37 = vector.load %arg8[%get3A_34, %get3A_35, %get3A_36] : memref<1x1x128xf32, #tpu.memory_space<vmem>>, vector<1x1x128xf32>
    %get3A_38 = vector.shape_cast %get3A_37 : vector<1x1x128xf32> to vector<1x128xf32>
    %add3A_39 = vector.broadcast %get3A_38 : vector<1x128xf32> to vector<2000x128xf32>
    %add3A_40 = arith.addf %add3A, %add3A_39 : vector<2000x128xf32>
    %swap3A = arith.constant 0 : index
    %swap3A_41 = arith.constant 0 : index
    %swap3A_42 = arith.constant 0 : index
    %swap3A_43 = vector.load %arg9[%swap3A, %swap3A_41, %swap3A_42] : memref<1x2000x128xf32, #tpu.memory_space<vmem>>, vector<1x2000x128xf32>
    %swap3A_44 = vector.shape_cast %swap3A_43 : vector<1x2000x128xf32> to vector<2000x128xf32>
    %swap3A_45 = vector.shape_cast %add3A_40 : vector<2000x128xf32> to vector<1x2000x128xf32>
    tpu.vector_store %arg9[%swap3A, %swap3A_41, %swap3A_42], %swap3A_45 {strides = array<i32>} : memref<1x2000x128xf32, #tpu.memory_space<vmem>>, vector<1x2000x128xf32>,
    return
  }
  func.func @transform_0(%arg0: i32, %arg1: i32) -> (i32, i32, i32) {
    %c0_i32 = arith.constant 0 : i32
    %c0_i32_0 = arith.constant 0 : i32
    return %arg0, %arg1, %c0_i32 : i32, i32, i32
  }
  func.func @transform_1(%arg0: i32, %arg1: i32) -> (i32, i32, i32) {
    %c0_i32 = arith.constant 0 : i32
    %c0_i32_0 = arith.constant 0 : i32
    return %arg0, %arg1, %c0_i32 : i32, i32, i32
  }
  func.func @transform_2(%arg0: i32, %arg1: i32) -> (i32, i32, i32) {
    %c0_i32 = arith.constant 0 : i32
    %c0_i32_0 = arith.constant 0 : i32
    return %arg0, %arg1, %c0_i32 : i32, i32, i32
  }
  func.func @transform_3(%arg0: i32, %arg1: i32) -> (i32, i32) {
    %c0_i32 = arith.constant 0 : i32
    %c0_i32_0 = arith.constant 0 : i32
    %c0_i32_1 = arith.constant 0 : i32
    return %c0_i32, %c0_i32_0 : i32, i32
  }
  func.func @transform_4(%arg0: i32, %arg1: i32) -> (i32, i32) {
    %c0_i32 = arith.constant 0 : i32
    %c0_i32_0 = arith.constant 0 : i32
    %c0_i32_1 = arith.constant 0 : i32
    return %c0_i32, %c0_i32_0 : i32, i32
  }
  func.func @transform_5(%arg0: i32, %arg1: i32) -> (i32, i32, i32) {
    %c0_i32 = arith.constant 0 : i32
    %c0_i32_0 = arith.constant 0 : i32
    %c0_i32_1 = arith.constant 0 : i32
    return %arg0, %c0_i32, %c0_i32_0 : i32, i32, i32
  }
  func.func @transform_6(%arg0: i32, %arg1: i32) -> (i32, i32, i32) {
    %c0_i32 = arith.constant 0 : i32
    %c0_i32_0 = arith.constant 0 : i32
    %c0_i32_1 = arith.constant 0 : i32
    return %arg0, %c0_i32, %c0_i32_0 : i32, i32, i32
  }
  func.func @transform_7(%arg0: i32, %arg1: i32) -> (i32, i32, i32) {
    %c0_i32 = arith.constant 0 : i32
    %c0_i32_0 = arith.constant 0 : i32
    return %arg0, %arg1, %c0_i32 : i32, i32, i32
  }
}

module attributes {stable_mosaic.version = 14 : i64} {
  func.func @_sage_body(%arg0: i32, %arg1: i32, %arg2: memref<1x2000x128xf32, #tpu.memory_space<vmem>>, %arg3: memref<1x2000x16xf32, #tpu.memory_space<vmem>>, %arg4: memref<1x2000x128xf32, #tpu.memory_space<vmem>>, %arg5: memref<1x128x128xf32, #tpu.memory_space<vmem>>, %arg6: memref<1x128x128xf32, #tpu.memory_space<vmem>>, %arg7: memref<1x1x128xf32, #tpu.memory_space<vmem>>, %arg8: memref<1x2000x128xf32, #tpu.memory_space<vmem>>) attributes {dimension_semantics = [#tpu.dimension_semantics<arbitrary>, #tpu.dimension_semantics<arbitrary>], iteration_bounds = array<i64: 2, 5>, scalar_prefetch = 0 : i64, scratch_operands = 0 : i64, tpu.core_type = #tpu.core_type<tc>, window_params = [{transform_indices = @transform_0, window_bounds = array<i64: 1, 2000, 128>}, {transform_indices = @transform_1, window_bounds = array<i64: 1, 2000, 16>}, {transform_indices = @transform_2, window_bounds = array<i64: 1, 2000, 128>}, {transform_indices = @transform_3, window_bounds = array<i64: 1, 128, 128>}, {transform_indices = @transform_4, window_bounds = array<i64: 1, 128, 128>}, {transform_indices = @transform_5, window_bounds = array<i64: 1, 1, 128>}, {transform_indices = @transform_6, window_bounds = array<i64: 1, 2000, 128>}]} {
    %get3A = arith.constant 0 : index
    %get3A_0 = arith.constant 0 : index
    %get3A_1 = arith.constant 0 : index
    %get3A_2 = vector.load %arg3[%get3A, %get3A_0, %get3A_1] : memref<1x2000x16xf32, #tpu.memory_space<vmem>>, vector<1x2000x1xf32>
    %get3A_3 = vector.shape_cast %get3A_2 : vector<1x2000x1xf32> to vector<2000x1xf32>
    %max3A = arith.constant 1.000000e+00 : f32
    %max3A_4 = vector.broadcast %max3A : f32 to vector<2000x1xf32>
    %max3A_5 = arith.maximumf %get3A_3, %max3A_4 : vector<2000x1xf32>
    %div3A = arith.constant 1.000000e+00 : f32
    %div3A_6 = vector.broadcast %div3A : f32 to vector<2000x1xf32>
    %div3A_7 = arith.divf %div3A_6, %max3A_5 : vector<2000x1xf32>
    %get3A_8 = arith.constant 0 : index
    %get3A_9 = arith.constant 0 : index
    %get3A_10 = arith.constant 0 : index
    %get3A_11 = vector.load %arg2[%get3A_8, %get3A_9, %get3A_10] : memref<1x2000x128xf32, #tpu.memory_space<vmem>>, vector<1x2000x128xf32>
    %get3A_12 = vector.shape_cast %get3A_11 : vector<1x2000x128xf32> to vector<2000x128xf32>
    %mul3A = vector.broadcast %div3A_7 : vector<2000x1xf32> to vector<2000x128xf32>
    %mul3A_13 = arith.mulf %get3A_12, %mul3A : vector<2000x128xf32>
    %get3A_14 = arith.constant 0 : index
    %get3A_15 = arith.constant 0 : index
    %get3A_16 = arith.constant 0 : index
    %get3A_17 = vector.load %arg5[%get3A_14, %get3A_15, %get3A_16] : memref<1x128x128xf32, #tpu.memory_space<vmem>>, vector<1x128x128xf32>
    %get3A_18 = vector.shape_cast %get3A_17 : vector<1x128x128xf32> to vector<128x128xf32>
    %dot_general3A = arith.constant dense<0.000000e+00> : vector<2000x128xf32>
    %dot_general3A_19 = tpu.matmul %mul3A_13, %get3A_18, %dot_general3A {dimension_numbers = #tpu.dot_dimension_numbers<[1], [0], [0], [1], [0, 0, 1, 1], [], []>, transpose_lhs_hint = false} : vector<2000x128xf32>, vector<128x128xf32>, vector<2000x128xf32> -> vector<2000x128xf32>
    %get3A_20 = arith.constant 0 : index
    %get3A_21 = arith.constant 0 : index
    %get3A_22 = arith.constant 0 : index
    %get3A_23 = vector.load %arg4[%get3A_20, %get3A_21, %get3A_22] : memref<1x2000x128xf32, #tpu.memory_space<vmem>>, vector<1x2000x128xf32>
    %get3A_24 = vector.shape_cast %get3A_23 : vector<1x2000x128xf32> to vector<2000x128xf32>
    %get3A_25 = arith.constant 0 : index
    %get3A_26 = arith.constant 0 : index
    %get3A_27 = arith.constant 0 : index
    %get3A_28 = vector.load %arg6[%get3A_25, %get3A_26, %get3A_27] : memref<1x128x128xf32, #tpu.memory_space<vmem>>, vector<1x128x128xf32>
    %get3A_29 = vector.shape_cast %get3A_28 : vector<1x128x128xf32> to vector<128x128xf32>
    %dot_general3A_30 = arith.constant dense<0.000000e+00> : vector<2000x128xf32>
    %dot_general3A_31 = tpu.matmul %get3A_24, %get3A_29, %dot_general3A_30 {dimension_numbers = #tpu.dot_dimension_numbers<[1], [0], [0], [1], [0, 0, 1, 1], [], []>, transpose_lhs_hint = false} : vector<2000x128xf32>, vector<128x128xf32>, vector<2000x128xf32> -> vector<2000x128xf32>
    %add3A = arith.addf %dot_general3A_19, %dot_general3A_31 : vector<2000x128xf32>
    %get3A_32 = arith.constant 0 : index
    %get3A_33 = arith.constant 0 : index
    %get3A_34 = arith.constant 0 : index
    %get3A_35 = vector.load %arg7[%get3A_32, %get3A_33, %get3A_34] : memref<1x1x128xf32, #tpu.memory_space<vmem>>, vector<1x1x128xf32>
    %get3A_36 = vector.shape_cast %get3A_35 : vector<1x1x128xf32> to vector<1x128xf32>
    %add3A_37 = vector.broadcast %get3A_36 : vector<1x128xf32> to vector<2000x128xf32>
    %add3A_38 = arith.addf %add3A, %add3A_37 : vector<2000x128xf32>
    %max3A_39 = arith.constant 0.000000e+00 : f32
    %max3A_40 = vector.broadcast %max3A_39 : f32 to vector<2000x128xf32>
    %max3A_41 = arith.maximumf %add3A_38, %max3A_40 : vector<2000x128xf32>
    %swap3A = arith.constant 0 : index
    %swap3A_42 = arith.constant 0 : index
    %swap3A_43 = arith.constant 0 : index
    %swap3A_44 = vector.load %arg8[%swap3A, %swap3A_42, %swap3A_43] : memref<1x2000x128xf32, #tpu.memory_space<vmem>>, vector<1x2000x128xf32>
    %swap3A_45 = vector.shape_cast %swap3A_44 : vector<1x2000x128xf32> to vector<2000x128xf32>
    %swap3A_46 = vector.shape_cast %max3A_41 : vector<2000x128xf32> to vector<1x2000x128xf32>
    tpu.vector_store %arg8[%swap3A, %swap3A_42, %swap3A_43], %swap3A_46 {strides = array<i32>} : memref<1x2000x128xf32, #tpu.memory_space<vmem>>, vector<1x2000x128xf32>,
    return
  }
  func.func @transform_0(%arg0: i32, %arg1: i32) -> (i32, i32, i32) {
    %c0_i32 = arith.constant 0 : i32
    %c0_i32_0 = arith.constant 0 : i32
    return %arg0, %arg1, %c0_i32 : i32, i32, i32
  }
  func.func @transform_1(%arg0: i32, %arg1: i32) -> (i32, i32, i32) {
    %c0_i32 = arith.constant 0 : i32
    %c0_i32_0 = arith.constant 0 : i32
    return %arg0, %arg1, %c0_i32 : i32, i32, i32
  }
  func.func @transform_2(%arg0: i32, %arg1: i32) -> (i32, i32, i32) {
    %sub3A = arith.constant 1 : i32
    %sub3A_0 = arith.subi %sub3A, %arg0 : i32
    %c0_i32 = arith.constant 0 : i32
    %c0_i32_1 = arith.constant 0 : i32
    return %sub3A_0, %arg1, %c0_i32 : i32, i32, i32
  }
  func.func @transform_3(%arg0: i32, %arg1: i32) -> (i32, i32, i32) {
    %c0_i32 = arith.constant 0 : i32
    %c0_i32_0 = arith.constant 0 : i32
    %c0_i32_1 = arith.constant 0 : i32
    return %arg0, %c0_i32, %c0_i32_0 : i32, i32, i32
  }
  func.func @transform_4(%arg0: i32, %arg1: i32) -> (i32, i32, i32) {
    %c0_i32 = arith.constant 0 : i32
    %c0_i32_0 = arith.constant 0 : i32
    %c0_i32_1 = arith.constant 0 : i32
    return %arg0, %c0_i32, %c0_i32_0 : i32, i32, i32
  }
  func.func @transform_5(%arg0: i32, %arg1: i32) -> (i32, i32, i32) {
    %c0_i32 = arith.constant 0 : i32
    %c0_i32_0 = arith.constant 0 : i32
    %c0_i32_1 = arith.constant 0 : i32
    return %arg0, %c0_i32, %c0_i32_0 : i32, i32, i32
  }
  func.func @transform_6(%arg0: i32, %arg1: i32) -> (i32, i32, i32) {
    %sub3A = arith.constant 1 : i32
    %sub3A_0 = arith.subi %sub3A, %arg0 : i32
    %c0_i32 = arith.constant 0 : i32
    %c0_i32_1 = arith.constant 0 : i32
    return %sub3A_0, %arg1, %c0_i32 : i32, i32, i32
  }
}

module attributes {stable_mosaic.version = 14 : i64} {
  func.func @_sage_body(%arg0: i32, %arg1: i32, %arg2: memref<1x2000x128xf32, #tpu.memory_space<vmem>>, %arg3: memref<1x2000x16xf32, #tpu.memory_space<vmem>>, %arg4: memref<1x2000x128xf32, #tpu.memory_space<vmem>>, %arg5: memref<1x128x128xf32, #tpu.memory_space<vmem>>, %arg6: memref<1x128x128xf32, #tpu.memory_space<vmem>>, %arg7: memref<1x1x128xf32, #tpu.memory_space<vmem>>, %arg8: memref<1x2000x128xf32, #tpu.memory_space<vmem>>) attributes {dimension_semantics = [#tpu.dimension_semantics<arbitrary>, #tpu.dimension_semantics<arbitrary>], iteration_bounds = array<i64: 2, 5>, scalar_prefetch = 0 : i64, scratch_operands = 0 : i64, tpu.core_type = #tpu.core_type<tc>, window_params = [{transform_indices = @transform_0, window_bounds = array<i64: 1, 2000, 128>}, {transform_indices = @transform_1, window_bounds = array<i64: 1, 2000, 16>}, {transform_indices = @transform_2, window_bounds = array<i64: 1, 2000, 128>}, {transform_indices = @transform_3, window_bounds = array<i64: 1, 128, 128>}, {transform_indices = @transform_4, window_bounds = array<i64: 1, 128, 128>}, {transform_indices = @transform_5, window_bounds = array<i64: 1, 1, 128>}, {transform_indices = @transform_6, window_bounds = array<i64: 1, 2000, 128>}]} {
    %get3A = arith.constant 0 : index
    %get3A_0 = arith.constant 0 : index
    %get3A_1 = arith.constant 0 : index
    %get3A_2 = vector.load %arg3[%get3A, %get3A_0, %get3A_1] : memref<1x2000x16xf32, #tpu.memory_space<vmem>>, vector<1x2000x1xf32>
    %get3A_3 = vector.shape_cast %get3A_2 : vector<1x2000x1xf32> to vector<2000x1xf32>
    %max3A = arith.constant 1.000000e+00 : f32
    %max3A_4 = vector.broadcast %max3A : f32 to vector<2000x1xf32>
    %max3A_5 = arith.maximumf %get3A_3, %max3A_4 : vector<2000x1xf32>
    %div3A = arith.constant 1.000000e+00 : f32
    %div3A_6 = vector.broadcast %div3A : f32 to vector<2000x1xf32>
    %div3A_7 = arith.divf %div3A_6, %max3A_5 : vector<2000x1xf32>
    %get3A_8 = arith.constant 0 : index
    %get3A_9 = arith.constant 0 : index
    %get3A_10 = arith.constant 0 : index
    %get3A_11 = vector.load %arg2[%get3A_8, %get3A_9, %get3A_10] : memref<1x2000x128xf32, #tpu.memory_space<vmem>>, vector<1x2000x128xf32>
    %get3A_12 = vector.shape_cast %get3A_11 : vector<1x2000x128xf32> to vector<2000x128xf32>
    %mul3A = vector.broadcast %div3A_7 : vector<2000x1xf32> to vector<2000x128xf32>
    %mul3A_13 = arith.mulf %get3A_12, %mul3A : vector<2000x128xf32>
    %get3A_14 = arith.constant 0 : index
    %get3A_15 = arith.constant 0 : index
    %get3A_16 = arith.constant 0 : index
    %get3A_17 = vector.load %arg5[%get3A_14, %get3A_15, %get3A_16] : memref<1x128x128xf32, #tpu.memory_space<vmem>>, vector<1x128x128xf32>
    %get3A_18 = vector.shape_cast %get3A_17 : vector<1x128x128xf32> to vector<128x128xf32>
    %dot_general3A = arith.constant dense<0.000000e+00> : vector<2000x128xf32>
    %dot_general3A_19 = tpu.matmul %mul3A_13, %get3A_18, %dot_general3A {dimension_numbers = #tpu.dot_dimension_numbers<[1], [0], [0], [1], [0, 0, 1, 1], [], []>, transpose_lhs_hint = false} : vector<2000x128xf32>, vector<128x128xf32>, vector<2000x128xf32> -> vector<2000x128xf32>
    %get3A_20 = arith.constant 0 : index
    %get3A_21 = arith.constant 0 : index
    %get3A_22 = arith.constant 0 : index
    %get3A_23 = vector.load %arg4[%get3A_20, %get3A_21, %get3A_22] : memref<1x2000x128xf32, #tpu.memory_space<vmem>>, vector<1x2000x128xf32>
    %get3A_24 = vector.shape_cast %get3A_23 : vector<1x2000x128xf32> to vector<2000x128xf32>
    %get3A_25 = arith.constant 0 : index
    %get3A_26 = arith.constant 0 : index
    %get3A_27 = arith.constant 0 : index
    %get3A_28 = vector.load %arg6[%get3A_25, %get3A_26, %get3A_27] : memref<1x128x128xf32, #tpu.memory_space<vmem>>, vector<1x128x128xf32>
    %get3A_29 = vector.shape_cast %get3A_28 : vector<1x128x128xf32> to vector<128x128xf32>
    %dot_general3A_30 = arith.constant dense<0.000000e+00> : vector<2000x128xf32>
    %dot_general3A_31 = tpu.matmul %get3A_24, %get3A_29, %dot_general3A_30 {dimension_numbers = #tpu.dot_dimension_numbers<[1], [0], [0], [1], [0, 0, 1, 1], [], []>, transpose_lhs_hint = false} : vector<2000x128xf32>, vector<128x128xf32>, vector<2000x128xf32> -> vector<2000x128xf32>
    %add3A = arith.addf %dot_general3A_19, %dot_general3A_31 : vector<2000x128xf32>
    %get3A_32 = arith.constant 0 : index
    %get3A_33 = arith.constant 0 : index
    %get3A_34 = arith.constant 0 : index
    %get3A_35 = vector.load %arg7[%get3A_32, %get3A_33, %get3A_34] : memref<1x1x128xf32, #tpu.memory_space<vmem>>, vector<1x1x128xf32>
    %get3A_36 = vector.shape_cast %get3A_35 : vector<1x1x128xf32> to vector<1x128xf32>
    %add3A_37 = vector.broadcast %get3A_36 : vector<1x128xf32> to vector<2000x128xf32>
    %add3A_38 = arith.addf %add3A, %add3A_37 : vector<2000x128xf32>
    %swap3A = arith.constant 0 : index
    %swap3A_39 = arith.constant 0 : index
    %swap3A_40 = arith.constant 0 : index
    %swap3A_41 = vector.load %arg8[%swap3A, %swap3A_39, %swap3A_40] : memref<1x2000x128xf32, #tpu.memory_space<vmem>>, vector<1x2000x128xf32>
    %swap3A_42 = vector.shape_cast %swap3A_41 : vector<1x2000x128xf32> to vector<2000x128xf32>
    %swap3A_43 = vector.shape_cast %add3A_38 : vector<2000x128xf32> to vector<1x2000x128xf32>
    tpu.vector_store %arg8[%swap3A, %swap3A_39, %swap3A_40], %swap3A_43 {strides = array<i32>} : memref<1x2000x128xf32, #tpu.memory_space<vmem>>, vector<1x2000x128xf32>,
    return
  }
  func.func @transform_0(%arg0: i32, %arg1: i32) -> (i32, i32, i32) {
    %c0_i32 = arith.constant 0 : i32
    %c0_i32_0 = arith.constant 0 : i32
    return %arg0, %arg1, %c0_i32 : i32, i32, i32
  }
  func.func @transform_1(%arg0: i32, %arg1: i32) -> (i32, i32, i32) {
    %c0_i32 = arith.constant 0 : i32
    %c0_i32_0 = arith.constant 0 : i32
    return %arg0, %arg1, %c0_i32 : i32, i32, i32
  }
  func.func @transform_2(%arg0: i32, %arg1: i32) -> (i32, i32, i32) {
    %sub3A = arith.constant 1 : i32
    %sub3A_0 = arith.subi %sub3A, %arg0 : i32
    %c0_i32 = arith.constant 0 : i32
    %c0_i32_1 = arith.constant 0 : i32
    return %sub3A_0, %arg1, %c0_i32 : i32, i32, i32
  }
  func.func @transform_3(%arg0: i32, %arg1: i32) -> (i32, i32, i32) {
    %c0_i32 = arith.constant 0 : i32
    %c0_i32_0 = arith.constant 0 : i32
    %c0_i32_1 = arith.constant 0 : i32
    return %arg0, %c0_i32, %c0_i32_0 : i32, i32, i32
  }
  func.func @transform_4(%arg0: i32, %arg1: i32) -> (i32, i32, i32) {
    %c0_i32 = arith.constant 0 : i32
    %c0_i32_0 = arith.constant 0 : i32
    %c0_i32_1 = arith.constant 0 : i32
    return %arg0, %c0_i32, %c0_i32_0 : i32, i32, i32
  }
  func.func @transform_5(%arg0: i32, %arg1: i32) -> (i32, i32, i32) {
    %c0_i32 = arith.constant 0 : i32
    %c0_i32_0 = arith.constant 0 : i32
    %c0_i32_1 = arith.constant 0 : i32
    return %arg0, %c0_i32, %c0_i32_0 : i32, i32, i32
  }
  func.func @transform_6(%arg0: i32, %arg1: i32) -> (i32, i32, i32) {
    %sub3A = arith.constant 1 : i32
    %sub3A_0 = arith.subi %sub3A, %arg0 : i32
    %c0_i32 = arith.constant 0 : i32
    %c0_i32_1 = arith.constant 0 : i32
    return %sub3A_0, %arg1, %c0_i32 : i32, i32, i32
  }
}

</mosaic_0001>

<sc_bundles>
// kernel: sc_segment_sum.3.cloned.1.call-start
scs
__scs_entry_jumppad:
0x0: {  	(pc) =	sbr.rel $0x88, $3  }
0x1: {  	(tag) =	ssettag $0x0;
	lr =	simm.s32 $0x1  }
0x2: {  	[smem:$0x3F88] =	sst lr;
	_ =	strace $0xD0000000  }
0x3: {  	_ = 	snop  }
0x4: {  	_ = 	snop  }
0x5: {  	_ = 	snop  }
0x6: {  	_ = 	snop  }
0x7: {  	_ = 	snop  }
__scs_overlays_trampoline_lowered:
0x8: {  	[smem:$0x3F97] =	sst s0  }
0x9: {  	[smem:$0x3F98] =	sst s1  }
0xa: {  	[smem:$0x3F99] =	sst s2  }
0xb: {  	[smem:$0x3F9A] =	sst s3  }
0xc: {  	[smem:$0x3F9B] =	sst s4  }
0xd: {  	[smem:$0x3F9C] =	sst s5  }
0xe: {  	[smem:$0x3F9D] =	sst s6  }
0xf: {  	[smem:$0x3F9E] =	sst s7  }
0x10: {  	[smem:$0x3F9F] =	sst s8  }
0x11: {  	[smem:$0x3FA0] =	sst s9;
	s0 =	simm.s32 @!p0 $0x0  }
0x12: {  	s1 =	sld [smem:$0x3F86];
	s0 =	simm.s32 @p0 $0x1  }
0x13: {  	[smem:$0x3FA1] =	sst s0;
	s0 =	simm.s32 @!p1 $0x0  }
0x14: {  	s2 =	sld [smem:$0x3F85];
	s0 =	simm.s32 @p1 $0x1  }
0x15: {  	[smem:$0x3FA2] =	sst s0;
	s0 =	simm.s32 @!p2 $0x0  }
0x16: {  	s3 =	sld [smem:$0x3FDB];
	s0 =	simm.s32 @p2 $0x1  }
0x17: {  	s4 =	simm.s32 $0x1BF5;
	[smem:$0x3FA4] =	sst s0  }
0x18: {  	s0 =	sld [smem:$0x3F87];
	_ =	swait.ge [sflag:s4], $0x0  }
0x19: {  	s7 =	sld [smem:$0x3F88]  }
0x1a: {  	s8 =	sadd.s32 $0xFFFFE003, lr  }
0x1b: {  	s9 =	sadd.s32 $0xFFFFFEF7, lr;
	s5 =	simm.s32 $0xFFFFFFFF;
	p2 =	slt.u32 s8, $0xFFFFF086  }
0x1c: {  	p1 =	slt.u32 s9, $0xF7A;
	s5 =	simm.s32 @!p2 $0x0  }
0x1d: {  	s5 =	simm.s32 @p1 $0x1;
	p0 =	seq.s32 s7, s2  }
0x1e: {  	s7 =	smul.u32 @!p0 $0xF7A, s2;
	p2 =	seq.s32 @!p0 s5, $0x0  }
0x1f: {  	s9 =	smul.u32 $0xF7A, s1;
	s8 =	simm.s32 @!p0 $0x1BF5;
	p2 =	por !p2, p0  }
0x20: {  	[sflag:s8] =	ssyncset.s32 @!p0 $0xFFFFF086;
	s6 =	sadd.s32 @!p0 s3, s7;
	s7 =	simm.s32 @!p0 $0x108  }
0x21: {  	s3 =	sadd.s32 s3, s9;
	s6 =	sadd.s32 @!p0 $0x88, s6;
	s7 =	simm.s32 @p2 $0x1082  }
0x22: {  	[simem:s7], [sflag:s8] =	dma.local @!p0 [hbm:s6], $0xF7A  }
0x23: {  	s9 =	sor.u32 $0xD0000000, s2;
	s6 =	simm.s32 $0x108;
	_ =	swait.ge @!p0 [sflag:s8], $0x0  }
0x24: {  	s3 =	sadd.s32 $0x88, s3;
	s6 =	simm.s32 @!p1 $0x1082;
	[sflag:s4] =	ssyncset.s32 $0xFFFFF086  }
0x25: {  	[simem:s6], [sflag:s4] =	dma.local [hbm:s3], $0xF7A  }
0x26: {  	[smem:$0x3F88] =	sst s1;
	(tag) =	ssettag s2;
	_ =	strace s9  }
0x27: {  	s1 =	sld [smem:$0x3F98]  }
0x28: {  	s2 =	sld [smem:$0x3F99]  }
0x29: {  	s4 =	sld [smem:$0x3F9B]  }
0x2a: {  	p0 =	seq.s32 s5, $0x0;
	s5 =	sld [smem:$0x3F9C]  }
0x2b: {  	s6 =	sld [smem:$0x3F9D]  }
0x2c: {  	s7 =	sld [smem:$0x3F9E]  }
0x2d: {  	s3 =	simm.s32 $0x108;
	s8 =	sld [smem:$0x3F9F]  }
0x2e: {  	s3 =	simm.s32 @!p0 $0x1082;
	s9 =	sld [smem:$0x3FA0]  }
0x2f: {  	lr =	sadd.s32 s0, s3;
	s0 =	sld [smem:$0x3F97]  }
0x30: {  	s3 =	sld [smem:$0x3F9A]  }
0x31: {  	[smem:$0x3FA3] =	sst s10  }
0x32: {  	s10 =	sld [smem:$0x3FA1];
	_ =	sdelay $0x3  }
0x33: {  	p0 =	seq.s32 s10, $0x1;
	s10 =	sld [smem:$0x3FA3];
	_ =	sdelay $0x3  }
0x34: {  	[smem:$0x3FA3] =	sst s10  }
0x35: {  	s10 =	sld [smem:$0x3FA2];
	_ =	sdelay $0x3  }
0x36: {  	p1 =	seq.s32 s10, $0x1;
	s10 =	sld [smem:$0x3FA3];
	_ =	sdelay $0x3  }
0x37: {  	[smem:$0x3FA3] =	sst s10  }
0x38: {  	s10 =	sld [smem:$0x3FA4]  }
0x39: {  	_ = 	snop;
	(pc) =	sbr.ind lr, $3  }
0x3a: {  	_ = 	snop  }
0x3b: {  	_ = 	snop  }
0x3c: {  	p2 =	seq.s32 s10, $0x1;
	s10 =	sld [smem:$0x3FA3]  }
0x3d: {  	_ =	shalt  }
0x3e: {  	_ =	shalt  }
0x3f: {  	_ =	shalt  }
0x40: {  	_ =	shalt  }
0x41: {  	_ =	shalt  }
0x42: {  	_ =	shalt  }
0x43: {  	_ =	shalt  }
0x44: {  	_ =	shalt  }
0x45: {  	_ =	shalt  }
0x46: {  	_ =	shalt  }
0x47: {  	_ =	shalt  }
0x48: {  	_ =	shalt  }
0x49: {  	_ =	shalt  }
0x4a: {  	_ =	shalt  }
0x4b: {  	_ =	shalt  }
0x4c: {  	_ =	shalt  }
0x4d: {  	_ =	shalt  }
0x4e: {  	_ =	shalt  }
0x4f: {  	_ =	shalt  }
0x50: {  	_ =	shalt  }
0x51: {  	_ =	shalt  }
0x52: {  	_ =	shalt  }
0x53: {  	_ =	shalt  }
0x54: {  	_ =	shalt  }
0x55: {  	_ =	shalt  }
0x56: {  	_ =	shalt  }
0x57: {  	_ =	shalt  }
0x58: {  	_ =	shalt  }
0x59: {  	_ =	shalt  }
0x5a: {  	_ =	shalt  }
0x5b: {  	_ =	shalt  }
0x5c: {  	_ =	shalt  }
0x5d: {  	_ =	shalt  }
0x5e: {  	_ =	shalt  }
0x5f: {  	_ =	shalt  }
0x60: {  	_ =	shalt  }
0x61: {  	_ =	shalt  }
0x62: {  	_ =	shalt  }
0x63: {  	_ =	shalt  }
0x64: {  	_ =	shalt  }
0x65: {  	_ =	shalt  }
0x66: {  	_ =	shalt  }
0x67: {  	_ =	shalt  }
0x68: {  	_ =	shalt  }
0x69: {  	_ =	shalt  }
0x6a: {  	_ =	shalt  }
0x6b: {  	_ =	shalt  }
0x6c: {  	_ =	shalt  }
0x6d: {  	_ =	shalt  }
0x6e: {  	_ =	shalt  }
0x6f: {  	_ =	shalt  }
0x70: {  	_ =	shalt  }
0x71: {  	_ =	shalt  }
0x72: {  	_ =	shalt  }
0x73: {  	_ =	shalt  }
0x74: {  	_ =	shalt  }
0x75: {  	_ =	shalt  }
0x76: {  	_ =	shalt  }
0x77: {  	_ =	shalt  }
0x78: {  	_ =	shalt  }
0x79: {  	_ =	shalt  }
0x7a: {  	_ =	shalt  }
0x7b: {  	_ =	shalt  }
0x7c: {  	_ =	shalt  }
0x7d: {  	_ =	shalt  }
0x7e: {  	_ =	shalt  }
0x7f: {  	_ =	shalt  }
0x80: {  	_ =	shalt  }
0x81: {  	_ =	shalt  }
0x82: {  	_ =	shalt  }
0x83: {  	_ =	shalt  }
0x84: {  	_ =	shalt  }
0x85: {  	_ =	shalt  }
0x86: {  	_ =	shalt  }
0x87: {  	_ =	shalt  }
.Lfunc_end0:
.L_simem_size_0:
called_computation.1_lowered:
.L_overlay_start_0:
0x88: {  	s2 =	sld [smem:$0x3FD9]  }
0x89: {  	s3 =	sld [smem:$0x3FFE];
	_ =	sdelay $0x1  }
0x8a: {  	s1 =	srdreg.scid  }
0x8b: {  	s0 =	sand.u32 $0x1, s1  }
0x8c: {  	s14 =	sshll.u32 s0, $0xA;
	s2 =	sadd.s32 s3, s2  }
0x8d: {  	s2 =	sadd.s32 s2, s14  }
0x8e: {  	[smem:$0x3FAF] =	sst s2  }
0x8f: {  	_ = 	snop  }
0x90: {  	s2 =	sld [smem:$0x3FD0];
	_ =	sdelay $0x2  }
0x91: {  	s15 =	simm.s32 $0xA;
	s4 =	simm.s32 $0x10  }
0x92: {  	[smem:s4], [sflag:s15] =	dma.local [hbm:s2], $0x1  }
0x93: {  	_ =	swait.eq [sflag:s15], $0x1  }
0x94: {  	[sflag:s15] =	ssyncset.done $0x0  }
0x95: {  	s16 =	sld [smem:$0x10];
	[sflag:s15] =	ssyncadd.s32 $0xFFFFFFFF  }
0x96: {  	s17 =	sld [smem:$0x11];
	(tm) =	ssettm $0x1  }
0x97: {  	s18 =	sld [smem:$0x3FFB];
	_ =	sdelay $0x3  }
0x98: {  	_ =	strace s18  }
0x99: {  	s4 =	sld [smem:$0x3FFC];
	_ =	sdelay $0x3  }
0x9a: {  	_ =	strace s4  }
0x9b: {  	s4 =	sld [smem:$0x3FFD];
	_ =	sdelay $0x3  }
0x9c: {  	_ =	strace s4  }
0x9d: {  	_ =	strace $0x8FFFFFFF  }
0x9e: {  	s19 =	sld [smem:$0x3FDB];
	_ =	sdelay $0x1  }
0x9f: {  	s5 =	simm.s32 $_scs_section_size  }
0xa0: {  	s6 =	simm.s32 $_size__tile_overlayer_lowered;
	s7 =	simm.s32 $_tile_overlayer_lowered  }
0xa1: {  	s22 =	simm.s32 $0x1BFF;
	s21 =	sshll.u32 s7, $0x1;
	s4 =	sadd.s32 s5, s19  }
0xa2: {  	s8 =	simm.s32 $0x0;
	s20 =	sshll.u32 s6, $0x1;
	s6 =	sadd.s32 s21, s4  }
0xa3: {  	[timem:s8], [sflag:s22] =	dma.local [hbm:s6], s20  }
0xa4: {  	_ =	swait.ge [sflag:s22], s20  }
0xa5: {  	s5 =	ssub.s32 $0x0, s20;
	[sflag:s22] =	ssyncset.done $0x0  }
0xa6: {  	[sflag:s22] =	ssyncadd.s32 s5;
	_ =	sdelay $0x1  }
0xa7: {  	s23 =	simm.s32 $0x1B8B  }
0xa8: {  	_ =	swait.ge [sflag:s23], $0x1  }
0xa9: {  	[sflag:s23] =	ssyncset.done $0x0  }
0xaa: {  	s25 =	simm.s32 $0x1B8E;
	s24 =	sld [smem:$0x3FFE];
	[sflag:s23] =	ssyncadd.s32 $0xFFFFFFFF  }
0xab: {  	s26 =	simm.s32 $execute0_lowered;
	[smem:$0x3FD2] =	sst s25  }
0xac: {  	s6 =	sshll.u32 s26, $0x1;
	_ =	strace $0x80000049;
	[dreg:$0x1] =	wrdreg $0xFFFFFFFF  }
0xad: {  	s28 =	simm.s32 $_size_execute0_lowered;
	s4 =	sadd.s32 s4, s6;
	[dreg:$0x0] =	wrdreg $0x0  }
0xae: {  	s6 =	sshll.u32 s28, $0x1;
	[dreg:$0x2] =	wrdreg s4  }
0xaf: {  	[dreg:$0x3] =	wrdreg s6  }
0xb0: {  	[dreg:$0x4] =	wrdreg $0xC0  }
0xb1: {  	_ =	task [dreg:s8], $0x5FFFF  }
0xb2: {  	[dreg:$0x1] =	wrdreg $0xFFFFFFFF  }
0xb3: {  	[dreg:$0x0] =	wrdreg $0x60  }
0xb4: {  	[dreg:$0x2] =	wrdreg s16  }
0xb5: {  	[dreg:$0x3] =	wrdreg s17  }
0xb6: {  	[dreg:$0x4] =	wrdreg s24  }
0xb7: {  	[dreg:$0x5] =	wrdreg $0x11D000  }
0xb8: {  	[dreg:$0x6] =	wrdreg $0x9  }
0xb9: {  	_ =	task.clear_ibuf [dreg:s8], $0x7FFFF;
	_ =	strace $0x90000049  }
0xba: {  	s29 =	simm.s32 $0x9;
	_ =	strace $0x8000004B  }
0xbb: {  	_ =	swait.ge [sflag:s29], $0x1  }
0xbc: {  	[sflag:s29] =	ssyncadd.s32 $0xFFFFFFFF  }
0xbd: {  	_ =	strace $0x9000004B  }
0xbe: {  	_ =	sfence  }
0xbf: {  	s30 =	sld [smem:$0x0];
	_ =	sdelay $0x2  }
0xc0: {  	s31 =	sshll.u32 s1, $0xD;
	s1 =	sshrl.u32 s1, $0x2  }
0xc1: {  	s3 =	sand.u32 $0x4000, s31;
	s1 =	sadd.s32 s1, s30  }
0xc2: {  	s0 =	sor.u32 s3, s0;
	s1 =	sshll.u32 s1, $0x11  }
0xc3: {  	s0 =	sor.u32 s1, s0  }
0xc4: {  	s0 =	sadd.s32 $0x8F2B, s0  }
0xc5: {  	[sflag:s0] =	ssyncadd.remote.s32 $0x1  }
0xc6: {  	_ =	sfence.sel $0xFFFF  }
0xc7: {  	[dreg:$0x0] =	wrdreg $0xFFFFFFFF;
	(pc) =	sbr.abs _section_cstart, $3  }
0xc8: {  	[dreg:$0x1] =	wrdreg $0xFFFFFFFF  }
0xc9: {  	_ =	task.clear_ibuf [dreg:s8], $0x2FFFF;
	_ =	strace $0x9FFFFFFF  }
0xca: {  	(tm) =	ssettm $0x7FFFFFFF  }
0xcb: {  	_ =	shalt  }
tec
execute0_lowered:
.L_overlay_start_1:
0x0: {  	(tag) =	ssettag $0x1  }
0x1: {  	s0 =	rddreg [dreg:$0x0]  }
0x2: {  	s2 =	rddreg [dreg:$0x1]  }
0x3: {  	s3 =	rddreg [dreg:$0x2]  }
0x4: {  	s1 =	rddreg [dreg:$0x3];
	s5 =	simm.s32 $0x0;
	s11 =	stileid.u32  }
0x5: {  	s4 =	srdreg.scid;
	s28 =	simm.s32 $0xBD00;
	s7 =	smul.u32 $0x4E80, s11  }
0x6: {  	s30 =	simm.s32 $0xDD00;
	s29 =	simm.s32 $0x4E00;
	s10 =	smul.u32 $0x280, s11  }
0x7: {  	s31 =	simm.s32 $0x0;
	[smem:$0x7FF] =	sst s5;
	s19 =	smul.u32 $0x28000, s11  }
0x8: {  	s18 =	sand.u32 $0x1, s4;
	s4 =	sadd.s32 $0x4A00, s3;
	s16 =	smul.u32 $0x14000, s11  }
0x9: {  	s12 =	sadd.s32 $0x52C00, s3;
	s3 =	sadd.s32 $0x52C08, s3;
	s6 =	smul.u32 $0x4E800, s18  }
0xa: {  	_ =	strace $0x8000004A;
	s8 =	ssub.s32 $0x2, s18;
	s5 =	smul.u32 $0x140000, s18  }
0xb: {  	s9 =	sshrl.u32 s8, $0x1;
	s21 =	sadd.s32 $0x80, s10;
	s22 =	sshrl.u32 s19, $0x2  }
0xc: {  	s14 =	sadd.s32 $0x100, s10;
	s25 =	sadd.s32 $0x180, s10;
	s15 =	sadd.s32 $0x200, s10  }
0xd: {  	s6 =	sadd.s32 s7, s6;
	s13 =	ssub.s32 s8, s9;
	s23 =	sshll.u32 s21, $0x6  }
0xe: {  	s7 =	sadd.s32 s22, s1;
	s24 =	sshll.u32 s14, $0x6;
	s26 =	sshll.u32 s25, $0x6  }
0xf: {  	s17 =	sshll.u32 s15, $0x6;
	s18 =	sadd.s32 s16, s5;
	s14 =	sshll.u32 s14, $0x7  }
0x10: {  	s15 =	sshll.u32 s15, $0x7;
	s16 =	simm.s32 $0x9B00;
	s6 =	sshrl.u32 s6, $0x3  }
0x11: {  	s8 =	sadd.s32 s23, s1;
	s9 =	sadd.s32 s24, s1;
	s10 =	sadd.s32 s26, s1  }
0x12: {  	s11 =	sadd.s32 s17, s1;
	s14 =	sadd.s32 s5, s14;
	s26 =	smax.u32 s13, $0x1  }
0x13: {  	s13 =	simm.s32 $0x7;
	s17 =	simm.s32 $0x9B80;
	s0 =	sadd.s32 s0, s6  }
0x14: {  	s20 =	sadd.s32 s2, s6;
	s6 =	sshrl.u32 s18, $0x3;
	[dreg:$0x11] =	wrdreg s26  }
0x15: {  	s14 =	sshrl.u32 s14, $0x3;
	s2 =	sshll.u32 s25, $0x7;
	[dreg:$0x5] =	wrdreg s0  }
0x16: {  	s26 =	simm.s32 $0x80;
	s18 =	simm.s32 $0x9C00;
	[dreg:$0x6] =	wrdreg s20  }
0x17: {  	s0 =	sshll.u32 s21, $0x7;
	s19 =	sadd.s32 s12, s6;
	s21 =	sadd.s32 s12, s14  }
0x18: {  	s2 =	sadd.s32 s5, s2;
	s6 =	sadd.s32 s6, s3;
	[dreg:$0x7] =	wrdreg s19  }
0x19: {  	s23 =	sadd.s32 s14, s3;
	s14 =	simm.s32 $0x8;
	[dreg:$0x9] =	wrdreg s21  }
0x1a: {  	s0 =	sadd.s32 s5, s0;
	s5 =	sadd.s32 s5, s15;
	[dreg:$0xc] =	wrdreg s6  }
0x1b: {  	s2 =	sshrl.u32 s2, $0x3;
	[dreg:$0xe] =	wrdreg s23;
	s23 =	simm.s32 $0x9  }
0x1c: {  	s6 =	simm.s32 $0x5;
	s19 =	simm.s32 $0x9C80;
	s22 =	sadd.s32 s12, s2  }
0x1d: {  	s0 =	sshrl.u32 s0, $0x3;
	s24 =	sadd.s32 s2, s3;
	[dreg:$0xa] =	wrdreg s22  }
0x1e: {  	s5 =	sshrl.u32 s5, $0x3;
	s20 =	sadd.s32 s12, s0;
	[dreg:$0xf] =	wrdreg s24  }
0x1f: {  	s2 =	simm.s32 $0x1;
	s12 =	sadd.s32 s12, s5;
	[dreg:$0x8] =	wrdreg s20  }
0x20: {  	s0 =	sadd.s32 s0, s3;
	s25 =	sadd.s32 s5, s3;
	[dreg:$0xb] =	wrdreg s12  }
0x21: {  	s24 =	simm.s32 $0x2;
	s3 =	simm.s32 $0x3;
	[dreg:$0xd] =	wrdreg s0  }
0x22: {  	s5 =	simm.s32 $0x4;
	[dreg:$0x10] =	wrdreg s25;
	s25 =	simm.s32 $0x9D00  }
0x23: {  	v0 =	vimm.f32 $0.0e+00;
	s0 =	simm.s32 $0xFD00;
	s12 =	simm.s32 $0x6;
	s20 =	simm.s32 $0x40  }
.LBB2_1:
0x24: {  	s15 =	simm.s32 $0x0;
	s21 =	rddreg [dreg:$0x5]  }
0x25: {  	[tilespmem:s15], [sflag:$0x9] =	stream.linear.gather [hbm4b:s21+s15], $0x4E80, $0x38;
	[tilespmem:$0x1BD00] =	vst v63  }
0x26: {  	_ =	swait.ge [sflag:s23], $0x4E80  }
0x27: {  	[sflag:s23] =	ssyncset.done $0x0  }
0x28: {  	s22 =	simm.s32 $0x4E80;
	s21 =	rddreg [dreg:$0x6];
	[sflag:s23] =	ssyncadd.s32 $0xFFFFB180  }
0x29: {  	[tilespmem:s22], [sflag:$0x9] =	stream.linear.gather [hbm4b:s21+s15], $0x4E80, $0x38;
	[tilespmem:$0x1BD00] =	vst v63  }
0x2a: {  	_ =	swait.ge [sflag:s23], $0x4E80  }
0x2b: {  	[sflag:s23] =	ssyncset.done $0x0  }
0x2c: {  	s22 =	simm.s32 $0x100;
	s21 =	simm.s32 $0x0;
	[sflag:s23] =	ssyncadd.s32 $0xFFFFB180  }
.LBB2_2:
0x2d: {  	p0 =	sne.s32 s22, $0x7F00;
	[tilespmem:s21+$0x9D30] =	vst v0;
	s15 =	smov.u32 s22;
	s22 =	sadd.s32 $0x100, s22  }
.Ltmp0:
0x2e: {  	[tilespmem:s21+$0x9D20] =	vst v0;
	(pc) =	sbr.rel @p0 .LBB2_2-.Ltmp0, $3  }
0x2f: {  	[tilespmem:s21+$0x9D00] =	vst v0  }
0x30: {  	[tilespmem:s21+$0x9D10] =	vst v0;
	_ =	sdelay $0x1  }
0x31: {  	s21 =	sshra.s32 s15, $0x2  }
0x32: {  	[tilespmem:s21+$0x9D30] =	vst v0  }
0x33: {  	[tilespmem:s21+$0x9D20] =	vst v0  }
0x34: {  	[tilespmem:s21+$0x9D00] =	vst v0  }
0x35: {  	[tilespmem:s21+$0x9D10] =	vst v0  }
0x36: {  	[spmem:s7] =	stream.linear.scatter [tilespmem:s25], [sflag:$0x9], $0x2000, $0x38;
	[tilespmem:$0x1BD00] =	vst v63  }
0x37: {  	_ =	swait.ge [sflag:s23], $0x2000  }
0x38: {  	[sflag:s23] =	ssyncset.done $0x0  }
0x39: {  	[sflag:s23] =	ssyncadd.s32 $0xFFFFE000  }
0x3a: {  	[spmem:s8] =	stream.linear.scatter [tilespmem:s25], [sflag:$0x9], $0x2000, $0x38;
	[tilespmem:$0x1BD00] =	vst v63  }
0x3b: {  	_ =	swait.ge [sflag:s23], $0x2000  }
0x3c: {  	[sflag:s23] =	ssyncset.done $0x0  }
0x3d: {  	[sflag:s23] =	ssyncadd.s32 $0xFFFFE000  }
0x3e: {  	[spmem:s9] =	stream.linear.scatter [tilespmem:s25], [sflag:$0x9], $0x2000, $0x38;
	[tilespmem:$0x1BD00] =	vst v63  }
0x3f: {  	_ =	swait.ge [sflag:s23], $0x2000  }
0x40: {  	[sflag:s23] =	ssyncset.done $0x0  }
0x41: {  	[sflag:s23] =	ssyncadd.s32 $0xFFFFE000  }
0x42: {  	[spmem:s10] =	stream.linear.scatter [tilespmem:s25], [sflag:$0x9], $0x2000, $0x38;
	[tilespmem:$0x1BD00] =	vst v63  }
0x43: {  	_ =	swait.ge [sflag:s23], $0x2000  }
0x44: {  	[sflag:s23] =	ssyncset.done $0x0  }
0x45: {  	[sflag:s23] =	ssyncadd.s32 $0xFFFFE000  }
0x46: {  	[spmem:s11] =	stream.linear.scatter [tilespmem:s25], [sflag:$0x9], $0x2000, $0x38;
	[tilespmem:$0x1BD00] =	vst v63  }
0x47: {  	_ =	swait.ge [sflag:s23], $0x2000  }
0x48: {  	[sflag:s23] =	ssyncset.done $0x0  }
0x49: {  	[sflag:s23] =	ssyncadd.s32 $0xFFFFE000  }
0x4a: {  	s15 =	simm.s32 $0x0;
	[bflag:$0x0] =	sbarrier.arrive $0xFFFF  }
0x4b: {  	[tilespmem:s25], [sflag:$0x1] =	stream.indirect.gather [hbm4b:s4+s26], $0x40, s15, s26, $0xb8;
	[tilespmem:$0x1BD00] =	vst v63  }
0x4c: {  	_ = 	snop  }
0x4d: {  	[tilespmem:s28], [sflag:$0x2] =	stream.indirect.gather [hbm4b:s4+s26], $0x40, s26, s26, $0xb8;
	[tilespmem:$0x1BD00] =	vst v63  }
0x4e: {  	s22 =	simm.s32 $0x100  }
0x4f: {  	[tilespmem:s30], [sflag:$0x3] =	stream.indirect.gather [hbm4b:s4+s26], $0x40, s22, s26, $0xb8;
	[tilespmem:$0x1BD00] =	vst v63  }
0x50: {  	s21 =	simm.s32 $0x180  }
0x51: {  	[tilespmem:s0], [sflag:$0x4] =	stream.indirect.gather [hbm4b:s4+s26], $0x40, s21, s26, $0xb8;
	[tilespmem:$0x1BD00] =	vst v63  }
0x52: {  	_ =	swait.ge [sflag:s2], $0x2000  }
0x53: {  	[sflag:s2] =	ssyncset.done $0x0  }
0x54: {  	s22 =	simm.s32 $0x4E80;
	[sflag:s2] =	ssyncadd.s32 $0xFFFFE000  }
0x55: {  	[spmem:s1] =	stream.indirect.scatter.add.f32 [tilespmem:s25], [sflag:$0x5], $0x40, s22, s26, $0xb8;
	[tilespmem:$0x1BD00] =	vst v63  }
0x56: {  	_ =	swait.ge [sflag:s24], $0x2000  }
0x57: {  	[sflag:s24] =	ssyncset.done $0x0  }
0x58: {  	s21 =	simm.s32 $0x4F00;
	[sflag:s24] =	ssyncadd.s32 $0xFFFFE000  }
0x59: {  	[spmem:s1] =	stream.indirect.scatter.add.f32 [tilespmem:s28], [sflag:$0x6], $0x40, s21, s26, $0xb8;
	[tilespmem:$0x1BD00] =	vst v63  }
0x5a: {  	_ =	swait.ge [sflag:s3], $0x2000  }
0x5b: {  	[sflag:s3] =	ssyncset.done $0x0  }
0x5c: {  	s22 =	simm.s32 $0x4F80;
	[sflag:s3] =	ssyncadd.s32 $0xFFFFE000  }
0x5d: {  	[spmem:s1] =	stream.indirect.scatter.add.f32 [tilespmem:s30], [sflag:$0x7], $0x40, s22, s26, $0xb8;
	[tilespmem:$0x1BD00] =	vst v63  }
0x5e: {  	_ =	swait.ge [sflag:s5], $0x2000  }
0x5f: {  	[sflag:s5] =	ssyncset.done $0x0  }
0x60: {  	s21 =	simm.s32 $0x5000;
	[sflag:s5] =	ssyncadd.s32 $0xFFFFE000  }
0x61: {  	[spmem:s1] =	stream.indirect.scatter.add.f32 [tilespmem:s0], [sflag:$0x8], $0x40, s21, s26, $0xb8;
	[tilespmem:$0x1BD00] =	vst v63  }
0x62: {  	_ =	swait.ge [sflag:s6], $0x2000  }
0x63: {  	[sflag:s6] =	ssyncset.done $0x0  }
0x64: {  	s22 =	simm.s32 $0x200;
	[sflag:s6] =	ssyncadd.s32 $0xFFFFE000  }
0x65: {  	[tilespmem:s25], [sflag:$0x1] =	stream.indirect.gather [hbm4b:s4+s26], $0x40, s22, s26, $0xb8;
	[tilespmem:$0x1BD00] =	vst v63  }
0x66: {  	_ =	swait.ge [sflag:s12], $0x2000  }
0x67: {  	[sflag:s12] =	ssyncset.done $0x0  }
0x68: {  	s21 =	simm.s32 $0x280;
	[sflag:s12] =	ssyncadd.s32 $0xFFFFE000  }
0x69: {  	[tilespmem:s28], [sflag:$0x2] =	stream.indirect.gather [hbm4b:s4+s26], $0x40, s21, s26, $0xb8;
	[tilespmem:$0x1BD00] =	vst v63  }
0x6a: {  	_ =	swait.ge [sflag:s13], $0x2000  }
0x6b: {  	[sflag:s13] =	ssyncset.done $0x0  }
0x6c: {  	s22 =	simm.s32 $0x300;
	[sflag:s13] =	ssyncadd.s32 $0xFFFFE000  }
0x6d: {  	[tilespmem:s30], [sflag:$0x3] =	stream.indirect.gather [hbm4b:s4+s26], $0x40, s22, s26, $0xb8;
	[tilespmem:$0x1BD00] =	vst v63  }
0x6e: {  	_ =	swait.ge [sflag:s14], $0x2000  }
0x6f: {  	[sflag:s14] =	ssyncset.done $0x0  }
0x70: {  	s21 =	simm.s32 $0x800;
	s22 =	simm.s32 $0x380;
	[sflag:s14] =	ssyncadd.s32 $0xFFFFE000  }
.LBB2_4:
0x71: {  	[tilespmem:s0], [sflag:$0x4] =	stream.indirect.gather [hbm4b:s4+s26], $0x40, s22, s26, $0xb8;
	[tilespmem:$0x1BD00] =	vst v63  }
0x72: {  	s15 =	smov.u32 s21  }
0x73: {  	p0 =	sne.s32 s21, $0x12800;
	s21 =	sadd.s32 $0x800, s21;
	_ =	swait.ge [sflag:s2], $0x2000  }
0x74: {  	s22 =	sshra.s32 s15, $0x2;
	[sflag:s2] =	ssyncset.done $0x0  }
0x75: {  	s15 =	sadd.s32 $0x4E80, s22;
	[sflag:s2] =	ssyncadd.s32 $0xFFFFE000  }
0x76: {  	[spmem:s1] =	stream.indirect.scatter.add.f32 [tilespmem:s25], [sflag:$0x5], $0x40, s15, s26, $0xb8;
	[tilespmem:$0x1BD00] =	vst v63  }
0x77: {  	_ =	swait.ge [sflag:s24], $0x2000  }
0x78: {  	[sflag:s24] =	ssyncset.done $0x0  }
0x79: {  	s15 =	sadd.s32 $0x4F00, s22;
	[sflag:s24] =	ssyncadd.s32 $0xFFFFE000  }
0x7a: {  	[spmem:s1] =	stream.indirect.scatter.add.f32 [tilespmem:s28], [sflag:$0x6], $0x40, s15, s26, $0xb8;
	[tilespmem:$0x1BD00] =	vst v63  }
0x7b: {  	_ =	swait.ge [sflag:s3], $0x2000  }
0x7c: {  	[sflag:s3] =	ssyncset.done $0x0  }
0x7d: {  	s15 =	sadd.s32 $0x4F80, s22;
	[sflag:s3] =	ssyncadd.s32 $0xFFFFE000  }
0x7e: {  	[spmem:s1] =	stream.indirect.scatter.add.f32 [tilespmem:s30], [sflag:$0x7], $0x40, s15, s26, $0xb8;
	[tilespmem:$0x1BD00] =	vst v63  }
0x7f: {  	_ =	swait.ge [sflag:s5], $0x2000  }
0x80: {  	[sflag:s5] =	ssyncset.done $0x0  }
0x81: {  	s15 =	sadd.s32 $0x5000, s22;
	[sflag:s5] =	ssyncadd.s32 $0xFFFFE000  }
0x82: {  	[spmem:s1] =	stream.indirect.scatter.add.f32 [tilespmem:s0], [sflag:$0x8], $0x40, s15, s26, $0xb8;
	[tilespmem:$0x1BD00] =	vst v63  }
0x83: {  	_ =	swait.ge [sflag:s6], $0x2000  }
0x84: {  	[sflag:s6] =	ssyncset.done $0x0  }
0x85: {  	s15 =	sadd.s32 $0x200, s22;
	[sflag:s6] =	ssyncadd.s32 $0xFFFFE000  }
0x86: {  	[tilespmem:s25], [sflag:$0x1] =	stream.indirect.gather [hbm4b:s4+s26], $0x40, s15, s26, $0xb8;
	[tilespmem:$0x1BD00] =	vst v63  }
0x87: {  	_ =	swait.ge [sflag:s12], $0x2000  }
0x88: {  	[sflag:s12] =	ssyncset.done $0x0  }
0x89: {  	s15 =	sadd.s32 $0x280, s22;
	[sflag:s12] =	ssyncadd.s32 $0xFFFFE000  }
0x8a: {  	[tilespmem:s28], [sflag:$0x2] =	stream.indirect.gather [hbm4b:s4+s26], $0x40, s15, s26, $0xb8;
	[tilespmem:$0x1BD00] =	vst v63  }
0x8b: {  	_ =	swait.ge [sflag:s13], $0x2000  }
0x8c: {  	[sflag:s13] =	ssyncset.done $0x0  }
.Ltmp1:
0x8d: {  	s15 =	sadd.s32 $0x300, s22;
	[sflag:s13] =	ssyncadd.s32 $0xFFFFE000;
	(pc) =	sbr.rel @p0 .LBB2_4-.Ltmp1, $4  }
0x8e: {  	[tilespmem:s30], [sflag:$0x3] =	stream.indirect.gather [hbm4b:s4+s26], $0x40, s15, s26, $0xb8;
	[tilespmem:$0x1BD00] =	vst v63  }
0x8f: {  	_ =	swait.ge [sflag:s14], $0x2000  }
0x90: {  	[sflag:s14] =	ssyncset.done $0x0  }
0x91: {  	s22 =	sadd.s32 $0x380, s22;
	[sflag:s14] =	ssyncadd.s32 $0xFFFFE000  }
0x92: {  	[tilespmem:s0], [sflag:$0x4] =	stream.indirect.gather [hbm4b:s4+s26], $0x40, s22, s26, $0xb8;
	[tilespmem:$0x1BD00] =	vst v63  }
0x93: {  	_ =	swait.ge [sflag:s2], $0x2000  }
0x94: {  	[sflag:s2] =	ssyncset.done $0x0  }
0x95: {  	s15 =	simm.s32 $0x9A80;
	[sflag:s2] =	ssyncadd.s32 $0xFFFFE000  }
0x96: {  	[spmem:s1] =	stream.indirect.scatter.add.f32 [tilespmem:s25], [sflag:$0x5], $0x40, s15, s26, $0xb8;
	[tilespmem:$0x1BD00] =	vst v63  }
0x97: {  	_ =	swait.ge [sflag:s24], $0x2000  }
0x98: {  	[sflag:s24] =	ssyncset.done $0x0  }
0x99: {  	[sflag:s24] =	ssyncadd.s32 $0xFFFFE000  }
0x9a: {  	[spmem:s1] =	stream.indirect.scatter.add.f32 [tilespmem:s28], [sflag:$0x6], $0x40, s16, s26, $0xb8;
	[tilespmem:$0x1BD00] =	vst v63  }
0x9b: {  	_ =	swait.ge [sflag:s3], $0x2000  }
0x9c: {  	[sflag:s3] =	ssyncset.done $0x0  }
0x9d: {  	[sflag:s3] =	ssyncadd.s32 $0xFFFFE000  }
0x9e: {  	[spmem:s1] =	stream.indirect.scatter.add.f32 [tilespmem:s30], [sflag:$0x7], $0x40, s17, s26, $0xb8;
	[tilespmem:$0x1BD00] =	vst v63  }
0x9f: {  	_ =	swait.ge [sflag:s5], $0x2000  }
0xa0: {  	[sflag:s5] =	ssyncset.done $0x0  }
0xa1: {  	[sflag:s5] =	ssyncadd.s32 $0xFFFFE000  }
0xa2: {  	[spmem:s1] =	stream.indirect.scatter.add.f32 [tilespmem:s0], [sflag:$0x8], $0x40, s18, s26, $0xb8;
	[tilespmem:$0x1BD00] =	vst v63  }
0xa3: {  	_ =	swait.ge [sflag:s6], $0x2000  }
0xa4: {  	[sflag:s6] =	ssyncset.done $0x0  }
0xa5: {  	[sflag:s6] =	ssyncadd.s32 $0xFFFFE000  }
0xa6: {  	[tilespmem:s25], [sflag:$0x1] =	stream.indirect.gather [hbm4b:s4+s26], $0x40, s29, s26, $0xb8;
	[tilespmem:$0x1BD00] =	vst v63  }
0xa7: {  	_ =	swait.ge [sflag:s12], $0x2000  }
0xa8: {  	[sflag:s12] =	ssyncset.done $0x0  }
0xa9: {  	[sflag:s12] =	ssyncadd.s32 $0xFFFFE000  }
0xaa: {  	_ =	swait.ge [sflag:s13], $0x2000  }
0xab: {  	[sflag:s13] =	ssyncset.done $0x0  }
0xac: {  	[sflag:s13] =	ssyncadd.s32 $0xFFFFE000  }
0xad: {  	_ =	swait.ge [sflag:s14], $0x2000  }
0xae: {  	[sflag:s14] =	ssyncset.done $0x0  }
0xaf: {  	[sflag:s14] =	ssyncadd.s32 $0xFFFFE000  }
0xb0: {  	_ =	swait.ge [sflag:s2], $0x2000  }
0xb1: {  	[sflag:s2] =	ssyncset.done $0x0  }
0xb2: {  	[sflag:s2] =	ssyncadd.s32 $0xFFFFE000  }
0xb3: {  	[spmem:s1] =	stream.indirect.scatter.add.f32 [tilespmem:s25], [sflag:$0x9], $0x40, s19, s26, $0xb8;
	[tilespmem:$0x1BD00] =	vst v63  }
0xb4: {  	_ =	swait.ge [sflag:s23], $0x2000  }
0xb5: {  	[sflag:s23] =	ssyncset.done $0x0  }
0xb6: {  	[sflag:s23] =	ssyncadd.s32 $0xFFFFE000  }
0xb7: {  	[bflag:$0x0] =	sbarrier.arrive $0xFFFF  }
0xb8: {  	[tilespmem:s25], [sflag:$0x9] =	stream.linear.gather [spmem:s7], $0x2000, $0x38;
	[tilespmem:$0x1BD00] =	vst v63  }
0xb9: {  	_ =	swait.ge [sflag:s23], $0x2000  }
0xba: {  	[sflag:s23] =	ssyncset.done $0x0  }
0xbb: {  	s22 =	rddreg [dreg:$0x7];
	[sflag:s23] =	ssyncadd.s32 $0xFFFFE000  }
0xbc: {  	[hbm4b:s22+s20] =	stream.strided.scatter [tilespmem:s25], [sflag:$0x9], $0x2000, s26, s20, $0x38;
	[tilespmem:$0x1BD00] =	vst v63  }
0xbd: {  	_ =	swait.ge [sflag:s23], $0x2000  }
0xbe: {  	[sflag:s23] =	ssyncset.done $0x0  }
0xbf: {  	[sflag:s23] =	ssyncadd.s32 $0xFFFFE000  }
0xc0: {  	[tilespmem:s25], [sflag:$0x9] =	stream.linear.gather [spmem:s8], $0x2000, $0x38;
	[tilespmem:$0x1BD00] =	vst v63  }
0xc1: {  	_ =	swait.ge [sflag:s23], $0x2000  }
0xc2: {  	[sflag:s23] =	ssyncset.done $0x0  }
0xc3: {  	s21 =	rddreg [dreg:$0x8];
	[sflag:s23] =	ssyncadd.s32 $0xFFFFE000  }
0xc4: {  	[hbm4b:s21+s20] =	stream.strided.scatter [tilespmem:s25], [sflag:$0x9], $0x2000, s26, s20, $0x38;
	[tilespmem:$0x1BD00] =	vst v63  }
0xc5: {  	_ =	swait.ge [sflag:s23], $0x2000  }
0xc6: {  	[sflag:s23] =	ssyncset.done $0x0  }
0xc7: {  	[sflag:s23] =	ssyncadd.s32 $0xFFFFE000  }
0xc8: {  	[tilespmem:s25], [sflag:$0x9] =	stream.linear.gather [spmem:s9], $0x2000, $0x38;
	[tilespmem:$0x1BD00] =	vst v63  }
0xc9: {  	_ =	swait.ge [sflag:s23], $0x2000  }
0xca: {  	[sflag:s23] =	ssyncset.done $0x0  }
0xcb: {  	s22 =	rddreg [dreg:$0x9];
	[sflag:s23] =	ssyncadd.s32 $0xFFFFE000  }
0xcc: {  	[hbm4b:s22+s20] =	stream.strided.scatter [tilespmem:s25], [sflag:$0x9], $0x2000, s26, s20, $0x38;
	[tilespmem:$0x1BD00] =	vst v63  }
0xcd: {  	_ =	swait.ge [sflag:s23], $0x2000  }
0xce: {  	[sflag:s23] =	ssyncset.done $0x0  }
0xcf: {  	[sflag:s23] =	ssyncadd.s32 $0xFFFFE000  }
0xd0: {  	[tilespmem:s25], [sflag:$0x9] =	stream.linear.gather [spmem:s10], $0x2000, $0x38;
	[tilespmem:$0x1BD00] =	vst v63  }
0xd1: {  	_ =	swait.ge [sflag:s23], $0x2000  }
0xd2: {  	[sflag:s23] =	ssyncset.done $0x0  }
0xd3: {  	s21 =	rddreg [dreg:$0xa];
	[sflag:s23] =	ssyncadd.s32 $0xFFFFE000  }
0xd4: {  	[hbm4b:s21+s20] =	stream.strided.scatter [tilespmem:s25], [sflag:$0x9], $0x2000, s26, s20, $0x38;
	[tilespmem:$0x1BD00] =	vst v63  }
0xd5: {  	_ =	swait.ge [sflag:s23], $0x2000  }
0xd6: {  	[sflag:s23] =	ssyncset.done $0x0  }
0xd7: {  	[sflag:s23] =	ssyncadd.s32 $0xFFFFE000  }
0xd8: {  	[tilespmem:s25], [sflag:$0x9] =	stream.linear.gather [spmem:s11], $0x2000, $0x38;
	[tilespmem:$0x1BD00] =	vst v63  }
0xd9: {  	_ =	swait.ge [sflag:s23], $0x2000  }
0xda: {  	[sflag:s23] =	ssyncset.done $0x0  }
0xdb: {  	s22 =	rddreg [dreg:$0xb];
	[sflag:s23] =	ssyncadd.s32 $0xFFFFE000  }
0xdc: {  	[hbm4b:s22+s20] =	stream.strided.scatter [tilespmem:s25], [sflag:$0x9], $0x2000, s26, s20, $0x38;
	[tilespmem:$0x1BD00] =	vst v63  }
0xdd: {  	_ =	swait.ge [sflag:s23], $0x2000  }
0xde: {  	[sflag:s23] =	ssyncset.done $0x0  }
0xdf: {  	s21 =	simm.s32 $0x0;
	[sflag:s23] =	ssyncadd.s32 $0xFFFFE000  }
0xe0: {  	v3 =	vld [tilespmem:s21+$0x0]  }
0xe1: {  	v5 =	vld [tilespmem:s21+$0x10]  }
0xe2: {  	v4 =	vld [tilespmem:s21+$0x20]  }
0xe3: {  	v2 =	vld [tilespmem:s21+$0x30]  }
0xe4: {  	v1 =	vld [tilespmem:s21+$0x40]  }
0xe5: {  	v6 =	vadd.s32 $0x1, v3;
	v3 =	vld [tilespmem:s21+$0x50]  }
0xe6: {  	s22 =	simm.s32 $0x200;
	[tilespmem:s21+$0x0] =	vst v6;
	v6 =	vadd.s32 $0x1, v5;
	v5 =	vld [tilespmem:s21+$0x60]  }
.LBB2_6:
0xe7: {  	s15 =	sshra.s32 s22, $0x2;
	p0 =	sne.s32 s22, $0x13800;
	[tilespmem:s21+$0x10] =	vst v6;
	v4 =	vadd.s32 $0x1, v4;
	v6 =	vld [tilespmem:s21+$0x70]  }
0xe8: {  	v7 =	vld [tilespmem:s15+$0x0];
	[tilespmem:s21+$0x20] =	vst v4;
	v2 =	vadd.s32 $0x1, v2  }
0xe9: {  	v8 =	vld [tilespmem:s15+$0x10];
	[tilespmem:s21+$0x30] =	vst v2;
	v1 =	vadd.s32 $0x1, v1  }
.Ltmp2:
0xea: {  	v4 =	vld [tilespmem:s15+$0x20];
	[tilespmem:s21+$0x40] =	vst v1;
	v1 =	vadd.s32 $0x1, v3;
	(pc) =	sbr.rel @p0 .LBB2_6-.Ltmp2, $4  }
0xeb: {  	v2 =	vld [tilespmem:s15+$0x30];
	[tilespmem:s21+$0x50] =	vst v1;
	v3 =	vadd.s32 $0x1, v5  }
0xec: {  	v1 =	vld [tilespmem:s15+$0x40];
	[tilespmem:s21+$0x60] =	vst v3;
	v5 =	vadd.s32 $0x1, v6  }
0xed: {  	v6 =	vadd.s32 $0x1, v7;
	v3 =	vld [tilespmem:s15+$0x50];
	[tilespmem:s21+$0x70] =	vst v5;
	s21 =	smov.u32 s15  }
0xee: {  	s22 =	sadd.s32 $0x200, s22;
	[tilespmem:s21+$0x0] =	vst v6;
	v6 =	vadd.s32 $0x1, v8;
	v5 =	vld [tilespmem:s21+$0x60]  }
0xef: {  	[tilespmem:s21+$0x10] =	vst v6;
	v4 =	vadd.s32 $0x1, v4;
	v63 =	vld [tilespmem:s21+$0x70]  }
0xf0: {  	[tilespmem:s21+$0x20] =	vst v4;
	v2 =	vadd.s32 $0x1, v2  }
0xf1: {  	[tilespmem:s21+$0x30] =	vst v2;
	v1 =	vadd.s32 $0x1, v1  }
0xf2: {  	[tilespmem:s21+$0x40] =	vst v1;
	v1 =	vadd.s32 $0x1, v3  }
0xf3: {  	[tilespmem:s21+$0x50] =	vst v1;
	v1 =	vadd.s32 $0x1, v5  }
0xf4: {  	[tilespmem:s21+$0x60] =	vst v1;
	v1 =	vadd.s32 $0x1, v63  }
0xf5: {  	s22 =	simm.s32 $0x100;
	[tilespmem:s21+$0x70] =	vst v1;
	s21 =	simm.s32 $0x0  }
.LBB2_8:
0xf6: {  	p0 =	sne.s32 s22, $0x7F00;
	[tilespmem:s21+$0x9D30] =	vst v0;
	s15 =	smov.u32 s22;
	s22 =	sadd.s32 $0x100, s22  }
.Ltmp3:
0xf7: {  	[tilespmem:s21+$0x9D20] =	vst v0;
	(pc) =	sbr.rel @p0 .LBB2_8-.Ltmp3, $3  }
0xf8: {  	[tilespmem:s21+$0x9D00] =	vst v0  }
0xf9: {  	[tilespmem:s21+$0x9D10] =	vst v0;
	_ =	sdelay $0x1  }
0xfa: {  	s21 =	sshra.s32 s15, $0x2  }
0xfb: {  	[tilespmem:s21+$0x9D30] =	vst v0  }
0xfc: {  	[tilespmem:s21+$0x9D20] =	vst v0  }
0xfd: {  	[tilespmem:s21+$0x9D00] =	vst v0  }
0xfe: {  	[tilespmem:s21+$0x9D10] =	vst v0  }
0xff: {  	[spmem:s7] =	stream.linear.scatter [tilespmem:s25], [sflag:$0x9], $0x2000, $0x38;
	[tilespmem:$0x1BD00] =	vst v63  }
0x100: {  	_ =	swait.ge [sflag:s23], $0x2000  }
0x101: {  	[sflag:s23] =	ssyncset.done $0x0  }
0x102: {  	[sflag:s23] =	ssyncadd.s32 $0xFFFFE000  }
0x103: {  	[spmem:s8] =	stream.linear.scatter [tilespmem:s25], [sflag:$0x9], $0x2000, $0x38;
	[tilespmem:$0x1BD00] =	vst v63  }
0x104: {  	_ =	swait.ge [sflag:s23], $0x2000  }
0x105: {  	[sflag:s23] =	ssyncset.done $0x0  }
0x106: {  	[sflag:s23] =	ssyncadd.s32 $0xFFFFE000  }
0x107: {  	[spmem:s9] =	stream.linear.scatter [tilespmem:s25], [sflag:$0x9], $0x2000, $0x38;
	[tilespmem:$0x1BD00] =	vst v63  }
0x108: {  	_ =	swait.ge [sflag:s23], $0x2000  }
0x109: {  	[sflag:s23] =	ssyncset.done $0x0  }
0x10a: {  	[sflag:s23] =	ssyncadd.s32 $0xFFFFE000  }
0x10b: {  	[spmem:s10] =	stream.linear.scatter [tilespmem:s25], [sflag:$0x9], $0x2000, $0x38;
	[tilespmem:$0x1BD00] =	vst v63  }
0x10c: {  	_ =	swait.ge [sflag:s23], $0x2000  }
0x10d: {  	[sflag:s23] =	ssyncset.done $0x0  }
0x10e: {  	[sflag:s23] =	ssyncadd.s32 $0xFFFFE000  }
0x10f: {  	[spmem:s11] =	stream.linear.scatter [tilespmem:s25], [sflag:$0x9], $0x2000, $0x38;
	[tilespmem:$0x1BD00] =	vst v63  }
0x110: {  	_ =	swait.ge [sflag:s23], $0x2000  }
0x111: {  	[sflag:s23] =	ssyncset.done $0x0  }
0x112: {  	[sflag:s23] =	ssyncadd.s32 $0xFFFFE000  }
0x113: {  	s15 =	simm.s32 $0x0;
	[bflag:$0x0] =	sbarrier.arrive $0xFFFF  }
0x114: {  	[tilespmem:s25], [sflag:$0x1] =	stream.indirect.gather [hbm4b:s4+s26], $0x40, s15, s26, $0xb8;
	[tilespmem:$0x1BD00] =	vst v63  }
0x115: {  	_ = 	snop  }
0x116: {  	[tilespmem:s28], [sflag:$0x2] =	stream.indirect.gather [hbm4b:s4+s26], $0x40, s26, s26, $0xb8;
	[tilespmem:$0x1BD00] =	vst v63  }
0x117: {  	s22 =	simm.s32 $0x100  }
0x118: {  	[tilespmem:s30], [sflag:$0x3] =	stream.indirect.gather [hbm4b:s4+s26], $0x40, s22, s26, $0xb8;
	[tilespmem:$0x1BD00] =	vst v63  }
0x119: {  	s21 =	simm.s32 $0x180  }
0x11a: {  	[tilespmem:s0], [sflag:$0x4] =	stream.indirect.gather [hbm4b:s4+s26], $0x40, s21, s26, $0xb8;
	[tilespmem:$0x1BD00] =	vst v63  }
0x11b: {  	_ =	swait.ge [sflag:s2], $0x2000  }
0x11c: {  	[sflag:s2] =	ssyncset.done $0x0  }
0x11d: {  	s22 =	simm.s32 $0x4E80;
	[sflag:s2] =	ssyncadd.s32 $0xFFFFE000  }
0x11e: {  	[spmem:s1] =	stream.indirect.scatter.add.f32 [tilespmem:s25], [sflag:$0x5], $0x40, s22, s26, $0xb8;
	[tilespmem:$0x1BD00] =	vst v63  }
0x11f: {  	_ =	swait.ge [sflag:s24], $0x2000  }
0x120: {  	[sflag:s24] =	ssyncset.done $0x0  }
0x121: {  	s21 =	simm.s32 $0x4F00;
	[sflag:s24] =	ssyncadd.s32 $0xFFFFE000  }
0x122: {  	[spmem:s1] =	stream.indirect.scatter.add.f32 [tilespmem:s28], [sflag:$0x6], $0x40, s21, s26, $0xb8;
	[tilespmem:$0x1BD00] =	vst v63  }
0x123: {  	_ =	swait.ge [sflag:s3], $0x2000  }
0x124: {  	[sflag:s3] =	ssyncset.done $0x0  }
0x125: {  	s22 =	simm.s32 $0x4F80;
	[sflag:s3] =	ssyncadd.s32 $0xFFFFE000  }
0x126: {  	[spmem:s1] =	stream.indirect.scatter.add.f32 [tilespmem:s30], [sflag:$0x7], $0x40, s22, s26, $0xb8;
	[tilespmem:$0x1BD00] =	vst v63  }
0x127: {  	_ =	swait.ge [sflag:s5], $0x2000  }
0x128: {  	[sflag:s5] =	ssyncset.done $0x0  }
0x129: {  	s21 =	simm.s32 $0x5000;
	[sflag:s5] =	ssyncadd.s32 $0xFFFFE000  }
0x12a: {  	[spmem:s1] =	stream.indirect.scatter.add.f32 [tilespmem:s0], [sflag:$0x8], $0x40, s21, s26, $0xb8;
	[tilespmem:$0x1BD00] =	vst v63  }
0x12b: {  	_ =	swait.ge [sflag:s6], $0x2000  }
0x12c: {  	[sflag:s6] =	ssyncset.done $0x0  }
0x12d: {  	s22 =	simm.s32 $0x200;
	[sflag:s6] =	ssyncadd.s32 $0xFFFFE000  }
0x12e: {  	[tilespmem:s25], [sflag:$0x1] =	stream.indirect.gather [hbm4b:s4+s26], $0x40, s22, s26, $0xb8;
	[tilespmem:$0x1BD00] =	vst v63  }
0x12f: {  	_ =	swait.ge [sflag:s12], $0x2000  }
0x130: {  	[sflag:s12] =	ssyncset.done $0x0  }
0x131: {  	s21 =	simm.s32 $0x280;
	[sflag:s12] =	ssyncadd.s32 $0xFFFFE000  }
0x132: {  	[tilespmem:s28], [sflag:$0x2] =	stream.indirect.gather [hbm4b:s4+s26], $0x40, s21, s26, $0xb8;
	[tilespmem:$0x1BD00] =	vst v63  }
0x133: {  	_ =	swait.ge [sflag:s13], $0x2000  }
0x134: {  	[sflag:s13] =	ssyncset.done $0x0  }
0x135: {  	s22 =	simm.s32 $0x300;
	[sflag:s13] =	ssyncadd.s32 $0xFFFFE000  }
0x136: {  	[tilespmem:s30], [sflag:$0x3] =	stream.indirect.gather [hbm4b:s4+s26], $0x40, s22, s26, $0xb8;
	[tilespmem:$0x1BD00] =	vst v63  }
0x137: {  	_ =	swait.ge [sflag:s14], $0x2000  }
0x138: {  	[sflag:s14] =	ssyncset.done $0x0  }
0x139: {  	s21 =	simm.s32 $0x800;
	s22 =	simm.s32 $0x380;
	[sflag:s14] =	ssyncadd.s32 $0xFFFFE000  }
.LBB2_10:
0x13a: {  	[tilespmem:s0], [sflag:$0x4] =	stream.indirect.gather [hbm4b:s4+s26], $0x40, s22, s26, $0xb8;
	[tilespmem:$0x1BD00] =	vst v63  }
0x13b: {  	s15 =	smov.u32 s21  }
0x13c: {  	p0 =	sne.s32 s21, $0x12800;
	s21 =	sadd.s32 $0x800, s21;
	_ =	swait.ge [sflag:s2], $0x2000  }
0x13d: {  	s22 =	sshra.s32 s15, $0x2;
	[sflag:s2] =	ssyncset.done $0x0  }
0x13e: {  	s15 =	sadd.s32 $0x4E80, s22;
	[sflag:s2] =	ssyncadd.s32 $0xFFFFE000  }
0x13f: {  	[spmem:s1] =	stream.indirect.scatter.add.f32 [tilespmem:s25], [sflag:$0x5], $0x40, s15, s26, $0xb8;
	[tilespmem:$0x1BD00] =	vst v63  }
0x140: {  	_ =	swait.ge [sflag:s24], $0x2000  }
0x141: {  	[sflag:s24] =	ssyncset.done $0x0  }
0x142: {  	s15 =	sadd.s32 $0x4F00, s22;
	[sflag:s24] =	ssyncadd.s32 $0xFFFFE000  }
0x143: {  	[spmem:s1] =	stream.indirect.scatter.add.f32 [tilespmem:s28], [sflag:$0x6], $0x40, s15, s26, $0xb8;
	[tilespmem:$0x1BD00] =	vst v63  }
0x144: {  	_ =	swait.ge [sflag:s3], $0x2000  }
0x145: {  	[sflag:s3] =	ssyncset.done $0x0  }
0x146: {  	s15 =	sadd.s32 $0x4F80, s22;
	[sflag:s3] =	ssyncadd.s32 $0xFFFFE000  }
0x147: {  	[spmem:s1] =	stream.indirect.scatter.add.f32 [tilespmem:s30], [sflag:$0x7], $0x40, s15, s26, $0xb8;
	[tilespmem:$0x1BD00] =	vst v63  }
0x148: {  	_ =	swait.ge [sflag:s5], $0x2000  }
0x149: {  	[sflag:s5] =	ssyncset.done $0x0  }
0x14a: {  	s15 =	sadd.s32 $0x5000, s22;
	[sflag:s5] =	ssyncadd.s32 $0xFFFFE000  }
0x14b: {  	[spmem:s1] =	stream.indirect.scatter.add.f32 [tilespmem:s0], [sflag:$0x8], $0x40, s15, s26, $0xb8;
	[tilespmem:$0x1BD00] =	vst v63  }
0x14c: {  	_ =	swait.ge [sflag:s6], $0x2000  }
0x14d: {  	[sflag:s6] =	ssyncset.done $0x0  }
0x14e: {  	s15 =	sadd.s32 $0x200, s22;
	[sflag:s6] =	ssyncadd.s32 $0xFFFFE000  }
0x14f: {  	[tilespmem:s25], [sflag:$0x1] =	stream.indirect.gather [hbm4b:s4+s26], $0x40, s15, s26, $0xb8;
	[tilespmem:$0x1BD00] =	vst v63  }
0x150: {  	_ =	swait.ge [sflag:s12], $0x2000  }
0x151: {  	[sflag:s12] =	ssyncset.done $0x0  }
0x152: {  	s15 =	sadd.s32 $0x280, s22;
	[sflag:s12] =	ssyncadd.s32 $0xFFFFE000  }
0x153: {  	[tilespmem:s28], [sflag:$0x2] =	stream.indirect.gather [hbm4b:s4+s26], $0x40, s15, s26, $0xb8;
	[tilespmem:$0x1BD00] =	vst v63  }
0x154: {  	_ =	swait.ge [sflag:s13], $0x2000  }
0x155: {  	[sflag:s13] =	ssyncset.done $0x0  }
.Ltmp4:
0x156: {  	s15 =	sadd.s32 $0x300, s22;
	[sflag:s13] =	ssyncadd.s32 $0xFFFFE000;
	(pc) =	sbr.rel @p0 .LBB2_10-.Ltmp4, $4  }
0x157: {  	[tilespmem:s30], [sflag:$0x3] =	stream.indirect.gather [hbm4b:s4+s26], $0x40, s15, s26, $0xb8;
	[tilespmem:$0x1BD00] =	vst v63  }
0x158: {  	_ =	swait.ge [sflag:s14], $0x2000  }
0x159: {  	[sflag:s14] =	ssyncset.done $0x0  }
0x15a: {  	s22 =	sadd.s32 $0x380, s22;
	[sflag:s14] =	ssyncadd.s32 $0xFFFFE000  }
0x15b: {  	[tilespmem:s0], [sflag:$0x4] =	stream.indirect.gather [hbm4b:s4+s26], $0x40, s22, s26, $0xb8;
	[tilespmem:$0x1BD00] =	vst v63  }
0x15c: {  	_ =	swait.ge [sflag:s2], $0x2000  }
0x15d: {  	[sflag:s2] =	ssyncset.done $0x0  }
0x15e: {  	s15 =	simm.s32 $0x9A80;
	[sflag:s2] =	ssyncadd.s32 $0xFFFFE000  }
0x15f: {  	[spmem:s1] =	stream.indirect.scatter.add.f32 [tilespmem:s25], [sflag:$0x5], $0x40, s15, s26, $0xb8;
	[tilespmem:$0x1BD00] =	vst v63  }
0x160: {  	_ =	swait.ge [sflag:s24], $0x2000  }
0x161: {  	[sflag:s24] =	ssyncset.done $0x0  }
0x162: {  	[sflag:s24] =	ssyncadd.s32 $0xFFFFE000  }
0x163: {  	[spmem:s1] =	stream.indirect.scatter.add.f32 [tilespmem:s28], [sflag:$0x6], $0x40, s16, s26, $0xb8;
	[tilespmem:$0x1BD00] =	vst v63  }
0x164: {  	_ =	swait.ge [sflag:s3], $0x2000  }
0x165: {  	[sflag:s3] =	ssyncset.done $0x0  }
0x166: {  	[sflag:s3] =	ssyncadd.s32 $0xFFFFE000  }
0x167: {  	[spmem:s1] =	stream.indirect.scatter.add.f32 [tilespmem:s30], [sflag:$0x7], $0x40, s17, s26, $0xb8;
	[tilespmem:$0x1BD00] =	vst v63  }
0x168: {  	_ =	swait.ge [sflag:s5], $0x2000  }
0x169: {  	[sflag:s5] =	ssyncset.done $0x0  }
0x16a: {  	[sflag:s5] =	ssyncadd.s32 $0xFFFFE000  }
0x16b: {  	[spmem:s1] =	stream.indirect.scatter.add.f32 [tilespmem:s0], [sflag:$0x8], $0x40, s18, s26, $0xb8;
	[tilespmem:$0x1BD00] =	vst v63  }
0x16c: {  	_ =	swait.ge [sflag:s6], $0x2000  }
0x16d: {  	[sflag:s6] =	ssyncset.done $0x0  }
0x16e: {  	[sflag:s6] =	ssyncadd.s32 $0xFFFFE000  }
0x16f: {  	[tilespmem:s25], [sflag:$0x1] =	stream.indirect.gather [hbm4b:s4+s26], $0x40, s29, s26, $0xb8;
	[tilespmem:$0x1BD00] =	vst v63  }
0x170: {  	_ =	swait.ge [sflag:s12], $0x2000  }
0x171: {  	[sflag:s12] =	ssyncset.done $0x0  }
0x172: {  	[sflag:s12] =	ssyncadd.s32 $0xFFFFE000  }
0x173: {  	_ =	swait.ge [sflag:s13], $0x2000  }
0x174: {  	[sflag:s13] =	ssyncset.done $0x0  }
0x175: {  	[sflag:s13] =	ssyncadd.s32 $0xFFFFE000  }
0x176: {  	_ =	swait.ge [sflag:s14], $0x2000  }
0x177: {  	[sflag:s14] =	ssyncset.done $0x0  }
0x178: {  	[sflag:s14] =	ssyncadd.s32 $0xFFFFE000  }
0x179: {  	_ =	swait.ge [sflag:s2], $0x2000  }
0x17a: {  	[sflag:s2] =	ssyncset.done $0x0  }
0x17b: {  	[sflag:s2] =	ssyncadd.s32 $0xFFFFE000  }
0x17c: {  	[spmem:s1] =	stream.indirect.scatter.add.f32 [tilespmem:s25], [sflag:$0x9], $0x40, s19, s26, $0xb8;
	[tilespmem:$0x1BD00] =	vst v63  }
0x17d: {  	_ =	swait.ge [sflag:s23], $0x2000  }
0x17e: {  	[sflag:s23] =	ssyncset.done $0x0  }
0x17f: {  	[sflag:s23] =	ssyncadd.s32 $0xFFFFE000  }
0x180: {  	[bflag:$0x0] =	sbarrier.arrive $0xFFFF  }
0x181: {  	[tilespmem:s25], [sflag:$0x9] =	stream.linear.gather [spmem:s7], $0x2000, $0x38;
	[tilespmem:$0x1BD00] =	vst v63  }
0x182: {  	_ =	swait.ge [sflag:s23], $0x2000  }
0x183: {  	[sflag:s23] =	ssyncset.done $0x0  }
0x184: {  	s21 =	rddreg [dreg:$0xc];
	[sflag:s23] =	ssyncadd.s32 $0xFFFFE000  }
0x185: {  	[hbm4b:s21+s20] =	stream.strided.scatter [tilespmem:s25], [sflag:$0x9], $0x2000, s26, s20, $0x38;
	[tilespmem:$0x1BD00] =	vst v63  }
0x186: {  	_ =	swait.ge [sflag:s23], $0x2000  }
0x187: {  	[sflag:s23] =	ssyncset.done $0x0  }
0x188: {  	[sflag:s23] =	ssyncadd.s32 $0xFFFFE000  }
0x189: {  	[tilespmem:s25], [sflag:$0x9] =	stream.linear.gather [spmem:s8], $0x2000, $0x38;
	[tilespmem:$0x1BD00] =	vst v63  }
0x18a: {  	_ =	swait.ge [sflag:s23], $0x2000  }
0x18b: {  	[sflag:s23] =	ssyncset.done $0x0  }
0x18c: {  	s22 =	rddreg [dreg:$0xd];
	[sflag:s23] =	ssyncadd.s32 $0xFFFFE000  }
0x18d: {  	[hbm4b:s22+s20] =	stream.strided.scatter [tilespmem:s25], [sflag:$0x9], $0x2000, s26, s20, $0x38;
	[tilespmem:$0x1BD00] =	vst v63  }
0x18e: {  	_ =	swait.ge [sflag:s23], $0x2000  }
0x18f: {  	[sflag:s23] =	ssyncset.done $0x0  }
0x190: {  	[sflag:s23] =	ssyncadd.s32 $0xFFFFE000  }
0x191: {  	[tilespmem:s25], [sflag:$0x9] =	stream.linear.gather [spmem:s9], $0x2000, $0x38;
	[tilespmem:$0x1BD00] =	vst v63  }
0x192: {  	_ =	swait.ge [sflag:s23], $0x2000  }
0x193: {  	[sflag:s23] =	ssyncset.done $0x0  }
0x194: {  	s21 =	rddreg [dreg:$0xe];
	[sflag:s23] =	ssyncadd.s32 $0xFFFFE000  }
0x195: {  	[hbm4b:s21+s20] =	stream.strided.scatter [tilespmem:s25], [sflag:$0x9], $0x2000, s26, s20, $0x38;
	[tilespmem:$0x1BD00] =	vst v63  }
0x196: {  	_ =	swait.ge [sflag:s23], $0x2000  }
0x197: {  	[sflag:s23] =	ssyncset.done $0x0  }
0x198: {  	[sflag:s23] =	ssyncadd.s32 $0xFFFFE000  }
0x199: {  	[tilespmem:s25], [sflag:$0x9] =	stream.linear.gather [spmem:s10], $0x2000, $0x38;
	[tilespmem:$0x1BD00] =	vst v63  }
0x19a: {  	_ =	swait.ge [sflag:s23], $0x2000  }
0x19b: {  	[sflag:s23] =	ssyncset.done $0x0  }
0x19c: {  	s22 =	rddreg [dreg:$0xf];
	[sflag:s23] =	ssyncadd.s32 $0xFFFFE000  }
0x19d: {  	[hbm4b:s22+s20] =	stream.strided.scatter [tilespmem:s25], [sflag:$0x9], $0x2000, s26, s20, $0x38;
	[tilespmem:$0x1BD00] =	vst v63  }
0x19e: {  	_ =	swait.ge [sflag:s23], $0x2000  }
0x19f: {  	[sflag:s23] =	ssyncset.done $0x0  }
0x1a0: {  	[sflag:s23] =	ssyncadd.s32 $0xFFFFE000  }
0x1a1: {  	[tilespmem:s25], [sflag:$0x9] =	stream.linear.gather [spmem:s11], $0x2000, $0x38;
	[tilespmem:$0x1BD00] =	vst v63  }
0x1a2: {  	_ =	swait.ge [sflag:s23], $0x2000  }
0x1a3: {  	[sflag:s23] =	ssyncset.done $0x0  }
0x1a4: {  	s21 =	rddreg [dreg:$0x10];
	[sflag:s23] =	ssyncadd.s32 $0xFFFFE000  }
0x1a5: {  	[hbm4b:s21+s20] =	stream.strided.scatter [tilespmem:s25], [sflag:$0x9], $0x2000, s26, s20, $0x38;
	[tilespmem:$0x1BD00] =	vst v63  }
0x1a6: {  	_ =	swait.ge [sflag:s23], $0x2000  }
0x1a7: {  	s31 =	sadd.s32 $0x1, s31;
	s22 =	rddreg [dreg:$0x11]  }
0x1a8: {  	p0 =	sne.s32 s31, s22  }
.Ltmp5:
0x1a9: {  	_ = 	snop;
	(pc) =	sbr.rel @p0 .LBB2_1-.Ltmp5, $3  }
0x1aa: {  	_ =	sdelay $0x1  }
0x1ab: {  	[sflag:s23] =	ssyncset.done $0x0  }
0x1ac: {  	[sflag:s23] =	ssyncadd.s32 $0xFFFFE000  }
0x1ad: {  	_ =	sfence.sel $0x180000  }
0x1ae: {  	[bflag:$0x0] =	sbarrier.arrive $0xFFFF  }
0x1af: {  	_ =	strace $0x9000004A  }
0x1b0: {  	s0 =	stileid.u32;
	[bflag:$0x2] =	sbarrier.arrive $0xFFFF  }
0x1b1: {  	p0 =	sne.s32 s0, $0x0;
	s0 =	rddreg [dreg:$0x4]  }
0x1b2: {  	s0 =	sadd.s32 @!p0 $0x100000, s0  }
0x1b3: {  	[sflag:s0] =	ssyncadd.tile.s32 @!p0 $0x1;
	_ =	shalt  }
.Lfunc_end2:
_tile_overlayer_lowered:
.L_overlay_start_2:
0x1b4: {  	(tag) =	ssettag $0x2  }
0x1b5: {  	s0 =	rddreg [dreg:$0x0];
	s2 =	stileid.u32  }
0x1b6: {  	s1 =	rddreg [dreg:$0x1];
	p0 =	sne.s32 s2, $0x0  }
0x1b7: {  	s3 =	rddreg [dreg:$0x2];
	[bflag:$0x3] =	sbarrier.arrive $0xFFFF;
	s2 =	simm.s32 @!p0 $0x1C09  }
0x1b8: {  	[timem:s3], [sflag:s2] =	dma.local @!p0 [hbm:s0], s1  }
0x1b9: {  	s0 =	simm.s32 @!p0 $0x9  }
0x1ba: {  	_ =	swait.ge @!p0 [sflag:s0], s1  }
0x1bb: {  	s1 =	ssub.s32 @!p0 $0x0, s1;
	[sflag:s0] =	ssyncset.done @!p0 $0x0  }
0x1bc: {  	[sflag:s0] =	ssyncadd.s32 @!p0 s1  }
0x1bd: {  	[bflag:$0x3] =	sbarrier.arrive $0xFFFF  }
0x1be: {  	_ =	shalt  }

// kernel: sc_segment_sum_cnt.3.cloned.1.call-start
scs
__scs_entry_jumppad:
0x0: {  	(pc) =	sbr.rel $0x88, $3  }
0x1: {  	(tag) =	ssettag $0x0;
	lr =	simm.s32 $0x1  }
0x2: {  	[smem:$0x3F88] =	sst lr;
	_ =	strace $0xD0000000  }
0x3: {  	_ = 	snop  }
0x4: {  	_ = 	snop  }
0x5: {  	_ = 	snop  }
0x6: {  	_ = 	snop  }
0x7: {  	_ = 	snop  }
__scs_overlays_trampoline_lowered:
0x8: {  	[smem:$0x3F97] =	sst s0  }
0x9: {  	[smem:$0x3F98] =	sst s1  }
0xa: {  	[smem:$0x3F99] =	sst s2  }
0xb: {  	[smem:$0x3F9A] =	sst s3  }
0xc: {  	[smem:$0x3F9B] =	sst s4  }
0xd: {  	[smem:$0x3F9C] =	sst s5  }
0xe: {  	[smem:$0x3F9D] =	sst s6  }
0xf: {  	[smem:$0x3F9E] =	sst s7  }
0x10: {  	[smem:$0x3F9F] =	sst s8  }
0x11: {  	[smem:$0x3FA0] =	sst s9;
	s0 =	simm.s32 @!p0 $0x0  }
0x12: {  	s1 =	sld [smem:$0x3F86];
	s0 =	simm.s32 @p0 $0x1  }
0x13: {  	[smem:$0x3FA1] =	sst s0;
	s0 =	simm.s32 @!p1 $0x0  }
0x14: {  	s2 =	sld [smem:$0x3F85];
	s0 =	simm.s32 @p1 $0x1  }
0x15: {  	[smem:$0x3FA2] =	sst s0;
	s0 =	simm.s32 @!p2 $0x0  }
0x16: {  	s3 =	sld [smem:$0x3FDB];
	s0 =	simm.s32 @p2 $0x1  }
0x17: {  	s4 =	simm.s32 $0x1BF5;
	[smem:$0x3FA4] =	sst s0  }
0x18: {  	s0 =	sld [smem:$0x3F87];
	_ =	swait.ge [sflag:s4], $0x0  }
0x19: {  	s7 =	sld [smem:$0x3F88]  }
0x1a: {  	s8 =	sadd.s32 $0xFFFFE003, lr  }
0x1b: {  	s9 =	sadd.s32 $0xFFFFFEF7, lr;
	s5 =	simm.s32 $0xFFFFFFFF;
	p2 =	slt.u32 s8, $0xFFFFF086  }
0x1c: {  	p1 =	slt.u32 s9, $0xF7A;
	s5 =	simm.s32 @!p2 $0x0  }
0x1d: {  	s5 =	simm.s32 @p1 $0x1;
	p0 =	seq.s32 s7, s2  }
0x1e: {  	s7 =	smul.u32 @!p0 $0xF7A, s2;
	p2 =	seq.s32 @!p0 s5, $0x0  }
0x1f: {  	s9 =	smul.u32 $0xF7A, s1;
	s8 =	simm.s32 @!p0 $0x1BF5;
	p2 =	por !p2, p0  }
0x20: {  	[sflag:s8] =	ssyncset.s32 @!p0 $0xFFFFF086;
	s6 =	sadd.s32 @!p0 s3, s7;
	s7 =	simm.s32 @!p0 $0x108  }
0x21: {  	s3 =	sadd.s32 s3, s9;
	s6 =	sadd.s32 @!p0 $0x88, s6;
	s7 =	simm.s32 @p2 $0x1082  }
0x22: {  	[simem:s7], [sflag:s8] =	dma.local @!p0 [hbm:s6], $0xF7A  }
0x23: {  	s9 =	sor.u32 $0xD0000000, s2;
	s6 =	simm.s32 $0x108;
	_ =	swait.ge @!p0 [sflag:s8], $0x0  }
0x24: {  	s3 =	sadd.s32 $0x88, s3;
	s6 =	simm.s32 @!p1 $0x1082;
	[sflag:s4] =	ssyncset.s32 $0xFFFFF086  }
0x25: {  	[simem:s6], [sflag:s4] =	dma.local [hbm:s3], $0xF7A  }
0x26: {  	[smem:$0x3F88] =	sst s1;
	(tag) =	ssettag s2;
	_ =	strace s9  }
0x27: {  	s1 =	sld [smem:$0x3F98]  }
0x28: {  	s2 =	sld [smem:$0x3F99]  }
0x29: {  	s4 =	sld [smem:$0x3F9B]  }
0x2a: {  	p0 =	seq.s32 s5, $0x0;
	s5 =	sld [smem:$0x3F9C]  }
0x2b: {  	s6 =	sld [smem:$0x3F9D]  }
0x2c: {  	s7 =	sld [smem:$0x3F9E]  }
0x2d: {  	s3 =	simm.s32 $0x108;
	s8 =	sld [smem:$0x3F9F]  }
0x2e: {  	s3 =	simm.s32 @!p0 $0x1082;
	s9 =	sld [smem:$0x3FA0]  }
0x2f: {  	lr =	sadd.s32 s0, s3;
	s0 =	sld [smem:$0x3F97]  }
0x30: {  	s3 =	sld [smem:$0x3F9A]  }
0x31: {  	[smem:$0x3FA3] =	sst s10  }
0x32: {  	s10 =	sld [smem:$0x3FA1];
	_ =	sdelay $0x3  }
0x33: {  	p0 =	seq.s32 s10, $0x1;
	s10 =	sld [smem:$0x3FA3];
	_ =	sdelay $0x3  }
0x34: {  	[smem:$0x3FA3] =	sst s10  }
0x35: {  	s10 =	sld [smem:$0x3FA2];
	_ =	sdelay $0x3  }
0x36: {  	p1 =	seq.s32 s10, $0x1;
	s10 =	sld [smem:$0x3FA3];
	_ =	sdelay $0x3  }
0x37: {  	[smem:$0x3FA3] =	sst s10  }
0x38: {  	s10 =	sld [smem:$0x3FA4]  }
0x39: {  	_ = 	snop;
	(pc) =	sbr.ind lr, $3  }
0x3a: {  	_ = 	snop  }
0x3b: {  	_ = 	snop  }
0x3c: {  	p2 =	seq.s32 s10, $0x1;
	s10 =	sld [smem:$0x3FA3]  }
0x3d: {  	_ =	shalt  }
0x3e: {  	_ =	shalt  }
0x3f: {  	_ =	shalt  }
0x40: {  	_ =	shalt  }
0x41: {  	_ =	shalt  }
0x42: {  	_ =	shalt  }
0x43: {  	_ =	shalt  }
0x44: {  	_ =	shalt  }
0x45: {  	_ =	shalt  }
0x46: {  	_ =	shalt  }
0x47: {  	_ =	shalt  }
0x48: {  	_ =	shalt  }
0x49: {  	_ =	shalt  }
0x4a: {  	_ =	shalt  }
0x4b: {  	_ =	shalt  }
0x4c: {  	_ =	shalt  }
0x4d: {  	_ =	shalt  }
0x4e: {  	_ =	shalt  }
0x4f: {  	_ =	shalt  }
0x50: {  	_ =	shalt  }
0x51: {  	_ =	shalt  }
0x52: {  	_ =	shalt  }
0x53: {  	_ =	shalt  }
0x54: {  	_ =	shalt  }
0x55: {  	_ =	shalt  }
0x56: {  	_ =	shalt  }
0x57: {  	_ =	shalt  }
0x58: {  	_ =	shalt  }
0x59: {  	_ =	shalt  }
0x5a: {  	_ =	shalt  }
0x5b: {  	_ =	shalt  }
0x5c: {  	_ =	shalt  }
0x5d: {  	_ =	shalt  }
0x5e: {  	_ =	shalt  }
0x5f: {  	_ =	shalt  }
0x60: {  	_ =	shalt  }
0x61: {  	_ =	shalt  }
0x62: {  	_ =	shalt  }
0x63: {  	_ =	shalt  }
0x64: {  	_ =	shalt  }
0x65: {  	_ =	shalt  }
0x66: {  	_ =	shalt  }
0x67: {  	_ =	shalt  }
0x68: {  	_ =	shalt  }
0x69: {  	_ =	shalt  }
0x6a: {  	_ =	shalt  }
0x6b: {  	_ =	shalt  }
0x6c: {  	_ =	shalt  }
0x6d: {  	_ =	shalt  }
0x6e: {  	_ =	shalt  }
0x6f: {  	_ =	shalt  }
0x70: {  	_ =	shalt  }
0x71: {  	_ =	shalt  }
0x72: {  	_ =	shalt  }
0x73: {  	_ =	shalt  }
0x74: {  	_ =	shalt  }
0x75: {  	_ =	shalt  }
0x76: {  	_ =	shalt  }
0x77: {  	_ =	shalt  }
0x78: {  	_ =	shalt  }
0x79: {  	_ =	shalt  }
0x7a: {  	_ =	shalt  }
0x7b: {  	_ =	shalt  }
0x7c: {  	_ =	shalt  }
0x7d: {  	_ =	shalt  }
0x7e: {  	_ =	shalt  }
0x7f: {  	_ =	shalt  }
0x80: {  	_ =	shalt  }
0x81: {  	_ =	shalt  }
0x82: {  	_ =	shalt  }
0x83: {  	_ =	shalt  }
0x84: {  	_ =	shalt  }
0x85: {  	_ =	shalt  }
0x86: {  	_ =	shalt  }
0x87: {  	_ =	shalt  }
.Lfunc_end0:
.L_simem_size_0:
called_computation_lowered:
.L_overlay_start_0:
0x88: {  	s2 =	sld [smem:$0x3FD9]  }
0x89: {  	s3 =	sld [smem:$0x3FFE];
	_ =	sdelay $0x1  }
0x8a: {  	s1 =	srdreg.scid  }
0x8b: {  	s0 =	sand.u32 $0x1, s1  }
0x8c: {  	s14 =	sshll.u32 s0, $0xA;
	s2 =	sadd.s32 s3, s2  }
0x8d: {  	s2 =	sadd.s32 s2, s14  }
0x8e: {  	[smem:$0x3FAF] =	sst s2  }
0x8f: {  	_ = 	snop  }
0x90: {  	s2 =	sld [smem:$0x3FD0];
	_ =	sdelay $0x2  }
0x91: {  	s15 =	simm.s32 $0xA;
	s4 =	simm.s32 $0x10  }
0x92: {  	[smem:s4], [sflag:s15] =	dma.local [hbm:s2], $0x1  }
0x93: {  	_ =	swait.eq [sflag:s15], $0x1  }
0x94: {  	[sflag:s15] =	ssyncset.done $0x0  }
0x95: {  	s16 =	sld [smem:$0x10];
	[sflag:s15] =	ssyncadd.s32 $0xFFFFFFFF  }
0x96: {  	s17 =	sld [smem:$0x11];
	(tm) =	ssettm $0x1  }
0x97: {  	s18 =	sld [smem:$0x3FFB];
	_ =	sdelay $0x3  }
0x98: {  	_ =	strace s18  }
0x99: {  	s4 =	sld [smem:$0x3FFC];
	_ =	sdelay $0x3  }
0x9a: {  	_ =	strace s4  }
0x9b: {  	s4 =	sld [smem:$0x3FFD];
	_ =	sdelay $0x3  }
0x9c: {  	_ =	strace s4  }
0x9d: {  	_ =	strace $0x8FFFFFFF  }
0x9e: {  	s19 =	sld [smem:$0x3FDB];
	_ =	sdelay $0x1  }
0x9f: {  	s5 =	simm.s32 $_scs_section_size  }
0xa0: {  	s6 =	simm.s32 $_size__tile_overlayer_lowered;
	s7 =	simm.s32 $_tile_overlayer_lowered  }
0xa1: {  	s22 =	simm.s32 $0x1BFF;
	s21 =	sshll.u32 s7, $0x1;
	s4 =	sadd.s32 s5, s19  }
0xa2: {  	s8 =	simm.s32 $0x0;
	s20 =	sshll.u32 s6, $0x1;
	s6 =	sadd.s32 s21, s4  }
0xa3: {  	[timem:s8], [sflag:s22] =	dma.local [hbm:s6], s20  }
0xa4: {  	_ =	swait.ge [sflag:s22], s20  }
0xa5: {  	s5 =	ssub.s32 $0x0, s20;
	[sflag:s22] =	ssyncset.done $0x0  }
0xa6: {  	[sflag:s22] =	ssyncadd.s32 s5;
	_ =	sdelay $0x1  }
0xa7: {  	s23 =	simm.s32 $0x1B8B  }
0xa8: {  	_ =	swait.ge [sflag:s23], $0x1  }
0xa9: {  	[sflag:s23] =	ssyncset.done $0x0  }
0xaa: {  	s25 =	simm.s32 $0x1B8E;
	s24 =	sld [smem:$0x3FFE];
	[sflag:s23] =	ssyncadd.s32 $0xFFFFFFFF  }
0xab: {  	s26 =	simm.s32 $execute0_lowered;
	[smem:$0x3FD2] =	sst s25  }
0xac: {  	s6 =	sshll.u32 s26, $0x1;
	_ =	strace $0x80000046;
	[dreg:$0x1] =	wrdreg $0xFFFFFFFF  }
0xad: {  	s28 =	simm.s32 $_size_execute0_lowered;
	s4 =	sadd.s32 s4, s6;
	[dreg:$0x0] =	wrdreg $0x0  }
0xae: {  	s6 =	sshll.u32 s28, $0x1;
	[dreg:$0x2] =	wrdreg s4  }
0xaf: {  	[dreg:$0x3] =	wrdreg s6  }
0xb0: {  	[dreg:$0x4] =	wrdreg $0xC0  }
0xb1: {  	_ =	task [dreg:s8], $0x5FFFF  }
0xb2: {  	[dreg:$0x1] =	wrdreg $0xFFFFFFFF  }
0xb3: {  	[dreg:$0x0] =	wrdreg $0x60  }
0xb4: {  	[dreg:$0x2] =	wrdreg s16  }
0xb5: {  	[dreg:$0x3] =	wrdreg s17  }
0xb6: {  	[dreg:$0x4] =	wrdreg s24  }
0xb7: {  	[dreg:$0x5] =	wrdreg $0x125000  }
0xb8: {  	[dreg:$0x6] =	wrdreg $0x1C5000  }
0xb9: {  	[dreg:$0x7] =	wrdreg $0x9  }
0xba: {  	_ =	task.clear_ibuf [dreg:s8], $0x8FFFF;
	_ =	strace $0x90000046  }
0xbb: {  	s29 =	simm.s32 $0x9;
	_ =	strace $0x80000048  }
0xbc: {  	_ =	swait.ge [sflag:s29], $0x1  }
0xbd: {  	[sflag:s29] =	ssyncadd.s32 $0xFFFFFFFF  }
0xbe: {  	_ =	strace $0x90000048  }
0xbf: {  	_ =	sfence  }
0xc0: {  	s30 =	sld [smem:$0x0];
	_ =	sdelay $0x2  }
0xc1: {  	s31 =	sshll.u32 s1, $0xD;
	s1 =	sshrl.u32 s1, $0x2  }
0xc2: {  	s3 =	sand.u32 $0x4000, s31;
	s1 =	sadd.s32 s1, s30  }
0xc3: {  	s0 =	sor.u32 s3, s0;
	s1 =	sshll.u32 s1, $0x11  }
0xc4: {  	s0 =	sor.u32 s1, s0  }
0xc5: {  	s0 =	sadd.s32 $0x8F2B, s0  }
0xc6: {  	[sflag:s0] =	ssyncadd.remote.s32 $0x1  }
0xc7: {  	_ =	sfence.sel $0xFFFF  }
0xc8: {  	[dreg:$0x0] =	wrdreg $0xFFFFFFFF;
	(pc) =	sbr.abs _section_cstart, $3  }
0xc9: {  	[dreg:$0x1] =	wrdreg $0xFFFFFFFF  }
0xca: {  	_ =	task.clear_ibuf [dreg:s8], $0x2FFFF;
	_ =	strace $0x9FFFFFFF  }
0xcb: {  	(tm) =	ssettm $0x7FFFFFFF  }
tec
execute0_lowered:
.L_overlay_start_1:
0x0: {  	(tag) =	ssettag $0x1  }
0x1: {  	s1 =	rddreg [dreg:$0x0]  }
0x2: {  	s4 =	rddreg [dreg:$0x1]  }
0x3: {  	s0 =	srdreg.scid;
	s17 =	stileid.u32  }
0x4: {  	s5 =	rddreg [dreg:$0x2];
	s6 =	sand.u32 $0x1, s0;
	s0 =	smul.u32 $0x2800, s17  }
0x5: {  	s2 =	rddreg [dreg:$0x3];
	s9 =	smul.u32 $0x4E80, s17  }
0x6: {  	s3 =	rddreg [dreg:$0x4];
	s10 =	simm.s32 $0x0;
	s14 =	smul.u32 $0x280, s17  }
0x7: {  	s31 =	simm.s32 $0x9;
	s30 =	simm.s32 $0x40;
	s15 =	smul.u32 $0x14000, s17  }
0x8: {  	s28 =	simm.s32 $0x0;
	s29 =	simm.s32 $0x9C80;
	s24 =	smul.u32 $0x28000, s17  }
0x9: {  	[smem:$0x7FF] =	sst s10;
	s26 =	sadd.s32 $0x5CC00, s5;
	s7 =	smul.u32 $0x28000, s6  }
0xa: {  	s20 =	sadd.s32 $0x5CC08, s5;
	s8 =	smul.u32 $0x4E800, s6;
	s11 =	ssub.s32 $0x2, s6  }
0xb: {  	s17 =	sadd.s32 $0x4A00, s5;
	s6 =	smul.u32 $0x140000, s6;
	s12 =	sshrl.u32 s11, $0x1  }
0xc: {  	s7 =	sadd.s32 s0, s7;
	s8 =	sadd.s32 s9, s8;
	s11 =	ssub.s32 s11, s12  }
0xd: {  	s12 =	sadd.s32 $0x180, s14;
	s9 =	sadd.s32 $0x200, s14;
	s0 =	sadd.s32 s0, s3  }
0xe: {  	s7 =	sshrl.u32 s7, $0x3;
	s8 =	sshrl.u32 s8, $0x3;
	s18 =	sshll.u32 s12, $0x7  }
0xf: {  	s1 =	sadd.s32 s1, s8;
	s4 =	sadd.s32 s4, s8;
	s8 =	sadd.s32 $0x100, s14  }
0x10: {  	s25 =	sadd.s32 s7, s5;
	s7 =	sshll.u32 s12, $0x6;
	[dreg:$0x6] =	wrdreg s1  }
0x11: {  	[dreg:$0x7] =	wrdreg s4;
	s4 =	sadd.s32 $0x80, s14;
	s1 =	sadd.s32 s15, s6  }
0x12: {  	s16 =	sshll.u32 s8, $0x7;
	s5 =	sshll.u32 s8, $0x6;
	s1 =	sshrl.u32 s1, $0x3  }
0x13: {  	s25 =	sadd.s32 $0x52C00, s25;
	s13 =	sshll.u32 s4, $0x7;
	s14 =	sadd.s32 s26, s1  }
0x14: {  	s13 =	sadd.s32 s6, s13;
	s1 =	sadd.s32 s1, s20;
	[dreg:$0x8] =	wrdreg s14  }
0x15: {  	s13 =	sshrl.u32 s13, $0x3;
	s14 =	sadd.s32 s6, s16;
	s16 =	sshll.u32 s9, $0x7  }
0x16: {  	[dreg:$0xd] =	wrdreg s1;
	s1 =	sshrl.u32 s24, $0x2;
	s15 =	sadd.s32 s26, s13  }
0x17: {  	s14 =	sshrl.u32 s14, $0x3;
	s21 =	sadd.s32 s13, s20;
	s13 =	sshll.u32 s4, $0x4  }
0x18: {  	[dreg:$0x9] =	wrdreg s15;
	s15 =	sadd.s32 s6, s18;
	s18 =	sadd.s32 s26, s14  }
0x19: {  	s6 =	sadd.s32 s6, s16;
	[dreg:$0xe] =	wrdreg s21;
	s22 =	sadd.s32 s14, s20  }
0x1a: {  	s21 =	sadd.s32 s7, s2;
	s14 =	sadd.s32 s13, s3;
	s16 =	sshll.u32 s12, $0x4  }
0x1b: {  	s7 =	simm.s32 $0xDD00;
	s12 =	simm.s32 $0x3;
	s13 =	simm.s32 $0x4  }
0x1c: {  	[dreg:$0xa] =	wrdreg s18;
	s15 =	sshrl.u32 s15, $0x3;
	s6 =	sshrl.u32 s6, $0x3  }
0x1d: {  	[dreg:$0xf] =	wrdreg s22;
	s18 =	sadd.s32 s1, s2;
	s1 =	simm.s32 $0x9D00  }
0x1e: {  	s19 =	sadd.s32 s26, s15;
	s10 =	sadd.s32 s26, s6;
	s23 =	sadd.s32 s15, s20  }
0x1f: {  	s6 =	sadd.s32 s6, s20;
	s26 =	sshll.u32 s4, $0x6;
	[dreg:$0xb] =	wrdreg s19  }
0x20: {  	s20 =	sadd.s32 s5, s2;
	s15 =	sshll.u32 s8, $0x4;
	[dreg:$0xc] =	wrdreg s10  }
0x21: {  	s4 =	simm.s32 $0x80;
	s5 =	simm.s32 $0xBD00;
	[dreg:$0x10] =	wrdreg s23  }
0x22: {  	s8 =	simm.s32 $0x9C00;
	[dreg:$0x11] =	wrdreg s6;
	s19 =	sadd.s32 s26, s2  }
0x23: {  	s10 =	sshll.u32 s9, $0x6;
	s23 =	sshll.u32 s9, $0x4;
	s26 =	smax.u32 s11, $0x1  }
0x24: {  	s9 =	simm.s32 $0xFD00;
	_ =	strace $0x80000047;
	[dreg:$0x18] =	wrdreg s0  }
0x25: {  	s11 =	simm.s32 $0x2;
	s22 =	sadd.s32 s10, s2;
	[dreg:$0x12] =	wrdreg s14  }
0x26: {  	s0 =	sadd.s32 s15, s3;
	s24 =	sadd.s32 s23, s3;
	[dreg:$0x16] =	wrdreg s25  }
0x27: {  	[dreg:$0x17] =	wrdreg s26;
	s10 =	simm.s32 $0x1;
	s14 =	simm.s32 $0x5  }
0x28: {  	s15 =	simm.s32 $0x6;
	s23 =	simm.s32 $0x9B80;
	[dreg:$0x13] =	wrdreg s0  }
0x29: {  	s0 =	sadd.s32 s16, s3;
	[dreg:$0x15] =	wrdreg s24;
	s16 =	simm.s32 $0x7  }
0x2a: {  	v0 =	vimm.f32 $0.0e+00;
	v1 =	vimm.f32 $1.000000000e+00;
	s24 =	simm.s32 $0x8;
	[dreg:$0x14] =	wrdreg s0;
	s0 =	simm.s32 $0x11D00  }
.LBB2_1:
0x2b: {  	s6 =	simm.s32 $0x0;
	s25 =	rddreg [dreg:$0x6]  }
0x2c: {  	[tilespmem:s6], [sflag:$0x9] =	stream.linear.gather [hbm4b:s25+s6], $0x4E80, $0x38;
	[tilespmem:$0x1ED00] =	vst v63  }
0x2d: {  	_ =	swait.ge [sflag:s31], $0x4E80  }
0x2e: {  	[sflag:s31] =	ssyncset.done $0x0  }
0x2f: {  	s26 =	simm.s32 $0x4E80;
	s25 =	rddreg [dreg:$0x7];
	[sflag:s31] =	ssyncadd.s32 $0xFFFFB180  }
0x30: {  	[tilespmem:s26], [sflag:$0x9] =	stream.linear.gather [hbm4b:s25+s6], $0x4E80, $0x38;
	[tilespmem:$0x1ED00] =	vst v63  }
0x31: {  	_ =	swait.ge [sflag:s31], $0x4E80  }
0x32: {  	[sflag:s31] =	ssyncset.done $0x0  }
0x33: {  	s25 =	simm.s32 $0x100;
	s6 =	simm.s32 $0x0;
	[sflag:s31] =	ssyncadd.s32 $0xFFFFB180  }
.LBB2_2:
0x34: {  	p0 =	sne.s32 s25, $0x7F00;
	[tilespmem:s6+$0x9D30] =	vst v0;
	s26 =	smov.u32 s25;
	s25 =	sadd.s32 $0x100, s25  }
.Ltmp0:
0x35: {  	[tilespmem:s6+$0x9D20] =	vst v0;
	(pc) =	sbr.rel @p0 .LBB2_2-.Ltmp0, $3  }
0x36: {  	[tilespmem:s6+$0x9D00] =	vst v0  }
0x37: {  	[tilespmem:s6+$0x9D10] =	vst v0;
	_ =	sdelay $0x1  }
0x38: {  	s6 =	sshra.s32 s26, $0x2  }
0x39: {  	[tilespmem:s6+$0x9D30] =	vst v0  }
0x3a: {  	[tilespmem:s6+$0x9D20] =	vst v0  }
0x3b: {  	[tilespmem:s6+$0x9D00] =	vst v0  }
0x3c: {  	[tilespmem:s6+$0x9D10] =	vst v0  }
0x3d: {  	[spmem:s18] =	stream.linear.scatter [tilespmem:s1], [sflag:$0x9], $0x2000, $0x38;
	[tilespmem:$0x1ED00] =	vst v63  }
0x3e: {  	_ =	swait.ge [sflag:s31], $0x2000  }
0x3f: {  	[sflag:s31] =	ssyncset.done $0x0  }
0x40: {  	[sflag:s31] =	ssyncadd.s32 $0xFFFFE000  }
0x41: {  	[spmem:s19] =	stream.linear.scatter [tilespmem:s1], [sflag:$0x9], $0x2000, $0x38;
	[tilespmem:$0x1ED00] =	vst v63  }
0x42: {  	_ =	swait.ge [sflag:s31], $0x2000  }
0x43: {  	[sflag:s31] =	ssyncset.done $0x0  }
0x44: {  	[sflag:s31] =	ssyncadd.s32 $0xFFFFE000  }
0x45: {  	[spmem:s20] =	stream.linear.scatter [tilespmem:s1], [sflag:$0x9], $0x2000, $0x38;
	[tilespmem:$0x1ED00] =	vst v63  }
0x46: {  	_ =	swait.ge [sflag:s31], $0x2000  }
0x47: {  	[sflag:s31] =	ssyncset.done $0x0  }
0x48: {  	[sflag:s31] =	ssyncadd.s32 $0xFFFFE000  }
0x49: {  	[spmem:s21] =	stream.linear.scatter [tilespmem:s1], [sflag:$0x9], $0x2000, $0x38;
	[tilespmem:$0x1ED00] =	vst v63  }
0x4a: {  	_ =	swait.ge [sflag:s31], $0x2000  }
0x4b: {  	[sflag:s31] =	ssyncset.done $0x0  }
0x4c: {  	[sflag:s31] =	ssyncadd.s32 $0xFFFFE000  }
0x4d: {  	[spmem:s22] =	stream.linear.scatter [tilespmem:s1], [sflag:$0x9], $0x2000, $0x38;
	[tilespmem:$0x1ED00] =	vst v63  }
0x4e: {  	_ =	swait.ge [sflag:s31], $0x2000  }
0x4f: {  	[sflag:s31] =	ssyncset.done $0x0  }
0x50: {  	s6 =	simm.s32 $0x40;
	s25 =	simm.s32 $0x0;
	[sflag:s31] =	ssyncadd.s32 $0xFFFFE000  }
.LBB2_4:
0x51: {  	p0 =	sne.s32 s6, $0x1FC0;
	[tilespmem:s25+$0x11D00] =	vst v0;
	s25 =	smov.u32 s6;
	s6 =	sadd.s32 $0x40, s6  }
.Ltmp1:
0x52: {  	(pc) =	sbr.rel @p0 .LBB2_4-.Ltmp1, $2  }
0x53: {  	_ =	sdelay $0x2  }
0x54: {  	s25 =	sshra.s32 s25, $0x2  }
0x55: {  	[tilespmem:s25+$0x11D00] =	vst v0;
	s6 =	rddreg [dreg:$0x18]  }
0x56: {  	[spmem:s6] =	stream.linear.scatter [tilespmem:s0], [sflag:$0x9], $0x800, $0x38;
	[tilespmem:$0x1ED00] =	vst v63  }
0x57: {  	_ =	swait.ge [sflag:s31], $0x800  }
0x58: {  	[sflag:s31] =	ssyncset.done $0x0  }
0x59: {  	s25 =	rddreg [dreg:$0x12];
	[sflag:s31] =	ssyncadd.s32 $0xFFFFF800  }
0x5a: {  	[spmem:s25] =	stream.linear.scatter [tilespmem:s0], [sflag:$0x9], $0x800, $0x38;
	[tilespmem:$0x1ED00] =	vst v63  }
0x5b: {  	_ =	swait.ge [sflag:s31], $0x800  }
0x5c: {  	[sflag:s31] =	ssyncset.done $0x0  }
0x5d: {  	s26 =	rddreg [dreg:$0x13];
	[sflag:s31] =	ssyncadd.s32 $0xFFFFF800  }
0x5e: {  	[spmem:s26] =	stream.linear.scatter [tilespmem:s0], [sflag:$0x9], $0x800, $0x38;
	[tilespmem:$0x1ED00] =	vst v63  }
0x5f: {  	_ =	swait.ge [sflag:s31], $0x800  }
0x60: {  	[sflag:s31] =	ssyncset.done $0x0  }
0x61: {  	s25 =	rddreg [dreg:$0x14];
	[sflag:s31] =	ssyncadd.s32 $0xFFFFF800  }
0x62: {  	[spmem:s25] =	stream.linear.scatter [tilespmem:s0], [sflag:$0x9], $0x800, $0x38;
	[tilespmem:$0x1ED00] =	vst v63  }
0x63: {  	_ =	swait.ge [sflag:s31], $0x800  }
0x64: {  	[sflag:s31] =	ssyncset.done $0x0  }
0x65: {  	s26 =	rddreg [dreg:$0x15];
	[sflag:s31] =	ssyncadd.s32 $0xFFFFF800  }
0x66: {  	[spmem:s26] =	stream.linear.scatter [tilespmem:s0], [sflag:$0x9], $0x800, $0x38;
	[tilespmem:$0x1ED00] =	vst v63  }
0x67: {  	_ =	swait.ge [sflag:s31], $0x800  }
0x68: {  	[sflag:s31] =	ssyncset.done $0x0  }
0x69: {  	s6 =	simm.s32 $0x40;
	s25 =	simm.s32 $0x0;
	[sflag:s31] =	ssyncadd.s32 $0xFFFFF800  }
.LBB2_6:
0x6a: {  	p0 =	sne.s32 s6, $0x1FC0;
	[tilespmem:s25+$0x11D00] =	vst v1;
	s25 =	smov.u32 s6;
	s6 =	sadd.s32 $0x40, s6  }
.Ltmp2:
0x6b: {  	(pc) =	sbr.rel @p0 .LBB2_6-.Ltmp2, $2  }
0x6c: {  	_ =	sdelay $0x2  }
0x6d: {  	s25 =	sshra.s32 s25, $0x2  }
0x6e: {  	[tilespmem:s25+$0x11D00] =	vst v1  }
0x6f: {  	s6 =	simm.s32 $0x0;
	[bflag:$0x0] =	sbarrier.arrive $0xFFFF  }
0x70: {  	[tilespmem:s1], [sflag:$0x1] =	stream.indirect.gather [hbm4b:s17+s4], $0x40, s6, s4, $0xb8;
	[tilespmem:$0x1ED00] =	vst v63  }
0x71: {  	_ = 	snop  }
0x72: {  	[tilespmem:s5], [sflag:$0x2] =	stream.indirect.gather [hbm4b:s17+s4], $0x40, s4, s4, $0xb8;
	[tilespmem:$0x1ED00] =	vst v63  }
0x73: {  	s26 =	simm.s32 $0x100  }
0x74: {  	[tilespmem:s7], [sflag:$0x3] =	stream.indirect.gather [hbm4b:s17+s4], $0x40, s26, s4, $0xb8;
	[tilespmem:$0x1ED00] =	vst v63  }
0x75: {  	s25 =	simm.s32 $0x180  }
0x76: {  	[tilespmem:s9], [sflag:$0x4] =	stream.indirect.gather [hbm4b:s17+s4], $0x40, s25, s4, $0xb8;
	[tilespmem:$0x1ED00] =	vst v63  }
0x77: {  	_ =	swait.ge [sflag:s10], $0x2000  }
0x78: {  	[sflag:s10] =	ssyncset.done $0x0  }
0x79: {  	s26 =	simm.s32 $0x4E80;
	[sflag:s10] =	ssyncadd.s32 $0xFFFFE000  }
0x7a: {  	[spmem:s2] =	stream.indirect.scatter.add.f32 [tilespmem:s1], [sflag:$0x5], $0x40, s26, s4, $0xb8;
	[tilespmem:$0x1ED00] =	vst v63  }
0x7b: {  	_ = 	snop  }
0x7c: {  	[spmem:s3] =	stream.indirect.scatter.add.f32 [tilespmem:s0], [sflag:$0x9], $0x10, s26, s4, $0xb8;
	[tilespmem:$0x1ED00] =	vst v63  }
0x7d: {  	_ =	swait.ge [sflag:s31], $0x800  }
0x7e: {  	[sflag:s31] =	ssyncset.done $0x0  }
0x7f: {  	[sflag:s31] =	ssyncadd.s32 $0xFFFFF800  }
0x80: {  	_ =	swait.ge [sflag:s11], $0x2000  }
0x81: {  	[sflag:s11] =	ssyncset.done $0x0  }
0x82: {  	s25 =	simm.s32 $0x4F00;
	[sflag:s11] =	ssyncadd.s32 $0xFFFFE000  }
0x83: {  	[spmem:s2] =	stream.indirect.scatter.add.f32 [tilespmem:s5], [sflag:$0x6], $0x40, s25, s4, $0xb8;
	[tilespmem:$0x1ED00] =	vst v63  }
0x84: {  	_ = 	snop  }
0x85: {  	[spmem:s3] =	stream.indirect.scatter.add.f32 [tilespmem:s0], [sflag:$0x9], $0x10, s25, s4, $0xb8;
	[tilespmem:$0x1ED00] =	vst v63  }
0x86: {  	_ =	swait.ge [sflag:s31], $0x800  }
0x87: {  	[sflag:s31] =	ssyncset.done $0x0  }
0x88: {  	[sflag:s31] =	ssyncadd.s32 $0xFFFFF800  }
0x89: {  	_ =	swait.ge [sflag:s12], $0x2000  }
0x8a: {  	[sflag:s12] =	ssyncset.done $0x0  }
0x8b: {  	s26 =	simm.s32 $0x4F80;
	[sflag:s12] =	ssyncadd.s32 $0xFFFFE000  }
0x8c: {  	[spmem:s2] =	stream.indirect.scatter.add.f32 [tilespmem:s7], [sflag:$0x7], $0x40, s26, s4, $0xb8;
	[tilespmem:$0x1ED00] =	vst v63  }
0x8d: {  	_ = 	snop  }
0x8e: {  	[spmem:s3] =	stream.indirect.scatter.add.f32 [tilespmem:s0], [sflag:$0x9], $0x10, s26, s4, $0xb8;
	[tilespmem:$0x1ED00] =	vst v63  }
0x8f: {  	_ =	swait.ge [sflag:s31], $0x800  }
0x90: {  	[sflag:s31] =	ssyncset.done $0x0  }
0x91: {  	[sflag:s31] =	ssyncadd.s32 $0xFFFFF800  }
0x92: {  	_ =	swait.ge [sflag:s13], $0x2000  }
0x93: {  	[sflag:s13] =	ssyncset.done $0x0  }
0x94: {  	s25 =	simm.s32 $0x5000;
	[sflag:s13] =	ssyncadd.s32 $0xFFFFE000  }
0x95: {  	[spmem:s2] =	stream.indirect.scatter.add.f32 [tilespmem:s9], [sflag:$0x8], $0x40, s25, s4, $0xb8;
	[tilespmem:$0x1ED00] =	vst v63  }
0x96: {  	_ = 	snop  }
0x97: {  	[spmem:s3] =	stream.indirect.scatter.add.f32 [tilespmem:s0], [sflag:$0x9], $0x10, s25, s4, $0xb8;
	[tilespmem:$0x1ED00] =	vst v63  }
0x98: {  	_ =	swait.ge [sflag:s31], $0x800  }
0x99: {  	[sflag:s31] =	ssyncset.done $0x0  }
0x9a: {  	[sflag:s31] =	ssyncadd.s32 $0xFFFFF800  }
0x9b: {  	_ =	swait.ge [sflag:s14], $0x2000  }
0x9c: {  	[sflag:s14] =	ssyncset.done $0x0  }
0x9d: {  	s26 =	simm.s32 $0x200;
	[sflag:s14] =	ssyncadd.s32 $0xFFFFE000  }
0x9e: {  	[tilespmem:s1], [sflag:$0x1] =	stream.indirect.gather [hbm4b:s17+s4], $0x40, s26, s4, $0xb8;
	[tilespmem:$0x1ED00] =	vst v63  }
0x9f: {  	_ =	swait.ge [sflag:s15], $0x2000  }
0xa0: {  	[sflag:s15] =	ssyncset.done $0x0  }
0xa1: {  	s25 =	simm.s32 $0x280;
	[sflag:s15] =	ssyncadd.s32 $0xFFFFE000  }
0xa2: {  	[tilespmem:s5], [sflag:$0x2] =	stream.indirect.gather [hbm4b:s17+s4], $0x40, s25, s4, $0xb8;
	[tilespmem:$0x1ED00] =	vst v63  }
0xa3: {  	_ =	swait.ge [sflag:s16], $0x2000  }
0xa4: {  	[sflag:s16] =	ssyncset.done $0x0  }
0xa5: {  	s26 =	simm.s32 $0x300;
	[sflag:s16] =	ssyncadd.s32 $0xFFFFE000  }
0xa6: {  	[tilespmem:s7], [sflag:$0x3] =	stream.indirect.gather [hbm4b:s17+s4], $0x40, s26, s4, $0xb8;
	[tilespmem:$0x1ED00] =	vst v63  }
0xa7: {  	_ =	swait.ge [sflag:s24], $0x2000  }
0xa8: {  	[sflag:s24] =	ssyncset.done $0x0  }
0xa9: {  	s6 =	simm.s32 $0x380;
	s25 =	simm.s32 $0x800;
	[sflag:s24] =	ssyncadd.s32 $0xFFFFE000  }
.LBB2_8:
0xaa: {  	[tilespmem:s9], [sflag:$0x4] =	stream.indirect.gather [hbm4b:s17+s4], $0x40, s6, s4, $0xb8;
	[tilespmem:$0x1ED00] =	vst v63  }
0xab: {  	s6 =	smov.u32 s25  }
0xac: {  	p0 =	sne.s32 s25, $0x12800;
	s25 =	sadd.s32 $0x800, s25;
	_ =	swait.ge [sflag:s10], $0x2000  }
0xad: {  	s6 =	sshra.s32 s6, $0x2;
	[sflag:s10] =	ssyncset.done $0x0  }
0xae: {  	s26 =	sadd.s32 $0x4E80, s6;
	[sflag:s10] =	ssyncadd.s32 $0xFFFFE000  }
0xaf: {  	[spmem:s2] =	stream.indirect.scatter.add.f32 [tilespmem:s1], [sflag:$0x5], $0x40, s26, s4, $0xb8;
	[tilespmem:$0x1ED00] =	vst v63  }
0xb0: {  	_ = 	snop  }
0xb1: {  	[spmem:s3] =	stream.indirect.scatter.add.f32 [tilespmem:s0], [sflag:$0x9], $0x10, s26, s4, $0xb8;
	[tilespmem:$0x1ED00] =	vst v63  }
0xb2: {  	_ =	swait.ge [sflag:s31], $0x800  }
0xb3: {  	[sflag:s31] =	ssyncset.done $0x0  }
0xb4: {  	[sflag:s31] =	ssyncadd.s32 $0xFFFFF800  }
0xb5: {  	_ =	swait.ge [sflag:s11], $0x2000  }
0xb6: {  	[sflag:s11] =	ssyncset.done $0x0  }
0xb7: {  	s26 =	sadd.s32 $0x4F00, s6;
	[sflag:s11] =	ssyncadd.s32 $0xFFFFE000  }
0xb8: {  	[spmem:s2] =	stream.indirect.scatter.add.f32 [tilespmem:s5], [sflag:$0x6], $0x40, s26, s4, $0xb8;
	[tilespmem:$0x1ED00] =	vst v63  }
0xb9: {  	_ = 	snop  }
0xba: {  	[spmem:s3] =	stream.indirect.scatter.add.f32 [tilespmem:s0], [sflag:$0x9], $0x10, s26, s4, $0xb8;
	[tilespmem:$0x1ED00] =	vst v63  }
0xbb: {  	_ =	swait.ge [sflag:s31], $0x800  }
0xbc: {  	[sflag:s31] =	ssyncset.done $0x0  }
0xbd: {  	[sflag:s31] =	ssyncadd.s32 $0xFFFFF800  }
0xbe: {  	_ =	swait.ge [sflag:s12], $0x2000  }
0xbf: {  	[sflag:s12] =	ssyncset.done $0x0  }
0xc0: {  	s26 =	sadd.s32 $0x4F80, s6;
	[sflag:s12] =	ssyncadd.s32 $0xFFFFE000  }
0xc1: {  	[spmem:s2] =	stream.indirect.scatter.add.f32 [tilespmem:s7], [sflag:$0x7], $0x40, s26, s4, $0xb8;
	[tilespmem:$0x1ED00] =	vst v63  }
0xc2: {  	_ = 	snop  }
0xc3: {  	[spmem:s3] =	stream.indirect.scatter.add.f32 [tilespmem:s0], [sflag:$0x9], $0x10, s26, s4, $0xb8;
	[tilespmem:$0x1ED00] =	vst v63  }
0xc4: {  	_ =	swait.ge [sflag:s31], $0x800  }
0xc5: {  	[sflag:s31] =	ssyncset.done $0x0  }
0xc6: {  	[sflag:s31] =	ssyncadd.s32 $0xFFFFF800  }
0xc7: {  	_ =	swait.ge [sflag:s13], $0x2000  }
0xc8: {  	[sflag:s13] =	ssyncset.done $0x0  }
0xc9: {  	s26 =	sadd.s32 $0x5000, s6;
	[sflag:s13] =	ssyncadd.s32 $0xFFFFE000  }
0xca: {  	[spmem:s2] =	stream.indirect.scatter.add.f32 [tilespmem:s9], [sflag:$0x8], $0x40, s26, s4, $0xb8;
	[tilespmem:$0x1ED00] =	vst v63  }
0xcb: {  	_ = 	snop  }
0xcc: {  	[spmem:s3] =	stream.indirect.scatter.add.f32 [tilespmem:s0], [sflag:$0x9], $0x10, s26, s4, $0xb8;
	[tilespmem:$0x1ED00] =	vst v63  }
0xcd: {  	_ =	swait.ge [sflag:s31], $0x800  }
0xce: {  	[sflag:s31] =	ssyncset.done $0x0  }
0xcf: {  	[sflag:s31] =	ssyncadd.s32 $0xFFFFF800  }
0xd0: {  	_ =	swait.ge [sflag:s14], $0x2000  }
0xd1: {  	[sflag:s14] =	ssyncset.done $0x0  }
0xd2: {  	s26 =	sadd.s32 $0x200, s6;
	[sflag:s14] =	ssyncadd.s32 $0xFFFFE000  }
0xd3: {  	[tilespmem:s1], [sflag:$0x1] =	stream.indirect.gather [hbm4b:s17+s4], $0x40, s26, s4, $0xb8;
	[tilespmem:$0x1ED00] =	vst v63  }
0xd4: {  	_ =	swait.ge [sflag:s15], $0x2000  }
0xd5: {  	[sflag:s15] =	ssyncset.done $0x0  }
0xd6: {  	s26 =	sadd.s32 $0x280, s6;
	[sflag:s15] =	ssyncadd.s32 $0xFFFFE000  }
0xd7: {  	[tilespmem:s5], [sflag:$0x2] =	stream.indirect.gather [hbm4b:s17+s4], $0x40, s26, s4, $0xb8;
	[tilespmem:$0x1ED00] =	vst v63  }
0xd8: {  	_ =	swait.ge [sflag:s16], $0x2000  }
0xd9: {  	[sflag:s16] =	ssyncset.done $0x0  }
.Ltmp3:
0xda: {  	s26 =	sadd.s32 $0x300, s6;
	[sflag:s16] =	ssyncadd.s32 $0xFFFFE000;
	(pc) =	sbr.rel @p0 .LBB2_8-.Ltmp3, $4  }
0xdb: {  	[tilespmem:s7], [sflag:$0x3] =	stream.indirect.gather [hbm4b:s17+s4], $0x40, s26, s4, $0xb8;
	[tilespmem:$0x1ED00] =	vst v63  }
0xdc: {  	_ =	swait.ge [sflag:s24], $0x2000  }
0xdd: {  	[sflag:s24] =	ssyncset.done $0x0  }
0xde: {  	s6 =	sadd.s32 $0x380, s6;
	[sflag:s24] =	ssyncadd.s32 $0xFFFFE000  }
0xdf: {  	[tilespmem:s9], [sflag:$0x4] =	stream.indirect.gather [hbm4b:s17+s4], $0x40, s6, s4, $0xb8;
	[tilespmem:$0x1ED00] =	vst v63  }
0xe0: {  	_ =	swait.ge [sflag:s10], $0x2000  }
0xe1: {  	[sflag:s10] =	ssyncset.done $0x0  }
0xe2: {  	s25 =	simm.s32 $0x9A80;
	[sflag:s10] =	ssyncadd.s32 $0xFFFFE000  }
0xe3: {  	[spmem:s2] =	stream.indirect.scatter.add.f32 [tilespmem:s1], [sflag:$0x5], $0x40, s25, s4, $0xb8;
	[tilespmem:$0x1ED00] =	vst v63  }
0xe4: {  	_ = 	snop  }
0xe5: {  	[spmem:s3] =	stream.indirect.scatter.add.f32 [tilespmem:s0], [sflag:$0x9], $0x10, s25, s4, $0xb8;
	[tilespmem:$0x1ED00] =	vst v63  }
0xe6: {  	_ =	swait.ge [sflag:s31], $0x800  }
0xe7: {  	[sflag:s31] =	ssyncset.done $0x0  }
0xe8: {  	[sflag:s31] =	ssyncadd.s32 $0xFFFFF800  }
0xe9: {  	_ =	swait.ge [sflag:s11], $0x2000  }
0xea: {  	[sflag:s11] =	ssyncset.done $0x0  }
0xeb: {  	s26 =	simm.s32 $0x9B00;
	[sflag:s11] =	ssyncadd.s32 $0xFFFFE000  }
0xec: {  	[spmem:s2] =	stream.indirect.scatter.add.f32 [tilespmem:s5], [sflag:$0x6], $0x40, s26, s4, $0xb8;
	[tilespmem:$0x1ED00] =	vst v63  }
0xed: {  	_ = 	snop  }
0xee: {  	[spmem:s3] =	stream.indirect.scatter.add.f32 [tilespmem:s0], [sflag:$0x9], $0x10, s26, s4, $0xb8;
	[tilespmem:$0x1ED00] =	vst v63  }
0xef: {  	_ =	swait.ge [sflag:s31], $0x800  }
0xf0: {  	[sflag:s31] =	ssyncset.done $0x0  }
0xf1: {  	[sflag:s31] =	ssyncadd.s32 $0xFFFFF800  }
0xf2: {  	_ =	swait.ge [sflag:s12], $0x2000  }
0xf3: {  	[sflag:s12] =	ssyncset.done $0x0  }
0xf4: {  	s25 =	simm.s32 $0x9B80;
	[sflag:s12] =	ssyncadd.s32 $0xFFFFE000  }
0xf5: {  	[spmem:s2] =	stream.indirect.scatter.add.f32 [tilespmem:s7], [sflag:$0x7], $0x40, s25, s4, $0xb8;
	[tilespmem:$0x1ED00] =	vst v63  }
0xf6: {  	_ = 	snop  }
0xf7: {  	[spmem:s3] =	stream.indirect.scatter.add.f32 [tilespmem:s0], [sflag:$0x9], $0x10, s25, s4, $0xb8;
	[tilespmem:$0x1ED00] =	vst v63  }
0xf8: {  	_ =	swait.ge [sflag:s31], $0x800  }
0xf9: {  	[sflag:s31] =	ssyncset.done $0x0  }
0xfa: {  	[sflag:s31] =	ssyncadd.s32 $0xFFFFF800  }
0xfb: {  	_ =	swait.ge [sflag:s13], $0x2000  }
0xfc: {  	[sflag:s13] =	ssyncset.done $0x0  }
0xfd: {  	s26 =	simm.s32 $0x9C00;
	[sflag:s13] =	ssyncadd.s32 $0xFFFFE000  }
0xfe: {  	[spmem:s2] =	stream.indirect.scatter.add.f32 [tilespmem:s9], [sflag:$0x8], $0x40, s26, s4, $0xb8;
	[tilespmem:$0x1ED00] =	vst v63  }
0xff: {  	_ = 	snop  }
0x100: {  	[spmem:s3] =	stream.indirect.scatter.add.f32 [tilespmem:s0], [sflag:$0x9], $0x10, s26, s4, $0xb8;
	[tilespmem:$0x1ED00] =	vst v63  }
0x101: {  	_ =	swait.ge [sflag:s31], $0x800  }
0x102: {  	[sflag:s31] =	ssyncset.done $0x0  }
0x103: {  	[sflag:s31] =	ssyncadd.s32 $0xFFFFF800  }
0x104: {  	_ =	swait.ge [sflag:s14], $0x2000  }
0x105: {  	[sflag:s14] =	ssyncset.done $0x0  }
0x106: {  	s25 =	simm.s32 $0x4E00;
	[sflag:s14] =	ssyncadd.s32 $0xFFFFE000  }
0x107: {  	[tilespmem:s1], [sflag:$0x1] =	stream.indirect.gather [hbm4b:s17+s4], $0x40, s25, s4, $0xb8;
	[tilespmem:$0x1ED00] =	vst v63  }
0x108: {  	_ =	swait.ge [sflag:s15], $0x2000  }
0x109: {  	[sflag:s15] =	ssyncset.done $0x0  }
0x10a: {  	[sflag:s15] =	ssyncadd.s32 $0xFFFFE000  }
0x10b: {  	_ =	swait.ge [sflag:s16], $0x2000  }
0x10c: {  	[sflag:s16] =	ssyncset.done $0x0  }
0x10d: {  	[sflag:s16] =	ssyncadd.s32 $0xFFFFE000  }
0x10e: {  	_ =	swait.ge [sflag:s24], $0x2000  }
0x10f: {  	[sflag:s24] =	ssyncset.done $0x0  }
0x110: {  	[sflag:s24] =	ssyncadd.s32 $0xFFFFE000  }
0x111: {  	_ =	swait.ge [sflag:s10], $0x2000  }
0x112: {  	[sflag:s10] =	ssyncset.done $0x0  }
0x113: {  	s26 =	simm.s32 $0x9C80;
	[sflag:s10] =	ssyncadd.s32 $0xFFFFE000  }
0x114: {  	[spmem:s2] =	stream.indirect.scatter.add.f32 [tilespmem:s1], [sflag:$0x9], $0x40, s26, s4, $0xb8;
	[tilespmem:$0x1ED00] =	vst v63  }
0x115: {  	_ =	swait.ge [sflag:s31], $0x2000  }
0x116: {  	[sflag:s31] =	ssyncset.done $0x0  }
0x117: {  	[sflag:s31] =	ssyncadd.s32 $0xFFFFE000  }
0x118: {  	[spmem:s3] =	stream.indirect.scatter.add.f32 [tilespmem:s0], [sflag:$0x9], $0x10, s26, s4, $0xb8;
	[tilespmem:$0x1ED00] =	vst v63  }
0x119: {  	_ =	swait.ge [sflag:s31], $0x800  }
0x11a: {  	[sflag:s31] =	ssyncset.done $0x0  }
0x11b: {  	[sflag:s31] =	ssyncadd.s32 $0xFFFFF800  }
0x11c: {  	[bflag:$0x0] =	sbarrier.arrive $0xFFFF  }
0x11d: {  	[tilespmem:s1], [sflag:$0x9] =	stream.linear.gather [spmem:s18], $0x2000, $0x38;
	[tilespmem:$0x1ED00] =	vst v63  }
0x11e: {  	_ =	swait.ge [sflag:s31], $0x2000  }
0x11f: {  	[sflag:s31] =	ssyncset.done $0x0  }
0x120: {  	s25 =	rddreg [dreg:$0x8];
	[sflag:s31] =	ssyncadd.s32 $0xFFFFE000  }
0x121: {  	[hbm4b:s25+s30] =	stream.strided.scatter [tilespmem:s1], [sflag:$0x9], $0x2000, s4, s30, $0x38;
	[tilespmem:$0x1ED00] =	vst v63  }
0x122: {  	_ =	swait.ge [sflag:s31], $0x2000  }
0x123: {  	[sflag:s31] =	ssyncset.done $0x0  }
0x124: {  	[sflag:s31] =	ssyncadd.s32 $0xFFFFE000  }
0x125: {  	[tilespmem:s1], [sflag:$0x9] =	stream.linear.gather [spmem:s19], $0x2000, $0x38;
	[tilespmem:$0x1ED00] =	vst v63  }
0x126: {  	_ =	swait.ge [sflag:s31], $0x2000  }
0x127: {  	[sflag:s31] =	ssyncset.done $0x0  }
0x128: {  	s26 =	rddreg [dreg:$0x9];
	[sflag:s31] =	ssyncadd.s32 $0xFFFFE000  }
0x129: {  	[hbm4b:s26+s30] =	stream.strided.scatter [tilespmem:s1], [sflag:$0x9], $0x2000, s4, s30, $0x38;
	[tilespmem:$0x1ED00] =	vst v63  }
0x12a: {  	_ =	swait.ge [sflag:s31], $0x2000  }
0x12b: {  	[sflag:s31] =	ssyncset.done $0x0  }
0x12c: {  	[sflag:s31] =	ssyncadd.s32 $0xFFFFE000  }
0x12d: {  	[tilespmem:s1], [sflag:$0x9] =	stream.linear.gather [spmem:s20], $0x2000, $0x38;
	[tilespmem:$0x1ED00] =	vst v63  }
0x12e: {  	_ =	swait.ge [sflag:s31], $0x2000  }
0x12f: {  	[sflag:s31] =	ssyncset.done $0x0  }
0x130: {  	s25 =	rddreg [dreg:$0xa];
	[sflag:s31] =	ssyncadd.s32 $0xFFFFE000  }
0x131: {  	[hbm4b:s25+s30] =	stream.strided.scatter [tilespmem:s1], [sflag:$0x9], $0x2000, s4, s30, $0x38;
	[tilespmem:$0x1ED00] =	vst v63  }
0x132: {  	_ =	swait.ge [sflag:s31], $0x2000  }
0x133: {  	[sflag:s31] =	ssyncset.done $0x0  }
0x134: {  	[sflag:s31] =	ssyncadd.s32 $0xFFFFE000  }
0x135: {  	[tilespmem:s1], [sflag:$0x9] =	stream.linear.gather [spmem:s21], $0x2000, $0x38;
	[tilespmem:$0x1ED00] =	vst v63  }
0x136: {  	_ =	swait.ge [sflag:s31], $0x2000  }
0x137: {  	[sflag:s31] =	ssyncset.done $0x0  }
0x138: {  	s26 =	rddreg [dreg:$0xb];
	[sflag:s31] =	ssyncadd.s32 $0xFFFFE000  }
0x139: {  	[hbm4b:s26+s30] =	stream.strided.scatter [tilespmem:s1], [sflag:$0x9], $0x2000, s4, s30, $0x38;
	[tilespmem:$0x1ED00] =	vst v63  }
0x13a: {  	_ =	swait.ge [sflag:s31], $0x2000  }
0x13b: {  	[sflag:s31] =	ssyncset.done $0x0  }
0x13c: {  	[sflag:s31] =	ssyncadd.s32 $0xFFFFE000  }
0x13d: {  	[tilespmem:s1], [sflag:$0x9] =	stream.linear.gather [spmem:s22], $0x2000, $0x38;
	[tilespmem:$0x1ED00] =	vst v63  }
0x13e: {  	_ =	swait.ge [sflag:s31], $0x2000  }
0x13f: {  	[sflag:s31] =	ssyncset.done $0x0  }
0x140: {  	s26 =	stileid.u32;
	s25 =	rddreg [dreg:$0xc];
	[sflag:s31] =	ssyncadd.s32 $0xFFFFE000  }
0x141: {  	[hbm4b:s25+s30] =	stream.strided.scatter [tilespmem:s1], [sflag:$0x9], $0x2000, s4, s30, $0x38;
	[tilespmem:$0x1ED00] =	vst v63  }
0x142: {  	s6 =	sshll.u32 s26, $0x6;
	_ =	swait.ge [sflag:s31], $0x2000  }
0x143: {  	s6 =	sor.u32 $0x1C09, s6;
	[sflag:s31] =	ssyncset.done $0x0;
	s25 =	rddreg [dreg:$0x18]  }
0x144: {  	s26 =	rddreg [dreg:$0x16];
	[sflag:s31] =	ssyncadd.s32 $0xFFFFE000;
	s25 =	sshrl.u32 s25, $0x3  }
0x145: {  	[hbm:s26], [sflag:s6] =	dma.local [spmem:s25], $0x500  }
0x146: {  	_ =	swait.ge [sflag:s31], $0x500  }
0x147: {  	[sflag:s31] =	ssyncset.done $0x0  }
0x148: {  	s6 =	simm.s32 $0x0;
	[sflag:s31] =	ssyncadd.s32 $0xFFFFFB00  }
0x149: {  	v4 =	vld [tilespmem:s6+$0x0]  }
0x14a: {  	v6 =	vld [tilespmem:s6+$0x10]  }
0x14b: {  	v5 =	vld [tilespmem:s6+$0x20]  }
0x14c: {  	v3 =	vld [tilespmem:s6+$0x30]  }
0x14d: {  	v2 =	vld [tilespmem:s6+$0x40]  }
0x14e: {  	v7 =	vadd.s32 $0x1, v4;
	v4 =	vld [tilespmem:s6+$0x50]  }
0x14f: {  	s25 =	simm.s32 $0x200;
	[tilespmem:s6+$0x0] =	vst v7;
	v7 =	vadd.s32 $0x1, v6;
	v6 =	vld [tilespmem:s6+$0x60]  }
.LBB2_10:
0x150: {  	s26 =	sshra.s32 s25, $0x2;
	p0 =	sne.s32 s25, $0x13800;
	[tilespmem:s6+$0x10] =	vst v7;
	v5 =	vadd.s32 $0x1, v5;
	v7 =	vld [tilespmem:s6+$0x70]  }
0x151: {  	v8 =	vld [tilespmem:s26+$0x0];
	[tilespmem:s6+$0x20] =	vst v5;
	v3 =	vadd.s32 $0x1, v3  }
0x152: {  	v9 =	vld [tilespmem:s26+$0x10];
	[tilespmem:s6+$0x30] =	vst v3;
	v2 =	vadd.s32 $0x1, v2  }
.Ltmp4:
0x153: {  	v5 =	vld [tilespmem:s26+$0x20];
	[tilespmem:s6+$0x40] =	vst v2;
	v2 =	vadd.s32 $0x1, v4;
	(pc) =	sbr.rel @p0 .LBB2_10-.Ltmp4, $4  }
0x154: {  	v3 =	vld [tilespmem:s26+$0x30];
	[tilespmem:s6+$0x50] =	vst v2;
	v4 =	vadd.s32 $0x1, v6  }
0x155: {  	v2 =	vld [tilespmem:s26+$0x40];
	[tilespmem:s6+$0x60] =	vst v4;
	v6 =	vadd.s32 $0x1, v7  }
0x156: {  	v7 =	vadd.s32 $0x1, v8;
	v4 =	vld [tilespmem:s26+$0x50];
	[tilespmem:s6+$0x70] =	vst v6;
	s6 =	smov.u32 s26  }
0x157: {  	s25 =	sadd.s32 $0x200, s25;
	[tilespmem:s6+$0x0] =	vst v7;
	v7 =	vadd.s32 $0x1, v9;
	v6 =	vld [tilespmem:s6+$0x60]  }
0x158: {  	[tilespmem:s6+$0x10] =	vst v7;
	v5 =	vadd.s32 $0x1, v5;
	v63 =	vld [tilespmem:s6+$0x70]  }
0x159: {  	[tilespmem:s6+$0x20] =	vst v5;
	v3 =	vadd.s32 $0x1, v3  }
0x15a: {  	[tilespmem:s6+$0x30] =	vst v3;
	v2 =	vadd.s32 $0x1, v2  }
0x15b: {  	[tilespmem:s6+$0x40] =	vst v2;
	v2 =	vadd.s32 $0x1, v4  }
0x15c: {  	[tilespmem:s6+$0x50] =	vst v2;
	v2 =	vadd.s32 $0x1, v6  }
0x15d: {  	[tilespmem:s6+$0x60] =	vst v2;
	v2 =	vadd.s32 $0x1, v63  }
0x15e: {  	s25 =	simm.s32 $0x100;
	[tilespmem:s6+$0x70] =	vst v2;
	s6 =	simm.s32 $0x0  }
.LBB2_12:
0x15f: {  	p0 =	sne.s32 s25, $0x7F00;
	[tilespmem:s6+$0x9D30] =	vst v0;
	s26 =	smov.u32 s25;
	s25 =	sadd.s32 $0x100, s25  }
.Ltmp5:
0x160: {  	[tilespmem:s6+$0x9D20] =	vst v0;
	(pc) =	sbr.rel @p0 .LBB2_12-.Ltmp5, $3  }
0x161: {  	[tilespmem:s6+$0x9D00] =	vst v0  }
0x162: {  	[tilespmem:s6+$0x9D10] =	vst v0;
	_ =	sdelay $0x1  }
0x163: {  	s6 =	sshra.s32 s26, $0x2  }
0x164: {  	[tilespmem:s6+$0x9D30] =	vst v0  }
0x165: {  	[tilespmem:s6+$0x9D20] =	vst v0  }
0x166: {  	[tilespmem:s6+$0x9D00] =	vst v0  }
0x167: {  	[tilespmem:s6+$0x9D10] =	vst v0  }
0x168: {  	[spmem:s18] =	stream.linear.scatter [tilespmem:s1], [sflag:$0x9], $0x2000, $0x38;
	[tilespmem:$0x1ED00] =	vst v63  }
0x169: {  	_ =	swait.ge [sflag:s31], $0x2000  }
0x16a: {  	[sflag:s31] =	ssyncset.done $0x0  }
0x16b: {  	[sflag:s31] =	ssyncadd.s32 $0xFFFFE000  }
0x16c: {  	[spmem:s19] =	stream.linear.scatter [tilespmem:s1], [sflag:$0x9], $0x2000, $0x38;
	[tilespmem:$0x1ED00] =	vst v63  }
0x16d: {  	_ =	swait.ge [sflag:s31], $0x2000  }
0x16e: {  	[sflag:s31] =	ssyncset.done $0x0  }
0x16f: {  	[sflag:s31] =	ssyncadd.s32 $0xFFFFE000  }
0x170: {  	[spmem:s20] =	stream.linear.scatter [tilespmem:s1], [sflag:$0x9], $0x2000, $0x38;
	[tilespmem:$0x1ED00] =	vst v63  }
0x171: {  	_ =	swait.ge [sflag:s31], $0x2000  }
0x172: {  	[sflag:s31] =	ssyncset.done $0x0  }
0x173: {  	[sflag:s31] =	ssyncadd.s32 $0xFFFFE000  }
0x174: {  	[spmem:s21] =	stream.linear.scatter [tilespmem:s1], [sflag:$0x9], $0x2000, $0x38;
	[tilespmem:$0x1ED00] =	vst v63  }
0x175: {  	_ =	swait.ge [sflag:s31], $0x2000  }
0x176: {  	[sflag:s31] =	ssyncset.done $0x0  }
0x177: {  	[sflag:s31] =	ssyncadd.s32 $0xFFFFE000  }
0x178: {  	[spmem:s22] =	stream.linear.scatter [tilespmem:s1], [sflag:$0x9], $0x2000, $0x38;
	[tilespmem:$0x1ED00] =	vst v63  }
0x179: {  	_ =	swait.ge [sflag:s31], $0x2000  }
0x17a: {  	[sflag:s31] =	ssyncset.done $0x0  }
0x17b: {  	[sflag:s31] =	ssyncadd.s32 $0xFFFFE000  }
0x17c: {  	s25 =	simm.s32 $0x0;
	[bflag:$0x0] =	sbarrier.arrive $0xFFFF  }
0x17d: {  	[tilespmem:s1], [sflag:$0x1] =	stream.indirect.gather [hbm4b:s17+s4], $0x40, s25, s4, $0xb8;
	[tilespmem:$0x1ED00] =	vst v63  }
0x17e: {  	_ = 	snop  }
0x17f: {  	[tilespmem:s5], [sflag:$0x2] =	stream.indirect.gather [hbm4b:s17+s4], $0x40, s4, s4, $0xb8;
	[tilespmem:$0x1ED00] =	vst v63  }
0x180: {  	s26 =	simm.s32 $0x100  }
0x181: {  	[tilespmem:s7], [sflag:$0x3] =	stream.indirect.gather [hbm4b:s17+s4], $0x40, s26, s4, $0xb8;
	[tilespmem:$0x1ED00] =	vst v63  }
0x182: {  	s25 =	simm.s32 $0x180  }
0x183: {  	[tilespmem:s9], [sflag:$0x4] =	stream.indirect.gather [hbm4b:s17+s4], $0x40, s25, s4, $0xb8;
	[tilespmem:$0x1ED00] =	vst v63  }
0x184: {  	_ =	swait.ge [sflag:s10], $0x2000  }
0x185: {  	[sflag:s10] =	ssyncset.done $0x0  }
0x186: {  	s26 =	simm.s32 $0x4E80;
	[sflag:s10] =	ssyncadd.s32 $0xFFFFE000  }
0x187: {  	[spmem:s2] =	stream.indirect.scatter.add.f32 [tilespmem:s1], [sflag:$0x5], $0x40, s26, s4, $0xb8;
	[tilespmem:$0x1ED00] =	vst v63  }
0x188: {  	_ =	swait.ge [sflag:s11], $0x2000  }
0x189: {  	[sflag:s11] =	ssyncset.done $0x0  }
0x18a: {  	s25 =	simm.s32 $0x4F00;
	[sflag:s11] =	ssyncadd.s32 $0xFFFFE000  }
0x18b: {  	[spmem:s2] =	stream.indirect.scatter.add.f32 [tilespmem:s5], [sflag:$0x6], $0x40, s25, s4, $0xb8;
	[tilespmem:$0x1ED00] =	vst v63  }
0x18c: {  	_ =	swait.ge [sflag:s12], $0x2000  }
0x18d: {  	[sflag:s12] =	ssyncset.done $0x0  }
0x18e: {  	s26 =	simm.s32 $0x4F80;
	[sflag:s12] =	ssyncadd.s32 $0xFFFFE000  }
0x18f: {  	[spmem:s2] =	stream.indirect.scatter.add.f32 [tilespmem:s7], [sflag:$0x7], $0x40, s26, s4, $0xb8;
	[tilespmem:$0x1ED00] =	vst v63  }
0x190: {  	_ =	swait.ge [sflag:s13], $0x2000  }
0x191: {  	[sflag:s13] =	ssyncset.done $0x0  }
0x192: {  	s25 =	simm.s32 $0x5000;
	[sflag:s13] =	ssyncadd.s32 $0xFFFFE000  }
0x193: {  	[spmem:s2] =	stream.indirect.scatter.add.f32 [tilespmem:s9], [sflag:$0x8], $0x40, s25, s4, $0xb8;
	[tilespmem:$0x1ED00] =	vst v63  }
0x194: {  	_ =	swait.ge [sflag:s14], $0x2000  }
0x195: {  	[sflag:s14] =	ssyncset.done $0x0  }
0x196: {  	s26 =	simm.s32 $0x200;
	[sflag:s14] =	ssyncadd.s32 $0xFFFFE000  }
0x197: {  	[tilespmem:s1], [sflag:$0x1] =	stream.indirect.gather [hbm4b:s17+s4], $0x40, s26, s4, $0xb8;
	[tilespmem:$0x1ED00] =	vst v63  }
0x198: {  	_ =	swait.ge [sflag:s15], $0x2000  }
0x199: {  	[sflag:s15] =	ssyncset.done $0x0  }
0x19a: {  	s25 =	simm.s32 $0x280;
	[sflag:s15] =	ssyncadd.s32 $0xFFFFE000  }
0x19b: {  	[tilespmem:s5], [sflag:$0x2] =	stream.indirect.gather [hbm4b:s17+s4], $0x40, s25, s4, $0xb8;
	[tilespmem:$0x1ED00] =	vst v63  }
0x19c: {  	_ =	swait.ge [sflag:s16], $0x2000  }
0x19d: {  	[sflag:s16] =	ssyncset.done $0x0  }
0x19e: {  	s26 =	simm.s32 $0x300;
	[sflag:s16] =	ssyncadd.s32 $0xFFFFE000  }
0x19f: {  	[tilespmem:s7], [sflag:$0x3] =	stream.indirect.gather [hbm4b:s17+s4], $0x40, s26, s4, $0xb8;
	[tilespmem:$0x1ED00] =	vst v63  }
0x1a0: {  	_ =	swait.ge [sflag:s24], $0x2000  }
0x1a1: {  	[sflag:s24] =	ssyncset.done $0x0  }
0x1a2: {  	s6 =	simm.s32 $0x800;
	s25 =	simm.s32 $0x380;
	[sflag:s24] =	ssyncadd.s32 $0xFFFFE000  }
.LBB2_14:
0x1a3: {  	[tilespmem:s9], [sflag:$0x4] =	stream.indirect.gather [hbm4b:s17+s4], $0x40, s25, s4, $0xb8;
	[tilespmem:$0x1ED00] =	vst v63  }
0x1a4: {  	s25 =	smov.u32 s6  }
0x1a5: {  	p0 =	sne.s32 s6, $0x12800;
	s6 =	sadd.s32 $0x800, s6;
	_ =	swait.ge [sflag:s10], $0x2000  }
0x1a6: {  	s25 =	sshra.s32 s25, $0x2;
	[sflag:s10] =	ssyncset.done $0x0  }
0x1a7: {  	s26 =	sadd.s32 $0x4E80, s25;
	[sflag:s10] =	ssyncadd.s32 $0xFFFFE000  }
0x1a8: {  	[spmem:s2] =	stream.indirect.scatter.add.f32 [tilespmem:s1], [sflag:$0x5], $0x40, s26, s4, $0xb8;
	[tilespmem:$0x1ED00] =	vst v63  }
0x1a9: {  	_ =	swait.ge [sflag:s11], $0x2000  }
0x1aa: {  	[sflag:s11] =	ssyncset.done $0x0  }
0x1ab: {  	s26 =	sadd.s32 $0x4F00, s25;
	[sflag:s11] =	ssyncadd.s32 $0xFFFFE000  }
0x1ac: {  	[spmem:s2] =	stream.indirect.scatter.add.f32 [tilespmem:s5], [sflag:$0x6], $0x40, s26, s4, $0xb8;
	[tilespmem:$0x1ED00] =	vst v63  }
0x1ad: {  	_ =	swait.ge [sflag:s12], $0x2000  }
0x1ae: {  	[sflag:s12] =	ssyncset.done $0x0  }
0x1af: {  	s26 =	sadd.s32 $0x4F80, s25;
	[sflag:s12] =	ssyncadd.s32 $0xFFFFE000  }
0x1b0: {  	[spmem:s2] =	stream.indirect.scatter.add.f32 [tilespmem:s7], [sflag:$0x7], $0x40, s26, s4, $0xb8;
	[tilespmem:$0x1ED00] =	vst v63  }
0x1b1: {  	_ =	swait.ge [sflag:s13], $0x2000  }
0x1b2: {  	[sflag:s13] =	ssyncset.done $0x0  }
0x1b3: {  	s26 =	sadd.s32 $0x5000, s25;
	[sflag:s13] =	ssyncadd.s32 $0xFFFFE000  }
0x1b4: {  	[spmem:s2] =	stream.indirect.scatter.add.f32 [tilespmem:s9], [sflag:$0x8], $0x40, s26, s4, $0xb8;
	[tilespmem:$0x1ED00] =	vst v63  }
0x1b5: {  	_ =	swait.ge [sflag:s14], $0x2000  }
0x1b6: {  	[sflag:s14] =	ssyncset.done $0x0  }
0x1b7: {  	s26 =	sadd.s32 $0x200, s25;
	[sflag:s14] =	ssyncadd.s32 $0xFFFFE000  }
0x1b8: {  	[tilespmem:s1], [sflag:$0x1] =	stream.indirect.gather [hbm4b:s17+s4], $0x40, s26, s4, $0xb8;
	[tilespmem:$0x1ED00] =	vst v63  }
0x1b9: {  	_ =	swait.ge [sflag:s15], $0x2000  }
0x1ba: {  	[sflag:s15] =	ssyncset.done $0x0  }
0x1bb: {  	s26 =	sadd.s32 $0x280, s25;
	[sflag:s15] =	ssyncadd.s32 $0xFFFFE000  }
0x1bc: {  	[tilespmem:s5], [sflag:$0x2] =	stream.indirect.gather [hbm4b:s17+s4], $0x40, s26, s4, $0xb8;
	[tilespmem:$0x1ED00] =	vst v63  }
0x1bd: {  	_ =	swait.ge [sflag:s16], $0x2000  }
0x1be: {  	[sflag:s16] =	ssyncset.done $0x0  }
.Ltmp6:
0x1bf: {  	s26 =	sadd.s32 $0x300, s25;
	[sflag:s16] =	ssyncadd.s32 $0xFFFFE000;
	(pc) =	sbr.rel @p0 .LBB2_14-.Ltmp6, $4  }
0x1c0: {  	[tilespmem:s7], [sflag:$0x3] =	stream.indirect.gather [hbm4b:s17+s4], $0x40, s26, s4, $0xb8;
	[tilespmem:$0x1ED00] =	vst v63  }
0x1c1: {  	_ =	swait.ge [sflag:s24], $0x2000  }
0x1c2: {  	[sflag:s24] =	ssyncset.done $0x0  }
0x1c3: {  	s25 =	sadd.s32 $0x380, s25;
	[sflag:s24] =	ssyncadd.s32 $0xFFFFE000  }
0x1c4: {  	[tilespmem:s9], [sflag:$0x4] =	stream.indirect.gather [hbm4b:s17+s4], $0x40, s25, s4, $0xb8;
	[tilespmem:$0x1ED00] =	vst v63  }
0x1c5: {  	_ =	swait.ge [sflag:s10], $0x2000  }
0x1c6: {  	[sflag:s10] =	ssyncset.done $0x0  }
0x1c7: {  	s6 =	simm.s32 $0x9A80;
	[sflag:s10] =	ssyncadd.s32 $0xFFFFE000  }
0x1c8: {  	[spmem:s2] =	stream.indirect.scatter.add.f32 [tilespmem:s1], [sflag:$0x5], $0x40, s6, s4, $0xb8;
	[tilespmem:$0x1ED00] =	vst v63  }
0x1c9: {  	_ =	swait.ge [sflag:s11], $0x2000  }
0x1ca: {  	[sflag:s11] =	ssyncset.done $0x0  }
0x1cb: {  	s25 =	simm.s32 $0x9B00;
	[sflag:s11] =	ssyncadd.s32 $0xFFFFE000  }
0x1cc: {  	[spmem:s2] =	stream.indirect.scatter.add.f32 [tilespmem:s5], [sflag:$0x6], $0x40, s25, s4, $0xb8;
	[tilespmem:$0x1ED00] =	vst v63  }
0x1cd: {  	_ =	swait.ge [sflag:s12], $0x2000  }
0x1ce: {  	[sflag:s12] =	ssyncset.done $0x0  }
0x1cf: {  	[sflag:s12] =	ssyncadd.s32 $0xFFFFE000  }
0x1d0: {  	[spmem:s2] =	stream.indirect.scatter.add.f32 [tilespmem:s7], [sflag:$0x7], $0x40, s23, s4, $0xb8;
	[tilespmem:$0x1ED00] =	vst v63  }
0x1d1: {  	_ =	swait.ge [sflag:s13], $0x2000  }
0x1d2: {  	[sflag:s13] =	ssyncset.done $0x0  }
0x1d3: {  	[sflag:s13] =	ssyncadd.s32 $0xFFFFE000  }
0x1d4: {  	[spmem:s2] =	stream.indirect.scatter.add.f32 [tilespmem:s9], [sflag:$0x8], $0x40, s8, s4, $0xb8;
	[tilespmem:$0x1ED00] =	vst v63  }
0x1d5: {  	_ =	swait.ge [sflag:s14], $0x2000  }
0x1d6: {  	[sflag:s14] =	ssyncset.done $0x0  }
0x1d7: {  	s26 =	simm.s32 $0x4E00;
	[sflag:s14] =	ssyncadd.s32 $0xFFFFE000  }
0x1d8: {  	[tilespmem:s1], [sflag:$0x1] =	stream.indirect.gather [hbm4b:s17+s4], $0x40, s26, s4, $0xb8;
	[tilespmem:$0x1ED00] =	vst v63  }
0x1d9: {  	_ =	swait.ge [sflag:s15], $0x2000  }
0x1da: {  	[sflag:s15] =	ssyncset.done $0x0  }
0x1db: {  	[sflag:s15] =	ssyncadd.s32 $0xFFFFE000  }
0x1dc: {  	_ =	swait.ge [sflag:s16], $0x2000  }
0x1dd: {  	[sflag:s16] =	ssyncset.done $0x0  }
0x1de: {  	[sflag:s16] =	ssyncadd.s32 $0xFFFFE000  }
0x1df: {  	_ =	swait.ge [sflag:s24], $0x2000  }
0x1e0: {  	[sflag:s24] =	ssyncset.done $0x0  }
0x1e1: {  	[sflag:s24] =	ssyncadd.s32 $0xFFFFE000  }
0x1e2: {  	_ =	swait.ge [sflag:s10], $0x2000  }
0x1e3: {  	[sflag:s10] =	ssyncset.done $0x0  }
0x1e4: {  	[sflag:s10] =	ssyncadd.s32 $0xFFFFE000  }
0x1e5: {  	[spmem:s2] =	stream.indirect.scatter.add.f32 [tilespmem:s1], [sflag:$0x9], $0x40, s29, s4, $0xb8;
	[tilespmem:$0x1ED00] =	vst v63  }
0x1e6: {  	_ =	swait.ge [sflag:s31], $0x2000  }
0x1e7: {  	[sflag:s31] =	ssyncset.done $0x0  }
0x1e8: {  	[sflag:s31] =	ssyncadd.s32 $0xFFFFE000  }
0x1e9: {  	[bflag:$0x0] =	sbarrier.arrive $0xFFFF  }
0x1ea: {  	[tilespmem:s1], [sflag:$0x9] =	stream.linear.gather [spmem:s18], $0x2000, $0x38;
	[tilespmem:$0x1ED00] =	vst v63  }
0x1eb: {  	_ =	swait.ge [sflag:s31], $0x2000  }
0x1ec: {  	[sflag:s31] =	ssyncset.done $0x0  }
0x1ed: {  	s25 =	rddreg [dreg:$0xd];
	[sflag:s31] =	ssyncadd.s32 $0xFFFFE000  }
0x1ee: {  	[hbm4b:s25+s30] =	stream.strided.scatter [tilespmem:s1], [sflag:$0x9], $0x2000, s4, s30, $0x38;
	[tilespmem:$0x1ED00] =	vst v63  }
0x1ef: {  	_ =	swait.ge [sflag:s31], $0x2000  }
0x1f0: {  	[sflag:s31] =	ssyncset.done $0x0  }
0x1f1: {  	[sflag:s31] =	ssyncadd.s32 $0xFFFFE000  }
0x1f2: {  	[tilespmem:s1], [sflag:$0x9] =	stream.linear.gather [spmem:s19], $0x2000, $0x38;
	[tilespmem:$0x1ED00] =	vst v63  }
0x1f3: {  	_ =	swait.ge [sflag:s31], $0x2000  }
0x1f4: {  	[sflag:s31] =	ssyncset.done $0x0  }
0x1f5: {  	s26 =	rddreg [dreg:$0xe];
	[sflag:s31] =	ssyncadd.s32 $0xFFFFE000  }
0x1f6: {  	[hbm4b:s26+s30] =	stream.strided.scatter [tilespmem:s1], [sflag:$0x9], $0x2000, s4, s30, $0x38;
	[tilespmem:$0x1ED00] =	vst v63  }
0x1f7: {  	_ =	swait.ge [sflag:s31], $0x2000  }
0x1f8: {  	[sflag:s31] =	ssyncset.done $0x0  }
0x1f9: {  	[sflag:s31] =	ssyncadd.s32 $0xFFFFE000  }
0x1fa: {  	[tilespmem:s1], [sflag:$0x9] =	stream.linear.gather [spmem:s20], $0x2000, $0x38;
	[tilespmem:$0x1ED00] =	vst v63  }
0x1fb: {  	_ =	swait.ge [sflag:s31], $0x2000  }
0x1fc: {  	[sflag:s31] =	ssyncset.done $0x0  }
0x1fd: {  	s25 =	rddreg [dreg:$0xf];
	[sflag:s31] =	ssyncadd.s32 $0xFFFFE000  }
0x1fe: {  	[hbm4b:s25+s30] =	stream.strided.scatter [tilespmem:s1], [sflag:$0x9], $0x2000, s4, s30, $0x38;
	[tilespmem:$0x1ED00] =	vst v63  }
0x1ff: {  	_ =	swait.ge [sflag:s31], $0x2000  }
0x200: {  	[sflag:s31] =	ssyncset.done $0x0  }
0x201: {  	[sflag:s31] =	ssyncadd.s32 $0xFFFFE000  }
0x202: {  	[tilespmem:s1], [sflag:$0x9] =	stream.linear.gather [spmem:s21], $0x2000, $0x38;
	[tilespmem:$0x1ED00] =	vst v63  }
0x203: {  	_ =	swait.ge [sflag:s31], $0x2000  }
0x204: {  	[sflag:s31] =	ssyncset.done $0x0  }
0x205: {  	s26 =	rddreg [dreg:$0x10];
	[sflag:s31] =	ssyncadd.s32 $0xFFFFE000  }
0x206: {  	[hbm4b:s26+s30] =	stream.strided.scatter [tilespmem:s1], [sflag:$0x9], $0x2000, s4, s30, $0x38;
	[tilespmem:$0x1ED00] =	vst v63  }
0x207: {  	_ =	swait.ge [sflag:s31], $0x2000  }
0x208: {  	[sflag:s31] =	ssyncset.done $0x0  }
0x209: {  	[sflag:s31] =	ssyncadd.s32 $0xFFFFE000  }
0x20a: {  	[tilespmem:s1], [sflag:$0x9] =	stream.linear.gather [spmem:s22], $0x2000, $0x38;
	[tilespmem:$0x1ED00] =	vst v63  }
0x20b: {  	_ =	swait.ge [sflag:s31], $0x2000  }
0x20c: {  	[sflag:s31] =	ssyncset.done $0x0  }
0x20d: {  	s25 =	rddreg [dreg:$0x11];
	[sflag:s31] =	ssyncadd.s32 $0xFFFFE000  }
0x20e: {  	[hbm4b:s25+s30] =	stream.strided.scatter [tilespmem:s1], [sflag:$0x9], $0x2000, s4, s30, $0x38;
	[tilespmem:$0x1ED00] =	vst v63  }
0x20f: {  	_ =	swait.ge [sflag:s31], $0x2000  }
0x210: {  	s28 =	sadd.s32 $0x1, s28;
	s26 =	rddreg [dreg:$0x17]  }
0x211: {  	p0 =	sne.s32 s28, s26  }
.Ltmp7:
0x212: {  	_ = 	snop;
	(pc) =	sbr.rel @p0 .LBB2_1-.Ltmp7, $3  }
0x213: {  	_ =	sdelay $0x1  }
0x214: {  	[sflag:s31] =	ssyncset.done $0x0  }
0x215: {  	[sflag:s31] =	ssyncadd.s32 $0xFFFFE000  }
0x216: {  	_ =	sfence.sel $0x180000  }
0x217: {  	[bflag:$0x0] =	sbarrier.arrive $0xFFFF  }
0x218: {  	_ =	strace $0x90000047  }
0x219: {  	s0 =	stileid.u32;
	[bflag:$0x2] =	sbarrier.arrive $0xFFFF  }
0x21a: {  	p0 =	sne.s32 s0, $0x0;
	s0 =	rddreg [dreg:$0x5]  }
0x21b: {  	s0 =	sadd.s32 @!p0 $0x100000, s0  }
0x21c: {  	[sflag:s0] =	ssyncadd.tile.s32 @!p0 $0x1;
	_ =	shalt  }
.Lfunc_end2:
_tile_overlayer_lowered:
.L_overlay_start_2:
0x21d: {  	(tag) =	ssettag $0x2  }
0x21e: {  	s0 =	rddreg [dreg:$0x0];
	s2 =	stileid.u32  }
0x21f: {  	s1 =	rddreg [dreg:$0x1];
	p0 =	sne.s32 s2, $0x0  }
0x220: {  	s3 =	rddreg [dreg:$0x2];
	[bflag:$0x3] =	sbarrier.arrive $0xFFFF;
	s2 =	simm.s32 @!p0 $0x1C09  }
0x221: {  	[timem:s3], [sflag:s2] =	dma.local @!p0 [hbm:s0], s1  }
0x222: {  	s0 =	simm.s32 @!p0 $0x9  }
0x223: {  	_ =	swait.ge @!p0 [sflag:s0], s1  }
0x224: {  	s1 =	ssub.s32 @!p0 $0x0, s1;
	[sflag:s0] =	ssyncset.done @!p0 $0x0  }
0x225: {  	[sflag:s0] =	ssyncadd.s32 @!p0 s1  }
0x226: {  	[bflag:$0x3] =	sbarrier.arrive $0xFFFF  }
0x227: {  	_ =	shalt  }

</sc_bundles>
